<compile_context>
chip_gen: v7x
topology: tpu7x:2x2x1
jax: 0.10.2.dev20260603
libtpu: 0.0.44.dev20260713+nightly
codegen_flags: <defaults>
</compile_context>

<pallas_src>
import functools

import jax
import jax.numpy as jnp
from jax import lax
from jax.experimental import pallas as pl
from jax.experimental.pallas import tpu as pltpu
from jax.experimental.pallas import tpu_sc as plsc

N = 10000
E = 320000
NC, NS = 2, 16
BLK = 128
NB = 160
NBUF = 2
CHUNKS = 4
NBH = NB // CHUNKS
EPAD = NS * NB * BLK
NP = 10112
RPT = NP // NS
LAST = N - 15 * RPT
DH = 64
ZR = 32


def _sc_aggregate(table, ei3, with_deg):
    out_type = [jax.ShapeDtypeStruct((NC, NP, DH), jnp.float32)]
    scratch = [
        pltpu.VMEM_SHARED((NP, DH), jnp.float32),
        pltpu.VMEM_SHARED((NP, DH), jnp.float32),
        pltpu.VMEM((NBH, BLK), jnp.int32),
        pltpu.VMEM((NBH, BLK), jnp.int32),
        [pltpu.VMEM((BLK, DH), jnp.float32)] * NBUF,
        pltpu.VMEM((ZR, DH), jnp.float32),
        [pltpu.SemaphoreType.DMA] * NBUF,
        [pltpu.SemaphoreType.DMA] * NBUF,
    ]
    if with_deg:
        out_type.append(jax.ShapeDtypeStruct((NS, NP), jnp.float32))
        scratch.append(pltpu.VMEM((NP,), jnp.float32))

    mesh = plsc.VectorSubcoreMesh(core_axis_name="c", subcore_axis_name="s",
                                  num_cores=NC, num_subcores=NS)

    @functools.partial(
        pl.kernel, out_type=out_type, mesh=mesh, scratch_types=scratch,
        compiler_params=pltpu.CompilerParams(needs_layout_passes=False,
                                             use_tc_tiling_on_sc=False))
    def agg_kernel(table_hbm, ei_hbm, *rest):
        if with_deg:
            (acc_out, deg_out, acc_sh, tab_sh, src_v, dst_v, rows, zrow,
             sem_g, sem_s, deg_v) = rest
        else:
            (acc_out, acc_sh, tab_sh, src_v, dst_v, rows, zrow,
             sem_g, sem_s) = rest

        c = lax.axis_index("c")
        s = lax.axis_index("s")
        base = s * RPT
        cc = c * DH

        @pl.when(s < NS - 1)
        def _():
            pltpu.sync_copy(table_hbm.at[pl.ds(base, RPT), pl.ds(cc, DH)],
                            tab_sh.at[pl.ds(base, RPT)])

        @pl.when(s == NS - 1)
        def _():
            pltpu.sync_copy(
                table_hbm.at[pl.ds((NS - 1) * RPT, LAST), pl.ds(cc, DH)],
                tab_sh.at[pl.ds((NS - 1) * RPT, LAST)])

        zv = jnp.zeros((16,), jnp.float32)

        def zfill(i, _):
            r = i // (DH // 16)
            col = (i % (DH // 16)) * 16
            zrow[r, pl.ds(col, 16)] = zv
            return 0
        lax.fori_loop(0, ZR * (DH // 16), zfill, 0)

        if with_deg:
            @pl.when(c == 0)
            def _():
                def dzfill(i, _):
                    deg_v[pl.ds(i * 16, 16)] = zv
                    return 0
                lax.fori_loop(0, NP // 16, dzfill, 0)

        nfull = RPT // ZR
        for k in range(nfull):
            pltpu.sync_copy(zrow, acc_sh.at[pl.ds(base + k * ZR, ZR)])
        rem = RPT - nfull * ZR
        if rem:
            pltpu.sync_copy(zrow.at[pl.ds(0, rem)],
                            acc_sh.at[pl.ds(base + nfull * ZR, rem)])
        plsc.subcore_barrier()

        ones16 = jnp.ones((16,), jnp.float32)

        def count_deg(j):
            @pl.when(c == 0)
            def _():
                for k in range(BLK // 16):
                    idx = dst_v[j, pl.ds(k * 16, 16)]
                    plsc.addupdate_scatter(deg_v, [idx], ones16)

        def gather(j, k):
            pltpu.async_copy(tab_sh.at[src_v.at[j]], rows[k], sem_g[k])

        def gather_wait(j, k):
            pltpu.make_async_copy(tab_sh.at[src_v.at[j]], rows[k],
                                  sem_g[k]).wait()

        def scat(j, k):
            pltpu.async_copy(rows[k], acc_sh.at[dst_v.at[j]], sem_s[k],
                             add=True)

        def scat_wait(j, k):
            pltpu.make_async_copy(rows[k], acc_sh.at[dst_v.at[j]],
                                  sem_s[k]).wait()

        for ch in range(CHUNKS):
            row0 = s * NB + ch * NBH
            pltpu.sync_copy(ei_hbm.at[0, pl.ds(row0, NBH)], src_v)
            pltpu.sync_copy(ei_hbm.at[1, pl.ds(row0, NBH)], dst_v)
            for k in range(NBUF):
                gather(k, k)

            def body(i4, _):
                j = NBUF * i4
                for k in range(NBUF):
                    gather_wait(j + k, k)
                    scat(j + k, k)
                    if with_deg:
                        count_deg(j + k)
                for k in range(NBUF):
                    scat_wait(j + k, k)
                    gather(lax.rem(j + k + NBUF, NBH), k)
                return 0
            lax.fori_loop(0, NBH // NBUF, body, 0)
            for k in range(NBUF):
                gather_wait(k, k)

        plsc.subcore_barrier()

        pltpu.sync_copy(acc_sh.at[pl.ds(base, RPT)],
                        acc_out.at[c, pl.ds(base, RPT)])
        if with_deg:
            @pl.when(c == 0)
            def _():
                pltpu.sync_copy(deg_v, deg_out.at[s])

    return agg_kernel(table, ei3)



_RB = 1000


def _dot_t(a, w):
    return lax.dot_general(a, w, (((1,), (1,)), ((), ())),
                           preferred_element_type=jnp.float32)


def _inv_deg(d_ref):
    deg = jnp.sum(d_ref[...], axis=1)
    return 1.0 / jnp.maximum(deg, 1.0)


def _agg(a0_ref, a1_ref, inv):
    return jnp.concatenate([a0_ref[0], a1_ref[0]], axis=1) * inv[:, None]


def _stage_a0_body(x_ref, w1r_ref, b1l_ref, xr_ref):
    xr_ref[...] = _dot_t(x_ref[...], w1r_ref[...]) + b1l_ref[...]


def _stage_a_body(xr_ref, a0_ref, a1_ref, d_ref, w1l_ref,
                  w2l_ref, w2r_ref, b2l_ref, hl_ref, hr_ref):
    inv = _inv_deg(d_ref)
    agg = _agg(a0_ref, a1_ref, inv)
    h = jnp.maximum(_dot_t(agg, w1l_ref[...]) + xr_ref[...], 0.0)
    hl_ref[...] = _dot_t(h, w2l_ref[...])
    hr_ref[...] = _dot_t(h, w2r_ref[...]) + b2l_ref[...]


def _stage_b_body(a0_ref, a1_ref, d_ref, hr_ref, wm_ref, bm_ref,
                  out_ref, en_ref):
    inv = _inv_deg(d_ref)
    emb = _agg(a0_ref, a1_ref, inv) + hr_ref[...]
    out_ref[...] = _dot_t(emb, wm_ref[...]) + bm_ref[...]
    nrm = jnp.sqrt(jnp.sum(emb * emb, axis=1, keepdims=True))
    en_ref[...] = emb / jnp.maximum(nrm, 1e-12)


def _whole(shape):
    return pl.BlockSpec(shape, lambda i: tuple(0 for _ in shape))


def _rows(width):
    return pl.BlockSpec((_RB, width), lambda i: (i, 0))


def _part(p):
    return pl.BlockSpec((1, _RB, DH), lambda i, _p=p: (_p, i, 0))


_DEG_SPEC = pl.BlockSpec((_RB, NS), lambda i: (i, 0))


def kernel(x, edge_index, W1_l, b1_l, W1_r, W2_l, b2_l, W2_r, Wm, bm):
    ei = edge_index.astype(jnp.int32)
    padc = jnp.concatenate(
        [jnp.zeros((1, EPAD - E), jnp.int32),
         jnp.full((1, EPAD - E), N, jnp.int32)])
    ei3 = jnp.concatenate([ei, padc], axis=1).reshape(2, NS * NB, BLK)

    acc1, deg16 = _sc_aggregate(x, ei3, with_deg=True)
    degT = deg16.T

    b1 = b1_l.reshape(1, 256)
    b2 = b2_l.reshape(1, 128)
    bmr = bm.reshape(1, 64)

    xr = pl.pallas_call(
        _stage_a0_body,
        grid=(N // _RB,),
        in_specs=[_rows(128), _whole((256, 128)), _whole((1, 256))],
        out_specs=_rows(256),
        out_shape=jax.ShapeDtypeStruct((N, 256), jnp.float32),
    )(x, W1_r, b1)

    hl, hr = pl.pallas_call(
        _stage_a_body,
        grid=(N // _RB,),
        in_specs=[
            _rows(256),
            _part(0), _part(1),
            _DEG_SPEC,
            _whole((256, 128)),
            _whole((128, 256)), _whole((128, 256)), _whole((1, 128)),
        ],
        out_specs=[_rows(128), _rows(128)],
        out_shape=[jax.ShapeDtypeStruct((N, 128), jnp.float32),
                   jax.ShapeDtypeStruct((N, 128), jnp.float32)],
    )(xr, acc1, acc1, degT, W1_l, W2_l, W2_r, b2)

    (acc2,) = _sc_aggregate(hl, ei3, with_deg=False)

    out, emb_norm = pl.pallas_call(
        _stage_b_body,
        grid=(N // _RB,),
        in_specs=[
            _part(0), _part(1),
            _DEG_SPEC,
            _rows(128),
            _whole((64, 128)), _whole((1, 64)),
        ],
        out_specs=[_rows(64), _rows(128)],
        out_shape=[jax.ShapeDtypeStruct((N, 64), jnp.float32),
                   jax.ShapeDtypeStruct((N, 128), jnp.float32)],
    )(acc2, acc2, degT, hr, Wm, bmr)

    return (out, emb_norm)

# --- scband reference (transcript-rebuilt; emitter-appended) ---
"""Pipeline reference for scband-graph-sage-68264210202656 (READ-ONLY COPY).

The authoritative reference and input builder live on the scoring server;
editing this copy changes nothing except your own understanding.
"""

import jax, jax.numpy as jnp
import numpy as np

N_NODES = 10000
N_EDGES = 320000


def _glorot(key, shape):
    fan_in, fan_out = shape[1], shape[0]
    lim = jnp.sqrt(6.0 / (fan_in + fan_out))
    return jax.random.uniform(key, shape, jnp.float32, -lim, lim)


def setup_inputs(seed: int = 0) -> dict:
    key = jax.random.key(seed)
    ks = jax.random.split(key, 12)
    x = jax.random.normal(ks[0], (N_NODES, 128), dtype=jnp.float32)
    edge_index = jax.random.randint(ks[1], (2, N_EDGES), 0, N_NODES, dtype=jnp.int64)
    # SAGEConv1: in=128 -> hidden=256 (lin_l with bias on aggregated, lin_r no-bias on root)
    W1_l = _glorot(ks[2], (256, 128))
    b1_l = jnp.zeros((256,), jnp.float32)
    W1_r = _glorot(ks[3], (256, 128))
    # SAGEConv2: hidden=256 -> 128
    W2_l = _glorot(ks[4], (128, 256))
    b2_l = jnp.zeros((128,), jnp.float32)
    W2_r = _glorot(ks[5], (128, 256))
    # final MLP: 128 -> out_channels=64
    Wm = _glorot(ks[6], (64, 128))
    bm = jnp.zeros((64,), jnp.float32)
    return {"x": x, "edge_index": edge_index, "W1_l": W1_l, "b1_l": b1_l, "W1_r": W1_r,
            "W2_l": W2_l, "b2_l": b2_l, "W2_r": W2_r, "Wm": Wm, "bm": bm}


def _sage_conv(x, src, dst, inv_deg, W_l, b_l, W_r):
    # PyG SAGEConv with mean aggregation: lin_l(mean_j x_j) + lin_r(x_i)
    msgs = jnp.take(x, src, axis=0)
    agg = jax.ops.segment_sum(msgs, dst, num_segments=N_NODES)
    agg = agg * inv_deg[:, None]
    return agg @ W_l.T + b_l + x @ W_r.T


def reference(x, edge_index, W1_l, b1_l, W1_r, W2_l, b2_l, W2_r, Wm, bm):
    src = edge_index[0]
    dst = edge_index[1]
    deg = jax.ops.segment_sum(jnp.ones((src.shape[0],), jnp.float32), dst, num_segments=N_NODES)
    inv_deg = 1.0 / jnp.maximum(deg, 1.0)
    h = _sage_conv(x, src, dst, inv_deg, W1_l, b1_l, W1_r)
    h = jax.nn.relu(h)
    embedding = _sage_conv(h, src, dst, inv_deg, W2_l, b2_l, W2_r)
    out = embedding @ Wm.T + bm
    norm = jnp.linalg.norm(embedding, ord=2, axis=-1, keepdims=True)
    emb_norm = embedding / jnp.maximum(norm, 1e-12)
    return (out, emb_norm)

if __name__ == "__main__":
    import jax
    _d = setup_inputs()
    print(jax.jit(kernel)(*tuple(_d.values())))

</pallas_src>

<mosaic_0001>
#map = affine_map<(d0, d1) -> (0, 0)>
#map1 = affine_map<(d0, d1) -> (0, 0, 0)>
module attributes {stable_mosaic.version = 14 : i64} {
  func.func @agg_kernel(%arg0: i32, %arg1: i32, %arg2: memref<10000x128xf32, #tpu.memory_space<hbm>>, %arg3: memref<2x2560x128xi32, #tpu.memory_space<hbm>>, %arg4: memref<2x10112x64xf32, #tpu.memory_space<hbm>>, %arg5: memref<10112x64xf32, #tpu.memory_space<vmem_shared>>, %arg6: memref<10112x64xf32, #tpu.memory_space<vmem_shared>>, %arg7: memref<40x128xi32, #tpu.memory_space<vmem>>, %arg8: memref<40x128xi32, #tpu.memory_space<vmem>>, %arg9: memref<128x64xf32, #tpu.memory_space<vmem>>, %arg10: memref<128x64xf32, #tpu.memory_space<vmem>>, %arg11: memref<32x64xf32, #tpu.memory_space<vmem>>, %arg12: memref<!tpu.dma_semaphore, #tpu.memory_space<semaphore_mem>>, %arg13: memref<!tpu.dma_semaphore, #tpu.memory_space<semaphore_mem>>, %arg14: memref<!tpu.dma_semaphore, #tpu.memory_space<semaphore_mem>>, %arg15: memref<!tpu.dma_semaphore, #tpu.memory_space<semaphore_mem>>) attributes {dimension_semantics = [#tpu.dimension_semantics<core_parallel>, #tpu.dimension_semantics<subcore_parallel>], iteration_bounds = array<i64: 2, 16>, scalar_prefetch = 0 : i64, scratch_operands = 11 : i64, tpu.core_type = #tpu.core_type<sc_vector_subcore>, window_params = [{transform_indices = #map}, {transform_indices = #map1}, {transform_indices = #map1}]} {
    %mul3A = arith.constant 632 : i32
    %mul3A_0 = arith.muli %arg1, %mul3A : i32
    %mul3A_1 = arith.constant 64 : i32
    %mul3A_2 = arith.muli %arg0, %mul3A_1 : i32
    %lt3A = arith.constant 15 : i32
    %lt3A_3 = arith.cmpi slt, %arg1, %lt3A : i32
    %convert_element_type3A = arith.extui %lt3A_3 : i1 to i32
    %cond3A = arith.constant 0 : i32
    %cond3A_4 = arith.cmpi ne, %convert_element_type3A, %cond3A : i32
    scf.if %cond3A_4 {
      "tpu.region"() ({
        %run_scoped3A_219 = tpu.sem_alloc : memref<!tpu.dma_semaphore, #tpu.memory_space<semaphore_mem>>
        %dma_start3A_220 = arith.constant 0 : i32
        %dma_start3A_221 = tpu.memref_slice %arg6[%mul3A_0, %dma_start3A_220] : memref<10112x64xf32, #tpu.memory_space<vmem_shared>> -> memref<632x64xf32, #tpu.memory_space<vmem_shared>>
        %dma_start3A_222 = tpu.memref_slice %arg2[%mul3A_0, %mul3A_2] : memref<10000x128xf32, #tpu.memory_space<hbm>> -> memref<632x64xf32, #tpu.memory_space<hbm>>
        tpu.enqueue_dma source(%dma_start3A_222 : memref<632x64xf32, #tpu.memory_space<hbm>>) target(%dma_start3A_221 : memref<632x64xf32, #tpu.memory_space<vmem_shared>>) target_semaphore(%run_scoped3A_219 : memref<!tpu.dma_semaphore, #tpu.memory_space<semaphore_mem>>)
        %dma_wait3A_223 = arith.constant 0 : i32
        %dma_wait3A_224 = tpu.memref_slice %arg6[%mul3A_0, %dma_wait3A_223] : memref<10112x64xf32, #tpu.memory_space<vmem_shared>> -> memref<632x64xf32, #tpu.memory_space<vmem_shared>>
        %dma_wait3A_225 = tpu.memref_slice %arg2[%mul3A_0, %mul3A_2] : memref<10000x128xf32, #tpu.memory_space<hbm>> -> memref<632x64xf32, #tpu.memory_space<hbm>>
        tpu.wait_dma2 semaphore(%run_scoped3A_219 : memref<!tpu.dma_semaphore, #tpu.memory_space<semaphore_mem>>) src(%dma_wait3A_225 : memref<632x64xf32, #tpu.memory_space<hbm>>) dst(%dma_wait3A_224 : memref<632x64xf32, #tpu.memory_space<vmem_shared>>)
        tpu.yield
      }) : () -> ()
    } else {
    }
    %eq3A = arith.constant 15 : i32
    %eq3A_5 = arith.cmpi eq, %arg1, %eq3A : i32
    %convert_element_type3A_6 = arith.extui %eq3A_5 : i1 to i32
    %cond3A_7 = arith.constant 0 : i32
    %cond3A_8 = arith.cmpi ne, %convert_element_type3A_6, %cond3A_7 : i32
    scf.if %cond3A_8 {
      "tpu.region"() ({
        %run_scoped3A_219 = tpu.sem_alloc : memref<!tpu.dma_semaphore, #tpu.memory_space<semaphore_mem>>
        %dma_start3A_220 = arith.constant 9480 : i32
        %dma_start3A_221 = arith.constant 0 : i32
        %dma_start3A_222 = tpu.memref_slice %arg6[%dma_start3A_220, %dma_start3A_221] : memref<10112x64xf32, #tpu.memory_space<vmem_shared>> -> memref<520x64xf32, #tpu.memory_space<vmem_shared>>
        %dma_start3A_223 = arith.constant 9480 : i32
        %dma_start3A_224 = tpu.memref_slice %arg2[%dma_start3A_223, %mul3A_2] : memref<10000x128xf32, #tpu.memory_space<hbm>> -> memref<520x64xf32, #tpu.memory_space<hbm>>
        tpu.enqueue_dma source(%dma_start3A_224 : memref<520x64xf32, #tpu.memory_space<hbm>>) target(%dma_start3A_222 : memref<520x64xf32, #tpu.memory_space<vmem_shared>>) target_semaphore(%run_scoped3A_219 : memref<!tpu.dma_semaphore, #tpu.memory_space<semaphore_mem>>)
        %dma_wait3A_225 = arith.constant 9480 : i32
        %dma_wait3A_226 = arith.constant 0 : i32
        %dma_wait3A_227 = tpu.memref_slice %arg6[%dma_wait3A_225, %dma_wait3A_226] : memref<10112x64xf32, #tpu.memory_space<vmem_shared>> -> memref<520x64xf32, #tpu.memory_space<vmem_shared>>
        %dma_wait3A_228 = arith.constant 9480 : i32
        %dma_wait3A_229 = tpu.memref_slice %arg2[%dma_wait3A_228, %mul3A_2] : memref<10000x128xf32, #tpu.memory_space<hbm>> -> memref<520x64xf32, #tpu.memory_space<hbm>>
        tpu.wait_dma2 semaphore(%run_scoped3A_219 : memref<!tpu.dma_semaphore, #tpu.memory_space<semaphore_mem>>) src(%dma_wait3A_229 : memref<520x64xf32, #tpu.memory_space<hbm>>) dst(%dma_wait3A_227 : memref<520x64xf32, #tpu.memory_space<vmem_shared>>)
        tpu.yield
      }) : () -> ()
    } else {
    }
    %broadcast_in_dim3A = arith.constant 0.000000e+00 : f32
    %broadcast_in_dim3A_9 = vector.broadcast %broadcast_in_dim3A : f32 to vector<16xf32>
    %scan3A = arith.constant 0 : i32
    %scan3A_10 = arith.constant 0 : i32
    %scan3A_11 = arith.constant 128 : i32
    %scan3A_12 = arith.addi %scan3A_10, %scan3A_11 : i32
    %scan3A_13 = arith.constant 1 : i32
    %scan3A_14 = scf.for %scan3A_219 = %scan3A_10 to %scan3A_12 step %scan3A_13 iter_args(%scan3A_220 = %scan3A) -> (i32)  : i32 {
      %jit3A = arith.constant 4 : i32
      %div3A = arith.divsi %scan3A_219, %jit3A : i32
      %sign3A = arith.constant 0 : i32
      %sign3A_221 = arith.cmpi sgt, %scan3A_219, %sign3A : i32
      %sign3A_222 = arith.extui %sign3A_221 : i1 to i32
      %sign3A_223 = arith.constant 0 : i32
      %sign3A_224 = arith.cmpi slt, %scan3A_219, %sign3A_223 : i32
      %sign3A_225 = arith.extui %sign3A_224 : i1 to i32
      %sign3A_226 = arith.subi %sign3A_222, %sign3A_225 : i32
      %sign3A_227 = arith.constant 0 : i32
      %sign3A_228 = arith.cmpi sgt, %jit3A, %sign3A_227 : i32
      %sign3A_229 = arith.extui %sign3A_228 : i1 to i32
      %sign3A_230 = arith.constant 0 : i32
      %sign3A_231 = arith.cmpi slt, %jit3A, %sign3A_230 : i32
      %sign3A_232 = arith.extui %sign3A_231 : i1 to i32
      %sign3A_233 = arith.subi %sign3A_229, %sign3A_232 : i32
      %ne3A = arith.cmpi ne, %sign3A_226, %sign3A_233 : i32
      %rem3A = arith.remsi %scan3A_219, %jit3A : i32
      %ne3A_234 = arith.constant 0 : i32
      %ne3A_235 = arith.cmpi ne, %rem3A, %ne3A_234 : i32
      %and3A = arith.andi %ne3A, %ne3A_235 : i1
      %sub3A = arith.constant 1 : i32
      %sub3A_236 = arith.subi %div3A, %sub3A : i32
      %select_n3A = arith.select %and3A, %sub3A_236, %div3A : i32
      %jit3A_237 = arith.constant 4 : i32
      %eq3A_238 = arith.constant 0 : i32
      %eq3A_239 = arith.cmpi eq, %jit3A_237, %eq3A_238 : i32
      %jit3A_240 = arith.constant 1 : i32
      %select_n3A_241 = arith.select %eq3A_239, %jit3A_240, %jit3A_237 : i32
      %rem3A_242 = arith.remsi %scan3A_219, %select_n3A_241 : i32
      %ne3A_243 = arith.constant 0 : i32
      %ne3A_244 = arith.cmpi ne, %rem3A_242, %ne3A_243 : i32
      %lt3A_245 = arith.constant 0 : i32
      %lt3A_246 = arith.cmpi slt, %rem3A_242, %lt3A_245 : i32
      %lt3A_247 = arith.constant 0 : i32
      %lt3A_248 = arith.cmpi slt, %select_n3A_241, %lt3A_247 : i32
      %ne3A_249 = arith.xori %lt3A_246, %lt3A_248 : i1
      %and3A_250 = arith.andi %ne3A_249, %ne3A_244 : i1
      %add3A_251 = arith.addi %rem3A_242, %select_n3A_241 : i32
      %select_n3A_252 = arith.select %and3A_250, %add3A_251, %rem3A_242 : i32
      %mul3A_253 = arith.constant 16 : i32
      %mul3A_254 = arith.muli %select_n3A_252, %mul3A_253 : i32
      %swap3A = arith.index_cast %select_n3A : i32 to index
      %swap3A_255 = arith.index_cast %mul3A_254 : i32 to index
      %swap3A_256 = tpu.vector_load %arg11[%swap3A, %swap3A_255] {strides = array<i32>} : memref<32x64xf32, #tpu.memory_space<vmem>>, vector<16xf32>,
      tpu.vector_store %arg11[%swap3A, %swap3A_255], %broadcast_in_dim3A_9 {strides = array<i32>} : memref<32x64xf32, #tpu.memory_space<vmem>>, vector<16xf32>,
      %scan3A_257 = arith.constant 0 : i32
      scf.yield %scan3A_257 : i32
    }
    %scan3A_15 = arith.constant 128 : i32
    %add3A = arith.constant 0 : i32
    %add3A_16 = arith.addi %mul3A_0, %add3A : i32
    "tpu.region"() ({
      %run_scoped3A_219 = tpu.sem_alloc : memref<!tpu.dma_semaphore, #tpu.memory_space<semaphore_mem>>
      %dma_start3A_220 = arith.constant 0 : i32
      %dma_start3A_221 = tpu.memref_slice %arg5[%add3A_16, %dma_start3A_220] : memref<10112x64xf32, #tpu.memory_space<vmem_shared>> -> memref<32x64xf32, #tpu.memory_space<vmem_shared>>
      %dma_start3A_222 = arith.constant 0 : i32
      %dma_start3A_223 = tpu.memref_slice %arg5[%add3A_16, %dma_start3A_222] : memref<10112x64xf32, #tpu.memory_space<vmem_shared>> -> memref<32x64xf32, #tpu.memory_space<vmem_shared>>
      tpu.enqueue_dma source(%arg11 : memref<32x64xf32, #tpu.memory_space<vmem>>) target(%dma_start3A_223 : memref<32x64xf32, #tpu.memory_space<vmem_shared>>) target_semaphore(%run_scoped3A_219 : memref<!tpu.dma_semaphore, #tpu.memory_space<semaphore_mem>>)
      %dma_wait3A_224 = arith.constant 0 : i32
      %dma_wait3A_225 = tpu.memref_slice %arg5[%add3A_16, %dma_wait3A_224] : memref<10112x64xf32, #tpu.memory_space<vmem_shared>> -> memref<32x64xf32, #tpu.memory_space<vmem_shared>>
      %dma_wait3A_226 = arith.constant 0 : i32
      %dma_wait3A_227 = tpu.memref_slice %arg5[%add3A_16, %dma_wait3A_226] : memref<10112x64xf32, #tpu.memory_space<vmem_shared>> -> memref<32x64xf32, #tpu.memory_space<vmem_shared>>
      tpu.wait_dma2 semaphore(%run_scoped3A_219 : memref<!tpu.dma_semaphore, #tpu.memory_space<semaphore_mem>>) src(%arg11 : memref<32x64xf32, #tpu.memory_space<vmem>>) dst(%dma_wait3A_227 : memref<32x64xf32, #tpu.memory_space<vmem_shared>>)
      tpu.yield
    }) : () -> ()
    %add3A_17 = arith.constant 32 : i32
    %add3A_18 = arith.addi %mul3A_0, %add3A_17 : i32
    "tpu.region"() ({
      %run_scoped3A_219 = tpu.sem_alloc : memref<!tpu.dma_semaphore, #tpu.memory_space<semaphore_mem>>
      %dma_start3A_220 = arith.constant 0 : i32
      %dma_start3A_221 = tpu.memref_slice %arg5[%add3A_18, %dma_start3A_220] : memref<10112x64xf32, #tpu.memory_space<vmem_shared>> -> memref<32x64xf32, #tpu.memory_space<vmem_shared>>
      %dma_start3A_222 = arith.constant 0 : i32
      %dma_start3A_223 = tpu.memref_slice %arg5[%add3A_18, %dma_start3A_222] : memref<10112x64xf32, #tpu.memory_space<vmem_shared>> -> memref<32x64xf32, #tpu.memory_space<vmem_shared>>
      tpu.enqueue_dma source(%arg11 : memref<32x64xf32, #tpu.memory_space<vmem>>) target(%dma_start3A_223 : memref<32x64xf32, #tpu.memory_space<vmem_shared>>) target_semaphore(%run_scoped3A_219 : memref<!tpu.dma_semaphore, #tpu.memory_space<semaphore_mem>>)
      %dma_wait3A_224 = arith.constant 0 : i32
      %dma_wait3A_225 = tpu.memref_slice %arg5[%add3A_18, %dma_wait3A_224] : memref<10112x64xf32, #tpu.memory_space<vmem_shared>> -> memref<32x64xf32, #tpu.memory_space<vmem_shared>>
      %dma_wait3A_226 = arith.constant 0 : i32
      %dma_wait3A_227 = tpu.memref_slice %arg5[%add3A_18, %dma_wait3A_226] : memref<10112x64xf32, #tpu.memory_space<vmem_shared>> -> memref<32x64xf32, #tpu.memory_space<vmem_shared>>
      tpu.wait_dma2 semaphore(%run_scoped3A_219 : memref<!tpu.dma_semaphore, #tpu.memory_space<semaphore_mem>>) src(%arg11 : memref<32x64xf32, #tpu.memory_space<vmem>>) dst(%dma_wait3A_227 : memref<32x64xf32, #tpu.memory_space<vmem_shared>>)
      tpu.yield
    }) : () -> ()
    %add3A_19 = arith.constant 64 : i32
    %add3A_20 = arith.addi %mul3A_0, %add3A_19 : i32
    "tpu.region"() ({
      %run_scoped3A_219 = tpu.sem_alloc : memref<!tpu.dma_semaphore, #tpu.memory_space<semaphore_mem>>
      %dma_start3A_220 = arith.constant 0 : i32
      %dma_start3A_221 = tpu.memref_slice %arg5[%add3A_20, %dma_start3A_220] : memref<10112x64xf32, #tpu.memory_space<vmem_shared>> -> memref<32x64xf32, #tpu.memory_space<vmem_shared>>
      %dma_start3A_222 = arith.constant 0 : i32
      %dma_start3A_223 = tpu.memref_slice %arg5[%add3A_20, %dma_start3A_222] : memref<10112x64xf32, #tpu.memory_space<vmem_shared>> -> memref<32x64xf32, #tpu.memory_space<vmem_shared>>
      tpu.enqueue_dma source(%arg11 : memref<32x64xf32, #tpu.memory_space<vmem>>) target(%dma_start3A_223 : memref<32x64xf32, #tpu.memory_space<vmem_shared>>) target_semaphore(%run_scoped3A_219 : memref<!tpu.dma_semaphore, #tpu.memory_space<semaphore_mem>>)
      %dma_wait3A_224 = arith.constant 0 : i32
      %dma_wait3A_225 = tpu.memref_slice %arg5[%add3A_20, %dma_wait3A_224] : memref<10112x64xf32, #tpu.memory_space<vmem_shared>> -> memref<32x64xf32, #tpu.memory_space<vmem_shared>>
      %dma_wait3A_226 = arith.constant 0 : i32
      %dma_wait3A_227 = tpu.memref_slice %arg5[%add3A_20, %dma_wait3A_226] : memref<10112x64xf32, #tpu.memory_space<vmem_shared>> -> memref<32x64xf32, #tpu.memory_space<vmem_shared>>
      tpu.wait_dma2 semaphore(%run_scoped3A_219 : memref<!tpu.dma_semaphore, #tpu.memory_space<semaphore_mem>>) src(%arg11 : memref<32x64xf32, #tpu.memory_space<vmem>>) dst(%dma_wait3A_227 : memref<32x64xf32, #tpu.memory_space<vmem_shared>>)
      tpu.yield
    }) : () -> ()
    %add3A_21 = arith.constant 96 : i32
    %add3A_22 = arith.addi %mul3A_0, %add3A_21 : i32
    "tpu.region"() ({
      %run_scoped3A_219 = tpu.sem_alloc : memref<!tpu.dma_semaphore, #tpu.memory_space<semaphore_mem>>
      %dma_start3A_220 = arith.constant 0 : i32
      %dma_start3A_221 = tpu.memref_slice %arg5[%add3A_22, %dma_start3A_220] : memref<10112x64xf32, #tpu.memory_space<vmem_shared>> -> memref<32x64xf32, #tpu.memory_space<vmem_shared>>
      %dma_start3A_222 = arith.constant 0 : i32
      %dma_start3A_223 = tpu.memref_slice %arg5[%add3A_22, %dma_start3A_222] : memref<10112x64xf32, #tpu.memory_space<vmem_shared>> -> memref<32x64xf32, #tpu.memory_space<vmem_shared>>
      tpu.enqueue_dma source(%arg11 : memref<32x64xf32, #tpu.memory_space<vmem>>) target(%dma_start3A_223 : memref<32x64xf32, #tpu.memory_space<vmem_shared>>) target_semaphore(%run_scoped3A_219 : memref<!tpu.dma_semaphore, #tpu.memory_space<semaphore_mem>>)
      %dma_wait3A_224 = arith.constant 0 : i32
      %dma_wait3A_225 = tpu.memref_slice %arg5[%add3A_22, %dma_wait3A_224] : memref<10112x64xf32, #tpu.memory_space<vmem_shared>> -> memref<32x64xf32, #tpu.memory_space<vmem_shared>>
      %dma_wait3A_226 = arith.constant 0 : i32
      %dma_wait3A_227 = tpu.memref_slice %arg5[%add3A_22, %dma_wait3A_226] : memref<10112x64xf32, #tpu.memory_space<vmem_shared>> -> memref<32x64xf32, #tpu.memory_space<vmem_shared>>
      tpu.wait_dma2 semaphore(%run_scoped3A_219 : memref<!tpu.dma_semaphore, #tpu.memory_space<semaphore_mem>>) src(%arg11 : memref<32x64xf32, #tpu.memory_space<vmem>>) dst(%dma_wait3A_227 : memref<32x64xf32, #tpu.memory_space<vmem_shared>>)
      tpu.yield
    }) : () -> ()
    %add3A_23 = arith.constant 128 : i32
    %add3A_24 = arith.addi %mul3A_0, %add3A_23 : i32
    "tpu.region"() ({
      %run_scoped3A_219 = tpu.sem_alloc : memref<!tpu.dma_semaphore, #tpu.memory_space<semaphore_mem>>
      %dma_start3A_220 = arith.constant 0 : i32
      %dma_start3A_221 = tpu.memref_slice %arg5[%add3A_24, %dma_start3A_220] : memref<10112x64xf32, #tpu.memory_space<vmem_shared>> -> memref<32x64xf32, #tpu.memory_space<vmem_shared>>
      %dma_start3A_222 = arith.constant 0 : i32
      %dma_start3A_223 = tpu.memref_slice %arg5[%add3A_24, %dma_start3A_222] : memref<10112x64xf32, #tpu.memory_space<vmem_shared>> -> memref<32x64xf32, #tpu.memory_space<vmem_shared>>
      tpu.enqueue_dma source(%arg11 : memref<32x64xf32, #tpu.memory_space<vmem>>) target(%dma_start3A_223 : memref<32x64xf32, #tpu.memory_space<vmem_shared>>) target_semaphore(%run_scoped3A_219 : memref<!tpu.dma_semaphore, #tpu.memory_space<semaphore_mem>>)
      %dma_wait3A_224 = arith.constant 0 : i32
      %dma_wait3A_225 = tpu.memref_slice %arg5[%add3A_24, %dma_wait3A_224] : memref<10112x64xf32, #tpu.memory_space<vmem_shared>> -> memref<32x64xf32, #tpu.memory_space<vmem_shared>>
      %dma_wait3A_226 = arith.constant 0 : i32
      %dma_wait3A_227 = tpu.memref_slice %arg5[%add3A_24, %dma_wait3A_226] : memref<10112x64xf32, #tpu.memory_space<vmem_shared>> -> memref<32x64xf32, #tpu.memory_space<vmem_shared>>
      tpu.wait_dma2 semaphore(%run_scoped3A_219 : memref<!tpu.dma_semaphore, #tpu.memory_space<semaphore_mem>>) src(%arg11 : memref<32x64xf32, #tpu.memory_space<vmem>>) dst(%dma_wait3A_227 : memref<32x64xf32, #tpu.memory_space<vmem_shared>>)
      tpu.yield
    }) : () -> ()
    %add3A_25 = arith.constant 160 : i32
    %add3A_26 = arith.addi %mul3A_0, %add3A_25 : i32
    "tpu.region"() ({
      %run_scoped3A_219 = tpu.sem_alloc : memref<!tpu.dma_semaphore, #tpu.memory_space<semaphore_mem>>
      %dma_start3A_220 = arith.constant 0 : i32
      %dma_start3A_221 = tpu.memref_slice %arg5[%add3A_26, %dma_start3A_220] : memref<10112x64xf32, #tpu.memory_space<vmem_shared>> -> memref<32x64xf32, #tpu.memory_space<vmem_shared>>
      %dma_start3A_222 = arith.constant 0 : i32
      %dma_start3A_223 = tpu.memref_slice %arg5[%add3A_26, %dma_start3A_222] : memref<10112x64xf32, #tpu.memory_space<vmem_shared>> -> memref<32x64xf32, #tpu.memory_space<vmem_shared>>
      tpu.enqueue_dma source(%arg11 : memref<32x64xf32, #tpu.memory_space<vmem>>) target(%dma_start3A_223 : memref<32x64xf32, #tpu.memory_space<vmem_shared>>) target_semaphore(%run_scoped3A_219 : memref<!tpu.dma_semaphore, #tpu.memory_space<semaphore_mem>>)
      %dma_wait3A_224 = arith.constant 0 : i32
      %dma_wait3A_225 = tpu.memref_slice %arg5[%add3A_26, %dma_wait3A_224] : memref<10112x64xf32, #tpu.memory_space<vmem_shared>> -> memref<32x64xf32, #tpu.memory_space<vmem_shared>>
      %dma_wait3A_226 = arith.constant 0 : i32
      %dma_wait3A_227 = tpu.memref_slice %arg5[%add3A_26, %dma_wait3A_226] : memref<10112x64xf32, #tpu.memory_space<vmem_shared>> -> memref<32x64xf32, #tpu.memory_space<vmem_shared>>
      tpu.wait_dma2 semaphore(%run_scoped3A_219 : memref<!tpu.dma_semaphore, #tpu.memory_space<semaphore_mem>>) src(%arg11 : memref<32x64xf32, #tpu.memory_space<vmem>>) dst(%dma_wait3A_227 : memref<32x64xf32, #tpu.memory_space<vmem_shared>>)
      tpu.yield
    }) : () -> ()
    %add3A_27 = arith.constant 192 : i32
    %add3A_28 = arith.addi %mul3A_0, %add3A_27 : i32
    "tpu.region"() ({
      %run_scoped3A_219 = tpu.sem_alloc : memref<!tpu.dma_semaphore, #tpu.memory_space<semaphore_mem>>
      %dma_start3A_220 = arith.constant 0 : i32
      %dma_start3A_221 = tpu.memref_slice %arg5[%add3A_28, %dma_start3A_220] : memref<10112x64xf32, #tpu.memory_space<vmem_shared>> -> memref<32x64xf32, #tpu.memory_space<vmem_shared>>
      %dma_start3A_222 = arith.constant 0 : i32
      %dma_start3A_223 = tpu.memref_slice %arg5[%add3A_28, %dma_start3A_222] : memref<10112x64xf32, #tpu.memory_space<vmem_shared>> -> memref<32x64xf32, #tpu.memory_space<vmem_shared>>
      tpu.enqueue_dma source(%arg11 : memref<32x64xf32, #tpu.memory_space<vmem>>) target(%dma_start3A_223 : memref<32x64xf32, #tpu.memory_space<vmem_shared>>) target_semaphore(%run_scoped3A_219 : memref<!tpu.dma_semaphore, #tpu.memory_space<semaphore_mem>>)
      %dma_wait3A_224 = arith.constant 0 : i32
      %dma_wait3A_225 = tpu.memref_slice %arg5[%add3A_28, %dma_wait3A_224] : memref<10112x64xf32, #tpu.memory_space<vmem_shared>> -> memref<32x64xf32, #tpu.memory_space<vmem_shared>>
      %dma_wait3A_226 = arith.constant 0 : i32
      %dma_wait3A_227 = tpu.memref_slice %arg5[%add3A_28, %dma_wait3A_226] : memref<10112x64xf32, #tpu.memory_space<vmem_shared>> -> memref<32x64xf32, #tpu.memory_space<vmem_shared>>
      tpu.wait_dma2 semaphore(%run_scoped3A_219 : memref<!tpu.dma_semaphore, #tpu.memory_space<semaphore_mem>>) src(%arg11 : memref<32x64xf32, #tpu.memory_space<vmem>>) dst(%dma_wait3A_227 : memref<32x64xf32, #tpu.memory_space<vmem_shared>>)
      tpu.yield
    }) : () -> ()
    %add3A_29 = arith.constant 224 : i32
    %add3A_30 = arith.addi %mul3A_0, %add3A_29 : i32
    "tpu.region"() ({
      %run_scoped3A_219 = tpu.sem_alloc : memref<!tpu.dma_semaphore, #tpu.memory_space<semaphore_mem>>
      %dma_start3A_220 = arith.constant 0 : i32
      %dma_start3A_221 = tpu.memref_slice %arg5[%add3A_30, %dma_start3A_220] : memref<10112x64xf32, #tpu.memory_space<vmem_shared>> -> memref<32x64xf32, #tpu.memory_space<vmem_shared>>
      %dma_start3A_222 = arith.constant 0 : i32
      %dma_start3A_223 = tpu.memref_slice %arg5[%add3A_30, %dma_start3A_222] : memref<10112x64xf32, #tpu.memory_space<vmem_shared>> -> memref<32x64xf32, #tpu.memory_space<vmem_shared>>
      tpu.enqueue_dma source(%arg11 : memref<32x64xf32, #tpu.memory_space<vmem>>) target(%dma_start3A_223 : memref<32x64xf32, #tpu.memory_space<vmem_shared>>) target_semaphore(%run_scoped3A_219 : memref<!tpu.dma_semaphore, #tpu.memory_space<semaphore_mem>>)
      %dma_wait3A_224 = arith.constant 0 : i32
      %dma_wait3A_225 = tpu.memref_slice %arg5[%add3A_30, %dma_wait3A_224] : memref<10112x64xf32, #tpu.memory_space<vmem_shared>> -> memref<32x64xf32, #tpu.memory_space<vmem_shared>>
      %dma_wait3A_226 = arith.constant 0 : i32
      %dma_wait3A_227 = tpu.memref_slice %arg5[%add3A_30, %dma_wait3A_226] : memref<10112x64xf32, #tpu.memory_space<vmem_shared>> -> memref<32x64xf32, #tpu.memory_space<vmem_shared>>
      tpu.wait_dma2 semaphore(%run_scoped3A_219 : memref<!tpu.dma_semaphore, #tpu.memory_space<semaphore_mem>>) src(%arg11 : memref<32x64xf32, #tpu.memory_space<vmem>>) dst(%dma_wait3A_227 : memref<32x64xf32, #tpu.memory_space<vmem_shared>>)
      tpu.yield
    }) : () -> ()
    %add3A_31 = arith.constant 256 : i32
    %add3A_32 = arith.addi %mul3A_0, %add3A_31 : i32
    "tpu.region"() ({
      %run_scoped3A_219 = tpu.sem_alloc : memref<!tpu.dma_semaphore, #tpu.memory_space<semaphore_mem>>
      %dma_start3A_220 = arith.constant 0 : i32
      %dma_start3A_221 = tpu.memref_slice %arg5[%add3A_32, %dma_start3A_220] : memref<10112x64xf32, #tpu.memory_space<vmem_shared>> -> memref<32x64xf32, #tpu.memory_space<vmem_shared>>
      %dma_start3A_222 = arith.constant 0 : i32
      %dma_start3A_223 = tpu.memref_slice %arg5[%add3A_32, %dma_start3A_222] : memref<10112x64xf32, #tpu.memory_space<vmem_shared>> -> memref<32x64xf32, #tpu.memory_space<vmem_shared>>
      tpu.enqueue_dma source(%arg11 : memref<32x64xf32, #tpu.memory_space<vmem>>) target(%dma_start3A_223 : memref<32x64xf32, #tpu.memory_space<vmem_shared>>) target_semaphore(%run_scoped3A_219 : memref<!tpu.dma_semaphore, #tpu.memory_space<semaphore_mem>>)
      %dma_wait3A_224 = arith.constant 0 : i32
      %dma_wait3A_225 = tpu.memref_slice %arg5[%add3A_32, %dma_wait3A_224] : memref<10112x64xf32, #tpu.memory_space<vmem_shared>> -> memref<32x64xf32, #tpu.memory_space<vmem_shared>>
      %dma_wait3A_226 = arith.constant 0 : i32
      %dma_wait3A_227 = tpu.memref_slice %arg5[%add3A_32, %dma_wait3A_226] : memref<10112x64xf32, #tpu.memory_space<vmem_shared>> -> memref<32x64xf32, #tpu.memory_space<vmem_shared>>
      tpu.wait_dma2 semaphore(%run_scoped3A_219 : memref<!tpu.dma_semaphore, #tpu.memory_space<semaphore_mem>>) src(%arg11 : memref<32x64xf32, #tpu.memory_space<vmem>>) dst(%dma_wait3A_227 : memref<32x64xf32, #tpu.memory_space<vmem_shared>>)
      tpu.yield
    }) : () -> ()
    %add3A_33 = arith.constant 288 : i32
    %add3A_34 = arith.addi %mul3A_0, %add3A_33 : i32
    "tpu.region"() ({
      %run_scoped3A_219 = tpu.sem_alloc : memref<!tpu.dma_semaphore, #tpu.memory_space<semaphore_mem>>
      %dma_start3A_220 = arith.constant 0 : i32
      %dma_start3A_221 = tpu.memref_slice %arg5[%add3A_34, %dma_start3A_220] : memref<10112x64xf32, #tpu.memory_space<vmem_shared>> -> memref<32x64xf32, #tpu.memory_space<vmem_shared>>
      %dma_start3A_222 = arith.constant 0 : i32
      %dma_start3A_223 = tpu.memref_slice %arg5[%add3A_34, %dma_start3A_222] : memref<10112x64xf32, #tpu.memory_space<vmem_shared>> -> memref<32x64xf32, #tpu.memory_space<vmem_shared>>
      tpu.enqueue_dma source(%arg11 : memref<32x64xf32, #tpu.memory_space<vmem>>) target(%dma_start3A_223 : memref<32x64xf32, #tpu.memory_space<vmem_shared>>) target_semaphore(%run_scoped3A_219 : memref<!tpu.dma_semaphore, #tpu.memory_space<semaphore_mem>>)
      %dma_wait3A_224 = arith.constant 0 : i32
      %dma_wait3A_225 = tpu.memref_slice %arg5[%add3A_34, %dma_wait3A_224] : memref<10112x64xf32, #tpu.memory_space<vmem_shared>> -> memref<32x64xf32, #tpu.memory_space<vmem_shared>>
      %dma_wait3A_226 = arith.constant 0 : i32
      %dma_wait3A_227 = tpu.memref_slice %arg5[%add3A_34, %dma_wait3A_226] : memref<10112x64xf32, #tpu.memory_space<vmem_shared>> -> memref<32x64xf32, #tpu.memory_space<vmem_shared>>
      tpu.wait_dma2 semaphore(%run_scoped3A_219 : memref<!tpu.dma_semaphore, #tpu.memory_space<semaphore_mem>>) src(%arg11 : memref<32x64xf32, #tpu.memory_space<vmem>>) dst(%dma_wait3A_227 : memref<32x64xf32, #tpu.memory_space<vmem_shared>>)
      tpu.yield
    }) : () -> ()
    %add3A_35 = arith.constant 320 : i32
    %add3A_36 = arith.addi %mul3A_0, %add3A_35 : i32
    "tpu.region"() ({
      %run_scoped3A_219 = tpu.sem_alloc : memref<!tpu.dma_semaphore, #tpu.memory_space<semaphore_mem>>
      %dma_start3A_220 = arith.constant 0 : i32
      %dma_start3A_221 = tpu.memref_slice %arg5[%add3A_36, %dma_start3A_220] : memref<10112x64xf32, #tpu.memory_space<vmem_shared>> -> memref<32x64xf32, #tpu.memory_space<vmem_shared>>
      %dma_start3A_222 = arith.constant 0 : i32
      %dma_start3A_223 = tpu.memref_slice %arg5[%add3A_36, %dma_start3A_222] : memref<10112x64xf32, #tpu.memory_space<vmem_shared>> -> memref<32x64xf32, #tpu.memory_space<vmem_shared>>
      tpu.enqueue_dma source(%arg11 : memref<32x64xf32, #tpu.memory_space<vmem>>) target(%dma_start3A_223 : memref<32x64xf32, #tpu.memory_space<vmem_shared>>) target_semaphore(%run_scoped3A_219 : memref<!tpu.dma_semaphore, #tpu.memory_space<semaphore_mem>>)
      %dma_wait3A_224 = arith.constant 0 : i32
      %dma_wait3A_225 = tpu.memref_slice %arg5[%add3A_36, %dma_wait3A_224] : memref<10112x64xf32, #tpu.memory_space<vmem_shared>> -> memref<32x64xf32, #tpu.memory_space<vmem_shared>>
      %dma_wait3A_226 = arith.constant 0 : i32
      %dma_wait3A_227 = tpu.memref_slice %arg5[%add3A_36, %dma_wait3A_226] : memref<10112x64xf32, #tpu.memory_space<vmem_shared>> -> memref<32x64xf32, #tpu.memory_space<vmem_shared>>
      tpu.wait_dma2 semaphore(%run_scoped3A_219 : memref<!tpu.dma_semaphore, #tpu.memory_space<semaphore_mem>>) src(%arg11 : memref<32x64xf32, #tpu.memory_space<vmem>>) dst(%dma_wait3A_227 : memref<32x64xf32, #tpu.memory_space<vmem_shared>>)
      tpu.yield
    }) : () -> ()
    %add3A_37 = arith.constant 352 : i32
    %add3A_38 = arith.addi %mul3A_0, %add3A_37 : i32
    "tpu.region"() ({
      %run_scoped3A_219 = tpu.sem_alloc : memref<!tpu.dma_semaphore, #tpu.memory_space<semaphore_mem>>
      %dma_start3A_220 = arith.constant 0 : i32
      %dma_start3A_221 = tpu.memref_slice %arg5[%add3A_38, %dma_start3A_220] : memref<10112x64xf32, #tpu.memory_space<vmem_shared>> -> memref<32x64xf32, #tpu.memory_space<vmem_shared>>
      %dma_start3A_222 = arith.constant 0 : i32
      %dma_start3A_223 = tpu.memref_slice %arg5[%add3A_38, %dma_start3A_222] : memref<10112x64xf32, #tpu.memory_space<vmem_shared>> -> memref<32x64xf32, #tpu.memory_space<vmem_shared>>
      tpu.enqueue_dma source(%arg11 : memref<32x64xf32, #tpu.memory_space<vmem>>) target(%dma_start3A_223 : memref<32x64xf32, #tpu.memory_space<vmem_shared>>) target_semaphore(%run_scoped3A_219 : memref<!tpu.dma_semaphore, #tpu.memory_space<semaphore_mem>>)
      %dma_wait3A_224 = arith.constant 0 : i32
      %dma_wait3A_225 = tpu.memref_slice %arg5[%add3A_38, %dma_wait3A_224] : memref<10112x64xf32, #tpu.memory_space<vmem_shared>> -> memref<32x64xf32, #tpu.memory_space<vmem_shared>>
      %dma_wait3A_226 = arith.constant 0 : i32
      %dma_wait3A_227 = tpu.memref_slice %arg5[%add3A_38, %dma_wait3A_226] : memref<10112x64xf32, #tpu.memory_space<vmem_shared>> -> memref<32x64xf32, #tpu.memory_space<vmem_shared>>
      tpu.wait_dma2 semaphore(%run_scoped3A_219 : memref<!tpu.dma_semaphore, #tpu.memory_space<semaphore_mem>>) src(%arg11 : memref<32x64xf32, #tpu.memory_space<vmem>>) dst(%dma_wait3A_227 : memref<32x64xf32, #tpu.memory_space<vmem_shared>>)
      tpu.yield
    }) : () -> ()
    %add3A_39 = arith.constant 384 : i32
    %add3A_40 = arith.addi %mul3A_0, %add3A_39 : i32
    "tpu.region"() ({
      %run_scoped3A_219 = tpu.sem_alloc : memref<!tpu.dma_semaphore, #tpu.memory_space<semaphore_mem>>
      %dma_start3A_220 = arith.constant 0 : i32
      %dma_start3A_221 = tpu.memref_slice %arg5[%add3A_40, %dma_start3A_220] : memref<10112x64xf32, #tpu.memory_space<vmem_shared>> -> memref<32x64xf32, #tpu.memory_space<vmem_shared>>
      %dma_start3A_222 = arith.constant 0 : i32
      %dma_start3A_223 = tpu.memref_slice %arg5[%add3A_40, %dma_start3A_222] : memref<10112x64xf32, #tpu.memory_space<vmem_shared>> -> memref<32x64xf32, #tpu.memory_space<vmem_shared>>
      tpu.enqueue_dma source(%arg11 : memref<32x64xf32, #tpu.memory_space<vmem>>) target(%dma_start3A_223 : memref<32x64xf32, #tpu.memory_space<vmem_shared>>) target_semaphore(%run_scoped3A_219 : memref<!tpu.dma_semaphore, #tpu.memory_space<semaphore_mem>>)
      %dma_wait3A_224 = arith.constant 0 : i32
      %dma_wait3A_225 = tpu.memref_slice %arg5[%add3A_40, %dma_wait3A_224] : memref<10112x64xf32, #tpu.memory_space<vmem_shared>> -> memref<32x64xf32, #tpu.memory_space<vmem_shared>>
      %dma_wait3A_226 = arith.constant 0 : i32
      %dma_wait3A_227 = tpu.memref_slice %arg5[%add3A_40, %dma_wait3A_226] : memref<10112x64xf32, #tpu.memory_space<vmem_shared>> -> memref<32x64xf32, #tpu.memory_space<vmem_shared>>
      tpu.wait_dma2 semaphore(%run_scoped3A_219 : memref<!tpu.dma_semaphore, #tpu.memory_space<semaphore_mem>>) src(%arg11 : memref<32x64xf32, #tpu.memory_space<vmem>>) dst(%dma_wait3A_227 : memref<32x64xf32, #tpu.memory_space<vmem_shared>>)
      tpu.yield
    }) : () -> ()
    %add3A_41 = arith.constant 416 : i32
    %add3A_42 = arith.addi %mul3A_0, %add3A_41 : i32
    "tpu.region"() ({
      %run_scoped3A_219 = tpu.sem_alloc : memref<!tpu.dma_semaphore, #tpu.memory_space<semaphore_mem>>
      %dma_start3A_220 = arith.constant 0 : i32
      %dma_start3A_221 = tpu.memref_slice %arg5[%add3A_42, %dma_start3A_220] : memref<10112x64xf32, #tpu.memory_space<vmem_shared>> -> memref<32x64xf32, #tpu.memory_space<vmem_shared>>
      %dma_start3A_222 = arith.constant 0 : i32
      %dma_start3A_223 = tpu.memref_slice %arg5[%add3A_42, %dma_start3A_222] : memref<10112x64xf32, #tpu.memory_space<vmem_shared>> -> memref<32x64xf32, #tpu.memory_space<vmem_shared>>
      tpu.enqueue_dma source(%arg11 : memref<32x64xf32, #tpu.memory_space<vmem>>) target(%dma_start3A_223 : memref<32x64xf32, #tpu.memory_space<vmem_shared>>) target_semaphore(%run_scoped3A_219 : memref<!tpu.dma_semaphore, #tpu.memory_space<semaphore_mem>>)
      %dma_wait3A_224 = arith.constant 0 : i32
      %dma_wait3A_225 = tpu.memref_slice %arg5[%add3A_42, %dma_wait3A_224] : memref<10112x64xf32, #tpu.memory_space<vmem_shared>> -> memref<32x64xf32, #tpu.memory_space<vmem_shared>>
      %dma_wait3A_226 = arith.constant 0 : i32
      %dma_wait3A_227 = tpu.memref_slice %arg5[%add3A_42, %dma_wait3A_226] : memref<10112x64xf32, #tpu.memory_space<vmem_shared>> -> memref<32x64xf32, #tpu.memory_space<vmem_shared>>
      tpu.wait_dma2 semaphore(%run_scoped3A_219 : memref<!tpu.dma_semaphore, #tpu.memory_space<semaphore_mem>>) src(%arg11 : memref<32x64xf32, #tpu.memory_space<vmem>>) dst(%dma_wait3A_227 : memref<32x64xf32, #tpu.memory_space<vmem_shared>>)
      tpu.yield
    }) : () -> ()
    %add3A_43 = arith.constant 448 : i32
    %add3A_44 = arith.addi %mul3A_0, %add3A_43 : i32
    "tpu.region"() ({
      %run_scoped3A_219 = tpu.sem_alloc : memref<!tpu.dma_semaphore, #tpu.memory_space<semaphore_mem>>
      %dma_start3A_220 = arith.constant 0 : i32
      %dma_start3A_221 = tpu.memref_slice %arg5[%add3A_44, %dma_start3A_220] : memref<10112x64xf32, #tpu.memory_space<vmem_shared>> -> memref<32x64xf32, #tpu.memory_space<vmem_shared>>
      %dma_start3A_222 = arith.constant 0 : i32
      %dma_start3A_223 = tpu.memref_slice %arg5[%add3A_44, %dma_start3A_222] : memref<10112x64xf32, #tpu.memory_space<vmem_shared>> -> memref<32x64xf32, #tpu.memory_space<vmem_shared>>
      tpu.enqueue_dma source(%arg11 : memref<32x64xf32, #tpu.memory_space<vmem>>) target(%dma_start3A_223 : memref<32x64xf32, #tpu.memory_space<vmem_shared>>) target_semaphore(%run_scoped3A_219 : memref<!tpu.dma_semaphore, #tpu.memory_space<semaphore_mem>>)
      %dma_wait3A_224 = arith.constant 0 : i32
      %dma_wait3A_225 = tpu.memref_slice %arg5[%add3A_44, %dma_wait3A_224] : memref<10112x64xf32, #tpu.memory_space<vmem_shared>> -> memref<32x64xf32, #tpu.memory_space<vmem_shared>>
      %dma_wait3A_226 = arith.constant 0 : i32
      %dma_wait3A_227 = tpu.memref_slice %arg5[%add3A_44, %dma_wait3A_226] : memref<10112x64xf32, #tpu.memory_space<vmem_shared>> -> memref<32x64xf32, #tpu.memory_space<vmem_shared>>
      tpu.wait_dma2 semaphore(%run_scoped3A_219 : memref<!tpu.dma_semaphore, #tpu.memory_space<semaphore_mem>>) src(%arg11 : memref<32x64xf32, #tpu.memory_space<vmem>>) dst(%dma_wait3A_227 : memref<32x64xf32, #tpu.memory_space<vmem_shared>>)
      tpu.yield
    }) : () -> ()
    %add3A_45 = arith.constant 480 : i32
    %add3A_46 = arith.addi %mul3A_0, %add3A_45 : i32
    "tpu.region"() ({
      %run_scoped3A_219 = tpu.sem_alloc : memref<!tpu.dma_semaphore, #tpu.memory_space<semaphore_mem>>
      %dma_start3A_220 = arith.constant 0 : i32
      %dma_start3A_221 = tpu.memref_slice %arg5[%add3A_46, %dma_start3A_220] : memref<10112x64xf32, #tpu.memory_space<vmem_shared>> -> memref<32x64xf32, #tpu.memory_space<vmem_shared>>
      %dma_start3A_222 = arith.constant 0 : i32
      %dma_start3A_223 = tpu.memref_slice %arg5[%add3A_46, %dma_start3A_222] : memref<10112x64xf32, #tpu.memory_space<vmem_shared>> -> memref<32x64xf32, #tpu.memory_space<vmem_shared>>
      tpu.enqueue_dma source(%arg11 : memref<32x64xf32, #tpu.memory_space<vmem>>) target(%dma_start3A_223 : memref<32x64xf32, #tpu.memory_space<vmem_shared>>) target_semaphore(%run_scoped3A_219 : memref<!tpu.dma_semaphore, #tpu.memory_space<semaphore_mem>>)
      %dma_wait3A_224 = arith.constant 0 : i32
      %dma_wait3A_225 = tpu.memref_slice %arg5[%add3A_46, %dma_wait3A_224] : memref<10112x64xf32, #tpu.memory_space<vmem_shared>> -> memref<32x64xf32, #tpu.memory_space<vmem_shared>>
      %dma_wait3A_226 = arith.constant 0 : i32
      %dma_wait3A_227 = tpu.memref_slice %arg5[%add3A_46, %dma_wait3A_226] : memref<10112x64xf32, #tpu.memory_space<vmem_shared>> -> memref<32x64xf32, #tpu.memory_space<vmem_shared>>
      tpu.wait_dma2 semaphore(%run_scoped3A_219 : memref<!tpu.dma_semaphore, #tpu.memory_space<semaphore_mem>>) src(%arg11 : memref<32x64xf32, #tpu.memory_space<vmem>>) dst(%dma_wait3A_227 : memref<32x64xf32, #tpu.memory_space<vmem_shared>>)
      tpu.yield
    }) : () -> ()
    %add3A_47 = arith.constant 512 : i32
    %add3A_48 = arith.addi %mul3A_0, %add3A_47 : i32
    "tpu.region"() ({
      %run_scoped3A_219 = tpu.sem_alloc : memref<!tpu.dma_semaphore, #tpu.memory_space<semaphore_mem>>
      %dma_start3A_220 = arith.constant 0 : i32
      %dma_start3A_221 = tpu.memref_slice %arg5[%add3A_48, %dma_start3A_220] : memref<10112x64xf32, #tpu.memory_space<vmem_shared>> -> memref<32x64xf32, #tpu.memory_space<vmem_shared>>
      %dma_start3A_222 = arith.constant 0 : i32
      %dma_start3A_223 = tpu.memref_slice %arg5[%add3A_48, %dma_start3A_222] : memref<10112x64xf32, #tpu.memory_space<vmem_shared>> -> memref<32x64xf32, #tpu.memory_space<vmem_shared>>
      tpu.enqueue_dma source(%arg11 : memref<32x64xf32, #tpu.memory_space<vmem>>) target(%dma_start3A_223 : memref<32x64xf32, #tpu.memory_space<vmem_shared>>) target_semaphore(%run_scoped3A_219 : memref<!tpu.dma_semaphore, #tpu.memory_space<semaphore_mem>>)
      %dma_wait3A_224 = arith.constant 0 : i32
      %dma_wait3A_225 = tpu.memref_slice %arg5[%add3A_48, %dma_wait3A_224] : memref<10112x64xf32, #tpu.memory_space<vmem_shared>> -> memref<32x64xf32, #tpu.memory_space<vmem_shared>>
      %dma_wait3A_226 = arith.constant 0 : i32
      %dma_wait3A_227 = tpu.memref_slice %arg5[%add3A_48, %dma_wait3A_226] : memref<10112x64xf32, #tpu.memory_space<vmem_shared>> -> memref<32x64xf32, #tpu.memory_space<vmem_shared>>
      tpu.wait_dma2 semaphore(%run_scoped3A_219 : memref<!tpu.dma_semaphore, #tpu.memory_space<semaphore_mem>>) src(%arg11 : memref<32x64xf32, #tpu.memory_space<vmem>>) dst(%dma_wait3A_227 : memref<32x64xf32, #tpu.memory_space<vmem_shared>>)
      tpu.yield
    }) : () -> ()
    %add3A_49 = arith.constant 544 : i32
    %add3A_50 = arith.addi %mul3A_0, %add3A_49 : i32
    "tpu.region"() ({
      %run_scoped3A_219 = tpu.sem_alloc : memref<!tpu.dma_semaphore, #tpu.memory_space<semaphore_mem>>
      %dma_start3A_220 = arith.constant 0 : i32
      %dma_start3A_221 = tpu.memref_slice %arg5[%add3A_50, %dma_start3A_220] : memref<10112x64xf32, #tpu.memory_space<vmem_shared>> -> memref<32x64xf32, #tpu.memory_space<vmem_shared>>
      %dma_start3A_222 = arith.constant 0 : i32
      %dma_start3A_223 = tpu.memref_slice %arg5[%add3A_50, %dma_start3A_222] : memref<10112x64xf32, #tpu.memory_space<vmem_shared>> -> memref<32x64xf32, #tpu.memory_space<vmem_shared>>
      tpu.enqueue_dma source(%arg11 : memref<32x64xf32, #tpu.memory_space<vmem>>) target(%dma_start3A_223 : memref<32x64xf32, #tpu.memory_space<vmem_shared>>) target_semaphore(%run_scoped3A_219 : memref<!tpu.dma_semaphore, #tpu.memory_space<semaphore_mem>>)
      %dma_wait3A_224 = arith.constant 0 : i32
      %dma_wait3A_225 = tpu.memref_slice %arg5[%add3A_50, %dma_wait3A_224] : memref<10112x64xf32, #tpu.memory_space<vmem_shared>> -> memref<32x64xf32, #tpu.memory_space<vmem_shared>>
      %dma_wait3A_226 = arith.constant 0 : i32
      %dma_wait3A_227 = tpu.memref_slice %arg5[%add3A_50, %dma_wait3A_226] : memref<10112x64xf32, #tpu.memory_space<vmem_shared>> -> memref<32x64xf32, #tpu.memory_space<vmem_shared>>
      tpu.wait_dma2 semaphore(%run_scoped3A_219 : memref<!tpu.dma_semaphore, #tpu.memory_space<semaphore_mem>>) src(%arg11 : memref<32x64xf32, #tpu.memory_space<vmem>>) dst(%dma_wait3A_227 : memref<32x64xf32, #tpu.memory_space<vmem_shared>>)
      tpu.yield
    }) : () -> ()
    %add3A_51 = arith.constant 576 : i32
    %add3A_52 = arith.addi %mul3A_0, %add3A_51 : i32
    "tpu.region"() ({
      %run_scoped3A_219 = tpu.sem_alloc : memref<!tpu.dma_semaphore, #tpu.memory_space<semaphore_mem>>
      %dma_start3A_220 = arith.constant 0 : i32
      %dma_start3A_221 = tpu.memref_slice %arg5[%add3A_52, %dma_start3A_220] : memref<10112x64xf32, #tpu.memory_space<vmem_shared>> -> memref<32x64xf32, #tpu.memory_space<vmem_shared>>
      %dma_start3A_222 = arith.constant 0 : i32
      %dma_start3A_223 = tpu.memref_slice %arg5[%add3A_52, %dma_start3A_222] : memref<10112x64xf32, #tpu.memory_space<vmem_shared>> -> memref<32x64xf32, #tpu.memory_space<vmem_shared>>
      tpu.enqueue_dma source(%arg11 : memref<32x64xf32, #tpu.memory_space<vmem>>) target(%dma_start3A_223 : memref<32x64xf32, #tpu.memory_space<vmem_shared>>) target_semaphore(%run_scoped3A_219 : memref<!tpu.dma_semaphore, #tpu.memory_space<semaphore_mem>>)
      %dma_wait3A_224 = arith.constant 0 : i32
      %dma_wait3A_225 = tpu.memref_slice %arg5[%add3A_52, %dma_wait3A_224] : memref<10112x64xf32, #tpu.memory_space<vmem_shared>> -> memref<32x64xf32, #tpu.memory_space<vmem_shared>>
      %dma_wait3A_226 = arith.constant 0 : i32
      %dma_wait3A_227 = tpu.memref_slice %arg5[%add3A_52, %dma_wait3A_226] : memref<10112x64xf32, #tpu.memory_space<vmem_shared>> -> memref<32x64xf32, #tpu.memory_space<vmem_shared>>
      tpu.wait_dma2 semaphore(%run_scoped3A_219 : memref<!tpu.dma_semaphore, #tpu.memory_space<semaphore_mem>>) src(%arg11 : memref<32x64xf32, #tpu.memory_space<vmem>>) dst(%dma_wait3A_227 : memref<32x64xf32, #tpu.memory_space<vmem_shared>>)
      tpu.yield
    }) : () -> ()
    %add3A_53 = arith.constant 608 : i32
    %add3A_54 = arith.addi %mul3A_0, %add3A_53 : i32
    "tpu.region"() ({
      %run_scoped3A_219 = tpu.sem_alloc : memref<!tpu.dma_semaphore, #tpu.memory_space<semaphore_mem>>
      %dma_start3A_220 = arith.constant 0 : i32
      %dma_start3A_221 = arith.constant 0 : i32
      %dma_start3A_222 = tpu.memref_slice %arg11[%dma_start3A_220, %dma_start3A_221] : memref<32x64xf32, #tpu.memory_space<vmem>> -> memref<24x64xf32, #tpu.memory_space<vmem>>
      %dma_start3A_223 = arith.constant 0 : i32
      %dma_start3A_224 = tpu.memref_slice %arg5[%add3A_54, %dma_start3A_223] : memref<10112x64xf32, #tpu.memory_space<vmem_shared>> -> memref<24x64xf32, #tpu.memory_space<vmem_shared>>
      %dma_start3A_225 = arith.constant 0 : i32
      %dma_start3A_226 = tpu.memref_slice %arg5[%add3A_54, %dma_start3A_225] : memref<10112x64xf32, #tpu.memory_space<vmem_shared>> -> memref<24x64xf32, #tpu.memory_space<vmem_shared>>
      %dma_start3A_227 = arith.constant 0 : i32
      %dma_start3A_228 = arith.constant 0 : i32
      %dma_start3A_229 = tpu.memref_slice %arg11[%dma_start3A_227, %dma_start3A_228] : memref<32x64xf32, #tpu.memory_space<vmem>> -> memref<24x64xf32, #tpu.memory_space<vmem>>
      tpu.enqueue_dma source(%dma_start3A_229 : memref<24x64xf32, #tpu.memory_space<vmem>>) target(%dma_start3A_226 : memref<24x64xf32, #tpu.memory_space<vmem_shared>>) target_semaphore(%run_scoped3A_219 : memref<!tpu.dma_semaphore, #tpu.memory_space<semaphore_mem>>)
      %dma_wait3A_230 = arith.constant 0 : i32
      %dma_wait3A_231 = arith.constant 0 : i32
      %dma_wait3A_232 = tpu.memref_slice %arg11[%dma_wait3A_230, %dma_wait3A_231] : memref<32x64xf32, #tpu.memory_space<vmem>> -> memref<24x64xf32, #tpu.memory_space<vmem>>
      %dma_wait3A_233 = arith.constant 0 : i32
      %dma_wait3A_234 = tpu.memref_slice %arg5[%add3A_54, %dma_wait3A_233] : memref<10112x64xf32, #tpu.memory_space<vmem_shared>> -> memref<24x64xf32, #tpu.memory_space<vmem_shared>>
      %dma_wait3A_235 = arith.constant 0 : i32
      %dma_wait3A_236 = tpu.memref_slice %arg5[%add3A_54, %dma_wait3A_235] : memref<10112x64xf32, #tpu.memory_space<vmem_shared>> -> memref<24x64xf32, #tpu.memory_space<vmem_shared>>
      %dma_wait3A_237 = arith.constant 0 : i32
      %dma_wait3A_238 = arith.constant 0 : i32
      %dma_wait3A_239 = tpu.memref_slice %arg11[%dma_wait3A_237, %dma_wait3A_238] : memref<32x64xf32, #tpu.memory_space<vmem>> -> memref<24x64xf32, #tpu.memory_space<vmem>>
      tpu.wait_dma2 semaphore(%run_scoped3A_219 : memref<!tpu.dma_semaphore, #tpu.memory_space<semaphore_mem>>) src(%dma_wait3A_239 : memref<24x64xf32, #tpu.memory_space<vmem>>) dst(%dma_wait3A_236 : memref<24x64xf32, #tpu.memory_space<vmem_shared>>)
      tpu.yield
    }) : () -> ()
    %barrier3A = arith.constant 0 : index
    tpu.barrier barrier_id(%barrier3A)
    %broadcast_in_dim3A_55 = arith.constant 1.000000e+00 : f32
    %broadcast_in_dim3A_56 = vector.broadcast %broadcast_in_dim3A_55 : f32 to vector<16xf32>
    %mul3A_57 = arith.constant 160 : i32
    %mul3A_58 = arith.muli %arg1, %mul3A_57 : i32
    %add3A_59 = arith.constant 0 : i32
    %add3A_60 = arith.addi %mul3A_58, %add3A_59 : i32
    %run_scoped3A = arith.constant 0 : i32
    "tpu.region"() ({
      %run_scoped3A_219 = tpu.sem_alloc : memref<!tpu.dma_semaphore, #tpu.memory_space<semaphore_mem>>
      %dma_start3A_220 = arith.constant 0 : i32
      %dma_start3A_221 = tpu.memref_slice %arg3[%run_scoped3A, %add3A_60, %dma_start3A_220] : memref<2x2560x128xi32, #tpu.memory_space<hbm>> -> memref<1x40x128xi32, #tpu.memory_space<hbm>>
      %dma_start3A_222 = tpu.memref_squeeze %dma_start3A_221 : memref<1x40x128xi32, #tpu.memory_space<hbm>> -> memref<40x128xi32, #tpu.memory_space<hbm>>
      %dma_start3A_223 = arith.constant 0 : i32
      %dma_start3A_224 = tpu.memref_slice %arg3[%run_scoped3A, %add3A_60, %dma_start3A_223] : memref<2x2560x128xi32, #tpu.memory_space<hbm>> -> memref<1x40x128xi32, #tpu.memory_space<hbm>>
      %dma_start3A_225 = tpu.memref_squeeze %dma_start3A_224 : memref<1x40x128xi32, #tpu.memory_space<hbm>> -> memref<40x128xi32, #tpu.memory_space<hbm>>
      tpu.enqueue_dma source(%dma_start3A_225 : memref<40x128xi32, #tpu.memory_space<hbm>>) target(%arg7 : memref<40x128xi32, #tpu.memory_space<vmem>>) target_semaphore(%run_scoped3A_219 : memref<!tpu.dma_semaphore, #tpu.memory_space<semaphore_mem>>)
      %dma_wait3A_226 = arith.constant 0 : i32
      %dma_wait3A_227 = tpu.memref_slice %arg3[%run_scoped3A, %add3A_60, %dma_wait3A_226] : memref<2x2560x128xi32, #tpu.memory_space<hbm>> -> memref<1x40x128xi32, #tpu.memory_space<hbm>>
      %dma_wait3A_228 = tpu.memref_squeeze %dma_wait3A_227 : memref<1x40x128xi32, #tpu.memory_space<hbm>> -> memref<40x128xi32, #tpu.memory_space<hbm>>
      %dma_wait3A_229 = arith.constant 0 : i32
      %dma_wait3A_230 = tpu.memref_slice %arg3[%run_scoped3A, %add3A_60, %dma_wait3A_229] : memref<2x2560x128xi32, #tpu.memory_space<hbm>> -> memref<1x40x128xi32, #tpu.memory_space<hbm>>
      %dma_wait3A_231 = tpu.memref_squeeze %dma_wait3A_230 : memref<1x40x128xi32, #tpu.memory_space<hbm>> -> memref<40x128xi32, #tpu.memory_space<hbm>>
      tpu.wait_dma2 semaphore(%run_scoped3A_219 : memref<!tpu.dma_semaphore, #tpu.memory_space<semaphore_mem>>) src(%dma_wait3A_231 : memref<40x128xi32, #tpu.memory_space<hbm>>) dst(%arg7 : memref<40x128xi32, #tpu.memory_space<vmem>>)
      tpu.yield
    }) : () -> ()
    %run_scoped3A_61 = arith.constant 1 : i32
    "tpu.region"() ({
      %run_scoped3A_219 = tpu.sem_alloc : memref<!tpu.dma_semaphore, #tpu.memory_space<semaphore_mem>>
      %dma_start3A_220 = arith.constant 0 : i32
      %dma_start3A_221 = tpu.memref_slice %arg3[%run_scoped3A_61, %add3A_60, %dma_start3A_220] : memref<2x2560x128xi32, #tpu.memory_space<hbm>> -> memref<1x40x128xi32, #tpu.memory_space<hbm>>
      %dma_start3A_222 = tpu.memref_squeeze %dma_start3A_221 : memref<1x40x128xi32, #tpu.memory_space<hbm>> -> memref<40x128xi32, #tpu.memory_space<hbm>>
      %dma_start3A_223 = arith.constant 0 : i32
      %dma_start3A_224 = tpu.memref_slice %arg3[%run_scoped3A_61, %add3A_60, %dma_start3A_223] : memref<2x2560x128xi32, #tpu.memory_space<hbm>> -> memref<1x40x128xi32, #tpu.memory_space<hbm>>
      %dma_start3A_225 = tpu.memref_squeeze %dma_start3A_224 : memref<1x40x128xi32, #tpu.memory_space<hbm>> -> memref<40x128xi32, #tpu.memory_space<hbm>>
      tpu.enqueue_dma source(%dma_start3A_225 : memref<40x128xi32, #tpu.memory_space<hbm>>) target(%arg8 : memref<40x128xi32, #tpu.memory_space<vmem>>) target_semaphore(%run_scoped3A_219 : memref<!tpu.dma_semaphore, #tpu.memory_space<semaphore_mem>>)
      %dma_wait3A_226 = arith.constant 0 : i32
      %dma_wait3A_227 = tpu.memref_slice %arg3[%run_scoped3A_61, %add3A_60, %dma_wait3A_226] : memref<2x2560x128xi32, #tpu.memory_space<hbm>> -> memref<1x40x128xi32, #tpu.memory_space<hbm>>
      %dma_wait3A_228 = tpu.memref_squeeze %dma_wait3A_227 : memref<1x40x128xi32, #tpu.memory_space<hbm>> -> memref<40x128xi32, #tpu.memory_space<hbm>>
      %dma_wait3A_229 = arith.constant 0 : i32
      %dma_wait3A_230 = tpu.memref_slice %arg3[%run_scoped3A_61, %add3A_60, %dma_wait3A_229] : memref<2x2560x128xi32, #tpu.memory_space<hbm>> -> memref<1x40x128xi32, #tpu.memory_space<hbm>>
      %dma_wait3A_231 = tpu.memref_squeeze %dma_wait3A_230 : memref<1x40x128xi32, #tpu.memory_space<hbm>> -> memref<40x128xi32, #tpu.memory_space<hbm>>
      tpu.wait_dma2 semaphore(%run_scoped3A_219 : memref<!tpu.dma_semaphore, #tpu.memory_space<semaphore_mem>>) src(%dma_wait3A_231 : memref<40x128xi32, #tpu.memory_space<hbm>>) dst(%arg8 : memref<40x128xi32, #tpu.memory_space<vmem>>)
      tpu.yield
    }) : () -> ()
    %dma_start3A = arith.constant 0 : i32
    %dma_start3A_62 = arith.constant 0 : i32
    %dma_start3A_63 = tpu.memref_slice %arg7[%dma_start3A, %dma_start3A_62] : memref<40x128xi32, #tpu.memory_space<vmem>> -> memref<1x128xi32, #tpu.memory_space<vmem>>
    %dma_start3A_64 = tpu.memref_squeeze %dma_start3A_63 : memref<1x128xi32, #tpu.memory_space<vmem>> -> memref<128xi32, #tpu.memory_space<vmem>>
    %dma_start3A_65 = arith.constant 0 : i32
    %dma_start3A_66 = arith.constant 0 : i32
    %dma_start3A_67 = tpu.memref_slice %arg6[%dma_start3A_65, %dma_start3A_66] : memref<10112x64xf32, #tpu.memory_space<vmem_shared>> -> memref<10112x64xf32, #tpu.memory_space<vmem_shared>>
    tpu.enqueue_indirect_dma source(%dma_start3A_67 : memref<10112x64xf32, #tpu.memory_space<vmem_shared>>) target(%arg9 : memref<128x64xf32, #tpu.memory_space<vmem>>) offsets(%dma_start3A_64 : memref<128xi32, #tpu.memory_space<vmem>>) semaphore(%arg12 : memref<!tpu.dma_semaphore, #tpu.memory_space<semaphore_mem>>)
    %dma_start3A_68 = arith.constant 1 : i32
    %dma_start3A_69 = arith.constant 0 : i32
    %dma_start3A_70 = tpu.memref_slice %arg7[%dma_start3A_68, %dma_start3A_69] : memref<40x128xi32, #tpu.memory_space<vmem>> -> memref<1x128xi32, #tpu.memory_space<vmem>>
    %dma_start3A_71 = tpu.memref_squeeze %dma_start3A_70 : memref<1x128xi32, #tpu.memory_space<vmem>> -> memref<128xi32, #tpu.memory_space<vmem>>
    %dma_start3A_72 = arith.constant 0 : i32
    %dma_start3A_73 = arith.constant 0 : i32
    %dma_start3A_74 = tpu.memref_slice %arg6[%dma_start3A_72, %dma_start3A_73] : memref<10112x64xf32, #tpu.memory_space<vmem_shared>> -> memref<10112x64xf32, #tpu.memory_space<vmem_shared>>
    tpu.enqueue_indirect_dma source(%dma_start3A_74 : memref<10112x64xf32, #tpu.memory_space<vmem_shared>>) target(%arg10 : memref<128x64xf32, #tpu.memory_space<vmem>>) offsets(%dma_start3A_71 : memref<128xi32, #tpu.memory_space<vmem>>) semaphore(%arg13 : memref<!tpu.dma_semaphore, #tpu.memory_space<semaphore_mem>>)
    %scan3A_75 = arith.constant 0 : i32
    %scan3A_76 = arith.constant 0 : i32
    %scan3A_77 = arith.constant 20 : i32
    %scan3A_78 = arith.addi %scan3A_76, %scan3A_77 : i32
    %scan3A_79 = arith.constant 1 : i32
    %scan3A_80 = scf.for %scan3A_219 = %scan3A_76 to %scan3A_78 step %scan3A_79 iter_args(%scan3A_220 = %scan3A_75) -> (i32)  : i32 {
      %mul3A_221 = arith.constant 2 : i32
      %mul3A_222 = arith.muli %mul3A_221, %scan3A_219 : i32
      %add3A_223 = arith.constant 0 : i32
      %add3A_224 = arith.addi %mul3A_222, %add3A_223 : i32
      %dma_wait3A_225 = arith.constant 0 : i32
      %dma_wait3A_226 = tpu.memref_slice %arg7[%add3A_224, %dma_wait3A_225] : memref<40x128xi32, #tpu.memory_space<vmem>> -> memref<1x128xi32, #tpu.memory_space<vmem>>
      %dma_wait3A_227 = tpu.memref_squeeze %dma_wait3A_226 : memref<1x128xi32, #tpu.memory_space<vmem>> -> memref<128xi32, #tpu.memory_space<vmem>>
      %dma_wait3A_228 = arith.constant 0 : i32
      %dma_wait3A_229 = arith.constant 0 : i32
      %dma_wait3A_230 = tpu.memref_slice %arg6[%dma_wait3A_228, %dma_wait3A_229] : memref<10112x64xf32, #tpu.memory_space<vmem_shared>> -> memref<10112x64xf32, #tpu.memory_space<vmem_shared>>
      tpu.wait_indirect_dma semaphore(%arg12 : memref<!tpu.dma_semaphore, #tpu.memory_space<semaphore_mem>>) src(%dma_wait3A_230 : memref<10112x64xf32, #tpu.memory_space<vmem_shared>>) dst(%arg9 : memref<128x64xf32, #tpu.memory_space<vmem>>)
      %add3A_231 = arith.constant 0 : i32
      %add3A_232 = arith.addi %mul3A_222, %add3A_231 : i32
      %dma_start3A_233 = arith.constant 0 : i32
      %dma_start3A_234 = tpu.memref_slice %arg8[%add3A_232, %dma_start3A_233] : memref<40x128xi32, #tpu.memory_space<vmem>> -> memref<1x128xi32, #tpu.memory_space<vmem>>
      %dma_start3A_235 = tpu.memref_squeeze %dma_start3A_234 : memref<1x128xi32, #tpu.memory_space<vmem>> -> memref<128xi32, #tpu.memory_space<vmem>>
      %dma_start3A_236 = arith.constant 0 : i32
      %dma_start3A_237 = arith.constant 0 : i32
      %dma_start3A_238 = tpu.memref_slice %arg5[%dma_start3A_236, %dma_start3A_237] : memref<10112x64xf32, #tpu.memory_space<vmem_shared>> -> memref<10112x64xf32, #tpu.memory_space<vmem_shared>>
      tpu.enqueue_indirect_dma source(%arg9 : memref<128x64xf32, #tpu.memory_space<vmem>>) target(%dma_start3A_238 : memref<10112x64xf32, #tpu.memory_space<vmem_shared>>) offsets(%dma_start3A_235 : memref<128xi32, #tpu.memory_space<vmem>>) semaphore(%arg14 : memref<!tpu.dma_semaphore, #tpu.memory_space<semaphore_mem>>) {add = true}
      %add3A_239 = arith.constant 1 : i32
      %add3A_240 = arith.addi %mul3A_222, %add3A_239 : i32
      %dma_wait3A_241 = arith.constant 0 : i32
      %dma_wait3A_242 = tpu.memref_slice %arg7[%add3A_240, %dma_wait3A_241] : memref<40x128xi32, #tpu.memory_space<vmem>> -> memref<1x128xi32, #tpu.memory_space<vmem>>
      %dma_wait3A_243 = tpu.memref_squeeze %dma_wait3A_242 : memref<1x128xi32, #tpu.memory_space<vmem>> -> memref<128xi32, #tpu.memory_space<vmem>>
      %dma_wait3A_244 = arith.constant 0 : i32
      %dma_wait3A_245 = arith.constant 0 : i32
      %dma_wait3A_246 = tpu.memref_slice %arg6[%dma_wait3A_244, %dma_wait3A_245] : memref<10112x64xf32, #tpu.memory_space<vmem_shared>> -> memref<10112x64xf32, #tpu.memory_space<vmem_shared>>
      tpu.wait_indirect_dma semaphore(%arg13 : memref<!tpu.dma_semaphore, #tpu.memory_space<semaphore_mem>>) src(%dma_wait3A_246 : memref<10112x64xf32, #tpu.memory_space<vmem_shared>>) dst(%arg10 : memref<128x64xf32, #tpu.memory_space<vmem>>)
      %add3A_247 = arith.constant 1 : i32
      %add3A_248 = arith.addi %mul3A_222, %add3A_247 : i32
      %dma_start3A_249 = arith.constant 0 : i32
      %dma_start3A_250 = tpu.memref_slice %arg8[%add3A_248, %dma_start3A_249] : memref<40x128xi32, #tpu.memory_space<vmem>> -> memref<1x128xi32, #tpu.memory_space<vmem>>
      %dma_start3A_251 = tpu.memref_squeeze %dma_start3A_250 : memref<1x128xi32, #tpu.memory_space<vmem>> -> memref<128xi32, #tpu.memory_space<vmem>>
      %dma_start3A_252 = arith.constant 0 : i32
      %dma_start3A_253 = arith.constant 0 : i32
      %dma_start3A_254 = tpu.memref_slice %arg5[%dma_start3A_252, %dma_start3A_253] : memref<10112x64xf32, #tpu.memory_space<vmem_shared>> -> memref<10112x64xf32, #tpu.memory_space<vmem_shared>>
      tpu.enqueue_indirect_dma source(%arg10 : memref<128x64xf32, #tpu.memory_space<vmem>>) target(%dma_start3A_254 : memref<10112x64xf32, #tpu.memory_space<vmem_shared>>) offsets(%dma_start3A_251 : memref<128xi32, #tpu.memory_space<vmem>>) semaphore(%arg15 : memref<!tpu.dma_semaphore, #tpu.memory_space<semaphore_mem>>) {add = true}
      %add3A_255 = arith.constant 0 : i32
      %add3A_256 = arith.addi %mul3A_222, %add3A_255 : i32
      %dma_wait3A_257 = arith.constant 0 : i32
      %dma_wait3A_258 = tpu.memref_slice %arg8[%add3A_256, %dma_wait3A_257] : memref<40x128xi32, #tpu.memory_space<vmem>> -> memref<1x128xi32, #tpu.memory_space<vmem>>
      %dma_wait3A_259 = tpu.memref_squeeze %dma_wait3A_258 : memref<1x128xi32, #tpu.memory_space<vmem>> -> memref<128xi32, #tpu.memory_space<vmem>>
      %dma_wait3A_260 = arith.constant 0 : i32
      %dma_wait3A_261 = arith.constant 0 : i32
      %dma_wait3A_262 = tpu.memref_slice %arg5[%dma_wait3A_260, %dma_wait3A_261] : memref<10112x64xf32, #tpu.memory_space<vmem_shared>> -> memref<10112x64xf32, #tpu.memory_space<vmem_shared>>
      tpu.wait_indirect_dma semaphore(%arg14 : memref<!tpu.dma_semaphore, #tpu.memory_space<semaphore_mem>>) src(%arg9 : memref<128x64xf32, #tpu.memory_space<vmem>>) dst(%dma_wait3A_262 : memref<10112x64xf32, #tpu.memory_space<vmem_shared>>)
      %add3A_263 = arith.constant 0 : i32
      %add3A_264 = arith.addi %mul3A_222, %add3A_263 : i32
      %add3A_265 = arith.constant 2 : i32
      %add3A_266 = arith.addi %add3A_264, %add3A_265 : i32
      %rem3A = arith.constant 40 : i32
      %rem3A_267 = arith.remsi %add3A_266, %rem3A : i32
      %dma_start3A_268 = arith.constant 0 : i32
      %dma_start3A_269 = tpu.memref_slice %arg7[%rem3A_267, %dma_start3A_268] : memref<40x128xi32, #tpu.memory_space<vmem>> -> memref<1x128xi32, #tpu.memory_space<vmem>>
      %dma_start3A_270 = tpu.memref_squeeze %dma_start3A_269 : memref<1x128xi32, #tpu.memory_space<vmem>> -> memref<128xi32, #tpu.memory_space<vmem>>
      %dma_start3A_271 = arith.constant 0 : i32
      %dma_start3A_272 = arith.constant 0 : i32
      %dma_start3A_273 = tpu.memref_slice %arg6[%dma_start3A_271, %dma_start3A_272] : memref<10112x64xf32, #tpu.memory_space<vmem_shared>> -> memref<10112x64xf32, #tpu.memory_space<vmem_shared>>
      tpu.enqueue_indirect_dma source(%dma_start3A_273 : memref<10112x64xf32, #tpu.memory_space<vmem_shared>>) target(%arg9 : memref<128x64xf32, #tpu.memory_space<vmem>>) offsets(%dma_start3A_270 : memref<128xi32, #tpu.memory_space<vmem>>) semaphore(%arg12 : memref<!tpu.dma_semaphore, #tpu.memory_space<semaphore_mem>>)
      %add3A_274 = arith.constant 1 : i32
      %add3A_275 = arith.addi %mul3A_222, %add3A_274 : i32
      %dma_wait3A_276 = arith.constant 0 : i32
      %dma_wait3A_277 = tpu.memref_slice %arg8[%add3A_275, %dma_wait3A_276] : memref<40x128xi32, #tpu.memory_space<vmem>> -> memref<1x128xi32, #tpu.memory_space<vmem>>
      %dma_wait3A_278 = tpu.memref_squeeze %dma_wait3A_277 : memref<1x128xi32, #tpu.memory_space<vmem>> -> memref<128xi32, #tpu.memory_space<vmem>>
      %dma_wait3A_279 = arith.constant 0 : i32
      %dma_wait3A_280 = arith.constant 0 : i32
      %dma_wait3A_281 = tpu.memref_slice %arg5[%dma_wait3A_279, %dma_wait3A_280] : memref<10112x64xf32, #tpu.memory_space<vmem_shared>> -> memref<10112x64xf32, #tpu.memory_space<vmem_shared>>
      tpu.wait_indirect_dma semaphore(%arg15 : memref<!tpu.dma_semaphore, #tpu.memory_space<semaphore_mem>>) src(%arg10 : memref<128x64xf32, #tpu.memory_space<vmem>>) dst(%dma_wait3A_281 : memref<10112x64xf32, #tpu.memory_space<vmem_shared>>)
      %add3A_282 = arith.constant 1 : i32
      %add3A_283 = arith.addi %mul3A_222, %add3A_282 : i32
      %add3A_284 = arith.constant 2 : i32
      %add3A_285 = arith.addi %add3A_283, %add3A_284 : i32
      %rem3A_286 = arith.constant 40 : i32
      %rem3A_287 = arith.remsi %add3A_285, %rem3A_286 : i32
      %dma_start3A_288 = arith.constant 0 : i32
      %dma_start3A_289 = tpu.memref_slice %arg7[%rem3A_287, %dma_start3A_288] : memref<40x128xi32, #tpu.memory_space<vmem>> -> memref<1x128xi32, #tpu.memory_space<vmem>>
      %dma_start3A_290 = tpu.memref_squeeze %dma_start3A_289 : memref<1x128xi32, #tpu.memory_space<vmem>> -> memref<128xi32, #tpu.memory_space<vmem>>
      %dma_start3A_291 = arith.constant 0 : i32
      %dma_start3A_292 = arith.constant 0 : i32
      %dma_start3A_293 = tpu.memref_slice %arg6[%dma_start3A_291, %dma_start3A_292] : memref<10112x64xf32, #tpu.memory_space<vmem_shared>> -> memref<10112x64xf32, #tpu.memory_space<vmem_shared>>
      tpu.enqueue_indirect_dma source(%dma_start3A_293 : memref<10112x64xf32, #tpu.memory_space<vmem_shared>>) target(%arg10 : memref<128x64xf32, #tpu.memory_space<vmem>>) offsets(%dma_start3A_290 : memref<128xi32, #tpu.memory_space<vmem>>) semaphore(%arg13 : memref<!tpu.dma_semaphore, #tpu.memory_space<semaphore_mem>>)
      %scan3A_294 = arith.constant 0 : i32
      scf.yield %scan3A_294 : i32
    }
    %scan3A_81 = arith.constant 20 : i32
    %dma_wait3A = arith.constant 0 : i32
    %dma_wait3A_82 = arith.constant 0 : i32
    %dma_wait3A_83 = tpu.memref_slice %arg7[%dma_wait3A, %dma_wait3A_82] : memref<40x128xi32, #tpu.memory_space<vmem>> -> memref<1x128xi32, #tpu.memory_space<vmem>>
    %dma_wait3A_84 = tpu.memref_squeeze %dma_wait3A_83 : memref<1x128xi32, #tpu.memory_space<vmem>> -> memref<128xi32, #tpu.memory_space<vmem>>
    %dma_wait3A_85 = arith.constant 0 : i32
    %dma_wait3A_86 = arith.constant 0 : i32
    %dma_wait3A_87 = tpu.memref_slice %arg6[%dma_wait3A_85, %dma_wait3A_86] : memref<10112x64xf32, #tpu.memory_space<vmem_shared>> -> memref<10112x64xf32, #tpu.memory_space<vmem_shared>>
    tpu.wait_indirect_dma semaphore(%arg12 : memref<!tpu.dma_semaphore, #tpu.memory_space<semaphore_mem>>) src(%dma_wait3A_87 : memref<10112x64xf32, #tpu.memory_space<vmem_shared>>) dst(%arg9 : memref<128x64xf32, #tpu.memory_space<vmem>>)
    %dma_wait3A_88 = arith.constant 1 : i32
    %dma_wait3A_89 = arith.constant 0 : i32
    %dma_wait3A_90 = tpu.memref_slice %arg7[%dma_wait3A_88, %dma_wait3A_89] : memref<40x128xi32, #tpu.memory_space<vmem>> -> memref<1x128xi32, #tpu.memory_space<vmem>>
    %dma_wait3A_91 = tpu.memref_squeeze %dma_wait3A_90 : memref<1x128xi32, #tpu.memory_space<vmem>> -> memref<128xi32, #tpu.memory_space<vmem>>
    %dma_wait3A_92 = arith.constant 0 : i32
    %dma_wait3A_93 = arith.constant 0 : i32
    %dma_wait3A_94 = tpu.memref_slice %arg6[%dma_wait3A_92, %dma_wait3A_93] : memref<10112x64xf32, #tpu.memory_space<vmem_shared>> -> memref<10112x64xf32, #tpu.memory_space<vmem_shared>>
    tpu.wait_indirect_dma semaphore(%arg13 : memref<!tpu.dma_semaphore, #tpu.memory_space<semaphore_mem>>) src(%dma_wait3A_94 : memref<10112x64xf32, #tpu.memory_space<vmem_shared>>) dst(%arg10 : memref<128x64xf32, #tpu.memory_space<vmem>>)
    %mul3A_95 = arith.constant 160 : i32
    %mul3A_96 = arith.muli %arg1, %mul3A_95 : i32
    %add3A_97 = arith.constant 40 : i32
    %add3A_98 = arith.addi %mul3A_96, %add3A_97 : i32
    %run_scoped3A_99 = arith.constant 0 : i32
    "tpu.region"() ({
      %run_scoped3A_219 = tpu.sem_alloc : memref<!tpu.dma_semaphore, #tpu.memory_space<semaphore_mem>>
      %dma_start3A_220 = arith.constant 0 : i32
      %dma_start3A_221 = tpu.memref_slice %arg3[%run_scoped3A_99, %add3A_98, %dma_start3A_220] : memref<2x2560x128xi32, #tpu.memory_space<hbm>> -> memref<1x40x128xi32, #tpu.memory_space<hbm>>
      %dma_start3A_222 = tpu.memref_squeeze %dma_start3A_221 : memref<1x40x128xi32, #tpu.memory_space<hbm>> -> memref<40x128xi32, #tpu.memory_space<hbm>>
      %dma_start3A_223 = arith.constant 0 : i32
      %dma_start3A_224 = tpu.memref_slice %arg3[%run_scoped3A_99, %add3A_98, %dma_start3A_223] : memref<2x2560x128xi32, #tpu.memory_space<hbm>> -> memref<1x40x128xi32, #tpu.memory_space<hbm>>
      %dma_start3A_225 = tpu.memref_squeeze %dma_start3A_224 : memref<1x40x128xi32, #tpu.memory_space<hbm>> -> memref<40x128xi32, #tpu.memory_space<hbm>>
      tpu.enqueue_dma source(%dma_start3A_225 : memref<40x128xi32, #tpu.memory_space<hbm>>) target(%arg7 : memref<40x128xi32, #tpu.memory_space<vmem>>) target_semaphore(%run_scoped3A_219 : memref<!tpu.dma_semaphore, #tpu.memory_space<semaphore_mem>>)
      %dma_wait3A_226 = arith.constant 0 : i32
      %dma_wait3A_227 = tpu.memref_slice %arg3[%run_scoped3A_99, %add3A_98, %dma_wait3A_226] : memref<2x2560x128xi32, #tpu.memory_space<hbm>> -> memref<1x40x128xi32, #tpu.memory_space<hbm>>
      %dma_wait3A_228 = tpu.memref_squeeze %dma_wait3A_227 : memref<1x40x128xi32, #tpu.memory_space<hbm>> -> memref<40x128xi32, #tpu.memory_space<hbm>>
      %dma_wait3A_229 = arith.constant 0 : i32
      %dma_wait3A_230 = tpu.memref_slice %arg3[%run_scoped3A_99, %add3A_98, %dma_wait3A_229] : memref<2x2560x128xi32, #tpu.memory_space<hbm>> -> memref<1x40x128xi32, #tpu.memory_space<hbm>>
      %dma_wait3A_231 = tpu.memref_squeeze %dma_wait3A_230 : memref<1x40x128xi32, #tpu.memory_space<hbm>> -> memref<40x128xi32, #tpu.memory_space<hbm>>
      tpu.wait_dma2 semaphore(%run_scoped3A_219 : memref<!tpu.dma_semaphore, #tpu.memory_space<semaphore_mem>>) src(%dma_wait3A_231 : memref<40x128xi32, #tpu.memory_space<hbm>>) dst(%arg7 : memref<40x128xi32, #tpu.memory_space<vmem>>)
      tpu.yield
    }) : () -> ()
    %run_scoped3A_100 = arith.constant 1 : i32
    "tpu.region"() ({
      %run_scoped3A_219 = tpu.sem_alloc : memref<!tpu.dma_semaphore, #tpu.memory_space<semaphore_mem>>
      %dma_start3A_220 = arith.constant 0 : i32
      %dma_start3A_221 = tpu.memref_slice %arg3[%run_scoped3A_100, %add3A_98, %dma_start3A_220] : memref<2x2560x128xi32, #tpu.memory_space<hbm>> -> memref<1x40x128xi32, #tpu.memory_space<hbm>>
      %dma_start3A_222 = tpu.memref_squeeze %dma_start3A_221 : memref<1x40x128xi32, #tpu.memory_space<hbm>> -> memref<40x128xi32, #tpu.memory_space<hbm>>
      %dma_start3A_223 = arith.constant 0 : i32
      %dma_start3A_224 = tpu.memref_slice %arg3[%run_scoped3A_100, %add3A_98, %dma_start3A_223] : memref<2x2560x128xi32, #tpu.memory_space<hbm>> -> memref<1x40x128xi32, #tpu.memory_space<hbm>>
      %dma_start3A_225 = tpu.memref_squeeze %dma_start3A_224 : memref<1x40x128xi32, #tpu.memory_space<hbm>> -> memref<40x128xi32, #tpu.memory_space<hbm>>
      tpu.enqueue_dma source(%dma_start3A_225 : memref<40x128xi32, #tpu.memory_space<hbm>>) target(%arg8 : memref<40x128xi32, #tpu.memory_space<vmem>>) target_semaphore(%run_scoped3A_219 : memref<!tpu.dma_semaphore, #tpu.memory_space<semaphore_mem>>)
      %dma_wait3A_226 = arith.constant 0 : i32
      %dma_wait3A_227 = tpu.memref_slice %arg3[%run_scoped3A_100, %add3A_98, %dma_wait3A_226] : memref<2x2560x128xi32, #tpu.memory_space<hbm>> -> memref<1x40x128xi32, #tpu.memory_space<hbm>>
      %dma_wait3A_228 = tpu.memref_squeeze %dma_wait3A_227 : memref<1x40x128xi32, #tpu.memory_space<hbm>> -> memref<40x128xi32, #tpu.memory_space<hbm>>
      %dma_wait3A_229 = arith.constant 0 : i32
      %dma_wait3A_230 = tpu.memref_slice %arg3[%run_scoped3A_100, %add3A_98, %dma_wait3A_229] : memref<2x2560x128xi32, #tpu.memory_space<hbm>> -> memref<1x40x128xi32, #tpu.memory_space<hbm>>
      %dma_wait3A_231 = tpu.memref_squeeze %dma_wait3A_230 : memref<1x40x128xi32, #tpu.memory_space<hbm>> -> memref<40x128xi32, #tpu.memory_space<hbm>>
      tpu.wait_dma2 semaphore(%run_scoped3A_219 : memref<!tpu.dma_semaphore, #tpu.memory_space<semaphore_mem>>) src(%dma_wait3A_231 : memref<40x128xi32, #tpu.memory_space<hbm>>) dst(%arg8 : memref<40x128xi32, #tpu.memory_space<vmem>>)
      tpu.yield
    }) : () -> ()
    %dma_start3A_101 = arith.constant 0 : i32
    %dma_start3A_102 = arith.constant 0 : i32
    %dma_start3A_103 = tpu.memref_slice %arg7[%dma_start3A_101, %dma_start3A_102] : memref<40x128xi32, #tpu.memory_space<vmem>> -> memref<1x128xi32, #tpu.memory_space<vmem>>
    %dma_start3A_104 = tpu.memref_squeeze %dma_start3A_103 : memref<1x128xi32, #tpu.memory_space<vmem>> -> memref<128xi32, #tpu.memory_space<vmem>>
    %dma_start3A_105 = arith.constant 0 : i32
    %dma_start3A_106 = arith.constant 0 : i32
    %dma_start3A_107 = tpu.memref_slice %arg6[%dma_start3A_105, %dma_start3A_106] : memref<10112x64xf32, #tpu.memory_space<vmem_shared>> -> memref<10112x64xf32, #tpu.memory_space<vmem_shared>>
    tpu.enqueue_indirect_dma source(%dma_start3A_107 : memref<10112x64xf32, #tpu.memory_space<vmem_shared>>) target(%arg9 : memref<128x64xf32, #tpu.memory_space<vmem>>) offsets(%dma_start3A_104 : memref<128xi32, #tpu.memory_space<vmem>>) semaphore(%arg12 : memref<!tpu.dma_semaphore, #tpu.memory_space<semaphore_mem>>)
    %dma_start3A_108 = arith.constant 1 : i32
    %dma_start3A_109 = arith.constant 0 : i32
    %dma_start3A_110 = tpu.memref_slice %arg7[%dma_start3A_108, %dma_start3A_109] : memref<40x128xi32, #tpu.memory_space<vmem>> -> memref<1x128xi32, #tpu.memory_space<vmem>>
    %dma_start3A_111 = tpu.memref_squeeze %dma_start3A_110 : memref<1x128xi32, #tpu.memory_space<vmem>> -> memref<128xi32, #tpu.memory_space<vmem>>
    %dma_start3A_112 = arith.constant 0 : i32
    %dma_start3A_113 = arith.constant 0 : i32
    %dma_start3A_114 = tpu.memref_slice %arg6[%dma_start3A_112, %dma_start3A_113] : memref<10112x64xf32, #tpu.memory_space<vmem_shared>> -> memref<10112x64xf32, #tpu.memory_space<vmem_shared>>
    tpu.enqueue_indirect_dma source(%dma_start3A_114 : memref<10112x64xf32, #tpu.memory_space<vmem_shared>>) target(%arg10 : memref<128x64xf32, #tpu.memory_space<vmem>>) offsets(%dma_start3A_111 : memref<128xi32, #tpu.memory_space<vmem>>) semaphore(%arg13 : memref<!tpu.dma_semaphore, #tpu.memory_space<semaphore_mem>>)
    %scan3A_115 = arith.constant 0 : i32
    %scan3A_116 = arith.constant 0 : i32
    %scan3A_117 = arith.constant 20 : i32
    %scan3A_118 = arith.addi %scan3A_116, %scan3A_117 : i32
    %scan3A_119 = arith.constant 1 : i32
    %scan3A_120 = scf.for %scan3A_219 = %scan3A_116 to %scan3A_118 step %scan3A_119 iter_args(%scan3A_220 = %scan3A_115) -> (i32)  : i32 {
      %mul3A_221 = arith.constant 2 : i32
      %mul3A_222 = arith.muli %mul3A_221, %scan3A_219 : i32
      %add3A_223 = arith.constant 0 : i32
      %add3A_224 = arith.addi %mul3A_222, %add3A_223 : i32
      %dma_wait3A_225 = arith.constant 0 : i32
      %dma_wait3A_226 = tpu.memref_slice %arg7[%add3A_224, %dma_wait3A_225] : memref<40x128xi32, #tpu.memory_space<vmem>> -> memref<1x128xi32, #tpu.memory_space<vmem>>
      %dma_wait3A_227 = tpu.memref_squeeze %dma_wait3A_226 : memref<1x128xi32, #tpu.memory_space<vmem>> -> memref<128xi32, #tpu.memory_space<vmem>>
      %dma_wait3A_228 = arith.constant 0 : i32
      %dma_wait3A_229 = arith.constant 0 : i32
      %dma_wait3A_230 = tpu.memref_slice %arg6[%dma_wait3A_228, %dma_wait3A_229] : memref<10112x64xf32, #tpu.memory_space<vmem_shared>> -> memref<10112x64xf32, #tpu.memory_space<vmem_shared>>
      tpu.wait_indirect_dma semaphore(%arg12 : memref<!tpu.dma_semaphore, #tpu.memory_space<semaphore_mem>>) src(%dma_wait3A_230 : memref<10112x64xf32, #tpu.memory_space<vmem_shared>>) dst(%arg9 : memref<128x64xf32, #tpu.memory_space<vmem>>)
      %add3A_231 = arith.constant 0 : i32
      %add3A_232 = arith.addi %mul3A_222, %add3A_231 : i32
      %dma_start3A_233 = arith.constant 0 : i32
      %dma_start3A_234 = tpu.memref_slice %arg8[%add3A_232, %dma_start3A_233] : memref<40x128xi32, #tpu.memory_space<vmem>> -> memref<1x128xi32, #tpu.memory_space<vmem>>
      %dma_start3A_235 = tpu.memref_squeeze %dma_start3A_234 : memref<1x128xi32, #tpu.memory_space<vmem>> -> memref<128xi32, #tpu.memory_space<vmem>>
      %dma_start3A_236 = arith.constant 0 : i32
      %dma_start3A_237 = arith.constant 0 : i32
      %dma_start3A_238 = tpu.memref_slice %arg5[%dma_start3A_236, %dma_start3A_237] : memref<10112x64xf32, #tpu.memory_space<vmem_shared>> -> memref<10112x64xf32, #tpu.memory_space<vmem_shared>>
      tpu.enqueue_indirect_dma source(%arg9 : memref<128x64xf32, #tpu.memory_space<vmem>>) target(%dma_start3A_238 : memref<10112x64xf32, #tpu.memory_space<vmem_shared>>) offsets(%dma_start3A_235 : memref<128xi32, #tpu.memory_space<vmem>>) semaphore(%arg14 : memref<!tpu.dma_semaphore, #tpu.memory_space<semaphore_mem>>) {add = true}
      %add3A_239 = arith.constant 1 : i32
      %add3A_240 = arith.addi %mul3A_222, %add3A_239 : i32
      %dma_wait3A_241 = arith.constant 0 : i32
      %dma_wait3A_242 = tpu.memref_slice %arg7[%add3A_240, %dma_wait3A_241] : memref<40x128xi32, #tpu.memory_space<vmem>> -> memref<1x128xi32, #tpu.memory_space<vmem>>
      %dma_wait3A_243 = tpu.memref_squeeze %dma_wait3A_242 : memref<1x128xi32, #tpu.memory_space<vmem>> -> memref<128xi32, #tpu.memory_space<vmem>>
      %dma_wait3A_244 = arith.constant 0 : i32
      %dma_wait3A_245 = arith.constant 0 : i32
      %dma_wait3A_246 = tpu.memref_slice %arg6[%dma_wait3A_244, %dma_wait3A_245] : memref<10112x64xf32, #tpu.memory_space<vmem_shared>> -> memref<10112x64xf32, #tpu.memory_space<vmem_shared>>
      tpu.wait_indirect_dma semaphore(%arg13 : memref<!tpu.dma_semaphore, #tpu.memory_space<semaphore_mem>>) src(%dma_wait3A_246 : memref<10112x64xf32, #tpu.memory_space<vmem_shared>>) dst(%arg10 : memref<128x64xf32, #tpu.memory_space<vmem>>)
      %add3A_247 = arith.constant 1 : i32
      %add3A_248 = arith.addi %mul3A_222, %add3A_247 : i32
      %dma_start3A_249 = arith.constant 0 : i32
      %dma_start3A_250 = tpu.memref_slice %arg8[%add3A_248, %dma_start3A_249] : memref<40x128xi32, #tpu.memory_space<vmem>> -> memref<1x128xi32, #tpu.memory_space<vmem>>
      %dma_start3A_251 = tpu.memref_squeeze %dma_start3A_250 : memref<1x128xi32, #tpu.memory_space<vmem>> -> memref<128xi32, #tpu.memory_space<vmem>>
      %dma_start3A_252 = arith.constant 0 : i32
      %dma_start3A_253 = arith.constant 0 : i32
      %dma_start3A_254 = tpu.memref_slice %arg5[%dma_start3A_252, %dma_start3A_253] : memref<10112x64xf32, #tpu.memory_space<vmem_shared>> -> memref<10112x64xf32, #tpu.memory_space<vmem_shared>>
      tpu.enqueue_indirect_dma source(%arg10 : memref<128x64xf32, #tpu.memory_space<vmem>>) target(%dma_start3A_254 : memref<10112x64xf32, #tpu.memory_space<vmem_shared>>) offsets(%dma_start3A_251 : memref<128xi32, #tpu.memory_space<vmem>>) semaphore(%arg15 : memref<!tpu.dma_semaphore, #tpu.memory_space<semaphore_mem>>) {add = true}
      %add3A_255 = arith.constant 0 : i32
      %add3A_256 = arith.addi %mul3A_222, %add3A_255 : i32
      %dma_wait3A_257 = arith.constant 0 : i32
      %dma_wait3A_258 = tpu.memref_slice %arg8[%add3A_256, %dma_wait3A_257] : memref<40x128xi32, #tpu.memory_space<vmem>> -> memref<1x128xi32, #tpu.memory_space<vmem>>
      %dma_wait3A_259 = tpu.memref_squeeze %dma_wait3A_258 : memref<1x128xi32, #tpu.memory_space<vmem>> -> memref<128xi32, #tpu.memory_space<vmem>>
      %dma_wait3A_260 = arith.constant 0 : i32
      %dma_wait3A_261 = arith.constant 0 : i32
      %dma_wait3A_262 = tpu.memref_slice %arg5[%dma_wait3A_260, %dma_wait3A_261] : memref<10112x64xf32, #tpu.memory_space<vmem_shared>> -> memref<10112x64xf32, #tpu.memory_space<vmem_shared>>
      tpu.wait_indirect_dma semaphore(%arg14 : memref<!tpu.dma_semaphore, #tpu.memory_space<semaphore_mem>>) src(%arg9 : memref<128x64xf32, #tpu.memory_space<vmem>>) dst(%dma_wait3A_262 : memref<10112x64xf32, #tpu.memory_space<vmem_shared>>)
      %add3A_263 = arith.constant 0 : i32
      %add3A_264 = arith.addi %mul3A_222, %add3A_263 : i32
      %add3A_265 = arith.constant 2 : i32
      %add3A_266 = arith.addi %add3A_264, %add3A_265 : i32
      %rem3A = arith.constant 40 : i32
      %rem3A_267 = arith.remsi %add3A_266, %rem3A : i32
      %dma_start3A_268 = arith.constant 0 : i32
      %dma_start3A_269 = tpu.memref_slice %arg7[%rem3A_267, %dma_start3A_268] : memref<40x128xi32, #tpu.memory_space<vmem>> -> memref<1x128xi32, #tpu.memory_space<vmem>>
      %dma_start3A_270 = tpu.memref_squeeze %dma_start3A_269 : memref<1x128xi32, #tpu.memory_space<vmem>> -> memref<128xi32, #tpu.memory_space<vmem>>
      %dma_start3A_271 = arith.constant 0 : i32
      %dma_start3A_272 = arith.constant 0 : i32
      %dma_start3A_273 = tpu.memref_slice %arg6[%dma_start3A_271, %dma_start3A_272] : memref<10112x64xf32, #tpu.memory_space<vmem_shared>> -> memref<10112x64xf32, #tpu.memory_space<vmem_shared>>
      tpu.enqueue_indirect_dma source(%dma_start3A_273 : memref<10112x64xf32, #tpu.memory_space<vmem_shared>>) target(%arg9 : memref<128x64xf32, #tpu.memory_space<vmem>>) offsets(%dma_start3A_270 : memref<128xi32, #tpu.memory_space<vmem>>) semaphore(%arg12 : memref<!tpu.dma_semaphore, #tpu.memory_space<semaphore_mem>>)
      %add3A_274 = arith.constant 1 : i32
      %add3A_275 = arith.addi %mul3A_222, %add3A_274 : i32
      %dma_wait3A_276 = arith.constant 0 : i32
      %dma_wait3A_277 = tpu.memref_slice %arg8[%add3A_275, %dma_wait3A_276] : memref<40x128xi32, #tpu.memory_space<vmem>> -> memref<1x128xi32, #tpu.memory_space<vmem>>
      %dma_wait3A_278 = tpu.memref_squeeze %dma_wait3A_277 : memref<1x128xi32, #tpu.memory_space<vmem>> -> memref<128xi32, #tpu.memory_space<vmem>>
      %dma_wait3A_279 = arith.constant 0 : i32
      %dma_wait3A_280 = arith.constant 0 : i32
      %dma_wait3A_281 = tpu.memref_slice %arg5[%dma_wait3A_279, %dma_wait3A_280] : memref<10112x64xf32, #tpu.memory_space<vmem_shared>> -> memref<10112x64xf32, #tpu.memory_space<vmem_shared>>
      tpu.wait_indirect_dma semaphore(%arg15 : memref<!tpu.dma_semaphore, #tpu.memory_space<semaphore_mem>>) src(%arg10 : memref<128x64xf32, #tpu.memory_space<vmem>>) dst(%dma_wait3A_281 : memref<10112x64xf32, #tpu.memory_space<vmem_shared>>)
      %add3A_282 = arith.constant 1 : i32
      %add3A_283 = arith.addi %mul3A_222, %add3A_282 : i32
      %add3A_284 = arith.constant 2 : i32
      %add3A_285 = arith.addi %add3A_283, %add3A_284 : i32
      %rem3A_286 = arith.constant 40 : i32
      %rem3A_287 = arith.remsi %add3A_285, %rem3A_286 : i32
      %dma_start3A_288 = arith.constant 0 : i32
      %dma_start3A_289 = tpu.memref_slice %arg7[%rem3A_287, %dma_start3A_288] : memref<40x128xi32, #tpu.memory_space<vmem>> -> memref<1x128xi32, #tpu.memory_space<vmem>>
      %dma_start3A_290 = tpu.memref_squeeze %dma_start3A_289 : memref<1x128xi32, #tpu.memory_space<vmem>> -> memref<128xi32, #tpu.memory_space<vmem>>
      %dma_start3A_291 = arith.constant 0 : i32
      %dma_start3A_292 = arith.constant 0 : i32
      %dma_start3A_293 = tpu.memref_slice %arg6[%dma_start3A_291, %dma_start3A_292] : memref<10112x64xf32, #tpu.memory_space<vmem_shared>> -> memref<10112x64xf32, #tpu.memory_space<vmem_shared>>
      tpu.enqueue_indirect_dma source(%dma_start3A_293 : memref<10112x64xf32, #tpu.memory_space<vmem_shared>>) target(%arg10 : memref<128x64xf32, #tpu.memory_space<vmem>>) offsets(%dma_start3A_290 : memref<128xi32, #tpu.memory_space<vmem>>) semaphore(%arg13 : memref<!tpu.dma_semaphore, #tpu.memory_space<semaphore_mem>>)
      %scan3A_294 = arith.constant 0 : i32
      scf.yield %scan3A_294 : i32
    }
    %scan3A_121 = arith.constant 20 : i32
    %dma_wait3A_122 = arith.constant 0 : i32
    %dma_wait3A_123 = arith.constant 0 : i32
    %dma_wait3A_124 = tpu.memref_slice %arg7[%dma_wait3A_122, %dma_wait3A_123] : memref<40x128xi32, #tpu.memory_space<vmem>> -> memref<1x128xi32, #tpu.memory_space<vmem>>
    %dma_wait3A_125 = tpu.memref_squeeze %dma_wait3A_124 : memref<1x128xi32, #tpu.memory_space<vmem>> -> memref<128xi32, #tpu.memory_space<vmem>>
    %dma_wait3A_126 = arith.constant 0 : i32
    %dma_wait3A_127 = arith.constant 0 : i32
    %dma_wait3A_128 = tpu.memref_slice %arg6[%dma_wait3A_126, %dma_wait3A_127] : memref<10112x64xf32, #tpu.memory_space<vmem_shared>> -> memref<10112x64xf32, #tpu.memory_space<vmem_shared>>
    tpu.wait_indirect_dma semaphore(%arg12 : memref<!tpu.dma_semaphore, #tpu.memory_space<semaphore_mem>>) src(%dma_wait3A_128 : memref<10112x64xf32, #tpu.memory_space<vmem_shared>>) dst(%arg9 : memref<128x64xf32, #tpu.memory_space<vmem>>)
    %dma_wait3A_129 = arith.constant 1 : i32
    %dma_wait3A_130 = arith.constant 0 : i32
    %dma_wait3A_131 = tpu.memref_slice %arg7[%dma_wait3A_129, %dma_wait3A_130] : memref<40x128xi32, #tpu.memory_space<vmem>> -> memref<1x128xi32, #tpu.memory_space<vmem>>
    %dma_wait3A_132 = tpu.memref_squeeze %dma_wait3A_131 : memref<1x128xi32, #tpu.memory_space<vmem>> -> memref<128xi32, #tpu.memory_space<vmem>>
    %dma_wait3A_133 = arith.constant 0 : i32
    %dma_wait3A_134 = arith.constant 0 : i32
    %dma_wait3A_135 = tpu.memref_slice %arg6[%dma_wait3A_133, %dma_wait3A_134] : memref<10112x64xf32, #tpu.memory_space<vmem_shared>> -> memref<10112x64xf32, #tpu.memory_space<vmem_shared>>
    tpu.wait_indirect_dma semaphore(%arg13 : memref<!tpu.dma_semaphore, #tpu.memory_space<semaphore_mem>>) src(%dma_wait3A_135 : memref<10112x64xf32, #tpu.memory_space<vmem_shared>>) dst(%arg10 : memref<128x64xf32, #tpu.memory_space<vmem>>)
    %mul3A_136 = arith.constant 160 : i32
    %mul3A_137 = arith.muli %arg1, %mul3A_136 : i32
    %add3A_138 = arith.constant 80 : i32
    %add3A_139 = arith.addi %mul3A_137, %add3A_138 : i32
    %run_scoped3A_140 = arith.constant 0 : i32
    "tpu.region"() ({
      %run_scoped3A_219 = tpu.sem_alloc : memref<!tpu.dma_semaphore, #tpu.memory_space<semaphore_mem>>
      %dma_start3A_220 = arith.constant 0 : i32
      %dma_start3A_221 = tpu.memref_slice %arg3[%run_scoped3A_140, %add3A_139, %dma_start3A_220] : memref<2x2560x128xi32, #tpu.memory_space<hbm>> -> memref<1x40x128xi32, #tpu.memory_space<hbm>>
      %dma_start3A_222 = tpu.memref_squeeze %dma_start3A_221 : memref<1x40x128xi32, #tpu.memory_space<hbm>> -> memref<40x128xi32, #tpu.memory_space<hbm>>
      %dma_start3A_223 = arith.constant 0 : i32
      %dma_start3A_224 = tpu.memref_slice %arg3[%run_scoped3A_140, %add3A_139, %dma_start3A_223] : memref<2x2560x128xi32, #tpu.memory_space<hbm>> -> memref<1x40x128xi32, #tpu.memory_space<hbm>>
      %dma_start3A_225 = tpu.memref_squeeze %dma_start3A_224 : memref<1x40x128xi32, #tpu.memory_space<hbm>> -> memref<40x128xi32, #tpu.memory_space<hbm>>
      tpu.enqueue_dma source(%dma_start3A_225 : memref<40x128xi32, #tpu.memory_space<hbm>>) target(%arg7 : memref<40x128xi32, #tpu.memory_space<vmem>>) target_semaphore(%run_scoped3A_219 : memref<!tpu.dma_semaphore, #tpu.memory_space<semaphore_mem>>)
      %dma_wait3A_226 = arith.constant 0 : i32
      %dma_wait3A_227 = tpu.memref_slice %arg3[%run_scoped3A_140, %add3A_139, %dma_wait3A_226] : memref<2x2560x128xi32, #tpu.memory_space<hbm>> -> memref<1x40x128xi32, #tpu.memory_space<hbm>>
      %dma_wait3A_228 = tpu.memref_squeeze %dma_wait3A_227 : memref<1x40x128xi32, #tpu.memory_space<hbm>> -> memref<40x128xi32, #tpu.memory_space<hbm>>
      %dma_wait3A_229 = arith.constant 0 : i32
      %dma_wait3A_230 = tpu.memref_slice %arg3[%run_scoped3A_140, %add3A_139, %dma_wait3A_229] : memref<2x2560x128xi32, #tpu.memory_space<hbm>> -> memref<1x40x128xi32, #tpu.memory_space<hbm>>
      %dma_wait3A_231 = tpu.memref_squeeze %dma_wait3A_230 : memref<1x40x128xi32, #tpu.memory_space<hbm>> -> memref<40x128xi32, #tpu.memory_space<hbm>>
      tpu.wait_dma2 semaphore(%run_scoped3A_219 : memref<!tpu.dma_semaphore, #tpu.memory_space<semaphore_mem>>) src(%dma_wait3A_231 : memref<40x128xi32, #tpu.memory_space<hbm>>) dst(%arg7 : memref<40x128xi32, #tpu.memory_space<vmem>>)
      tpu.yield
    }) : () -> ()
    %run_scoped3A_141 = arith.constant 1 : i32
    "tpu.region"() ({
      %run_scoped3A_219 = tpu.sem_alloc : memref<!tpu.dma_semaphore, #tpu.memory_space<semaphore_mem>>
      %dma_start3A_220 = arith.constant 0 : i32
      %dma_start3A_221 = tpu.memref_slice %arg3[%run_scoped3A_141, %add3A_139, %dma_start3A_220] : memref<2x2560x128xi32, #tpu.memory_space<hbm>> -> memref<1x40x128xi32, #tpu.memory_space<hbm>>
      %dma_start3A_222 = tpu.memref_squeeze %dma_start3A_221 : memref<1x40x128xi32, #tpu.memory_space<hbm>> -> memref<40x128xi32, #tpu.memory_space<hbm>>
      %dma_start3A_223 = arith.constant 0 : i32
      %dma_start3A_224 = tpu.memref_slice %arg3[%run_scoped3A_141, %add3A_139, %dma_start3A_223] : memref<2x2560x128xi32, #tpu.memory_space<hbm>> -> memref<1x40x128xi32, #tpu.memory_space<hbm>>
      %dma_start3A_225 = tpu.memref_squeeze %dma_start3A_224 : memref<1x40x128xi32, #tpu.memory_space<hbm>> -> memref<40x128xi32, #tpu.memory_space<hbm>>
      tpu.enqueue_dma source(%dma_start3A_225 : memref<40x128xi32, #tpu.memory_space<hbm>>) target(%arg8 : memref<40x128xi32, #tpu.memory_space<vmem>>) target_semaphore(%run_scoped3A_219 : memref<!tpu.dma_semaphore, #tpu.memory_space<semaphore_mem>>)
      %dma_wait3A_226 = arith.constant 0 : i32
      %dma_wait3A_227 = tpu.memref_slice %arg3[%run_scoped3A_141, %add3A_139, %dma_wait3A_226] : memref<2x2560x128xi32, #tpu.memory_space<hbm>> -> memref<1x40x128xi32, #tpu.memory_space<hbm>>
      %dma_wait3A_228 = tpu.memref_squeeze %dma_wait3A_227 : memref<1x40x128xi32, #tpu.memory_space<hbm>> -> memref<40x128xi32, #tpu.memory_space<hbm>>
      %dma_wait3A_229 = arith.constant 0 : i32
      %dma_wait3A_230 = tpu.memref_slice %arg3[%run_scoped3A_141, %add3A_139, %dma_wait3A_229] : memref<2x2560x128xi32, #tpu.memory_space<hbm>> -> memref<1x40x128xi32, #tpu.memory_space<hbm>>
      %dma_wait3A_231 = tpu.memref_squeeze %dma_wait3A_230 : memref<1x40x128xi32, #tpu.memory_space<hbm>> -> memref<40x128xi32, #tpu.memory_space<hbm>>
      tpu.wait_dma2 semaphore(%run_scoped3A_219 : memref<!tpu.dma_semaphore, #tpu.memory_space<semaphore_mem>>) src(%dma_wait3A_231 : memref<40x128xi32, #tpu.memory_space<hbm>>) dst(%arg8 : memref<40x128xi32, #tpu.memory_space<vmem>>)
      tpu.yield
    }) : () -> ()
    %dma_start3A_142 = arith.constant 0 : i32
    %dma_start3A_143 = arith.constant 0 : i32
    %dma_start3A_144 = tpu.memref_slice %arg7[%dma_start3A_142, %dma_start3A_143] : memref<40x128xi32, #tpu.memory_space<vmem>> -> memref<1x128xi32, #tpu.memory_space<vmem>>
    %dma_start3A_145 = tpu.memref_squeeze %dma_start3A_144 : memref<1x128xi32, #tpu.memory_space<vmem>> -> memref<128xi32, #tpu.memory_space<vmem>>
    %dma_start3A_146 = arith.constant 0 : i32
    %dma_start3A_147 = arith.constant 0 : i32
    %dma_start3A_148 = tpu.memref_slice %arg6[%dma_start3A_146, %dma_start3A_147] : memref<10112x64xf32, #tpu.memory_space<vmem_shared>> -> memref<10112x64xf32, #tpu.memory_space<vmem_shared>>
    tpu.enqueue_indirect_dma source(%dma_start3A_148 : memref<10112x64xf32, #tpu.memory_space<vmem_shared>>) target(%arg9 : memref<128x64xf32, #tpu.memory_space<vmem>>) offsets(%dma_start3A_145 : memref<128xi32, #tpu.memory_space<vmem>>) semaphore(%arg12 : memref<!tpu.dma_semaphore, #tpu.memory_space<semaphore_mem>>)
    %dma_start3A_149 = arith.constant 1 : i32
    %dma_start3A_150 = arith.constant 0 : i32
    %dma_start3A_151 = tpu.memref_slice %arg7[%dma_start3A_149, %dma_start3A_150] : memref<40x128xi32, #tpu.memory_space<vmem>> -> memref<1x128xi32, #tpu.memory_space<vmem>>
    %dma_start3A_152 = tpu.memref_squeeze %dma_start3A_151 : memref<1x128xi32, #tpu.memory_space<vmem>> -> memref<128xi32, #tpu.memory_space<vmem>>
    %dma_start3A_153 = arith.constant 0 : i32
    %dma_start3A_154 = arith.constant 0 : i32
    %dma_start3A_155 = tpu.memref_slice %arg6[%dma_start3A_153, %dma_start3A_154] : memref<10112x64xf32, #tpu.memory_space<vmem_shared>> -> memref<10112x64xf32, #tpu.memory_space<vmem_shared>>
    tpu.enqueue_indirect_dma source(%dma_start3A_155 : memref<10112x64xf32, #tpu.memory_space<vmem_shared>>) target(%arg10 : memref<128x64xf32, #tpu.memory_space<vmem>>) offsets(%dma_start3A_152 : memref<128xi32, #tpu.memory_space<vmem>>) semaphore(%arg13 : memref<!tpu.dma_semaphore, #tpu.memory_space<semaphore_mem>>)
    %scan3A_156 = arith.constant 0 : i32
    %scan3A_157 = arith.constant 0 : i32
    %scan3A_158 = arith.constant 20 : i32
    %scan3A_159 = arith.addi %scan3A_157, %scan3A_158 : i32
    %scan3A_160 = arith.constant 1 : i32
    %scan3A_161 = scf.for %scan3A_219 = %scan3A_157 to %scan3A_159 step %scan3A_160 iter_args(%scan3A_220 = %scan3A_156) -> (i32)  : i32 {
      %mul3A_221 = arith.constant 2 : i32
      %mul3A_222 = arith.muli %mul3A_221, %scan3A_219 : i32
      %add3A_223 = arith.constant 0 : i32
      %add3A_224 = arith.addi %mul3A_222, %add3A_223 : i32
      %dma_wait3A_225 = arith.constant 0 : i32
      %dma_wait3A_226 = tpu.memref_slice %arg7[%add3A_224, %dma_wait3A_225] : memref<40x128xi32, #tpu.memory_space<vmem>> -> memref<1x128xi32, #tpu.memory_space<vmem>>
      %dma_wait3A_227 = tpu.memref_squeeze %dma_wait3A_226 : memref<1x128xi32, #tpu.memory_space<vmem>> -> memref<128xi32, #tpu.memory_space<vmem>>
      %dma_wait3A_228 = arith.constant 0 : i32
      %dma_wait3A_229 = arith.constant 0 : i32
      %dma_wait3A_230 = tpu.memref_slice %arg6[%dma_wait3A_228, %dma_wait3A_229] : memref<10112x64xf32, #tpu.memory_space<vmem_shared>> -> memref<10112x64xf32, #tpu.memory_space<vmem_shared>>
      tpu.wait_indirect_dma semaphore(%arg12 : memref<!tpu.dma_semaphore, #tpu.memory_space<semaphore_mem>>) src(%dma_wait3A_230 : memref<10112x64xf32, #tpu.memory_space<vmem_shared>>) dst(%arg9 : memref<128x64xf32, #tpu.memory_space<vmem>>)
      %add3A_231 = arith.constant 0 : i32
      %add3A_232 = arith.addi %mul3A_222, %add3A_231 : i32
      %dma_start3A_233 = arith.constant 0 : i32
      %dma_start3A_234 = tpu.memref_slice %arg8[%add3A_232, %dma_start3A_233] : memref<40x128xi32, #tpu.memory_space<vmem>> -> memref<1x128xi32, #tpu.memory_space<vmem>>
      %dma_start3A_235 = tpu.memref_squeeze %dma_start3A_234 : memref<1x128xi32, #tpu.memory_space<vmem>> -> memref<128xi32, #tpu.memory_space<vmem>>
      %dma_start3A_236 = arith.constant 0 : i32
      %dma_start3A_237 = arith.constant 0 : i32
      %dma_start3A_238 = tpu.memref_slice %arg5[%dma_start3A_236, %dma_start3A_237] : memref<10112x64xf32, #tpu.memory_space<vmem_shared>> -> memref<10112x64xf32, #tpu.memory_space<vmem_shared>>
      tpu.enqueue_indirect_dma source(%arg9 : memref<128x64xf32, #tpu.memory_space<vmem>>) target(%dma_start3A_238 : memref<10112x64xf32, #tpu.memory_space<vmem_shared>>) offsets(%dma_start3A_235 : memref<128xi32, #tpu.memory_space<vmem>>) semaphore(%arg14 : memref<!tpu.dma_semaphore, #tpu.memory_space<semaphore_mem>>) {add = true}
      %add3A_239 = arith.constant 1 : i32
      %add3A_240 = arith.addi %mul3A_222, %add3A_239 : i32
      %dma_wait3A_241 = arith.constant 0 : i32
      %dma_wait3A_242 = tpu.memref_slice %arg7[%add3A_240, %dma_wait3A_241] : memref<40x128xi32, #tpu.memory_space<vmem>> -> memref<1x128xi32, #tpu.memory_space<vmem>>
      %dma_wait3A_243 = tpu.memref_squeeze %dma_wait3A_242 : memref<1x128xi32, #tpu.memory_space<vmem>> -> memref<128xi32, #tpu.memory_space<vmem>>
      %dma_wait3A_244 = arith.constant 0 : i32
      %dma_wait3A_245 = arith.constant 0 : i32
      %dma_wait3A_246 = tpu.memref_slice %arg6[%dma_wait3A_244, %dma_wait3A_245] : memref<10112x64xf32, #tpu.memory_space<vmem_shared>> -> memref<10112x64xf32, #tpu.memory_space<vmem_shared>>
      tpu.wait_indirect_dma semaphore(%arg13 : memref<!tpu.dma_semaphore, #tpu.memory_space<semaphore_mem>>) src(%dma_wait3A_246 : memref<10112x64xf32, #tpu.memory_space<vmem_shared>>) dst(%arg10 : memref<128x64xf32, #tpu.memory_space<vmem>>)
      %add3A_247 = arith.constant 1 : i32
      %add3A_248 = arith.addi %mul3A_222, %add3A_247 : i32
      %dma_start3A_249 = arith.constant 0 : i32
      %dma_start3A_250 = tpu.memref_slice %arg8[%add3A_248, %dma_start3A_249] : memref<40x128xi32, #tpu.memory_space<vmem>> -> memref<1x128xi32, #tpu.memory_space<vmem>>
      %dma_start3A_251 = tpu.memref_squeeze %dma_start3A_250 : memref<1x128xi32, #tpu.memory_space<vmem>> -> memref<128xi32, #tpu.memory_space<vmem>>
      %dma_start3A_252 = arith.constant 0 : i32
      %dma_start3A_253 = arith.constant 0 : i32
      %dma_start3A_254 = tpu.memref_slice %arg5[%dma_start3A_252, %dma_start3A_253] : memref<10112x64xf32, #tpu.memory_space<vmem_shared>> -> memref<10112x64xf32, #tpu.memory_space<vmem_shared>>
      tpu.enqueue_indirect_dma source(%arg10 : memref<128x64xf32, #tpu.memory_space<vmem>>) target(%dma_start3A_254 : memref<10112x64xf32, #tpu.memory_space<vmem_shared>>) offsets(%dma_start3A_251 : memref<128xi32, #tpu.memory_space<vmem>>) semaphore(%arg15 : memref<!tpu.dma_semaphore, #tpu.memory_space<semaphore_mem>>) {add = true}
      %add3A_255 = arith.constant 0 : i32
      %add3A_256 = arith.addi %mul3A_222, %add3A_255 : i32
      %dma_wait3A_257 = arith.constant 0 : i32
      %dma_wait3A_258 = tpu.memref_slice %arg8[%add3A_256, %dma_wait3A_257] : memref<40x128xi32, #tpu.memory_space<vmem>> -> memref<1x128xi32, #tpu.memory_space<vmem>>
      %dma_wait3A_259 = tpu.memref_squeeze %dma_wait3A_258 : memref<1x128xi32, #tpu.memory_space<vmem>> -> memref<128xi32, #tpu.memory_space<vmem>>
      %dma_wait3A_260 = arith.constant 0 : i32
      %dma_wait3A_261 = arith.constant 0 : i32
      %dma_wait3A_262 = tpu.memref_slice %arg5[%dma_wait3A_260, %dma_wait3A_261] : memref<10112x64xf32, #tpu.memory_space<vmem_shared>> -> memref<10112x64xf32, #tpu.memory_space<vmem_shared>>
      tpu.wait_indirect_dma semaphore(%arg14 : memref<!tpu.dma_semaphore, #tpu.memory_space<semaphore_mem>>) src(%arg9 : memref<128x64xf32, #tpu.memory_space<vmem>>) dst(%dma_wait3A_262 : memref<10112x64xf32, #tpu.memory_space<vmem_shared>>)
      %add3A_263 = arith.constant 0 : i32
      %add3A_264 = arith.addi %mul3A_222, %add3A_263 : i32
      %add3A_265 = arith.constant 2 : i32
      %add3A_266 = arith.addi %add3A_264, %add3A_265 : i32
      %rem3A = arith.constant 40 : i32
      %rem3A_267 = arith.remsi %add3A_266, %rem3A : i32
      %dma_start3A_268 = arith.constant 0 : i32
      %dma_start3A_269 = tpu.memref_slice %arg7[%rem3A_267, %dma_start3A_268] : memref<40x128xi32, #tpu.memory_space<vmem>> -> memref<1x128xi32, #tpu.memory_space<vmem>>
      %dma_start3A_270 = tpu.memref_squeeze %dma_start3A_269 : memref<1x128xi32, #tpu.memory_space<vmem>> -> memref<128xi32, #tpu.memory_space<vmem>>
      %dma_start3A_271 = arith.constant 0 : i32
      %dma_start3A_272 = arith.constant 0 : i32
      %dma_start3A_273 = tpu.memref_slice %arg6[%dma_start3A_271, %dma_start3A_272] : memref<10112x64xf32, #tpu.memory_space<vmem_shared>> -> memref<10112x64xf32, #tpu.memory_space<vmem_shared>>
      tpu.enqueue_indirect_dma source(%dma_start3A_273 : memref<10112x64xf32, #tpu.memory_space<vmem_shared>>) target(%arg9 : memref<128x64xf32, #tpu.memory_space<vmem>>) offsets(%dma_start3A_270 : memref<128xi32, #tpu.memory_space<vmem>>) semaphore(%arg12 : memref<!tpu.dma_semaphore, #tpu.memory_space<semaphore_mem>>)
      %add3A_274 = arith.constant 1 : i32
      %add3A_275 = arith.addi %mul3A_222, %add3A_274 : i32
      %dma_wait3A_276 = arith.constant 0 : i32
      %dma_wait3A_277 = tpu.memref_slice %arg8[%add3A_275, %dma_wait3A_276] : memref<40x128xi32, #tpu.memory_space<vmem>> -> memref<1x128xi32, #tpu.memory_space<vmem>>
      %dma_wait3A_278 = tpu.memref_squeeze %dma_wait3A_277 : memref<1x128xi32, #tpu.memory_space<vmem>> -> memref<128xi32, #tpu.memory_space<vmem>>
      %dma_wait3A_279 = arith.constant 0 : i32
      %dma_wait3A_280 = arith.constant 0 : i32
      %dma_wait3A_281 = tpu.memref_slice %arg5[%dma_wait3A_279, %dma_wait3A_280] : memref<10112x64xf32, #tpu.memory_space<vmem_shared>> -> memref<10112x64xf32, #tpu.memory_space<vmem_shared>>
      tpu.wait_indirect_dma semaphore(%arg15 : memref<!tpu.dma_semaphore, #tpu.memory_space<semaphore_mem>>) src(%arg10 : memref<128x64xf32, #tpu.memory_space<vmem>>) dst(%dma_wait3A_281 : memref<10112x64xf32, #tpu.memory_space<vmem_shared>>)
      %add3A_282 = arith.constant 1 : i32
      %add3A_283 = arith.addi %mul3A_222, %add3A_282 : i32
      %add3A_284 = arith.constant 2 : i32
      %add3A_285 = arith.addi %add3A_283, %add3A_284 : i32
      %rem3A_286 = arith.constant 40 : i32
      %rem3A_287 = arith.remsi %add3A_285, %rem3A_286 : i32
      %dma_start3A_288 = arith.constant 0 : i32
      %dma_start3A_289 = tpu.memref_slice %arg7[%rem3A_287, %dma_start3A_288] : memref<40x128xi32, #tpu.memory_space<vmem>> -> memref<1x128xi32, #tpu.memory_space<vmem>>
      %dma_start3A_290 = tpu.memref_squeeze %dma_start3A_289 : memref<1x128xi32, #tpu.memory_space<vmem>> -> memref<128xi32, #tpu.memory_space<vmem>>
      %dma_start3A_291 = arith.constant 0 : i32
      %dma_start3A_292 = arith.constant 0 : i32
      %dma_start3A_293 = tpu.memref_slice %arg6[%dma_start3A_291, %dma_start3A_292] : memref<10112x64xf32, #tpu.memory_space<vmem_shared>> -> memref<10112x64xf32, #tpu.memory_space<vmem_shared>>
      tpu.enqueue_indirect_dma source(%dma_start3A_293 : memref<10112x64xf32, #tpu.memory_space<vmem_shared>>) target(%arg10 : memref<128x64xf32, #tpu.memory_space<vmem>>) offsets(%dma_start3A_290 : memref<128xi32, #tpu.memory_space<vmem>>) semaphore(%arg13 : memref<!tpu.dma_semaphore, #tpu.memory_space<semaphore_mem>>)
      %scan3A_294 = arith.constant 0 : i32
      scf.yield %scan3A_294 : i32
    }
    %scan3A_162 = arith.constant 20 : i32
    %dma_wait3A_163 = arith.constant 0 : i32
    %dma_wait3A_164 = arith.constant 0 : i32
    %dma_wait3A_165 = tpu.memref_slice %arg7[%dma_wait3A_163, %dma_wait3A_164] : memref<40x128xi32, #tpu.memory_space<vmem>> -> memref<1x128xi32, #tpu.memory_space<vmem>>
    %dma_wait3A_166 = tpu.memref_squeeze %dma_wait3A_165 : memref<1x128xi32, #tpu.memory_space<vmem>> -> memref<128xi32, #tpu.memory_space<vmem>>
    %dma_wait3A_167 = arith.constant 0 : i32
    %dma_wait3A_168 = arith.constant 0 : i32
    %dma_wait3A_169 = tpu.memref_slice %arg6[%dma_wait3A_167, %dma_wait3A_168] : memref<10112x64xf32, #tpu.memory_space<vmem_shared>> -> memref<10112x64xf32, #tpu.memory_space<vmem_shared>>
    tpu.wait_indirect_dma semaphore(%arg12 : memref<!tpu.dma_semaphore, #tpu.memory_space<semaphore_mem>>) src(%dma_wait3A_169 : memref<10112x64xf32, #tpu.memory_space<vmem_shared>>) dst(%arg9 : memref<128x64xf32, #tpu.memory_space<vmem>>)
    %dma_wait3A_170 = arith.constant 1 : i32
    %dma_wait3A_171 = arith.constant 0 : i32
    %dma_wait3A_172 = tpu.memref_slice %arg7[%dma_wait3A_170, %dma_wait3A_171] : memref<40x128xi32, #tpu.memory_space<vmem>> -> memref<1x128xi32, #tpu.memory_space<vmem>>
    %dma_wait3A_173 = tpu.memref_squeeze %dma_wait3A_172 : memref<1x128xi32, #tpu.memory_space<vmem>> -> memref<128xi32, #tpu.memory_space<vmem>>
    %dma_wait3A_174 = arith.constant 0 : i32
    %dma_wait3A_175 = arith.constant 0 : i32
    %dma_wait3A_176 = tpu.memref_slice %arg6[%dma_wait3A_174, %dma_wait3A_175] : memref<10112x64xf32, #tpu.memory_space<vmem_shared>> -> memref<10112x64xf32, #tpu.memory_space<vmem_shared>>
    tpu.wait_indirect_dma semaphore(%arg13 : memref<!tpu.dma_semaphore, #tpu.memory_space<semaphore_mem>>) src(%dma_wait3A_176 : memref<10112x64xf32, #tpu.memory_space<vmem_shared>>) dst(%arg10 : memref<128x64xf32, #tpu.memory_space<vmem>>)
    %mul3A_177 = arith.constant 160 : i32
    %mul3A_178 = arith.muli %arg1, %mul3A_177 : i32
    %add3A_179 = arith.constant 120 : i32
    %add3A_180 = arith.addi %mul3A_178, %add3A_179 : i32
    %run_scoped3A_181 = arith.constant 0 : i32
    "tpu.region"() ({
      %run_scoped3A_219 = tpu.sem_alloc : memref<!tpu.dma_semaphore, #tpu.memory_space<semaphore_mem>>
      %dma_start3A_220 = arith.constant 0 : i32
      %dma_start3A_221 = tpu.memref_slice %arg3[%run_scoped3A_181, %add3A_180, %dma_start3A_220] : memref<2x2560x128xi32, #tpu.memory_space<hbm>> -> memref<1x40x128xi32, #tpu.memory_space<hbm>>
      %dma_start3A_222 = tpu.memref_squeeze %dma_start3A_221 : memref<1x40x128xi32, #tpu.memory_space<hbm>> -> memref<40x128xi32, #tpu.memory_space<hbm>>
      %dma_start3A_223 = arith.constant 0 : i32
      %dma_start3A_224 = tpu.memref_slice %arg3[%run_scoped3A_181, %add3A_180, %dma_start3A_223] : memref<2x2560x128xi32, #tpu.memory_space<hbm>> -> memref<1x40x128xi32, #tpu.memory_space<hbm>>
      %dma_start3A_225 = tpu.memref_squeeze %dma_start3A_224 : memref<1x40x128xi32, #tpu.memory_space<hbm>> -> memref<40x128xi32, #tpu.memory_space<hbm>>
      tpu.enqueue_dma source(%dma_start3A_225 : memref<40x128xi32, #tpu.memory_space<hbm>>) target(%arg7 : memref<40x128xi32, #tpu.memory_space<vmem>>) target_semaphore(%run_scoped3A_219 : memref<!tpu.dma_semaphore, #tpu.memory_space<semaphore_mem>>)
      %dma_wait3A_226 = arith.constant 0 : i32
      %dma_wait3A_227 = tpu.memref_slice %arg3[%run_scoped3A_181, %add3A_180, %dma_wait3A_226] : memref<2x2560x128xi32, #tpu.memory_space<hbm>> -> memref<1x40x128xi32, #tpu.memory_space<hbm>>
      %dma_wait3A_228 = tpu.memref_squeeze %dma_wait3A_227 : memref<1x40x128xi32, #tpu.memory_space<hbm>> -> memref<40x128xi32, #tpu.memory_space<hbm>>
      %dma_wait3A_229 = arith.constant 0 : i32
      %dma_wait3A_230 = tpu.memref_slice %arg3[%run_scoped3A_181, %add3A_180, %dma_wait3A_229] : memref<2x2560x128xi32, #tpu.memory_space<hbm>> -> memref<1x40x128xi32, #tpu.memory_space<hbm>>
      %dma_wait3A_231 = tpu.memref_squeeze %dma_wait3A_230 : memref<1x40x128xi32, #tpu.memory_space<hbm>> -> memref<40x128xi32, #tpu.memory_space<hbm>>
      tpu.wait_dma2 semaphore(%run_scoped3A_219 : memref<!tpu.dma_semaphore, #tpu.memory_space<semaphore_mem>>) src(%dma_wait3A_231 : memref<40x128xi32, #tpu.memory_space<hbm>>) dst(%arg7 : memref<40x128xi32, #tpu.memory_space<vmem>>)
      tpu.yield
    }) : () -> ()
    %run_scoped3A_182 = arith.constant 1 : i32
    "tpu.region"() ({
      %run_scoped3A_219 = tpu.sem_alloc : memref<!tpu.dma_semaphore, #tpu.memory_space<semaphore_mem>>
      %dma_start3A_220 = arith.constant 0 : i32
      %dma_start3A_221 = tpu.memref_slice %arg3[%run_scoped3A_182, %add3A_180, %dma_start3A_220] : memref<2x2560x128xi32, #tpu.memory_space<hbm>> -> memref<1x40x128xi32, #tpu.memory_space<hbm>>
      %dma_start3A_222 = tpu.memref_squeeze %dma_start3A_221 : memref<1x40x128xi32, #tpu.memory_space<hbm>> -> memref<40x128xi32, #tpu.memory_space<hbm>>
      %dma_start3A_223 = arith.constant 0 : i32
      %dma_start3A_224 = tpu.memref_slice %arg3[%run_scoped3A_182, %add3A_180, %dma_start3A_223] : memref<2x2560x128xi32, #tpu.memory_space<hbm>> -> memref<1x40x128xi32, #tpu.memory_space<hbm>>
      %dma_start3A_225 = tpu.memref_squeeze %dma_start3A_224 : memref<1x40x128xi32, #tpu.memory_space<hbm>> -> memref<40x128xi32, #tpu.memory_space<hbm>>
      tpu.enqueue_dma source(%dma_start3A_225 : memref<40x128xi32, #tpu.memory_space<hbm>>) target(%arg8 : memref<40x128xi32, #tpu.memory_space<vmem>>) target_semaphore(%run_scoped3A_219 : memref<!tpu.dma_semaphore, #tpu.memory_space<semaphore_mem>>)
      %dma_wait3A_226 = arith.constant 0 : i32
      %dma_wait3A_227 = tpu.memref_slice %arg3[%run_scoped3A_182, %add3A_180, %dma_wait3A_226] : memref<2x2560x128xi32, #tpu.memory_space<hbm>> -> memref<1x40x128xi32, #tpu.memory_space<hbm>>
      %dma_wait3A_228 = tpu.memref_squeeze %dma_wait3A_227 : memref<1x40x128xi32, #tpu.memory_space<hbm>> -> memref<40x128xi32, #tpu.memory_space<hbm>>
      %dma_wait3A_229 = arith.constant 0 : i32
      %dma_wait3A_230 = tpu.memref_slice %arg3[%run_scoped3A_182, %add3A_180, %dma_wait3A_229] : memref<2x2560x128xi32, #tpu.memory_space<hbm>> -> memref<1x40x128xi32, #tpu.memory_space<hbm>>
      %dma_wait3A_231 = tpu.memref_squeeze %dma_wait3A_230 : memref<1x40x128xi32, #tpu.memory_space<hbm>> -> memref<40x128xi32, #tpu.memory_space<hbm>>
      tpu.wait_dma2 semaphore(%run_scoped3A_219 : memref<!tpu.dma_semaphore, #tpu.memory_space<semaphore_mem>>) src(%dma_wait3A_231 : memref<40x128xi32, #tpu.memory_space<hbm>>) dst(%arg8 : memref<40x128xi32, #tpu.memory_space<vmem>>)
      tpu.yield
    }) : () -> ()
    %dma_start3A_183 = arith.constant 0 : i32
    %dma_start3A_184 = arith.constant 0 : i32
    %dma_start3A_185 = tpu.memref_slice %arg7[%dma_start3A_183, %dma_start3A_184] : memref<40x128xi32, #tpu.memory_space<vmem>> -> memref<1x128xi32, #tpu.memory_space<vmem>>
    %dma_start3A_186 = tpu.memref_squeeze %dma_start3A_185 : memref<1x128xi32, #tpu.memory_space<vmem>> -> memref<128xi32, #tpu.memory_space<vmem>>
    %dma_start3A_187 = arith.constant 0 : i32
    %dma_start3A_188 = arith.constant 0 : i32
    %dma_start3A_189 = tpu.memref_slice %arg6[%dma_start3A_187, %dma_start3A_188] : memref<10112x64xf32, #tpu.memory_space<vmem_shared>> -> memref<10112x64xf32, #tpu.memory_space<vmem_shared>>
    tpu.enqueue_indirect_dma source(%dma_start3A_189 : memref<10112x64xf32, #tpu.memory_space<vmem_shared>>) target(%arg9 : memref<128x64xf32, #tpu.memory_space<vmem>>) offsets(%dma_start3A_186 : memref<128xi32, #tpu.memory_space<vmem>>) semaphore(%arg12 : memref<!tpu.dma_semaphore, #tpu.memory_space<semaphore_mem>>)
    %dma_start3A_190 = arith.constant 1 : i32
    %dma_start3A_191 = arith.constant 0 : i32
    %dma_start3A_192 = tpu.memref_slice %arg7[%dma_start3A_190, %dma_start3A_191] : memref<40x128xi32, #tpu.memory_space<vmem>> -> memref<1x128xi32, #tpu.memory_space<vmem>>
    %dma_start3A_193 = tpu.memref_squeeze %dma_start3A_192 : memref<1x128xi32, #tpu.memory_space<vmem>> -> memref<128xi32, #tpu.memory_space<vmem>>
    %dma_start3A_194 = arith.constant 0 : i32
    %dma_start3A_195 = arith.constant 0 : i32
    %dma_start3A_196 = tpu.memref_slice %arg6[%dma_start3A_194, %dma_start3A_195] : memref<10112x64xf32, #tpu.memory_space<vmem_shared>> -> memref<10112x64xf32, #tpu.memory_space<vmem_shared>>
    tpu.enqueue_indirect_dma source(%dma_start3A_196 : memref<10112x64xf32, #tpu.memory_space<vmem_shared>>) target(%arg10 : memref<128x64xf32, #tpu.memory_space<vmem>>) offsets(%dma_start3A_193 : memref<128xi32, #tpu.memory_space<vmem>>) semaphore(%arg13 : memref<!tpu.dma_semaphore, #tpu.memory_space<semaphore_mem>>)
    %scan3A_197 = arith.constant 0 : i32
    %scan3A_198 = arith.constant 0 : i32
    %scan3A_199 = arith.constant 20 : i32
    %scan3A_200 = arith.addi %scan3A_198, %scan3A_199 : i32
    %scan3A_201 = arith.constant 1 : i32
    %scan3A_202 = scf.for %scan3A_219 = %scan3A_198 to %scan3A_200 step %scan3A_201 iter_args(%scan3A_220 = %scan3A_197) -> (i32)  : i32 {
      %mul3A_221 = arith.constant 2 : i32
      %mul3A_222 = arith.muli %mul3A_221, %scan3A_219 : i32
      %add3A_223 = arith.constant 0 : i32
      %add3A_224 = arith.addi %mul3A_222, %add3A_223 : i32
      %dma_wait3A_225 = arith.constant 0 : i32
      %dma_wait3A_226 = tpu.memref_slice %arg7[%add3A_224, %dma_wait3A_225] : memref<40x128xi32, #tpu.memory_space<vmem>> -> memref<1x128xi32, #tpu.memory_space<vmem>>
      %dma_wait3A_227 = tpu.memref_squeeze %dma_wait3A_226 : memref<1x128xi32, #tpu.memory_space<vmem>> -> memref<128xi32, #tpu.memory_space<vmem>>
      %dma_wait3A_228 = arith.constant 0 : i32
      %dma_wait3A_229 = arith.constant 0 : i32
      %dma_wait3A_230 = tpu.memref_slice %arg6[%dma_wait3A_228, %dma_wait3A_229] : memref<10112x64xf32, #tpu.memory_space<vmem_shared>> -> memref<10112x64xf32, #tpu.memory_space<vmem_shared>>
      tpu.wait_indirect_dma semaphore(%arg12 : memref<!tpu.dma_semaphore, #tpu.memory_space<semaphore_mem>>) src(%dma_wait3A_230 : memref<10112x64xf32, #tpu.memory_space<vmem_shared>>) dst(%arg9 : memref<128x64xf32, #tpu.memory_space<vmem>>)
      %add3A_231 = arith.constant 0 : i32
      %add3A_232 = arith.addi %mul3A_222, %add3A_231 : i32
      %dma_start3A_233 = arith.constant 0 : i32
      %dma_start3A_234 = tpu.memref_slice %arg8[%add3A_232, %dma_start3A_233] : memref<40x128xi32, #tpu.memory_space<vmem>> -> memref<1x128xi32, #tpu.memory_space<vmem>>
      %dma_start3A_235 = tpu.memref_squeeze %dma_start3A_234 : memref<1x128xi32, #tpu.memory_space<vmem>> -> memref<128xi32, #tpu.memory_space<vmem>>
      %dma_start3A_236 = arith.constant 0 : i32
      %dma_start3A_237 = arith.constant 0 : i32
      %dma_start3A_238 = tpu.memref_slice %arg5[%dma_start3A_236, %dma_start3A_237] : memref<10112x64xf32, #tpu.memory_space<vmem_shared>> -> memref<10112x64xf32, #tpu.memory_space<vmem_shared>>
      tpu.enqueue_indirect_dma source(%arg9 : memref<128x64xf32, #tpu.memory_space<vmem>>) target(%dma_start3A_238 : memref<10112x64xf32, #tpu.memory_space<vmem_shared>>) offsets(%dma_start3A_235 : memref<128xi32, #tpu.memory_space<vmem>>) semaphore(%arg14 : memref<!tpu.dma_semaphore, #tpu.memory_space<semaphore_mem>>) {add = true}
      %add3A_239 = arith.constant 1 : i32
      %add3A_240 = arith.addi %mul3A_222, %add3A_239 : i32
      %dma_wait3A_241 = arith.constant 0 : i32
      %dma_wait3A_242 = tpu.memref_slice %arg7[%add3A_240, %dma_wait3A_241] : memref<40x128xi32, #tpu.memory_space<vmem>> -> memref<1x128xi32, #tpu.memory_space<vmem>>
      %dma_wait3A_243 = tpu.memref_squeeze %dma_wait3A_242 : memref<1x128xi32, #tpu.memory_space<vmem>> -> memref<128xi32, #tpu.memory_space<vmem>>
      %dma_wait3A_244 = arith.constant 0 : i32
      %dma_wait3A_245 = arith.constant 0 : i32
      %dma_wait3A_246 = tpu.memref_slice %arg6[%dma_wait3A_244, %dma_wait3A_245] : memref<10112x64xf32, #tpu.memory_space<vmem_shared>> -> memref<10112x64xf32, #tpu.memory_space<vmem_shared>>
      tpu.wait_indirect_dma semaphore(%arg13 : memref<!tpu.dma_semaphore, #tpu.memory_space<semaphore_mem>>) src(%dma_wait3A_246 : memref<10112x64xf32, #tpu.memory_space<vmem_shared>>) dst(%arg10 : memref<128x64xf32, #tpu.memory_space<vmem>>)
      %add3A_247 = arith.constant 1 : i32
      %add3A_248 = arith.addi %mul3A_222, %add3A_247 : i32
      %dma_start3A_249 = arith.constant 0 : i32
      %dma_start3A_250 = tpu.memref_slice %arg8[%add3A_248, %dma_start3A_249] : memref<40x128xi32, #tpu.memory_space<vmem>> -> memref<1x128xi32, #tpu.memory_space<vmem>>
      %dma_start3A_251 = tpu.memref_squeeze %dma_start3A_250 : memref<1x128xi32, #tpu.memory_space<vmem>> -> memref<128xi32, #tpu.memory_space<vmem>>
      %dma_start3A_252 = arith.constant 0 : i32
      %dma_start3A_253 = arith.constant 0 : i32
      %dma_start3A_254 = tpu.memref_slice %arg5[%dma_start3A_252, %dma_start3A_253] : memref<10112x64xf32, #tpu.memory_space<vmem_shared>> -> memref<10112x64xf32, #tpu.memory_space<vmem_shared>>
      tpu.enqueue_indirect_dma source(%arg10 : memref<128x64xf32, #tpu.memory_space<vmem>>) target(%dma_start3A_254 : memref<10112x64xf32, #tpu.memory_space<vmem_shared>>) offsets(%dma_start3A_251 : memref<128xi32, #tpu.memory_space<vmem>>) semaphore(%arg15 : memref<!tpu.dma_semaphore, #tpu.memory_space<semaphore_mem>>) {add = true}
      %add3A_255 = arith.constant 0 : i32
      %add3A_256 = arith.addi %mul3A_222, %add3A_255 : i32
      %dma_wait3A_257 = arith.constant 0 : i32
      %dma_wait3A_258 = tpu.memref_slice %arg8[%add3A_256, %dma_wait3A_257] : memref<40x128xi32, #tpu.memory_space<vmem>> -> memref<1x128xi32, #tpu.memory_space<vmem>>
      %dma_wait3A_259 = tpu.memref_squeeze %dma_wait3A_258 : memref<1x128xi32, #tpu.memory_space<vmem>> -> memref<128xi32, #tpu.memory_space<vmem>>
      %dma_wait3A_260 = arith.constant 0 : i32
      %dma_wait3A_261 = arith.constant 0 : i32
      %dma_wait3A_262 = tpu.memref_slice %arg5[%dma_wait3A_260, %dma_wait3A_261] : memref<10112x64xf32, #tpu.memory_space<vmem_shared>> -> memref<10112x64xf32, #tpu.memory_space<vmem_shared>>
      tpu.wait_indirect_dma semaphore(%arg14 : memref<!tpu.dma_semaphore, #tpu.memory_space<semaphore_mem>>) src(%arg9 : memref<128x64xf32, #tpu.memory_space<vmem>>) dst(%dma_wait3A_262 : memref<10112x64xf32, #tpu.memory_space<vmem_shared>>)
      %add3A_263 = arith.constant 0 : i32
      %add3A_264 = arith.addi %mul3A_222, %add3A_263 : i32
      %add3A_265 = arith.constant 2 : i32
      %add3A_266 = arith.addi %add3A_264, %add3A_265 : i32
      %rem3A = arith.constant 40 : i32
      %rem3A_267 = arith.remsi %add3A_266, %rem3A : i32
      %dma_start3A_268 = arith.constant 0 : i32
      %dma_start3A_269 = tpu.memref_slice %arg7[%rem3A_267, %dma_start3A_268] : memref<40x128xi32, #tpu.memory_space<vmem>> -> memref<1x128xi32, #tpu.memory_space<vmem>>
      %dma_start3A_270 = tpu.memref_squeeze %dma_start3A_269 : memref<1x128xi32, #tpu.memory_space<vmem>> -> memref<128xi32, #tpu.memory_space<vmem>>
      %dma_start3A_271 = arith.constant 0 : i32
      %dma_start3A_272 = arith.constant 0 : i32
      %dma_start3A_273 = tpu.memref_slice %arg6[%dma_start3A_271, %dma_start3A_272] : memref<10112x64xf32, #tpu.memory_space<vmem_shared>> -> memref<10112x64xf32, #tpu.memory_space<vmem_shared>>
      tpu.enqueue_indirect_dma source(%dma_start3A_273 : memref<10112x64xf32, #tpu.memory_space<vmem_shared>>) target(%arg9 : memref<128x64xf32, #tpu.memory_space<vmem>>) offsets(%dma_start3A_270 : memref<128xi32, #tpu.memory_space<vmem>>) semaphore(%arg12 : memref<!tpu.dma_semaphore, #tpu.memory_space<semaphore_mem>>)
      %add3A_274 = arith.constant 1 : i32
      %add3A_275 = arith.addi %mul3A_222, %add3A_274 : i32
      %dma_wait3A_276 = arith.constant 0 : i32
      %dma_wait3A_277 = tpu.memref_slice %arg8[%add3A_275, %dma_wait3A_276] : memref<40x128xi32, #tpu.memory_space<vmem>> -> memref<1x128xi32, #tpu.memory_space<vmem>>
      %dma_wait3A_278 = tpu.memref_squeeze %dma_wait3A_277 : memref<1x128xi32, #tpu.memory_space<vmem>> -> memref<128xi32, #tpu.memory_space<vmem>>
      %dma_wait3A_279 = arith.constant 0 : i32
      %dma_wait3A_280 = arith.constant 0 : i32
      %dma_wait3A_281 = tpu.memref_slice %arg5[%dma_wait3A_279, %dma_wait3A_280] : memref<10112x64xf32, #tpu.memory_space<vmem_shared>> -> memref<10112x64xf32, #tpu.memory_space<vmem_shared>>
      tpu.wait_indirect_dma semaphore(%arg15 : memref<!tpu.dma_semaphore, #tpu.memory_space<semaphore_mem>>) src(%arg10 : memref<128x64xf32, #tpu.memory_space<vmem>>) dst(%dma_wait3A_281 : memref<10112x64xf32, #tpu.memory_space<vmem_shared>>)
      %add3A_282 = arith.constant 1 : i32
      %add3A_283 = arith.addi %mul3A_222, %add3A_282 : i32
      %add3A_284 = arith.constant 2 : i32
      %add3A_285 = arith.addi %add3A_283, %add3A_284 : i32
      %rem3A_286 = arith.constant 40 : i32
      %rem3A_287 = arith.remsi %add3A_285, %rem3A_286 : i32
      %dma_start3A_288 = arith.constant 0 : i32
      %dma_start3A_289 = tpu.memref_slice %arg7[%rem3A_287, %dma_start3A_288] : memref<40x128xi32, #tpu.memory_space<vmem>> -> memref<1x128xi32, #tpu.memory_space<vmem>>
      %dma_start3A_290 = tpu.memref_squeeze %dma_start3A_289 : memref<1x128xi32, #tpu.memory_space<vmem>> -> memref<128xi32, #tpu.memory_space<vmem>>
      %dma_start3A_291 = arith.constant 0 : i32
      %dma_start3A_292 = arith.constant 0 : i32
      %dma_start3A_293 = tpu.memref_slice %arg6[%dma_start3A_291, %dma_start3A_292] : memref<10112x64xf32, #tpu.memory_space<vmem_shared>> -> memref<10112x64xf32, #tpu.memory_space<vmem_shared>>
      tpu.enqueue_indirect_dma source(%dma_start3A_293 : memref<10112x64xf32, #tpu.memory_space<vmem_shared>>) target(%arg10 : memref<128x64xf32, #tpu.memory_space<vmem>>) offsets(%dma_start3A_290 : memref<128xi32, #tpu.memory_space<vmem>>) semaphore(%arg13 : memref<!tpu.dma_semaphore, #tpu.memory_space<semaphore_mem>>)
      %scan3A_294 = arith.constant 0 : i32
      scf.yield %scan3A_294 : i32
    }
    %scan3A_203 = arith.constant 20 : i32
    %dma_wait3A_204 = arith.constant 0 : i32
    %dma_wait3A_205 = arith.constant 0 : i32
    %dma_wait3A_206 = tpu.memref_slice %arg7[%dma_wait3A_204, %dma_wait3A_205] : memref<40x128xi32, #tpu.memory_space<vmem>> -> memref<1x128xi32, #tpu.memory_space<vmem>>
    %dma_wait3A_207 = tpu.memref_squeeze %dma_wait3A_206 : memref<1x128xi32, #tpu.memory_space<vmem>> -> memref<128xi32, #tpu.memory_space<vmem>>
    %dma_wait3A_208 = arith.constant 0 : i32
    %dma_wait3A_209 = arith.constant 0 : i32
    %dma_wait3A_210 = tpu.memref_slice %arg6[%dma_wait3A_208, %dma_wait3A_209] : memref<10112x64xf32, #tpu.memory_space<vmem_shared>> -> memref<10112x64xf32, #tpu.memory_space<vmem_shared>>
    tpu.wait_indirect_dma semaphore(%arg12 : memref<!tpu.dma_semaphore, #tpu.memory_space<semaphore_mem>>) src(%dma_wait3A_210 : memref<10112x64xf32, #tpu.memory_space<vmem_shared>>) dst(%arg9 : memref<128x64xf32, #tpu.memory_space<vmem>>)
    %dma_wait3A_211 = arith.constant 1 : i32
    %dma_wait3A_212 = arith.constant 0 : i32
    %dma_wait3A_213 = tpu.memref_slice %arg7[%dma_wait3A_211, %dma_wait3A_212] : memref<40x128xi32, #tpu.memory_space<vmem>> -> memref<1x128xi32, #tpu.memory_space<vmem>>
    %dma_wait3A_214 = tpu.memref_squeeze %dma_wait3A_213 : memref<1x128xi32, #tpu.memory_space<vmem>> -> memref<128xi32, #tpu.memory_space<vmem>>
    %dma_wait3A_215 = arith.constant 0 : i32
    %dma_wait3A_216 = arith.constant 0 : i32
    %dma_wait3A_217 = tpu.memref_slice %arg6[%dma_wait3A_215, %dma_wait3A_216] : memref<10112x64xf32, #tpu.memory_space<vmem_shared>> -> memref<10112x64xf32, #tpu.memory_space<vmem_shared>>
    tpu.wait_indirect_dma semaphore(%arg13 : memref<!tpu.dma_semaphore, #tpu.memory_space<semaphore_mem>>) src(%dma_wait3A_217 : memref<10112x64xf32, #tpu.memory_space<vmem_shared>>) dst(%arg10 : memref<128x64xf32, #tpu.memory_space<vmem>>)
    %barrier3A_218 = arith.constant 0 : index
    tpu.barrier barrier_id(%barrier3A_218)
    "tpu.region"() ({
      %run_scoped3A_219 = tpu.sem_alloc : memref<!tpu.dma_semaphore, #tpu.memory_space<semaphore_mem>>
      %dma_start3A_220 = arith.constant 0 : i32
      %dma_start3A_221 = tpu.memref_slice %arg4[%arg0, %mul3A_0, %dma_start3A_220] : memref<2x10112x64xf32, #tpu.memory_space<hbm>> -> memref<1x632x64xf32, #tpu.memory_space<hbm>>
      %dma_start3A_222 = tpu.memref_squeeze %dma_start3A_221 : memref<1x632x64xf32, #tpu.memory_space<hbm>> -> memref<632x64xf32, #tpu.memory_space<hbm>>
      %dma_start3A_223 = arith.constant 0 : i32
      %dma_start3A_224 = tpu.memref_slice %arg5[%mul3A_0, %dma_start3A_223] : memref<10112x64xf32, #tpu.memory_space<vmem_shared>> -> memref<632x64xf32, #tpu.memory_space<vmem_shared>>
      tpu.enqueue_dma source(%dma_start3A_224 : memref<632x64xf32, #tpu.memory_space<vmem_shared>>) target(%dma_start3A_222 : memref<632x64xf32, #tpu.memory_space<hbm>>) target_semaphore(%run_scoped3A_219 : memref<!tpu.dma_semaphore, #tpu.memory_space<semaphore_mem>>)
      %dma_wait3A_225 = arith.constant 0 : i32
      %dma_wait3A_226 = tpu.memref_slice %arg4[%arg0, %mul3A_0, %dma_wait3A_225] : memref<2x10112x64xf32, #tpu.memory_space<hbm>> -> memref<1x632x64xf32, #tpu.memory_space<hbm>>
      %dma_wait3A_227 = tpu.memref_squeeze %dma_wait3A_226 : memref<1x632x64xf32, #tpu.memory_space<hbm>> -> memref<632x64xf32, #tpu.memory_space<hbm>>
      %dma_wait3A_228 = arith.constant 0 : i32
      %dma_wait3A_229 = tpu.memref_slice %arg5[%mul3A_0, %dma_wait3A_228] : memref<10112x64xf32, #tpu.memory_space<vmem_shared>> -> memref<632x64xf32, #tpu.memory_space<vmem_shared>>
      tpu.wait_dma2 semaphore(%run_scoped3A_219 : memref<!tpu.dma_semaphore, #tpu.memory_space<semaphore_mem>>) src(%dma_wait3A_229 : memref<632x64xf32, #tpu.memory_space<vmem_shared>>) dst(%dma_wait3A_227 : memref<632x64xf32, #tpu.memory_space<hbm>>)
      tpu.yield
    }) : () -> ()
    return
  }
}

#map = affine_map<(d0, d1) -> (0, 0)>
#map1 = affine_map<(d0, d1) -> (0, 0, 0)>
module attributes {stable_mosaic.version = 14 : i64} {
  func.func @agg_kernel(%arg0: i32, %arg1: i32, %arg2: memref<10000x128xf32, #tpu.memory_space<hbm>>, %arg3: memref<2x2560x128xi32, #tpu.memory_space<hbm>>, %arg4: memref<2x10112x64xf32, #tpu.memory_space<hbm>>, %arg5: memref<16x10112xf32, #tpu.memory_space<hbm>>, %arg6: memref<10112x64xf32, #tpu.memory_space<vmem_shared>>, %arg7: memref<10112x64xf32, #tpu.memory_space<vmem_shared>>, %arg8: memref<40x128xi32, #tpu.memory_space<vmem>>, %arg9: memref<40x128xi32, #tpu.memory_space<vmem>>, %arg10: memref<128x64xf32, #tpu.memory_space<vmem>>, %arg11: memref<128x64xf32, #tpu.memory_space<vmem>>, %arg12: memref<32x64xf32, #tpu.memory_space<vmem>>, %arg13: memref<!tpu.dma_semaphore, #tpu.memory_space<semaphore_mem>>, %arg14: memref<!tpu.dma_semaphore, #tpu.memory_space<semaphore_mem>>, %arg15: memref<!tpu.dma_semaphore, #tpu.memory_space<semaphore_mem>>, %arg16: memref<!tpu.dma_semaphore, #tpu.memory_space<semaphore_mem>>, %arg17: memref<10112xf32, #tpu.memory_space<vmem>>) attributes {dimension_semantics = [#tpu.dimension_semantics<core_parallel>, #tpu.dimension_semantics<subcore_parallel>], iteration_bounds = array<i64: 2, 16>, scalar_prefetch = 0 : i64, scratch_operands = 12 : i64, tpu.core_type = #tpu.core_type<sc_vector_subcore>, window_params = [{transform_indices = #map}, {transform_indices = #map1}, {transform_indices = #map1}, {transform_indices = #map}]} {
    %mul3A = arith.constant 632 : i32
    %mul3A_0 = arith.muli %arg1, %mul3A : i32
    %mul3A_1 = arith.constant 64 : i32
    %mul3A_2 = arith.muli %arg0, %mul3A_1 : i32
    %lt3A = arith.constant 15 : i32
    %lt3A_3 = arith.cmpi slt, %arg1, %lt3A : i32
    %convert_element_type3A = arith.extui %lt3A_3 : i1 to i32
    %cond3A = arith.constant 0 : i32
    %cond3A_4 = arith.cmpi ne, %convert_element_type3A, %cond3A : i32
    scf.if %cond3A_4 {
      "tpu.region"() ({
        %run_scoped3A_229 = tpu.sem_alloc : memref<!tpu.dma_semaphore, #tpu.memory_space<semaphore_mem>>
        %dma_start3A_230 = arith.constant 0 : i32
        %dma_start3A_231 = tpu.memref_slice %arg7[%mul3A_0, %dma_start3A_230] : memref<10112x64xf32, #tpu.memory_space<vmem_shared>> -> memref<632x64xf32, #tpu.memory_space<vmem_shared>>
        %dma_start3A_232 = tpu.memref_slice %arg2[%mul3A_0, %mul3A_2] : memref<10000x128xf32, #tpu.memory_space<hbm>> -> memref<632x64xf32, #tpu.memory_space<hbm>>
        tpu.enqueue_dma source(%dma_start3A_232 : memref<632x64xf32, #tpu.memory_space<hbm>>) target(%dma_start3A_231 : memref<632x64xf32, #tpu.memory_space<vmem_shared>>) target_semaphore(%run_scoped3A_229 : memref<!tpu.dma_semaphore, #tpu.memory_space<semaphore_mem>>)
        %dma_wait3A_233 = arith.constant 0 : i32
        %dma_wait3A_234 = tpu.memref_slice %arg7[%mul3A_0, %dma_wait3A_233] : memref<10112x64xf32, #tpu.memory_space<vmem_shared>> -> memref<632x64xf32, #tpu.memory_space<vmem_shared>>
        %dma_wait3A_235 = tpu.memref_slice %arg2[%mul3A_0, %mul3A_2] : memref<10000x128xf32, #tpu.memory_space<hbm>> -> memref<632x64xf32, #tpu.memory_space<hbm>>
        tpu.wait_dma2 semaphore(%run_scoped3A_229 : memref<!tpu.dma_semaphore, #tpu.memory_space<semaphore_mem>>) src(%dma_wait3A_235 : memref<632x64xf32, #tpu.memory_space<hbm>>) dst(%dma_wait3A_234 : memref<632x64xf32, #tpu.memory_space<vmem_shared>>)
        tpu.yield
      }) : () -> ()
    } else {
    }
    %eq3A = arith.constant 15 : i32
    %eq3A_5 = arith.cmpi eq, %arg1, %eq3A : i32
    %convert_element_type3A_6 = arith.extui %eq3A_5 : i1 to i32
    %cond3A_7 = arith.constant 0 : i32
    %cond3A_8 = arith.cmpi ne, %convert_element_type3A_6, %cond3A_7 : i32
    scf.if %cond3A_8 {
      "tpu.region"() ({
        %run_scoped3A_229 = tpu.sem_alloc : memref<!tpu.dma_semaphore, #tpu.memory_space<semaphore_mem>>
        %dma_start3A_230 = arith.constant 9480 : i32
        %dma_start3A_231 = arith.constant 0 : i32
        %dma_start3A_232 = tpu.memref_slice %arg7[%dma_start3A_230, %dma_start3A_231] : memref<10112x64xf32, #tpu.memory_space<vmem_shared>> -> memref<520x64xf32, #tpu.memory_space<vmem_shared>>
        %dma_start3A_233 = arith.constant 9480 : i32
        %dma_start3A_234 = tpu.memref_slice %arg2[%dma_start3A_233, %mul3A_2] : memref<10000x128xf32, #tpu.memory_space<hbm>> -> memref<520x64xf32, #tpu.memory_space<hbm>>
        tpu.enqueue_dma source(%dma_start3A_234 : memref<520x64xf32, #tpu.memory_space<hbm>>) target(%dma_start3A_232 : memref<520x64xf32, #tpu.memory_space<vmem_shared>>) target_semaphore(%run_scoped3A_229 : memref<!tpu.dma_semaphore, #tpu.memory_space<semaphore_mem>>)
        %dma_wait3A_235 = arith.constant 9480 : i32
        %dma_wait3A_236 = arith.constant 0 : i32
        %dma_wait3A_237 = tpu.memref_slice %arg7[%dma_wait3A_235, %dma_wait3A_236] : memref<10112x64xf32, #tpu.memory_space<vmem_shared>> -> memref<520x64xf32, #tpu.memory_space<vmem_shared>>
        %dma_wait3A_238 = arith.constant 9480 : i32
        %dma_wait3A_239 = tpu.memref_slice %arg2[%dma_wait3A_238, %mul3A_2] : memref<10000x128xf32, #tpu.memory_space<hbm>> -> memref<520x64xf32, #tpu.memory_space<hbm>>
        tpu.wait_dma2 semaphore(%run_scoped3A_229 : memref<!tpu.dma_semaphore, #tpu.memory_space<semaphore_mem>>) src(%dma_wait3A_239 : memref<520x64xf32, #tpu.memory_space<hbm>>) dst(%dma_wait3A_237 : memref<520x64xf32, #tpu.memory_space<vmem_shared>>)
        tpu.yield
      }) : () -> ()
    } else {
    }
    %broadcast_in_dim3A = arith.constant 0.000000e+00 : f32
    %broadcast_in_dim3A_9 = vector.broadcast %broadcast_in_dim3A : f32 to vector<16xf32>
    %scan3A = arith.constant 0 : i32
    %scan3A_10 = arith.constant 0 : i32
    %scan3A_11 = arith.constant 128 : i32
    %scan3A_12 = arith.addi %scan3A_10, %scan3A_11 : i32
    %scan3A_13 = arith.constant 1 : i32
    %scan3A_14 = scf.for %scan3A_229 = %scan3A_10 to %scan3A_12 step %scan3A_13 iter_args(%scan3A_230 = %scan3A) -> (i32)  : i32 {
      %jit3A = arith.constant 4 : i32
      %div3A = arith.divsi %scan3A_229, %jit3A : i32
      %sign3A = arith.constant 0 : i32
      %sign3A_231 = arith.cmpi sgt, %scan3A_229, %sign3A : i32
      %sign3A_232 = arith.extui %sign3A_231 : i1 to i32
      %sign3A_233 = arith.constant 0 : i32
      %sign3A_234 = arith.cmpi slt, %scan3A_229, %sign3A_233 : i32
      %sign3A_235 = arith.extui %sign3A_234 : i1 to i32
      %sign3A_236 = arith.subi %sign3A_232, %sign3A_235 : i32
      %sign3A_237 = arith.constant 0 : i32
      %sign3A_238 = arith.cmpi sgt, %jit3A, %sign3A_237 : i32
      %sign3A_239 = arith.extui %sign3A_238 : i1 to i32
      %sign3A_240 = arith.constant 0 : i32
      %sign3A_241 = arith.cmpi slt, %jit3A, %sign3A_240 : i32
      %sign3A_242 = arith.extui %sign3A_241 : i1 to i32
      %sign3A_243 = arith.subi %sign3A_239, %sign3A_242 : i32
      %ne3A = arith.cmpi ne, %sign3A_236, %sign3A_243 : i32
      %rem3A = arith.remsi %scan3A_229, %jit3A : i32
      %ne3A_244 = arith.constant 0 : i32
      %ne3A_245 = arith.cmpi ne, %rem3A, %ne3A_244 : i32
      %and3A = arith.andi %ne3A, %ne3A_245 : i1
      %sub3A = arith.constant 1 : i32
      %sub3A_246 = arith.subi %div3A, %sub3A : i32
      %select_n3A = arith.select %and3A, %sub3A_246, %div3A : i32
      %jit3A_247 = arith.constant 4 : i32
      %eq3A_248 = arith.constant 0 : i32
      %eq3A_249 = arith.cmpi eq, %jit3A_247, %eq3A_248 : i32
      %jit3A_250 = arith.constant 1 : i32
      %select_n3A_251 = arith.select %eq3A_249, %jit3A_250, %jit3A_247 : i32
      %rem3A_252 = arith.remsi %scan3A_229, %select_n3A_251 : i32
      %ne3A_253 = arith.constant 0 : i32
      %ne3A_254 = arith.cmpi ne, %rem3A_252, %ne3A_253 : i32
      %lt3A_255 = arith.constant 0 : i32
      %lt3A_256 = arith.cmpi slt, %rem3A_252, %lt3A_255 : i32
      %lt3A_257 = arith.constant 0 : i32
      %lt3A_258 = arith.cmpi slt, %select_n3A_251, %lt3A_257 : i32
      %ne3A_259 = arith.xori %lt3A_256, %lt3A_258 : i1
      %and3A_260 = arith.andi %ne3A_259, %ne3A_254 : i1
      %add3A_261 = arith.addi %rem3A_252, %select_n3A_251 : i32
      %select_n3A_262 = arith.select %and3A_260, %add3A_261, %rem3A_252 : i32
      %mul3A_263 = arith.constant 16 : i32
      %mul3A_264 = arith.muli %select_n3A_262, %mul3A_263 : i32
      %swap3A = arith.index_cast %select_n3A : i32 to index
      %swap3A_265 = arith.index_cast %mul3A_264 : i32 to index
      %swap3A_266 = tpu.vector_load %arg12[%swap3A, %swap3A_265] {strides = array<i32>} : memref<32x64xf32, #tpu.memory_space<vmem>>, vector<16xf32>,
      tpu.vector_store %arg12[%swap3A, %swap3A_265], %broadcast_in_dim3A_9 {strides = array<i32>} : memref<32x64xf32, #tpu.memory_space<vmem>>, vector<16xf32>,
      %scan3A_267 = arith.constant 0 : i32
      scf.yield %scan3A_267 : i32
    }
    %scan3A_15 = arith.constant 128 : i32
    %eq3A_16 = arith.constant 0 : i32
    %eq3A_17 = arith.cmpi eq, %arg0, %eq3A_16 : i32
    %convert_element_type3A_18 = arith.extui %eq3A_17 : i1 to i32
    %cond3A_19 = arith.constant 0 : i32
    %cond3A_20 = arith.cmpi ne, %convert_element_type3A_18, %cond3A_19 : i32
    scf.if %cond3A_20 {
      %scan3A_229 = arith.constant 0 : i32
      %scan3A_230 = arith.constant 0 : i32
      %scan3A_231 = arith.constant 632 : i32
      %scan3A_232 = arith.addi %scan3A_230, %scan3A_231 : i32
      %scan3A_233 = arith.constant 1 : i32
      %scan3A_234 = scf.for %scan3A_236 = %scan3A_230 to %scan3A_232 step %scan3A_233 iter_args(%scan3A_237 = %scan3A_229) -> (i32)  : i32 {
        %mul3A_238 = arith.constant 16 : i32
        %mul3A_239 = arith.muli %scan3A_236, %mul3A_238 : i32
        %swap3A = arith.index_cast %mul3A_239 : i32 to index
        %swap3A_240 = tpu.vector_load %arg17[%swap3A] {strides = array<i32>} : memref<10112xf32, #tpu.memory_space<vmem>>, vector<16xf32>,
        tpu.vector_store %arg17[%swap3A], %broadcast_in_dim3A_9 {strides = array<i32>} : memref<10112xf32, #tpu.memory_space<vmem>>, vector<16xf32>,
        %scan3A_241 = arith.constant 0 : i32
        scf.yield %scan3A_241 : i32
      }
      %scan3A_235 = arith.constant 632 : i32
    } else {
    }
    %add3A = arith.constant 0 : i32
    %add3A_21 = arith.addi %mul3A_0, %add3A : i32
    "tpu.region"() ({
      %run_scoped3A_229 = tpu.sem_alloc : memref<!tpu.dma_semaphore, #tpu.memory_space<semaphore_mem>>
      %dma_start3A_230 = arith.constant 0 : i32
      %dma_start3A_231 = tpu.memref_slice %arg6[%add3A_21, %dma_start3A_230] : memref<10112x64xf32, #tpu.memory_space<vmem_shared>> -> memref<32x64xf32, #tpu.memory_space<vmem_shared>>
      %dma_start3A_232 = arith.constant 0 : i32
      %dma_start3A_233 = tpu.memref_slice %arg6[%add3A_21, %dma_start3A_232] : memref<10112x64xf32, #tpu.memory_space<vmem_shared>> -> memref<32x64xf32, #tpu.memory_space<vmem_shared>>
      tpu.enqueue_dma source(%arg12 : memref<32x64xf32, #tpu.memory_space<vmem>>) target(%dma_start3A_233 : memref<32x64xf32, #tpu.memory_space<vmem_shared>>) target_semaphore(%run_scoped3A_229 : memref<!tpu.dma_semaphore, #tpu.memory_space<semaphore_mem>>)
      %dma_wait3A_234 = arith.constant 0 : i32
      %dma_wait3A_235 = tpu.memref_slice %arg6[%add3A_21, %dma_wait3A_234] : memref<10112x64xf32, #tpu.memory_space<vmem_shared>> -> memref<32x64xf32, #tpu.memory_space<vmem_shared>>
      %dma_wait3A_236 = arith.constant 0 : i32
      %dma_wait3A_237 = tpu.memref_slice %arg6[%add3A_21, %dma_wait3A_236] : memref<10112x64xf32, #tpu.memory_space<vmem_shared>> -> memref<32x64xf32, #tpu.memory_space<vmem_shared>>
      tpu.wait_dma2 semaphore(%run_scoped3A_229 : memref<!tpu.dma_semaphore, #tpu.memory_space<semaphore_mem>>) src(%arg12 : memref<32x64xf32, #tpu.memory_space<vmem>>) dst(%dma_wait3A_237 : memref<32x64xf32, #tpu.memory_space<vmem_shared>>)
      tpu.yield
    }) : () -> ()
    %add3A_22 = arith.constant 32 : i32
    %add3A_23 = arith.addi %mul3A_0, %add3A_22 : i32
    "tpu.region"() ({
      %run_scoped3A_229 = tpu.sem_alloc : memref<!tpu.dma_semaphore, #tpu.memory_space<semaphore_mem>>
      %dma_start3A_230 = arith.constant 0 : i32
      %dma_start3A_231 = tpu.memref_slice %arg6[%add3A_23, %dma_start3A_230] : memref<10112x64xf32, #tpu.memory_space<vmem_shared>> -> memref<32x64xf32, #tpu.memory_space<vmem_shared>>
      %dma_start3A_232 = arith.constant 0 : i32
      %dma_start3A_233 = tpu.memref_slice %arg6[%add3A_23, %dma_start3A_232] : memref<10112x64xf32, #tpu.memory_space<vmem_shared>> -> memref<32x64xf32, #tpu.memory_space<vmem_shared>>
      tpu.enqueue_dma source(%arg12 : memref<32x64xf32, #tpu.memory_space<vmem>>) target(%dma_start3A_233 : memref<32x64xf32, #tpu.memory_space<vmem_shared>>) target_semaphore(%run_scoped3A_229 : memref<!tpu.dma_semaphore, #tpu.memory_space<semaphore_mem>>)
      %dma_wait3A_234 = arith.constant 0 : i32
      %dma_wait3A_235 = tpu.memref_slice %arg6[%add3A_23, %dma_wait3A_234] : memref<10112x64xf32, #tpu.memory_space<vmem_shared>> -> memref<32x64xf32, #tpu.memory_space<vmem_shared>>
      %dma_wait3A_236 = arith.constant 0 : i32
      %dma_wait3A_237 = tpu.memref_slice %arg6[%add3A_23, %dma_wait3A_236] : memref<10112x64xf32, #tpu.memory_space<vmem_shared>> -> memref<32x64xf32, #tpu.memory_space<vmem_shared>>
      tpu.wait_dma2 semaphore(%run_scoped3A_229 : memref<!tpu.dma_semaphore, #tpu.memory_space<semaphore_mem>>) src(%arg12 : memref<32x64xf32, #tpu.memory_space<vmem>>) dst(%dma_wait3A_237 : memref<32x64xf32, #tpu.memory_space<vmem_shared>>)
      tpu.yield
    }) : () -> ()
    %add3A_24 = arith.constant 64 : i32
    %add3A_25 = arith.addi %mul3A_0, %add3A_24 : i32
    "tpu.region"() ({
      %run_scoped3A_229 = tpu.sem_alloc : memref<!tpu.dma_semaphore, #tpu.memory_space<semaphore_mem>>
      %dma_start3A_230 = arith.constant 0 : i32
      %dma_start3A_231 = tpu.memref_slice %arg6[%add3A_25, %dma_start3A_230] : memref<10112x64xf32, #tpu.memory_space<vmem_shared>> -> memref<32x64xf32, #tpu.memory_space<vmem_shared>>
      %dma_start3A_232 = arith.constant 0 : i32
      %dma_start3A_233 = tpu.memref_slice %arg6[%add3A_25, %dma_start3A_232] : memref<10112x64xf32, #tpu.memory_space<vmem_shared>> -> memref<32x64xf32, #tpu.memory_space<vmem_shared>>
      tpu.enqueue_dma source(%arg12 : memref<32x64xf32, #tpu.memory_space<vmem>>) target(%dma_start3A_233 : memref<32x64xf32, #tpu.memory_space<vmem_shared>>) target_semaphore(%run_scoped3A_229 : memref<!tpu.dma_semaphore, #tpu.memory_space<semaphore_mem>>)
      %dma_wait3A_234 = arith.constant 0 : i32
      %dma_wait3A_235 = tpu.memref_slice %arg6[%add3A_25, %dma_wait3A_234] : memref<10112x64xf32, #tpu.memory_space<vmem_shared>> -> memref<32x64xf32, #tpu.memory_space<vmem_shared>>
      %dma_wait3A_236 = arith.constant 0 : i32
      %dma_wait3A_237 = tpu.memref_slice %arg6[%add3A_25, %dma_wait3A_236] : memref<10112x64xf32, #tpu.memory_space<vmem_shared>> -> memref<32x64xf32, #tpu.memory_space<vmem_shared>>
      tpu.wait_dma2 semaphore(%run_scoped3A_229 : memref<!tpu.dma_semaphore, #tpu.memory_space<semaphore_mem>>) src(%arg12 : memref<32x64xf32, #tpu.memory_space<vmem>>) dst(%dma_wait3A_237 : memref<32x64xf32, #tpu.memory_space<vmem_shared>>)
      tpu.yield
    }) : () -> ()
    %add3A_26 = arith.constant 96 : i32
    %add3A_27 = arith.addi %mul3A_0, %add3A_26 : i32
    "tpu.region"() ({
      %run_scoped3A_229 = tpu.sem_alloc : memref<!tpu.dma_semaphore, #tpu.memory_space<semaphore_mem>>
      %dma_start3A_230 = arith.constant 0 : i32
      %dma_start3A_231 = tpu.memref_slice %arg6[%add3A_27, %dma_start3A_230] : memref<10112x64xf32, #tpu.memory_space<vmem_shared>> -> memref<32x64xf32, #tpu.memory_space<vmem_shared>>
      %dma_start3A_232 = arith.constant 0 : i32
      %dma_start3A_233 = tpu.memref_slice %arg6[%add3A_27, %dma_start3A_232] : memref<10112x64xf32, #tpu.memory_space<vmem_shared>> -> memref<32x64xf32, #tpu.memory_space<vmem_shared>>
      tpu.enqueue_dma source(%arg12 : memref<32x64xf32, #tpu.memory_space<vmem>>) target(%dma_start3A_233 : memref<32x64xf32, #tpu.memory_space<vmem_shared>>) target_semaphore(%run_scoped3A_229 : memref<!tpu.dma_semaphore, #tpu.memory_space<semaphore_mem>>)
      %dma_wait3A_234 = arith.constant 0 : i32
      %dma_wait3A_235 = tpu.memref_slice %arg6[%add3A_27, %dma_wait3A_234] : memref<10112x64xf32, #tpu.memory_space<vmem_shared>> -> memref<32x64xf32, #tpu.memory_space<vmem_shared>>
      %dma_wait3A_236 = arith.constant 0 : i32
      %dma_wait3A_237 = tpu.memref_slice %arg6[%add3A_27, %dma_wait3A_236] : memref<10112x64xf32, #tpu.memory_space<vmem_shared>> -> memref<32x64xf32, #tpu.memory_space<vmem_shared>>
      tpu.wait_dma2 semaphore(%run_scoped3A_229 : memref<!tpu.dma_semaphore, #tpu.memory_space<semaphore_mem>>) src(%arg12 : memref<32x64xf32, #tpu.memory_space<vmem>>) dst(%dma_wait3A_237 : memref<32x64xf32, #tpu.memory_space<vmem_shared>>)
      tpu.yield
    }) : () -> ()
    %add3A_28 = arith.constant 128 : i32
    %add3A_29 = arith.addi %mul3A_0, %add3A_28 : i32
    "tpu.region"() ({
      %run_scoped3A_229 = tpu.sem_alloc : memref<!tpu.dma_semaphore, #tpu.memory_space<semaphore_mem>>
      %dma_start3A_230 = arith.constant 0 : i32
      %dma_start3A_231 = tpu.memref_slice %arg6[%add3A_29, %dma_start3A_230] : memref<10112x64xf32, #tpu.memory_space<vmem_shared>> -> memref<32x64xf32, #tpu.memory_space<vmem_shared>>
      %dma_start3A_232 = arith.constant 0 : i32
      %dma_start3A_233 = tpu.memref_slice %arg6[%add3A_29, %dma_start3A_232] : memref<10112x64xf32, #tpu.memory_space<vmem_shared>> -> memref<32x64xf32, #tpu.memory_space<vmem_shared>>
      tpu.enqueue_dma source(%arg12 : memref<32x64xf32, #tpu.memory_space<vmem>>) target(%dma_start3A_233 : memref<32x64xf32, #tpu.memory_space<vmem_shared>>) target_semaphore(%run_scoped3A_229 : memref<!tpu.dma_semaphore, #tpu.memory_space<semaphore_mem>>)
      %dma_wait3A_234 = arith.constant 0 : i32
      %dma_wait3A_235 = tpu.memref_slice %arg6[%add3A_29, %dma_wait3A_234] : memref<10112x64xf32, #tpu.memory_space<vmem_shared>> -> memref<32x64xf32, #tpu.memory_space<vmem_shared>>
      %dma_wait3A_236 = arith.constant 0 : i32
      %dma_wait3A_237 = tpu.memref_slice %arg6[%add3A_29, %dma_wait3A_236] : memref<10112x64xf32, #tpu.memory_space<vmem_shared>> -> memref<32x64xf32, #tpu.memory_space<vmem_shared>>
      tpu.wait_dma2 semaphore(%run_scoped3A_229 : memref<!tpu.dma_semaphore, #tpu.memory_space<semaphore_mem>>) src(%arg12 : memref<32x64xf32, #tpu.memory_space<vmem>>) dst(%dma_wait3A_237 : memref<32x64xf32, #tpu.memory_space<vmem_shared>>)
      tpu.yield
    }) : () -> ()
    %add3A_30 = arith.constant 160 : i32
    %add3A_31 = arith.addi %mul3A_0, %add3A_30 : i32
    "tpu.region"() ({
      %run_scoped3A_229 = tpu.sem_alloc : memref<!tpu.dma_semaphore, #tpu.memory_space<semaphore_mem>>
      %dma_start3A_230 = arith.constant 0 : i32
      %dma_start3A_231 = tpu.memref_slice %arg6[%add3A_31, %dma_start3A_230] : memref<10112x64xf32, #tpu.memory_space<vmem_shared>> -> memref<32x64xf32, #tpu.memory_space<vmem_shared>>
      %dma_start3A_232 = arith.constant 0 : i32
      %dma_start3A_233 = tpu.memref_slice %arg6[%add3A_31, %dma_start3A_232] : memref<10112x64xf32, #tpu.memory_space<vmem_shared>> -> memref<32x64xf32, #tpu.memory_space<vmem_shared>>
      tpu.enqueue_dma source(%arg12 : memref<32x64xf32, #tpu.memory_space<vmem>>) target(%dma_start3A_233 : memref<32x64xf32, #tpu.memory_space<vmem_shared>>) target_semaphore(%run_scoped3A_229 : memref<!tpu.dma_semaphore, #tpu.memory_space<semaphore_mem>>)
      %dma_wait3A_234 = arith.constant 0 : i32
      %dma_wait3A_235 = tpu.memref_slice %arg6[%add3A_31, %dma_wait3A_234] : memref<10112x64xf32, #tpu.memory_space<vmem_shared>> -> memref<32x64xf32, #tpu.memory_space<vmem_shared>>
      %dma_wait3A_236 = arith.constant 0 : i32
      %dma_wait3A_237 = tpu.memref_slice %arg6[%add3A_31, %dma_wait3A_236] : memref<10112x64xf32, #tpu.memory_space<vmem_shared>> -> memref<32x64xf32, #tpu.memory_space<vmem_shared>>
      tpu.wait_dma2 semaphore(%run_scoped3A_229 : memref<!tpu.dma_semaphore, #tpu.memory_space<semaphore_mem>>) src(%arg12 : memref<32x64xf32, #tpu.memory_space<vmem>>) dst(%dma_wait3A_237 : memref<32x64xf32, #tpu.memory_space<vmem_shared>>)
      tpu.yield
    }) : () -> ()
    %add3A_32 = arith.constant 192 : i32
    %add3A_33 = arith.addi %mul3A_0, %add3A_32 : i32
    "tpu.region"() ({
      %run_scoped3A_229 = tpu.sem_alloc : memref<!tpu.dma_semaphore, #tpu.memory_space<semaphore_mem>>
      %dma_start3A_230 = arith.constant 0 : i32
      %dma_start3A_231 = tpu.memref_slice %arg6[%add3A_33, %dma_start3A_230] : memref<10112x64xf32, #tpu.memory_space<vmem_shared>> -> memref<32x64xf32, #tpu.memory_space<vmem_shared>>
      %dma_start3A_232 = arith.constant 0 : i32
      %dma_start3A_233 = tpu.memref_slice %arg6[%add3A_33, %dma_start3A_232] : memref<10112x64xf32, #tpu.memory_space<vmem_shared>> -> memref<32x64xf32, #tpu.memory_space<vmem_shared>>
      tpu.enqueue_dma source(%arg12 : memref<32x64xf32, #tpu.memory_space<vmem>>) target(%dma_start3A_233 : memref<32x64xf32, #tpu.memory_space<vmem_shared>>) target_semaphore(%run_scoped3A_229 : memref<!tpu.dma_semaphore, #tpu.memory_space<semaphore_mem>>)
      %dma_wait3A_234 = arith.constant 0 : i32
      %dma_wait3A_235 = tpu.memref_slice %arg6[%add3A_33, %dma_wait3A_234] : memref<10112x64xf32, #tpu.memory_space<vmem_shared>> -> memref<32x64xf32, #tpu.memory_space<vmem_shared>>
      %dma_wait3A_236 = arith.constant 0 : i32
      %dma_wait3A_237 = tpu.memref_slice %arg6[%add3A_33, %dma_wait3A_236] : memref<10112x64xf32, #tpu.memory_space<vmem_shared>> -> memref<32x64xf32, #tpu.memory_space<vmem_shared>>
      tpu.wait_dma2 semaphore(%run_scoped3A_229 : memref<!tpu.dma_semaphore, #tpu.memory_space<semaphore_mem>>) src(%arg12 : memref<32x64xf32, #tpu.memory_space<vmem>>) dst(%dma_wait3A_237 : memref<32x64xf32, #tpu.memory_space<vmem_shared>>)
      tpu.yield
    }) : () -> ()
    %add3A_34 = arith.constant 224 : i32
    %add3A_35 = arith.addi %mul3A_0, %add3A_34 : i32
    "tpu.region"() ({
      %run_scoped3A_229 = tpu.sem_alloc : memref<!tpu.dma_semaphore, #tpu.memory_space<semaphore_mem>>
      %dma_start3A_230 = arith.constant 0 : i32
      %dma_start3A_231 = tpu.memref_slice %arg6[%add3A_35, %dma_start3A_230] : memref<10112x64xf32, #tpu.memory_space<vmem_shared>> -> memref<32x64xf32, #tpu.memory_space<vmem_shared>>
      %dma_start3A_232 = arith.constant 0 : i32
      %dma_start3A_233 = tpu.memref_slice %arg6[%add3A_35, %dma_start3A_232] : memref<10112x64xf32, #tpu.memory_space<vmem_shared>> -> memref<32x64xf32, #tpu.memory_space<vmem_shared>>
      tpu.enqueue_dma source(%arg12 : memref<32x64xf32, #tpu.memory_space<vmem>>) target(%dma_start3A_233 : memref<32x64xf32, #tpu.memory_space<vmem_shared>>) target_semaphore(%run_scoped3A_229 : memref<!tpu.dma_semaphore, #tpu.memory_space<semaphore_mem>>)
      %dma_wait3A_234 = arith.constant 0 : i32
      %dma_wait3A_235 = tpu.memref_slice %arg6[%add3A_35, %dma_wait3A_234] : memref<10112x64xf32, #tpu.memory_space<vmem_shared>> -> memref<32x64xf32, #tpu.memory_space<vmem_shared>>
      %dma_wait3A_236 = arith.constant 0 : i32
      %dma_wait3A_237 = tpu.memref_slice %arg6[%add3A_35, %dma_wait3A_236] : memref<10112x64xf32, #tpu.memory_space<vmem_shared>> -> memref<32x64xf32, #tpu.memory_space<vmem_shared>>
      tpu.wait_dma2 semaphore(%run_scoped3A_229 : memref<!tpu.dma_semaphore, #tpu.memory_space<semaphore_mem>>) src(%arg12 : memref<32x64xf32, #tpu.memory_space<vmem>>) dst(%dma_wait3A_237 : memref<32x64xf32, #tpu.memory_space<vmem_shared>>)
      tpu.yield
    }) : () -> ()
    %add3A_36 = arith.constant 256 : i32
    %add3A_37 = arith.addi %mul3A_0, %add3A_36 : i32
    "tpu.region"() ({
      %run_scoped3A_229 = tpu.sem_alloc : memref<!tpu.dma_semaphore, #tpu.memory_space<semaphore_mem>>
      %dma_start3A_230 = arith.constant 0 : i32
      %dma_start3A_231 = tpu.memref_slice %arg6[%add3A_37, %dma_start3A_230] : memref<10112x64xf32, #tpu.memory_space<vmem_shared>> -> memref<32x64xf32, #tpu.memory_space<vmem_shared>>
      %dma_start3A_232 = arith.constant 0 : i32
      %dma_start3A_233 = tpu.memref_slice %arg6[%add3A_37, %dma_start3A_232] : memref<10112x64xf32, #tpu.memory_space<vmem_shared>> -> memref<32x64xf32, #tpu.memory_space<vmem_shared>>
      tpu.enqueue_dma source(%arg12 : memref<32x64xf32, #tpu.memory_space<vmem>>) target(%dma_start3A_233 : memref<32x64xf32, #tpu.memory_space<vmem_shared>>) target_semaphore(%run_scoped3A_229 : memref<!tpu.dma_semaphore, #tpu.memory_space<semaphore_mem>>)
      %dma_wait3A_234 = arith.constant 0 : i32
      %dma_wait3A_235 = tpu.memref_slice %arg6[%add3A_37, %dma_wait3A_234] : memref<10112x64xf32, #tpu.memory_space<vmem_shared>> -> memref<32x64xf32, #tpu.memory_space<vmem_shared>>
      %dma_wait3A_236 = arith.constant 0 : i32
      %dma_wait3A_237 = tpu.memref_slice %arg6[%add3A_37, %dma_wait3A_236] : memref<10112x64xf32, #tpu.memory_space<vmem_shared>> -> memref<32x64xf32, #tpu.memory_space<vmem_shared>>
      tpu.wait_dma2 semaphore(%run_scoped3A_229 : memref<!tpu.dma_semaphore, #tpu.memory_space<semaphore_mem>>) src(%arg12 : memref<32x64xf32, #tpu.memory_space<vmem>>) dst(%dma_wait3A_237 : memref<32x64xf32, #tpu.memory_space<vmem_shared>>)
      tpu.yield
    }) : () -> ()
    %add3A_38 = arith.constant 288 : i32
    %add3A_39 = arith.addi %mul3A_0, %add3A_38 : i32
    "tpu.region"() ({
      %run_scoped3A_229 = tpu.sem_alloc : memref<!tpu.dma_semaphore, #tpu.memory_space<semaphore_mem>>
      %dma_start3A_230 = arith.constant 0 : i32
      %dma_start3A_231 = tpu.memref_slice %arg6[%add3A_39, %dma_start3A_230] : memref<10112x64xf32, #tpu.memory_space<vmem_shared>> -> memref<32x64xf32, #tpu.memory_space<vmem_shared>>
      %dma_start3A_232 = arith.constant 0 : i32
      %dma_start3A_233 = tpu.memref_slice %arg6[%add3A_39, %dma_start3A_232] : memref<10112x64xf32, #tpu.memory_space<vmem_shared>> -> memref<32x64xf32, #tpu.memory_space<vmem_shared>>
      tpu.enqueue_dma source(%arg12 : memref<32x64xf32, #tpu.memory_space<vmem>>) target(%dma_start3A_233 : memref<32x64xf32, #tpu.memory_space<vmem_shared>>) target_semaphore(%run_scoped3A_229 : memref<!tpu.dma_semaphore, #tpu.memory_space<semaphore_mem>>)
      %dma_wait3A_234 = arith.constant 0 : i32
      %dma_wait3A_235 = tpu.memref_slice %arg6[%add3A_39, %dma_wait3A_234] : memref<10112x64xf32, #tpu.memory_space<vmem_shared>> -> memref<32x64xf32, #tpu.memory_space<vmem_shared>>
      %dma_wait3A_236 = arith.constant 0 : i32
      %dma_wait3A_237 = tpu.memref_slice %arg6[%add3A_39, %dma_wait3A_236] : memref<10112x64xf32, #tpu.memory_space<vmem_shared>> -> memref<32x64xf32, #tpu.memory_space<vmem_shared>>
      tpu.wait_dma2 semaphore(%run_scoped3A_229 : memref<!tpu.dma_semaphore, #tpu.memory_space<semaphore_mem>>) src(%arg12 : memref<32x64xf32, #tpu.memory_space<vmem>>) dst(%dma_wait3A_237 : memref<32x64xf32, #tpu.memory_space<vmem_shared>>)
      tpu.yield
    }) : () -> ()
    %add3A_40 = arith.constant 320 : i32
    %add3A_41 = arith.addi %mul3A_0, %add3A_40 : i32
    "tpu.region"() ({
      %run_scoped3A_229 = tpu.sem_alloc : memref<!tpu.dma_semaphore, #tpu.memory_space<semaphore_mem>>
      %dma_start3A_230 = arith.constant 0 : i32
      %dma_start3A_231 = tpu.memref_slice %arg6[%add3A_41, %dma_start3A_230] : memref<10112x64xf32, #tpu.memory_space<vmem_shared>> -> memref<32x64xf32, #tpu.memory_space<vmem_shared>>
      %dma_start3A_232 = arith.constant 0 : i32
      %dma_start3A_233 = tpu.memref_slice %arg6[%add3A_41, %dma_start3A_232] : memref<10112x64xf32, #tpu.memory_space<vmem_shared>> -> memref<32x64xf32, #tpu.memory_space<vmem_shared>>
      tpu.enqueue_dma source(%arg12 : memref<32x64xf32, #tpu.memory_space<vmem>>) target(%dma_start3A_233 : memref<32x64xf32, #tpu.memory_space<vmem_shared>>) target_semaphore(%run_scoped3A_229 : memref<!tpu.dma_semaphore, #tpu.memory_space<semaphore_mem>>)
      %dma_wait3A_234 = arith.constant 0 : i32
      %dma_wait3A_235 = tpu.memref_slice %arg6[%add3A_41, %dma_wait3A_234] : memref<10112x64xf32, #tpu.memory_space<vmem_shared>> -> memref<32x64xf32, #tpu.memory_space<vmem_shared>>
      %dma_wait3A_236 = arith.constant 0 : i32
      %dma_wait3A_237 = tpu.memref_slice %arg6[%add3A_41, %dma_wait3A_236] : memref<10112x64xf32, #tpu.memory_space<vmem_shared>> -> memref<32x64xf32, #tpu.memory_space<vmem_shared>>
      tpu.wait_dma2 semaphore(%run_scoped3A_229 : memref<!tpu.dma_semaphore, #tpu.memory_space<semaphore_mem>>) src(%arg12 : memref<32x64xf32, #tpu.memory_space<vmem>>) dst(%dma_wait3A_237 : memref<32x64xf32, #tpu.memory_space<vmem_shared>>)
      tpu.yield
    }) : () -> ()
    %add3A_42 = arith.constant 352 : i32
    %add3A_43 = arith.addi %mul3A_0, %add3A_42 : i32
    "tpu.region"() ({
      %run_scoped3A_229 = tpu.sem_alloc : memref<!tpu.dma_semaphore, #tpu.memory_space<semaphore_mem>>
      %dma_start3A_230 = arith.constant 0 : i32
      %dma_start3A_231 = tpu.memref_slice %arg6[%add3A_43, %dma_start3A_230] : memref<10112x64xf32, #tpu.memory_space<vmem_shared>> -> memref<32x64xf32, #tpu.memory_space<vmem_shared>>
      %dma_start3A_232 = arith.constant 0 : i32
      %dma_start3A_233 = tpu.memref_slice %arg6[%add3A_43, %dma_start3A_232] : memref<10112x64xf32, #tpu.memory_space<vmem_shared>> -> memref<32x64xf32, #tpu.memory_space<vmem_shared>>
      tpu.enqueue_dma source(%arg12 : memref<32x64xf32, #tpu.memory_space<vmem>>) target(%dma_start3A_233 : memref<32x64xf32, #tpu.memory_space<vmem_shared>>) target_semaphore(%run_scoped3A_229 : memref<!tpu.dma_semaphore, #tpu.memory_space<semaphore_mem>>)
      %dma_wait3A_234 = arith.constant 0 : i32
      %dma_wait3A_235 = tpu.memref_slice %arg6[%add3A_43, %dma_wait3A_234] : memref<10112x64xf32, #tpu.memory_space<vmem_shared>> -> memref<32x64xf32, #tpu.memory_space<vmem_shared>>
      %dma_wait3A_236 = arith.constant 0 : i32
      %dma_wait3A_237 = tpu.memref_slice %arg6[%add3A_43, %dma_wait3A_236] : memref<10112x64xf32, #tpu.memory_space<vmem_shared>> -> memref<32x64xf32, #tpu.memory_space<vmem_shared>>
      tpu.wait_dma2 semaphore(%run_scoped3A_229 : memref<!tpu.dma_semaphore, #tpu.memory_space<semaphore_mem>>) src(%arg12 : memref<32x64xf32, #tpu.memory_space<vmem>>) dst(%dma_wait3A_237 : memref<32x64xf32, #tpu.memory_space<vmem_shared>>)
      tpu.yield
    }) : () -> ()
    %add3A_44 = arith.constant 384 : i32
    %add3A_45 = arith.addi %mul3A_0, %add3A_44 : i32
    "tpu.region"() ({
      %run_scoped3A_229 = tpu.sem_alloc : memref<!tpu.dma_semaphore, #tpu.memory_space<semaphore_mem>>
      %dma_start3A_230 = arith.constant 0 : i32
      %dma_start3A_231 = tpu.memref_slice %arg6[%add3A_45, %dma_start3A_230] : memref<10112x64xf32, #tpu.memory_space<vmem_shared>> -> memref<32x64xf32, #tpu.memory_space<vmem_shared>>
      %dma_start3A_232 = arith.constant 0 : i32
      %dma_start3A_233 = tpu.memref_slice %arg6[%add3A_45, %dma_start3A_232] : memref<10112x64xf32, #tpu.memory_space<vmem_shared>> -> memref<32x64xf32, #tpu.memory_space<vmem_shared>>
      tpu.enqueue_dma source(%arg12 : memref<32x64xf32, #tpu.memory_space<vmem>>) target(%dma_start3A_233 : memref<32x64xf32, #tpu.memory_space<vmem_shared>>) target_semaphore(%run_scoped3A_229 : memref<!tpu.dma_semaphore, #tpu.memory_space<semaphore_mem>>)
      %dma_wait3A_234 = arith.constant 0 : i32
      %dma_wait3A_235 = tpu.memref_slice %arg6[%add3A_45, %dma_wait3A_234] : memref<10112x64xf32, #tpu.memory_space<vmem_shared>> -> memref<32x64xf32, #tpu.memory_space<vmem_shared>>
      %dma_wait3A_236 = arith.constant 0 : i32
      %dma_wait3A_237 = tpu.memref_slice %arg6[%add3A_45, %dma_wait3A_236] : memref<10112x64xf32, #tpu.memory_space<vmem_shared>> -> memref<32x64xf32, #tpu.memory_space<vmem_shared>>
      tpu.wait_dma2 semaphore(%run_scoped3A_229 : memref<!tpu.dma_semaphore, #tpu.memory_space<semaphore_mem>>) src(%arg12 : memref<32x64xf32, #tpu.memory_space<vmem>>) dst(%dma_wait3A_237 : memref<32x64xf32, #tpu.memory_space<vmem_shared>>)
      tpu.yield
    }) : () -> ()
    %add3A_46 = arith.constant 416 : i32
    %add3A_47 = arith.addi %mul3A_0, %add3A_46 : i32
    "tpu.region"() ({
      %run_scoped3A_229 = tpu.sem_alloc : memref<!tpu.dma_semaphore, #tpu.memory_space<semaphore_mem>>
      %dma_start3A_230 = arith.constant 0 : i32
      %dma_start3A_231 = tpu.memref_slice %arg6[%add3A_47, %dma_start3A_230] : memref<10112x64xf32, #tpu.memory_space<vmem_shared>> -> memref<32x64xf32, #tpu.memory_space<vmem_shared>>
      %dma_start3A_232 = arith.constant 0 : i32
      %dma_start3A_233 = tpu.memref_slice %arg6[%add3A_47, %dma_start3A_232] : memref<10112x64xf32, #tpu.memory_space<vmem_shared>> -> memref<32x64xf32, #tpu.memory_space<vmem_shared>>
      tpu.enqueue_dma source(%arg12 : memref<32x64xf32, #tpu.memory_space<vmem>>) target(%dma_start3A_233 : memref<32x64xf32, #tpu.memory_space<vmem_shared>>) target_semaphore(%run_scoped3A_229 : memref<!tpu.dma_semaphore, #tpu.memory_space<semaphore_mem>>)
      %dma_wait3A_234 = arith.constant 0 : i32
      %dma_wait3A_235 = tpu.memref_slice %arg6[%add3A_47, %dma_wait3A_234] : memref<10112x64xf32, #tpu.memory_space<vmem_shared>> -> memref<32x64xf32, #tpu.memory_space<vmem_shared>>
      %dma_wait3A_236 = arith.constant 0 : i32
      %dma_wait3A_237 = tpu.memref_slice %arg6[%add3A_47, %dma_wait3A_236] : memref<10112x64xf32, #tpu.memory_space<vmem_shared>> -> memref<32x64xf32, #tpu.memory_space<vmem_shared>>
      tpu.wait_dma2 semaphore(%run_scoped3A_229 : memref<!tpu.dma_semaphore, #tpu.memory_space<semaphore_mem>>) src(%arg12 : memref<32x64xf32, #tpu.memory_space<vmem>>) dst(%dma_wait3A_237 : memref<32x64xf32, #tpu.memory_space<vmem_shared>>)
      tpu.yield
    }) : () -> ()
    %add3A_48 = arith.constant 448 : i32
    %add3A_49 = arith.addi %mul3A_0, %add3A_48 : i32
    "tpu.region"() ({
      %run_scoped3A_229 = tpu.sem_alloc : memref<!tpu.dma_semaphore, #tpu.memory_space<semaphore_mem>>
      %dma_start3A_230 = arith.constant 0 : i32
      %dma_start3A_231 = tpu.memref_slice %arg6[%add3A_49, %dma_start3A_230] : memref<10112x64xf32, #tpu.memory_space<vmem_shared>> -> memref<32x64xf32, #tpu.memory_space<vmem_shared>>
      %dma_start3A_232 = arith.constant 0 : i32
      %dma_start3A_233 = tpu.memref_slice %arg6[%add3A_49, %dma_start3A_232] : memref<10112x64xf32, #tpu.memory_space<vmem_shared>> -> memref<32x64xf32, #tpu.memory_space<vmem_shared>>
      tpu.enqueue_dma source(%arg12 : memref<32x64xf32, #tpu.memory_space<vmem>>) target(%dma_start3A_233 : memref<32x64xf32, #tpu.memory_space<vmem_shared>>) target_semaphore(%run_scoped3A_229 : memref<!tpu.dma_semaphore, #tpu.memory_space<semaphore_mem>>)
      %dma_wait3A_234 = arith.constant 0 : i32
      %dma_wait3A_235 = tpu.memref_slice %arg6[%add3A_49, %dma_wait3A_234] : memref<10112x64xf32, #tpu.memory_space<vmem_shared>> -> memref<32x64xf32, #tpu.memory_space<vmem_shared>>
      %dma_wait3A_236 = arith.constant 0 : i32
      %dma_wait3A_237 = tpu.memref_slice %arg6[%add3A_49, %dma_wait3A_236] : memref<10112x64xf32, #tpu.memory_space<vmem_shared>> -> memref<32x64xf32, #tpu.memory_space<vmem_shared>>
      tpu.wait_dma2 semaphore(%run_scoped3A_229 : memref<!tpu.dma_semaphore, #tpu.memory_space<semaphore_mem>>) src(%arg12 : memref<32x64xf32, #tpu.memory_space<vmem>>) dst(%dma_wait3A_237 : memref<32x64xf32, #tpu.memory_space<vmem_shared>>)
      tpu.yield
    }) : () -> ()
    %add3A_50 = arith.constant 480 : i32
    %add3A_51 = arith.addi %mul3A_0, %add3A_50 : i32
    "tpu.region"() ({
      %run_scoped3A_229 = tpu.sem_alloc : memref<!tpu.dma_semaphore, #tpu.memory_space<semaphore_mem>>
      %dma_start3A_230 = arith.constant 0 : i32
      %dma_start3A_231 = tpu.memref_slice %arg6[%add3A_51, %dma_start3A_230] : memref<10112x64xf32, #tpu.memory_space<vmem_shared>> -> memref<32x64xf32, #tpu.memory_space<vmem_shared>>
      %dma_start3A_232 = arith.constant 0 : i32
      %dma_start3A_233 = tpu.memref_slice %arg6[%add3A_51, %dma_start3A_232] : memref<10112x64xf32, #tpu.memory_space<vmem_shared>> -> memref<32x64xf32, #tpu.memory_space<vmem_shared>>
      tpu.enqueue_dma source(%arg12 : memref<32x64xf32, #tpu.memory_space<vmem>>) target(%dma_start3A_233 : memref<32x64xf32, #tpu.memory_space<vmem_shared>>) target_semaphore(%run_scoped3A_229 : memref<!tpu.dma_semaphore, #tpu.memory_space<semaphore_mem>>)
      %dma_wait3A_234 = arith.constant 0 : i32
      %dma_wait3A_235 = tpu.memref_slice %arg6[%add3A_51, %dma_wait3A_234] : memref<10112x64xf32, #tpu.memory_space<vmem_shared>> -> memref<32x64xf32, #tpu.memory_space<vmem_shared>>
      %dma_wait3A_236 = arith.constant 0 : i32
      %dma_wait3A_237 = tpu.memref_slice %arg6[%add3A_51, %dma_wait3A_236] : memref<10112x64xf32, #tpu.memory_space<vmem_shared>> -> memref<32x64xf32, #tpu.memory_space<vmem_shared>>
      tpu.wait_dma2 semaphore(%run_scoped3A_229 : memref<!tpu.dma_semaphore, #tpu.memory_space<semaphore_mem>>) src(%arg12 : memref<32x64xf32, #tpu.memory_space<vmem>>) dst(%dma_wait3A_237 : memref<32x64xf32, #tpu.memory_space<vmem_shared>>)
      tpu.yield
    }) : () -> ()
    %add3A_52 = arith.constant 512 : i32
    %add3A_53 = arith.addi %mul3A_0, %add3A_52 : i32
    "tpu.region"() ({
      %run_scoped3A_229 = tpu.sem_alloc : memref<!tpu.dma_semaphore, #tpu.memory_space<semaphore_mem>>
      %dma_start3A_230 = arith.constant 0 : i32
      %dma_start3A_231 = tpu.memref_slice %arg6[%add3A_53, %dma_start3A_230] : memref<10112x64xf32, #tpu.memory_space<vmem_shared>> -> memref<32x64xf32, #tpu.memory_space<vmem_shared>>
      %dma_start3A_232 = arith.constant 0 : i32
      %dma_start3A_233 = tpu.memref_slice %arg6[%add3A_53, %dma_start3A_232] : memref<10112x64xf32, #tpu.memory_space<vmem_shared>> -> memref<32x64xf32, #tpu.memory_space<vmem_shared>>
      tpu.enqueue_dma source(%arg12 : memref<32x64xf32, #tpu.memory_space<vmem>>) target(%dma_start3A_233 : memref<32x64xf32, #tpu.memory_space<vmem_shared>>) target_semaphore(%run_scoped3A_229 : memref<!tpu.dma_semaphore, #tpu.memory_space<semaphore_mem>>)
      %dma_wait3A_234 = arith.constant 0 : i32
      %dma_wait3A_235 = tpu.memref_slice %arg6[%add3A_53, %dma_wait3A_234] : memref<10112x64xf32, #tpu.memory_space<vmem_shared>> -> memref<32x64xf32, #tpu.memory_space<vmem_shared>>
      %dma_wait3A_236 = arith.constant 0 : i32
      %dma_wait3A_237 = tpu.memref_slice %arg6[%add3A_53, %dma_wait3A_236] : memref<10112x64xf32, #tpu.memory_space<vmem_shared>> -> memref<32x64xf32, #tpu.memory_space<vmem_shared>>
      tpu.wait_dma2 semaphore(%run_scoped3A_229 : memref<!tpu.dma_semaphore, #tpu.memory_space<semaphore_mem>>) src(%arg12 : memref<32x64xf32, #tpu.memory_space<vmem>>) dst(%dma_wait3A_237 : memref<32x64xf32, #tpu.memory_space<vmem_shared>>)
      tpu.yield
    }) : () -> ()
    %add3A_54 = arith.constant 544 : i32
    %add3A_55 = arith.addi %mul3A_0, %add3A_54 : i32
    "tpu.region"() ({
      %run_scoped3A_229 = tpu.sem_alloc : memref<!tpu.dma_semaphore, #tpu.memory_space<semaphore_mem>>
      %dma_start3A_230 = arith.constant 0 : i32
      %dma_start3A_231 = tpu.memref_slice %arg6[%add3A_55, %dma_start3A_230] : memref<10112x64xf32, #tpu.memory_space<vmem_shared>> -> memref<32x64xf32, #tpu.memory_space<vmem_shared>>
      %dma_start3A_232 = arith.constant 0 : i32
      %dma_start3A_233 = tpu.memref_slice %arg6[%add3A_55, %dma_start3A_232] : memref<10112x64xf32, #tpu.memory_space<vmem_shared>> -> memref<32x64xf32, #tpu.memory_space<vmem_shared>>
      tpu.enqueue_dma source(%arg12 : memref<32x64xf32, #tpu.memory_space<vmem>>) target(%dma_start3A_233 : memref<32x64xf32, #tpu.memory_space<vmem_shared>>) target_semaphore(%run_scoped3A_229 : memref<!tpu.dma_semaphore, #tpu.memory_space<semaphore_mem>>)
      %dma_wait3A_234 = arith.constant 0 : i32
      %dma_wait3A_235 = tpu.memref_slice %arg6[%add3A_55, %dma_wait3A_234] : memref<10112x64xf32, #tpu.memory_space<vmem_shared>> -> memref<32x64xf32, #tpu.memory_space<vmem_shared>>
      %dma_wait3A_236 = arith.constant 0 : i32
      %dma_wait3A_237 = tpu.memref_slice %arg6[%add3A_55, %dma_wait3A_236] : memref<10112x64xf32, #tpu.memory_space<vmem_shared>> -> memref<32x64xf32, #tpu.memory_space<vmem_shared>>
      tpu.wait_dma2 semaphore(%run_scoped3A_229 : memref<!tpu.dma_semaphore, #tpu.memory_space<semaphore_mem>>) src(%arg12 : memref<32x64xf32, #tpu.memory_space<vmem>>) dst(%dma_wait3A_237 : memref<32x64xf32, #tpu.memory_space<vmem_shared>>)
      tpu.yield
    }) : () -> ()
    %add3A_56 = arith.constant 576 : i32
    %add3A_57 = arith.addi %mul3A_0, %add3A_56 : i32
    "tpu.region"() ({
      %run_scoped3A_229 = tpu.sem_alloc : memref<!tpu.dma_semaphore, #tpu.memory_space<semaphore_mem>>
      %dma_start3A_230 = arith.constant 0 : i32
      %dma_start3A_231 = tpu.memref_slice %arg6[%add3A_57, %dma_start3A_230] : memref<10112x64xf32, #tpu.memory_space<vmem_shared>> -> memref<32x64xf32, #tpu.memory_space<vmem_shared>>
      %dma_start3A_232 = arith.constant 0 : i32
      %dma_start3A_233 = tpu.memref_slice %arg6[%add3A_57, %dma_start3A_232] : memref<10112x64xf32, #tpu.memory_space<vmem_shared>> -> memref<32x64xf32, #tpu.memory_space<vmem_shared>>
      tpu.enqueue_dma source(%arg12 : memref<32x64xf32, #tpu.memory_space<vmem>>) target(%dma_start3A_233 : memref<32x64xf32, #tpu.memory_space<vmem_shared>>) target_semaphore(%run_scoped3A_229 : memref<!tpu.dma_semaphore, #tpu.memory_space<semaphore_mem>>)
      %dma_wait3A_234 = arith.constant 0 : i32
      %dma_wait3A_235 = tpu.memref_slice %arg6[%add3A_57, %dma_wait3A_234] : memref<10112x64xf32, #tpu.memory_space<vmem_shared>> -> memref<32x64xf32, #tpu.memory_space<vmem_shared>>
      %dma_wait3A_236 = arith.constant 0 : i32
      %dma_wait3A_237 = tpu.memref_slice %arg6[%add3A_57, %dma_wait3A_236] : memref<10112x64xf32, #tpu.memory_space<vmem_shared>> -> memref<32x64xf32, #tpu.memory_space<vmem_shared>>
      tpu.wait_dma2 semaphore(%run_scoped3A_229 : memref<!tpu.dma_semaphore, #tpu.memory_space<semaphore_mem>>) src(%arg12 : memref<32x64xf32, #tpu.memory_space<vmem>>) dst(%dma_wait3A_237 : memref<32x64xf32, #tpu.memory_space<vmem_shared>>)
      tpu.yield
    }) : () -> ()
    %add3A_58 = arith.constant 608 : i32
    %add3A_59 = arith.addi %mul3A_0, %add3A_58 : i32
    "tpu.region"() ({
      %run_scoped3A_229 = tpu.sem_alloc : memref<!tpu.dma_semaphore, #tpu.memory_space<semaphore_mem>>
      %dma_start3A_230 = arith.constant 0 : i32
      %dma_start3A_231 = arith.constant 0 : i32
      %dma_start3A_232 = tpu.memref_slice %arg12[%dma_start3A_230, %dma_start3A_231] : memref<32x64xf32, #tpu.memory_space<vmem>> -> memref<24x64xf32, #tpu.memory_space<vmem>>
      %dma_start3A_233 = arith.constant 0 : i32
      %dma_start3A_234 = tpu.memref_slice %arg6[%add3A_59, %dma_start3A_233] : memref<10112x64xf32, #tpu.memory_space<vmem_shared>> -> memref<24x64xf32, #tpu.memory_space<vmem_shared>>
      %dma_start3A_235 = arith.constant 0 : i32
      %dma_start3A_236 = tpu.memref_slice %arg6[%add3A_59, %dma_start3A_235] : memref<10112x64xf32, #tpu.memory_space<vmem_shared>> -> memref<24x64xf32, #tpu.memory_space<vmem_shared>>
      %dma_start3A_237 = arith.constant 0 : i32
      %dma_start3A_238 = arith.constant 0 : i32
      %dma_start3A_239 = tpu.memref_slice %arg12[%dma_start3A_237, %dma_start3A_238] : memref<32x64xf32, #tpu.memory_space<vmem>> -> memref<24x64xf32, #tpu.memory_space<vmem>>
      tpu.enqueue_dma source(%dma_start3A_239 : memref<24x64xf32, #tpu.memory_space<vmem>>) target(%dma_start3A_236 : memref<24x64xf32, #tpu.memory_space<vmem_shared>>) target_semaphore(%run_scoped3A_229 : memref<!tpu.dma_semaphore, #tpu.memory_space<semaphore_mem>>)
      %dma_wait3A_240 = arith.constant 0 : i32
      %dma_wait3A_241 = arith.constant 0 : i32
      %dma_wait3A_242 = tpu.memref_slice %arg12[%dma_wait3A_240, %dma_wait3A_241] : memref<32x64xf32, #tpu.memory_space<vmem>> -> memref<24x64xf32, #tpu.memory_space<vmem>>
      %dma_wait3A_243 = arith.constant 0 : i32
      %dma_wait3A_244 = tpu.memref_slice %arg6[%add3A_59, %dma_wait3A_243] : memref<10112x64xf32, #tpu.memory_space<vmem_shared>> -> memref<24x64xf32, #tpu.memory_space<vmem_shared>>
      %dma_wait3A_245 = arith.constant 0 : i32
      %dma_wait3A_246 = tpu.memref_slice %arg6[%add3A_59, %dma_wait3A_245] : memref<10112x64xf32, #tpu.memory_space<vmem_shared>> -> memref<24x64xf32, #tpu.memory_space<vmem_shared>>
      %dma_wait3A_247 = arith.constant 0 : i32
      %dma_wait3A_248 = arith.constant 0 : i32
      %dma_wait3A_249 = tpu.memref_slice %arg12[%dma_wait3A_247, %dma_wait3A_248] : memref<32x64xf32, #tpu.memory_space<vmem>> -> memref<24x64xf32, #tpu.memory_space<vmem>>
      tpu.wait_dma2 semaphore(%run_scoped3A_229 : memref<!tpu.dma_semaphore, #tpu.memory_space<semaphore_mem>>) src(%dma_wait3A_249 : memref<24x64xf32, #tpu.memory_space<vmem>>) dst(%dma_wait3A_246 : memref<24x64xf32, #tpu.memory_space<vmem_shared>>)
      tpu.yield
    }) : () -> ()
    %barrier3A = arith.constant 0 : index
    tpu.barrier barrier_id(%barrier3A)
    %broadcast_in_dim3A_60 = arith.constant 1.000000e+00 : f32
    %broadcast_in_dim3A_61 = vector.broadcast %broadcast_in_dim3A_60 : f32 to vector<16xf32>
    %mul3A_62 = arith.constant 160 : i32
    %mul3A_63 = arith.muli %arg1, %mul3A_62 : i32
    %add3A_64 = arith.constant 0 : i32
    %add3A_65 = arith.addi %mul3A_63, %add3A_64 : i32
    %run_scoped3A = arith.constant 0 : i32
    "tpu.region"() ({
      %run_scoped3A_229 = tpu.sem_alloc : memref<!tpu.dma_semaphore, #tpu.memory_space<semaphore_mem>>
      %dma_start3A_230 = arith.constant 0 : i32
      %dma_start3A_231 = tpu.memref_slice %arg3[%run_scoped3A, %add3A_65, %dma_start3A_230] : memref<2x2560x128xi32, #tpu.memory_space<hbm>> -> memref<1x40x128xi32, #tpu.memory_space<hbm>>
      %dma_start3A_232 = tpu.memref_squeeze %dma_start3A_231 : memref<1x40x128xi32, #tpu.memory_space<hbm>> -> memref<40x128xi32, #tpu.memory_space<hbm>>
      %dma_start3A_233 = arith.constant 0 : i32
      %dma_start3A_234 = tpu.memref_slice %arg3[%run_scoped3A, %add3A_65, %dma_start3A_233] : memref<2x2560x128xi32, #tpu.memory_space<hbm>> -> memref<1x40x128xi32, #tpu.memory_space<hbm>>
      %dma_start3A_235 = tpu.memref_squeeze %dma_start3A_234 : memref<1x40x128xi32, #tpu.memory_space<hbm>> -> memref<40x128xi32, #tpu.memory_space<hbm>>
      tpu.enqueue_dma source(%dma_start3A_235 : memref<40x128xi32, #tpu.memory_space<hbm>>) target(%arg8 : memref<40x128xi32, #tpu.memory_space<vmem>>) target_semaphore(%run_scoped3A_229 : memref<!tpu.dma_semaphore, #tpu.memory_space<semaphore_mem>>)
      %dma_wait3A_236 = arith.constant 0 : i32
      %dma_wait3A_237 = tpu.memref_slice %arg3[%run_scoped3A, %add3A_65, %dma_wait3A_236] : memref<2x2560x128xi32, #tpu.memory_space<hbm>> -> memref<1x40x128xi32, #tpu.memory_space<hbm>>
      %dma_wait3A_238 = tpu.memref_squeeze %dma_wait3A_237 : memref<1x40x128xi32, #tpu.memory_space<hbm>> -> memref<40x128xi32, #tpu.memory_space<hbm>>
      %dma_wait3A_239 = arith.constant 0 : i32
      %dma_wait3A_240 = tpu.memref_slice %arg3[%run_scoped3A, %add3A_65, %dma_wait3A_239] : memref<2x2560x128xi32, #tpu.memory_space<hbm>> -> memref<1x40x128xi32, #tpu.memory_space<hbm>>
      %dma_wait3A_241 = tpu.memref_squeeze %dma_wait3A_240 : memref<1x40x128xi32, #tpu.memory_space<hbm>> -> memref<40x128xi32, #tpu.memory_space<hbm>>
      tpu.wait_dma2 semaphore(%run_scoped3A_229 : memref<!tpu.dma_semaphore, #tpu.memory_space<semaphore_mem>>) src(%dma_wait3A_241 : memref<40x128xi32, #tpu.memory_space<hbm>>) dst(%arg8 : memref<40x128xi32, #tpu.memory_space<vmem>>)
      tpu.yield
    }) : () -> ()
    %run_scoped3A_66 = arith.constant 1 : i32
    "tpu.region"() ({
      %run_scoped3A_229 = tpu.sem_alloc : memref<!tpu.dma_semaphore, #tpu.memory_space<semaphore_mem>>
      %dma_start3A_230 = arith.constant 0 : i32
      %dma_start3A_231 = tpu.memref_slice %arg3[%run_scoped3A_66, %add3A_65, %dma_start3A_230] : memref<2x2560x128xi32, #tpu.memory_space<hbm>> -> memref<1x40x128xi32, #tpu.memory_space<hbm>>
      %dma_start3A_232 = tpu.memref_squeeze %dma_start3A_231 : memref<1x40x128xi32, #tpu.memory_space<hbm>> -> memref<40x128xi32, #tpu.memory_space<hbm>>
      %dma_start3A_233 = arith.constant 0 : i32
      %dma_start3A_234 = tpu.memref_slice %arg3[%run_scoped3A_66, %add3A_65, %dma_start3A_233] : memref<2x2560x128xi32, #tpu.memory_space<hbm>> -> memref<1x40x128xi32, #tpu.memory_space<hbm>>
      %dma_start3A_235 = tpu.memref_squeeze %dma_start3A_234 : memref<1x40x128xi32, #tpu.memory_space<hbm>> -> memref<40x128xi32, #tpu.memory_space<hbm>>
      tpu.enqueue_dma source(%dma_start3A_235 : memref<40x128xi32, #tpu.memory_space<hbm>>) target(%arg9 : memref<40x128xi32, #tpu.memory_space<vmem>>) target_semaphore(%run_scoped3A_229 : memref<!tpu.dma_semaphore, #tpu.memory_space<semaphore_mem>>)
      %dma_wait3A_236 = arith.constant 0 : i32
      %dma_wait3A_237 = tpu.memref_slice %arg3[%run_scoped3A_66, %add3A_65, %dma_wait3A_236] : memref<2x2560x128xi32, #tpu.memory_space<hbm>> -> memref<1x40x128xi32, #tpu.memory_space<hbm>>
      %dma_wait3A_238 = tpu.memref_squeeze %dma_wait3A_237 : memref<1x40x128xi32, #tpu.memory_space<hbm>> -> memref<40x128xi32, #tpu.memory_space<hbm>>
      %dma_wait3A_239 = arith.constant 0 : i32
      %dma_wait3A_240 = tpu.memref_slice %arg3[%run_scoped3A_66, %add3A_65, %dma_wait3A_239] : memref<2x2560x128xi32, #tpu.memory_space<hbm>> -> memref<1x40x128xi32, #tpu.memory_space<hbm>>
      %dma_wait3A_241 = tpu.memref_squeeze %dma_wait3A_240 : memref<1x40x128xi32, #tpu.memory_space<hbm>> -> memref<40x128xi32, #tpu.memory_space<hbm>>
      tpu.wait_dma2 semaphore(%run_scoped3A_229 : memref<!tpu.dma_semaphore, #tpu.memory_space<semaphore_mem>>) src(%dma_wait3A_241 : memref<40x128xi32, #tpu.memory_space<hbm>>) dst(%arg9 : memref<40x128xi32, #tpu.memory_space<vmem>>)
      tpu.yield
    }) : () -> ()
    %dma_start3A = arith.constant 0 : i32
    %dma_start3A_67 = arith.constant 0 : i32
    %dma_start3A_68 = tpu.memref_slice %arg8[%dma_start3A, %dma_start3A_67] : memref<40x128xi32, #tpu.memory_space<vmem>> -> memref<1x128xi32, #tpu.memory_space<vmem>>
    %dma_start3A_69 = tpu.memref_squeeze %dma_start3A_68 : memref<1x128xi32, #tpu.memory_space<vmem>> -> memref<128xi32, #tpu.memory_space<vmem>>
    %dma_start3A_70 = arith.constant 0 : i32
    %dma_start3A_71 = arith.constant 0 : i32
    %dma_start3A_72 = tpu.memref_slice %arg7[%dma_start3A_70, %dma_start3A_71] : memref<10112x64xf32, #tpu.memory_space<vmem_shared>> -> memref<10112x64xf32, #tpu.memory_space<vmem_shared>>
    tpu.enqueue_indirect_dma source(%dma_start3A_72 : memref<10112x64xf32, #tpu.memory_space<vmem_shared>>) target(%arg10 : memref<128x64xf32, #tpu.memory_space<vmem>>) offsets(%dma_start3A_69 : memref<128xi32, #tpu.memory_space<vmem>>) semaphore(%arg13 : memref<!tpu.dma_semaphore, #tpu.memory_space<semaphore_mem>>)
    %dma_start3A_73 = arith.constant 1 : i32
    %dma_start3A_74 = arith.constant 0 : i32
    %dma_start3A_75 = tpu.memref_slice %arg8[%dma_start3A_73, %dma_start3A_74] : memref<40x128xi32, #tpu.memory_space<vmem>> -> memref<1x128xi32, #tpu.memory_space<vmem>>
    %dma_start3A_76 = tpu.memref_squeeze %dma_start3A_75 : memref<1x128xi32, #tpu.memory_space<vmem>> -> memref<128xi32, #tpu.memory_space<vmem>>
    %dma_start3A_77 = arith.constant 0 : i32
    %dma_start3A_78 = arith.constant 0 : i32
    %dma_start3A_79 = tpu.memref_slice %arg7[%dma_start3A_77, %dma_start3A_78] : memref<10112x64xf32, #tpu.memory_space<vmem_shared>> -> memref<10112x64xf32, #tpu.memory_space<vmem_shared>>
    tpu.enqueue_indirect_dma source(%dma_start3A_79 : memref<10112x64xf32, #tpu.memory_space<vmem_shared>>) target(%arg11 : memref<128x64xf32, #tpu.memory_space<vmem>>) offsets(%dma_start3A_76 : memref<128xi32, #tpu.memory_space<vmem>>) semaphore(%arg14 : memref<!tpu.dma_semaphore, #tpu.memory_space<semaphore_mem>>)
    %scan3A_80 = arith.constant 0 : i32
    %scan3A_81 = arith.constant 0 : i32
    %scan3A_82 = arith.constant 20 : i32
    %scan3A_83 = arith.addi %scan3A_81, %scan3A_82 : i32
    %scan3A_84 = arith.constant 1 : i32
    %scan3A_85 = scf.for %scan3A_229 = %scan3A_81 to %scan3A_83 step %scan3A_84 iter_args(%scan3A_230 = %scan3A_80) -> (i32)  : i32 {
      %mul3A_231 = arith.constant 2 : i32
      %mul3A_232 = arith.muli %mul3A_231, %scan3A_229 : i32
      %add3A_233 = arith.constant 0 : i32
      %add3A_234 = arith.addi %mul3A_232, %add3A_233 : i32
      %dma_wait3A_235 = arith.constant 0 : i32
      %dma_wait3A_236 = tpu.memref_slice %arg8[%add3A_234, %dma_wait3A_235] : memref<40x128xi32, #tpu.memory_space<vmem>> -> memref<1x128xi32, #tpu.memory_space<vmem>>
      %dma_wait3A_237 = tpu.memref_squeeze %dma_wait3A_236 : memref<1x128xi32, #tpu.memory_space<vmem>> -> memref<128xi32, #tpu.memory_space<vmem>>
      %dma_wait3A_238 = arith.constant 0 : i32
      %dma_wait3A_239 = arith.constant 0 : i32
      %dma_wait3A_240 = tpu.memref_slice %arg7[%dma_wait3A_238, %dma_wait3A_239] : memref<10112x64xf32, #tpu.memory_space<vmem_shared>> -> memref<10112x64xf32, #tpu.memory_space<vmem_shared>>
      tpu.wait_indirect_dma semaphore(%arg13 : memref<!tpu.dma_semaphore, #tpu.memory_space<semaphore_mem>>) src(%dma_wait3A_240 : memref<10112x64xf32, #tpu.memory_space<vmem_shared>>) dst(%arg10 : memref<128x64xf32, #tpu.memory_space<vmem>>)
      %add3A_241 = arith.constant 0 : i32
      %add3A_242 = arith.addi %mul3A_232, %add3A_241 : i32
      %dma_start3A_243 = arith.constant 0 : i32
      %dma_start3A_244 = tpu.memref_slice %arg9[%add3A_242, %dma_start3A_243] : memref<40x128xi32, #tpu.memory_space<vmem>> -> memref<1x128xi32, #tpu.memory_space<vmem>>
      %dma_start3A_245 = tpu.memref_squeeze %dma_start3A_244 : memref<1x128xi32, #tpu.memory_space<vmem>> -> memref<128xi32, #tpu.memory_space<vmem>>
      %dma_start3A_246 = arith.constant 0 : i32
      %dma_start3A_247 = arith.constant 0 : i32
      %dma_start3A_248 = tpu.memref_slice %arg6[%dma_start3A_246, %dma_start3A_247] : memref<10112x64xf32, #tpu.memory_space<vmem_shared>> -> memref<10112x64xf32, #tpu.memory_space<vmem_shared>>
      tpu.enqueue_indirect_dma source(%arg10 : memref<128x64xf32, #tpu.memory_space<vmem>>) target(%dma_start3A_248 : memref<10112x64xf32, #tpu.memory_space<vmem_shared>>) offsets(%dma_start3A_245 : memref<128xi32, #tpu.memory_space<vmem>>) semaphore(%arg15 : memref<!tpu.dma_semaphore, #tpu.memory_space<semaphore_mem>>) {add = true}
      %add3A_249 = arith.constant 0 : i32
      %add3A_250 = arith.addi %mul3A_232, %add3A_249 : i32
      %eq3A_251 = arith.constant 0 : i32
      %eq3A_252 = arith.cmpi eq, %arg0, %eq3A_251 : i32
      %convert_element_type3A_253 = arith.extui %eq3A_252 : i1 to i32
      %cond3A_254 = arith.constant 0 : i32
      %cond3A_255 = arith.cmpi ne, %convert_element_type3A_253, %cond3A_254 : i32
      scf.if %cond3A_255 {
        %get3A = arith.index_cast %add3A_250 : i32 to index
        %get3A_319 = arith.constant 0 : index
        %get3A_320 = tpu.vector_load %arg9[%get3A, %get3A_319] {strides = array<i32>} : memref<40x128xi32, #tpu.memory_space<vmem>>, vector<16xi32>,
        tpu.vector_store_idx %arg17[%get3A_320], %broadcast_in_dim3A_61 {add = true} : memref<10112xf32, #tpu.memory_space<vmem>>[vector<16xi32>], vector<16xf32>,
        %get3A_321 = arith.index_cast %add3A_250 : i32 to index
        %get3A_322 = arith.constant 16 : index
        %get3A_323 = tpu.vector_load %arg9[%get3A_321, %get3A_322] {strides = array<i32>} : memref<40x128xi32, #tpu.memory_space<vmem>>, vector<16xi32>,
        tpu.vector_store_idx %arg17[%get3A_323], %broadcast_in_dim3A_61 {add = true} : memref<10112xf32, #tpu.memory_space<vmem>>[vector<16xi32>], vector<16xf32>,
        %get3A_324 = arith.index_cast %add3A_250 : i32 to index
        %get3A_325 = arith.constant 32 : index
        %get3A_326 = tpu.vector_load %arg9[%get3A_324, %get3A_325] {strides = array<i32>} : memref<40x128xi32, #tpu.memory_space<vmem>>, vector<16xi32>,
        tpu.vector_store_idx %arg17[%get3A_326], %broadcast_in_dim3A_61 {add = true} : memref<10112xf32, #tpu.memory_space<vmem>>[vector<16xi32>], vector<16xf32>,
        %get3A_327 = arith.index_cast %add3A_250 : i32 to index
        %get3A_328 = arith.constant 48 : index
        %get3A_329 = tpu.vector_load %arg9[%get3A_327, %get3A_328] {strides = array<i32>} : memref<40x128xi32, #tpu.memory_space<vmem>>, vector<16xi32>,
        tpu.vector_store_idx %arg17[%get3A_329], %broadcast_in_dim3A_61 {add = true} : memref<10112xf32, #tpu.memory_space<vmem>>[vector<16xi32>], vector<16xf32>,
        %get3A_330 = arith.index_cast %add3A_250 : i32 to index
        %get3A_331 = arith.constant 64 : index
        %get3A_332 = tpu.vector_load %arg9[%get3A_330, %get3A_331] {strides = array<i32>} : memref<40x128xi32, #tpu.memory_space<vmem>>, vector<16xi32>,
        tpu.vector_store_idx %arg17[%get3A_332], %broadcast_in_dim3A_61 {add = true} : memref<10112xf32, #tpu.memory_space<vmem>>[vector<16xi32>], vector<16xf32>,
        %get3A_333 = arith.index_cast %add3A_250 : i32 to index
        %get3A_334 = arith.constant 80 : index
        %get3A_335 = tpu.vector_load %arg9[%get3A_333, %get3A_334] {strides = array<i32>} : memref<40x128xi32, #tpu.memory_space<vmem>>, vector<16xi32>,
        tpu.vector_store_idx %arg17[%get3A_335], %broadcast_in_dim3A_61 {add = true} : memref<10112xf32, #tpu.memory_space<vmem>>[vector<16xi32>], vector<16xf32>,
        %get3A_336 = arith.index_cast %add3A_250 : i32 to index
        %get3A_337 = arith.constant 96 : index
        %get3A_338 = tpu.vector_load %arg9[%get3A_336, %get3A_337] {strides = array<i32>} : memref<40x128xi32, #tpu.memory_space<vmem>>, vector<16xi32>,
        tpu.vector_store_idx %arg17[%get3A_338], %broadcast_in_dim3A_61 {add = true} : memref<10112xf32, #tpu.memory_space<vmem>>[vector<16xi32>], vector<16xf32>,
        %get3A_339 = arith.index_cast %add3A_250 : i32 to index
        %get3A_340 = arith.constant 112 : index
        %get3A_341 = tpu.vector_load %arg9[%get3A_339, %get3A_340] {strides = array<i32>} : memref<40x128xi32, #tpu.memory_space<vmem>>, vector<16xi32>,
        tpu.vector_store_idx %arg17[%get3A_341], %broadcast_in_dim3A_61 {add = true} : memref<10112xf32, #tpu.memory_space<vmem>>[vector<16xi32>], vector<16xf32>,
      } else {
      }
      %add3A_256 = arith.constant 1 : i32
      %add3A_257 = arith.addi %mul3A_232, %add3A_256 : i32
      %dma_wait3A_258 = arith.constant 0 : i32
      %dma_wait3A_259 = tpu.memref_slice %arg8[%add3A_257, %dma_wait3A_258] : memref<40x128xi32, #tpu.memory_space<vmem>> -> memref<1x128xi32, #tpu.memory_space<vmem>>
      %dma_wait3A_260 = tpu.memref_squeeze %dma_wait3A_259 : memref<1x128xi32, #tpu.memory_space<vmem>> -> memref<128xi32, #tpu.memory_space<vmem>>
      %dma_wait3A_261 = arith.constant 0 : i32
      %dma_wait3A_262 = arith.constant 0 : i32
      %dma_wait3A_263 = tpu.memref_slice %arg7[%dma_wait3A_261, %dma_wait3A_262] : memref<10112x64xf32, #tpu.memory_space<vmem_shared>> -> memref<10112x64xf32, #tpu.memory_space<vmem_shared>>
      tpu.wait_indirect_dma semaphore(%arg14 : memref<!tpu.dma_semaphore, #tpu.memory_space<semaphore_mem>>) src(%dma_wait3A_263 : memref<10112x64xf32, #tpu.memory_space<vmem_shared>>) dst(%arg11 : memref<128x64xf32, #tpu.memory_space<vmem>>)
      %add3A_264 = arith.constant 1 : i32
      %add3A_265 = arith.addi %mul3A_232, %add3A_264 : i32
      %dma_start3A_266 = arith.constant 0 : i32
      %dma_start3A_267 = tpu.memref_slice %arg9[%add3A_265, %dma_start3A_266] : memref<40x128xi32, #tpu.memory_space<vmem>> -> memref<1x128xi32, #tpu.memory_space<vmem>>
      %dma_start3A_268 = tpu.memref_squeeze %dma_start3A_267 : memref<1x128xi32, #tpu.memory_space<vmem>> -> memref<128xi32, #tpu.memory_space<vmem>>
      %dma_start3A_269 = arith.constant 0 : i32
      %dma_start3A_270 = arith.constant 0 : i32
      %dma_start3A_271 = tpu.memref_slice %arg6[%dma_start3A_269, %dma_start3A_270] : memref<10112x64xf32, #tpu.memory_space<vmem_shared>> -> memref<10112x64xf32, #tpu.memory_space<vmem_shared>>
      tpu.enqueue_indirect_dma source(%arg11 : memref<128x64xf32, #tpu.memory_space<vmem>>) target(%dma_start3A_271 : memref<10112x64xf32, #tpu.memory_space<vmem_shared>>) offsets(%dma_start3A_268 : memref<128xi32, #tpu.memory_space<vmem>>) semaphore(%arg16 : memref<!tpu.dma_semaphore, #tpu.memory_space<semaphore_mem>>) {add = true}
      %add3A_272 = arith.constant 1 : i32
      %add3A_273 = arith.addi %mul3A_232, %add3A_272 : i32
      %eq3A_274 = arith.constant 0 : i32
      %eq3A_275 = arith.cmpi eq, %arg0, %eq3A_274 : i32
      %convert_element_type3A_276 = arith.extui %eq3A_275 : i1 to i32
      %cond3A_277 = arith.constant 0 : i32
      %cond3A_278 = arith.cmpi ne, %convert_element_type3A_276, %cond3A_277 : i32
      scf.if %cond3A_278 {
        %get3A = arith.index_cast %add3A_273 : i32 to index
        %get3A_319 = arith.constant 0 : index
        %get3A_320 = tpu.vector_load %arg9[%get3A, %get3A_319] {strides = array<i32>} : memref<40x128xi32, #tpu.memory_space<vmem>>, vector<16xi32>,
        tpu.vector_store_idx %arg17[%get3A_320], %broadcast_in_dim3A_61 {add = true} : memref<10112xf32, #tpu.memory_space<vmem>>[vector<16xi32>], vector<16xf32>,
        %get3A_321 = arith.index_cast %add3A_273 : i32 to index
        %get3A_322 = arith.constant 16 : index
        %get3A_323 = tpu.vector_load %arg9[%get3A_321, %get3A_322] {strides = array<i32>} : memref<40x128xi32, #tpu.memory_space<vmem>>, vector<16xi32>,
        tpu.vector_store_idx %arg17[%get3A_323], %broadcast_in_dim3A_61 {add = true} : memref<10112xf32, #tpu.memory_space<vmem>>[vector<16xi32>], vector<16xf32>,
        %get3A_324 = arith.index_cast %add3A_273 : i32 to index
        %get3A_325 = arith.constant 32 : index
        %get3A_326 = tpu.vector_load %arg9[%get3A_324, %get3A_325] {strides = array<i32>} : memref<40x128xi32, #tpu.memory_space<vmem>>, vector<16xi32>,
        tpu.vector_store_idx %arg17[%get3A_326], %broadcast_in_dim3A_61 {add = true} : memref<10112xf32, #tpu.memory_space<vmem>>[vector<16xi32>], vector<16xf32>,
        %get3A_327 = arith.index_cast %add3A_273 : i32 to index
        %get3A_328 = arith.constant 48 : index
        %get3A_329 = tpu.vector_load %arg9[%get3A_327, %get3A_328] {strides = array<i32>} : memref<40x128xi32, #tpu.memory_space<vmem>>, vector<16xi32>,
        tpu.vector_store_idx %arg17[%get3A_329], %broadcast_in_dim3A_61 {add = true} : memref<10112xf32, #tpu.memory_space<vmem>>[vector<16xi32>], vector<16xf32>,
        %get3A_330 = arith.index_cast %add3A_273 : i32 to index
        %get3A_331 = arith.constant 64 : index
        %get3A_332 = tpu.vector_load %arg9[%get3A_330, %get3A_331] {strides = array<i32>} : memref<40x128xi32, #tpu.memory_space<vmem>>, vector<16xi32>,
        tpu.vector_store_idx %arg17[%get3A_332], %broadcast_in_dim3A_61 {add = true} : memref<10112xf32, #tpu.memory_space<vmem>>[vector<16xi32>], vector<16xf32>,
        %get3A_333 = arith.index_cast %add3A_273 : i32 to index
        %get3A_334 = arith.constant 80 : index
        %get3A_335 = tpu.vector_load %arg9[%get3A_333, %get3A_334] {strides = array<i32>} : memref<40x128xi32, #tpu.memory_space<vmem>>, vector<16xi32>,
        tpu.vector_store_idx %arg17[%get3A_335], %broadcast_in_dim3A_61 {add = true} : memref<10112xf32, #tpu.memory_space<vmem>>[vector<16xi32>], vector<16xf32>,
        %get3A_336 = arith.index_cast %add3A_273 : i32 to index
        %get3A_337 = arith.constant 96 : index
        %get3A_338 = tpu.vector_load %arg9[%get3A_336, %get3A_337] {strides = array<i32>} : memref<40x128xi32, #tpu.memory_space<vmem>>, vector<16xi32>,
        tpu.vector_store_idx %arg17[%get3A_338], %broadcast_in_dim3A_61 {add = true} : memref<10112xf32, #tpu.memory_space<vmem>>[vector<16xi32>], vector<16xf32>,
        %get3A_339 = arith.index_cast %add3A_273 : i32 to index
        %get3A_340 = arith.constant 112 : index
        %get3A_341 = tpu.vector_load %arg9[%get3A_339, %get3A_340] {strides = array<i32>} : memref<40x128xi32, #tpu.memory_space<vmem>>, vector<16xi32>,
        tpu.vector_store_idx %arg17[%get3A_341], %broadcast_in_dim3A_61 {add = true} : memref<10112xf32, #tpu.memory_space<vmem>>[vector<16xi32>], vector<16xf32>,
      } else {
      }
      %add3A_279 = arith.constant 0 : i32
      %add3A_280 = arith.addi %mul3A_232, %add3A_279 : i32
      %dma_wait3A_281 = arith.constant 0 : i32
      %dma_wait3A_282 = tpu.memref_slice %arg9[%add3A_280, %dma_wait3A_281] : memref<40x128xi32, #tpu.memory_space<vmem>> -> memref<1x128xi32, #tpu.memory_space<vmem>>
      %dma_wait3A_283 = tpu.memref_squeeze %dma_wait3A_282 : memref<1x128xi32, #tpu.memory_space<vmem>> -> memref<128xi32, #tpu.memory_space<vmem>>
      %dma_wait3A_284 = arith.constant 0 : i32
      %dma_wait3A_285 = arith.constant 0 : i32
      %dma_wait3A_286 = tpu.memref_slice %arg6[%dma_wait3A_284, %dma_wait3A_285] : memref<10112x64xf32, #tpu.memory_space<vmem_shared>> -> memref<10112x64xf32, #tpu.memory_space<vmem_shared>>
      tpu.wait_indirect_dma semaphore(%arg15 : memref<!tpu.dma_semaphore, #tpu.memory_space<semaphore_mem>>) src(%arg10 : memref<128x64xf32, #tpu.memory_space<vmem>>) dst(%dma_wait3A_286 : memref<10112x64xf32, #tpu.memory_space<vmem_shared>>)
      %add3A_287 = arith.constant 0 : i32
      %add3A_288 = arith.addi %mul3A_232, %add3A_287 : i32
      %add3A_289 = arith.constant 2 : i32
      %add3A_290 = arith.addi %add3A_288, %add3A_289 : i32
      %rem3A = arith.constant 40 : i32
      %rem3A_291 = arith.remsi %add3A_290, %rem3A : i32
      %dma_start3A_292 = arith.constant 0 : i32
      %dma_start3A_293 = tpu.memref_slice %arg8[%rem3A_291, %dma_start3A_292] : memref<40x128xi32, #tpu.memory_space<vmem>> -> memref<1x128xi32, #tpu.memory_space<vmem>>
      %dma_start3A_294 = tpu.memref_squeeze %dma_start3A_293 : memref<1x128xi32, #tpu.memory_space<vmem>> -> memref<128xi32, #tpu.memory_space<vmem>>
      %dma_start3A_295 = arith.constant 0 : i32
      %dma_start3A_296 = arith.constant 0 : i32
      %dma_start3A_297 = tpu.memref_slice %arg7[%dma_start3A_295, %dma_start3A_296] : memref<10112x64xf32, #tpu.memory_space<vmem_shared>> -> memref<10112x64xf32, #tpu.memory_space<vmem_shared>>
      tpu.enqueue_indirect_dma source(%dma_start3A_297 : memref<10112x64xf32, #tpu.memory_space<vmem_shared>>) target(%arg10 : memref<128x64xf32, #tpu.memory_space<vmem>>) offsets(%dma_start3A_294 : memref<128xi32, #tpu.memory_space<vmem>>) semaphore(%arg13 : memref<!tpu.dma_semaphore, #tpu.memory_space<semaphore_mem>>)
      %add3A_298 = arith.constant 1 : i32
      %add3A_299 = arith.addi %mul3A_232, %add3A_298 : i32
      %dma_wait3A_300 = arith.constant 0 : i32
      %dma_wait3A_301 = tpu.memref_slice %arg9[%add3A_299, %dma_wait3A_300] : memref<40x128xi32, #tpu.memory_space<vmem>> -> memref<1x128xi32, #tpu.memory_space<vmem>>
      %dma_wait3A_302 = tpu.memref_squeeze %dma_wait3A_301 : memref<1x128xi32, #tpu.memory_space<vmem>> -> memref<128xi32, #tpu.memory_space<vmem>>
      %dma_wait3A_303 = arith.constant 0 : i32
      %dma_wait3A_304 = arith.constant 0 : i32
      %dma_wait3A_305 = tpu.memref_slice %arg6[%dma_wait3A_303, %dma_wait3A_304] : memref<10112x64xf32, #tpu.memory_space<vmem_shared>> -> memref<10112x64xf32, #tpu.memory_space<vmem_shared>>
      tpu.wait_indirect_dma semaphore(%arg16 : memref<!tpu.dma_semaphore, #tpu.memory_space<semaphore_mem>>) src(%arg11 : memref<128x64xf32, #tpu.memory_space<vmem>>) dst(%dma_wait3A_305 : memref<10112x64xf32, #tpu.memory_space<vmem_shared>>)
      %add3A_306 = arith.constant 1 : i32
      %add3A_307 = arith.addi %mul3A_232, %add3A_306 : i32
      %add3A_308 = arith.constant 2 : i32
      %add3A_309 = arith.addi %add3A_307, %add3A_308 : i32
      %rem3A_310 = arith.constant 40 : i32
      %rem3A_311 = arith.remsi %add3A_309, %rem3A_310 : i32
      %dma_start3A_312 = arith.constant 0 : i32
      %dma_start3A_313 = tpu.memref_slice %arg8[%rem3A_311, %dma_start3A_312] : memref<40x128xi32, #tpu.memory_space<vmem>> -> memref<1x128xi32, #tpu.memory_space<vmem>>
      %dma_start3A_314 = tpu.memref_squeeze %dma_start3A_313 : memref<1x128xi32, #tpu.memory_space<vmem>> -> memref<128xi32, #tpu.memory_space<vmem>>
      %dma_start3A_315 = arith.constant 0 : i32
      %dma_start3A_316 = arith.constant 0 : i32
      %dma_start3A_317 = tpu.memref_slice %arg7[%dma_start3A_315, %dma_start3A_316] : memref<10112x64xf32, #tpu.memory_space<vmem_shared>> -> memref<10112x64xf32, #tpu.memory_space<vmem_shared>>
      tpu.enqueue_indirect_dma source(%dma_start3A_317 : memref<10112x64xf32, #tpu.memory_space<vmem_shared>>) target(%arg11 : memref<128x64xf32, #tpu.memory_space<vmem>>) offsets(%dma_start3A_314 : memref<128xi32, #tpu.memory_space<vmem>>) semaphore(%arg14 : memref<!tpu.dma_semaphore, #tpu.memory_space<semaphore_mem>>)
      %scan3A_318 = arith.constant 0 : i32
      scf.yield %scan3A_318 : i32
    }
    %scan3A_86 = arith.constant 20 : i32
    %dma_wait3A = arith.constant 0 : i32
    %dma_wait3A_87 = arith.constant 0 : i32
    %dma_wait3A_88 = tpu.memref_slice %arg8[%dma_wait3A, %dma_wait3A_87] : memref<40x128xi32, #tpu.memory_space<vmem>> -> memref<1x128xi32, #tpu.memory_space<vmem>>
    %dma_wait3A_89 = tpu.memref_squeeze %dma_wait3A_88 : memref<1x128xi32, #tpu.memory_space<vmem>> -> memref<128xi32, #tpu.memory_space<vmem>>
    %dma_wait3A_90 = arith.constant 0 : i32
    %dma_wait3A_91 = arith.constant 0 : i32
    %dma_wait3A_92 = tpu.memref_slice %arg7[%dma_wait3A_90, %dma_wait3A_91] : memref<10112x64xf32, #tpu.memory_space<vmem_shared>> -> memref<10112x64xf32, #tpu.memory_space<vmem_shared>>
    tpu.wait_indirect_dma semaphore(%arg13 : memref<!tpu.dma_semaphore, #tpu.memory_space<semaphore_mem>>) src(%dma_wait3A_92 : memref<10112x64xf32, #tpu.memory_space<vmem_shared>>) dst(%arg10 : memref<128x64xf32, #tpu.memory_space<vmem>>)
    %dma_wait3A_93 = arith.constant 1 : i32
    %dma_wait3A_94 = arith.constant 0 : i32
    %dma_wait3A_95 = tpu.memref_slice %arg8[%dma_wait3A_93, %dma_wait3A_94] : memref<40x128xi32, #tpu.memory_space<vmem>> -> memref<1x128xi32, #tpu.memory_space<vmem>>
    %dma_wait3A_96 = tpu.memref_squeeze %dma_wait3A_95 : memref<1x128xi32, #tpu.memory_space<vmem>> -> memref<128xi32, #tpu.memory_space<vmem>>
    %dma_wait3A_97 = arith.constant 0 : i32
    %dma_wait3A_98 = arith.constant 0 : i32
    %dma_wait3A_99 = tpu.memref_slice %arg7[%dma_wait3A_97, %dma_wait3A_98] : memref<10112x64xf32, #tpu.memory_space<vmem_shared>> -> memref<10112x64xf32, #tpu.memory_space<vmem_shared>>
    tpu.wait_indirect_dma semaphore(%arg14 : memref<!tpu.dma_semaphore, #tpu.memory_space<semaphore_mem>>) src(%dma_wait3A_99 : memref<10112x64xf32, #tpu.memory_space<vmem_shared>>) dst(%arg11 : memref<128x64xf32, #tpu.memory_space<vmem>>)
    %mul3A_100 = arith.constant 160 : i32
    %mul3A_101 = arith.muli %arg1, %mul3A_100 : i32
    %add3A_102 = arith.constant 40 : i32
    %add3A_103 = arith.addi %mul3A_101, %add3A_102 : i32
    %run_scoped3A_104 = arith.constant 0 : i32
    "tpu.region"() ({
      %run_scoped3A_229 = tpu.sem_alloc : memref<!tpu.dma_semaphore, #tpu.memory_space<semaphore_mem>>
      %dma_start3A_230 = arith.constant 0 : i32
      %dma_start3A_231 = tpu.memref_slice %arg3[%run_scoped3A_104, %add3A_103, %dma_start3A_230] : memref<2x2560x128xi32, #tpu.memory_space<hbm>> -> memref<1x40x128xi32, #tpu.memory_space<hbm>>
      %dma_start3A_232 = tpu.memref_squeeze %dma_start3A_231 : memref<1x40x128xi32, #tpu.memory_space<hbm>> -> memref<40x128xi32, #tpu.memory_space<hbm>>
      %dma_start3A_233 = arith.constant 0 : i32
      %dma_start3A_234 = tpu.memref_slice %arg3[%run_scoped3A_104, %add3A_103, %dma_start3A_233] : memref<2x2560x128xi32, #tpu.memory_space<hbm>> -> memref<1x40x128xi32, #tpu.memory_space<hbm>>
      %dma_start3A_235 = tpu.memref_squeeze %dma_start3A_234 : memref<1x40x128xi32, #tpu.memory_space<hbm>> -> memref<40x128xi32, #tpu.memory_space<hbm>>
      tpu.enqueue_dma source(%dma_start3A_235 : memref<40x128xi32, #tpu.memory_space<hbm>>) target(%arg8 : memref<40x128xi32, #tpu.memory_space<vmem>>) target_semaphore(%run_scoped3A_229 : memref<!tpu.dma_semaphore, #tpu.memory_space<semaphore_mem>>)
      %dma_wait3A_236 = arith.constant 0 : i32
      %dma_wait3A_237 = tpu.memref_slice %arg3[%run_scoped3A_104, %add3A_103, %dma_wait3A_236] : memref<2x2560x128xi32, #tpu.memory_space<hbm>> -> memref<1x40x128xi32, #tpu.memory_space<hbm>>
      %dma_wait3A_238 = tpu.memref_squeeze %dma_wait3A_237 : memref<1x40x128xi32, #tpu.memory_space<hbm>> -> memref<40x128xi32, #tpu.memory_space<hbm>>
      %dma_wait3A_239 = arith.constant 0 : i32
      %dma_wait3A_240 = tpu.memref_slice %arg3[%run_scoped3A_104, %add3A_103, %dma_wait3A_239] : memref<2x2560x128xi32, #tpu.memory_space<hbm>> -> memref<1x40x128xi32, #tpu.memory_space<hbm>>
      %dma_wait3A_241 = tpu.memref_squeeze %dma_wait3A_240 : memref<1x40x128xi32, #tpu.memory_space<hbm>> -> memref<40x128xi32, #tpu.memory_space<hbm>>
      tpu.wait_dma2 semaphore(%run_scoped3A_229 : memref<!tpu.dma_semaphore, #tpu.memory_space<semaphore_mem>>) src(%dma_wait3A_241 : memref<40x128xi32, #tpu.memory_space<hbm>>) dst(%arg8 : memref<40x128xi32, #tpu.memory_space<vmem>>)
      tpu.yield
    }) : () -> ()
    %run_scoped3A_105 = arith.constant 1 : i32
    "tpu.region"() ({
      %run_scoped3A_229 = tpu.sem_alloc : memref<!tpu.dma_semaphore, #tpu.memory_space<semaphore_mem>>
      %dma_start3A_230 = arith.constant 0 : i32
      %dma_start3A_231 = tpu.memref_slice %arg3[%run_scoped3A_105, %add3A_103, %dma_start3A_230] : memref<2x2560x128xi32, #tpu.memory_space<hbm>> -> memref<1x40x128xi32, #tpu.memory_space<hbm>>
      %dma_start3A_232 = tpu.memref_squeeze %dma_start3A_231 : memref<1x40x128xi32, #tpu.memory_space<hbm>> -> memref<40x128xi32, #tpu.memory_space<hbm>>
      %dma_start3A_233 = arith.constant 0 : i32
      %dma_start3A_234 = tpu.memref_slice %arg3[%run_scoped3A_105, %add3A_103, %dma_start3A_233] : memref<2x2560x128xi32, #tpu.memory_space<hbm>> -> memref<1x40x128xi32, #tpu.memory_space<hbm>>
      %dma_start3A_235 = tpu.memref_squeeze %dma_start3A_234 : memref<1x40x128xi32, #tpu.memory_space<hbm>> -> memref<40x128xi32, #tpu.memory_space<hbm>>
      tpu.enqueue_dma source(%dma_start3A_235 : memref<40x128xi32, #tpu.memory_space<hbm>>) target(%arg9 : memref<40x128xi32, #tpu.memory_space<vmem>>) target_semaphore(%run_scoped3A_229 : memref<!tpu.dma_semaphore, #tpu.memory_space<semaphore_mem>>)
      %dma_wait3A_236 = arith.constant 0 : i32
      %dma_wait3A_237 = tpu.memref_slice %arg3[%run_scoped3A_105, %add3A_103, %dma_wait3A_236] : memref<2x2560x128xi32, #tpu.memory_space<hbm>> -> memref<1x40x128xi32, #tpu.memory_space<hbm>>
      %dma_wait3A_238 = tpu.memref_squeeze %dma_wait3A_237 : memref<1x40x128xi32, #tpu.memory_space<hbm>> -> memref<40x128xi32, #tpu.memory_space<hbm>>
      %dma_wait3A_239 = arith.constant 0 : i32
      %dma_wait3A_240 = tpu.memref_slice %arg3[%run_scoped3A_105, %add3A_103, %dma_wait3A_239] : memref<2x2560x128xi32, #tpu.memory_space<hbm>> -> memref<1x40x128xi32, #tpu.memory_space<hbm>>
      %dma_wait3A_241 = tpu.memref_squeeze %dma_wait3A_240 : memref<1x40x128xi32, #tpu.memory_space<hbm>> -> memref<40x128xi32, #tpu.memory_space<hbm>>
      tpu.wait_dma2 semaphore(%run_scoped3A_229 : memref<!tpu.dma_semaphore, #tpu.memory_space<semaphore_mem>>) src(%dma_wait3A_241 : memref<40x128xi32, #tpu.memory_space<hbm>>) dst(%arg9 : memref<40x128xi32, #tpu.memory_space<vmem>>)
      tpu.yield
    }) : () -> ()
    %dma_start3A_106 = arith.constant 0 : i32
    %dma_start3A_107 = arith.constant 0 : i32
    %dma_start3A_108 = tpu.memref_slice %arg8[%dma_start3A_106, %dma_start3A_107] : memref<40x128xi32, #tpu.memory_space<vmem>> -> memref<1x128xi32, #tpu.memory_space<vmem>>
    %dma_start3A_109 = tpu.memref_squeeze %dma_start3A_108 : memref<1x128xi32, #tpu.memory_space<vmem>> -> memref<128xi32, #tpu.memory_space<vmem>>
    %dma_start3A_110 = arith.constant 0 : i32
    %dma_start3A_111 = arith.constant 0 : i32
    %dma_start3A_112 = tpu.memref_slice %arg7[%dma_start3A_110, %dma_start3A_111] : memref<10112x64xf32, #tpu.memory_space<vmem_shared>> -> memref<10112x64xf32, #tpu.memory_space<vmem_shared>>
    tpu.enqueue_indirect_dma source(%dma_start3A_112 : memref<10112x64xf32, #tpu.memory_space<vmem_shared>>) target(%arg10 : memref<128x64xf32, #tpu.memory_space<vmem>>) offsets(%dma_start3A_109 : memref<128xi32, #tpu.memory_space<vmem>>) semaphore(%arg13 : memref<!tpu.dma_semaphore, #tpu.memory_space<semaphore_mem>>)
    %dma_start3A_113 = arith.constant 1 : i32
    %dma_start3A_114 = arith.constant 0 : i32
    %dma_start3A_115 = tpu.memref_slice %arg8[%dma_start3A_113, %dma_start3A_114] : memref<40x128xi32, #tpu.memory_space<vmem>> -> memref<1x128xi32, #tpu.memory_space<vmem>>
    %dma_start3A_116 = tpu.memref_squeeze %dma_start3A_115 : memref<1x128xi32, #tpu.memory_space<vmem>> -> memref<128xi32, #tpu.memory_space<vmem>>
    %dma_start3A_117 = arith.constant 0 : i32
    %dma_start3A_118 = arith.constant 0 : i32
    %dma_start3A_119 = tpu.memref_slice %arg7[%dma_start3A_117, %dma_start3A_118] : memref<10112x64xf32, #tpu.memory_space<vmem_shared>> -> memref<10112x64xf32, #tpu.memory_space<vmem_shared>>
    tpu.enqueue_indirect_dma source(%dma_start3A_119 : memref<10112x64xf32, #tpu.memory_space<vmem_shared>>) target(%arg11 : memref<128x64xf32, #tpu.memory_space<vmem>>) offsets(%dma_start3A_116 : memref<128xi32, #tpu.memory_space<vmem>>) semaphore(%arg14 : memref<!tpu.dma_semaphore, #tpu.memory_space<semaphore_mem>>)
    %scan3A_120 = arith.constant 0 : i32
    %scan3A_121 = arith.constant 0 : i32
    %scan3A_122 = arith.constant 20 : i32
    %scan3A_123 = arith.addi %scan3A_121, %scan3A_122 : i32
    %scan3A_124 = arith.constant 1 : i32
    %scan3A_125 = scf.for %scan3A_229 = %scan3A_121 to %scan3A_123 step %scan3A_124 iter_args(%scan3A_230 = %scan3A_120) -> (i32)  : i32 {
      %mul3A_231 = arith.constant 2 : i32
      %mul3A_232 = arith.muli %mul3A_231, %scan3A_229 : i32
      %add3A_233 = arith.constant 0 : i32
      %add3A_234 = arith.addi %mul3A_232, %add3A_233 : i32
      %dma_wait3A_235 = arith.constant 0 : i32
      %dma_wait3A_236 = tpu.memref_slice %arg8[%add3A_234, %dma_wait3A_235] : memref<40x128xi32, #tpu.memory_space<vmem>> -> memref<1x128xi32, #tpu.memory_space<vmem>>
      %dma_wait3A_237 = tpu.memref_squeeze %dma_wait3A_236 : memref<1x128xi32, #tpu.memory_space<vmem>> -> memref<128xi32, #tpu.memory_space<vmem>>
      %dma_wait3A_238 = arith.constant 0 : i32
      %dma_wait3A_239 = arith.constant 0 : i32
      %dma_wait3A_240 = tpu.memref_slice %arg7[%dma_wait3A_238, %dma_wait3A_239] : memref<10112x64xf32, #tpu.memory_space<vmem_shared>> -> memref<10112x64xf32, #tpu.memory_space<vmem_shared>>
      tpu.wait_indirect_dma semaphore(%arg13 : memref<!tpu.dma_semaphore, #tpu.memory_space<semaphore_mem>>) src(%dma_wait3A_240 : memref<10112x64xf32, #tpu.memory_space<vmem_shared>>) dst(%arg10 : memref<128x64xf32, #tpu.memory_space<vmem>>)
      %add3A_241 = arith.constant 0 : i32
      %add3A_242 = arith.addi %mul3A_232, %add3A_241 : i32
      %dma_start3A_243 = arith.constant 0 : i32
      %dma_start3A_244 = tpu.memref_slice %arg9[%add3A_242, %dma_start3A_243] : memref<40x128xi32, #tpu.memory_space<vmem>> -> memref<1x128xi32, #tpu.memory_space<vmem>>
      %dma_start3A_245 = tpu.memref_squeeze %dma_start3A_244 : memref<1x128xi32, #tpu.memory_space<vmem>> -> memref<128xi32, #tpu.memory_space<vmem>>
      %dma_start3A_246 = arith.constant 0 : i32
      %dma_start3A_247 = arith.constant 0 : i32
      %dma_start3A_248 = tpu.memref_slice %arg6[%dma_start3A_246, %dma_start3A_247] : memref<10112x64xf32, #tpu.memory_space<vmem_shared>> -> memref<10112x64xf32, #tpu.memory_space<vmem_shared>>
      tpu.enqueue_indirect_dma source(%arg10 : memref<128x64xf32, #tpu.memory_space<vmem>>) target(%dma_start3A_248 : memref<10112x64xf32, #tpu.memory_space<vmem_shared>>) offsets(%dma_start3A_245 : memref<128xi32, #tpu.memory_space<vmem>>) semaphore(%arg15 : memref<!tpu.dma_semaphore, #tpu.memory_space<semaphore_mem>>) {add = true}
      %add3A_249 = arith.constant 0 : i32
      %add3A_250 = arith.addi %mul3A_232, %add3A_249 : i32
      %eq3A_251 = arith.constant 0 : i32
      %eq3A_252 = arith.cmpi eq, %arg0, %eq3A_251 : i32
      %convert_element_type3A_253 = arith.extui %eq3A_252 : i1 to i32
      %cond3A_254 = arith.constant 0 : i32
      %cond3A_255 = arith.cmpi ne, %convert_element_type3A_253, %cond3A_254 : i32
      scf.if %cond3A_255 {
        %get3A = arith.index_cast %add3A_250 : i32 to index
        %get3A_319 = arith.constant 0 : index
        %get3A_320 = tpu.vector_load %arg9[%get3A, %get3A_319] {strides = array<i32>} : memref<40x128xi32, #tpu.memory_space<vmem>>, vector<16xi32>,
        tpu.vector_store_idx %arg17[%get3A_320], %broadcast_in_dim3A_61 {add = true} : memref<10112xf32, #tpu.memory_space<vmem>>[vector<16xi32>], vector<16xf32>,
        %get3A_321 = arith.index_cast %add3A_250 : i32 to index
        %get3A_322 = arith.constant 16 : index
        %get3A_323 = tpu.vector_load %arg9[%get3A_321, %get3A_322] {strides = array<i32>} : memref<40x128xi32, #tpu.memory_space<vmem>>, vector<16xi32>,
        tpu.vector_store_idx %arg17[%get3A_323], %broadcast_in_dim3A_61 {add = true} : memref<10112xf32, #tpu.memory_space<vmem>>[vector<16xi32>], vector<16xf32>,
        %get3A_324 = arith.index_cast %add3A_250 : i32 to index
        %get3A_325 = arith.constant 32 : index
        %get3A_326 = tpu.vector_load %arg9[%get3A_324, %get3A_325] {strides = array<i32>} : memref<40x128xi32, #tpu.memory_space<vmem>>, vector<16xi32>,
        tpu.vector_store_idx %arg17[%get3A_326], %broadcast_in_dim3A_61 {add = true} : memref<10112xf32, #tpu.memory_space<vmem>>[vector<16xi32>], vector<16xf32>,
        %get3A_327 = arith.index_cast %add3A_250 : i32 to index
        %get3A_328 = arith.constant 48 : index
        %get3A_329 = tpu.vector_load %arg9[%get3A_327, %get3A_328] {strides = array<i32>} : memref<40x128xi32, #tpu.memory_space<vmem>>, vector<16xi32>,
        tpu.vector_store_idx %arg17[%get3A_329], %broadcast_in_dim3A_61 {add = true} : memref<10112xf32, #tpu.memory_space<vmem>>[vector<16xi32>], vector<16xf32>,
        %get3A_330 = arith.index_cast %add3A_250 : i32 to index
        %get3A_331 = arith.constant 64 : index
        %get3A_332 = tpu.vector_load %arg9[%get3A_330, %get3A_331] {strides = array<i32>} : memref<40x128xi32, #tpu.memory_space<vmem>>, vector<16xi32>,
        tpu.vector_store_idx %arg17[%get3A_332], %broadcast_in_dim3A_61 {add = true} : memref<10112xf32, #tpu.memory_space<vmem>>[vector<16xi32>], vector<16xf32>,
        %get3A_333 = arith.index_cast %add3A_250 : i32 to index
        %get3A_334 = arith.constant 80 : index
        %get3A_335 = tpu.vector_load %arg9[%get3A_333, %get3A_334] {strides = array<i32>} : memref<40x128xi32, #tpu.memory_space<vmem>>, vector<16xi32>,
        tpu.vector_store_idx %arg17[%get3A_335], %broadcast_in_dim3A_61 {add = true} : memref<10112xf32, #tpu.memory_space<vmem>>[vector<16xi32>], vector<16xf32>,
        %get3A_336 = arith.index_cast %add3A_250 : i32 to index
        %get3A_337 = arith.constant 96 : index
        %get3A_338 = tpu.vector_load %arg9[%get3A_336, %get3A_337] {strides = array<i32>} : memref<40x128xi32, #tpu.memory_space<vmem>>, vector<16xi32>,
        tpu.vector_store_idx %arg17[%get3A_338], %broadcast_in_dim3A_61 {add = true} : memref<10112xf32, #tpu.memory_space<vmem>>[vector<16xi32>], vector<16xf32>,
        %get3A_339 = arith.index_cast %add3A_250 : i32 to index
        %get3A_340 = arith.constant 112 : index
        %get3A_341 = tpu.vector_load %arg9[%get3A_339, %get3A_340] {strides = array<i32>} : memref<40x128xi32, #tpu.memory_space<vmem>>, vector<16xi32>,
        tpu.vector_store_idx %arg17[%get3A_341], %broadcast_in_dim3A_61 {add = true} : memref<10112xf32, #tpu.memory_space<vmem>>[vector<16xi32>], vector<16xf32>,
      } else {
      }
      %add3A_256 = arith.constant 1 : i32
      %add3A_257 = arith.addi %mul3A_232, %add3A_256 : i32
      %dma_wait3A_258 = arith.constant 0 : i32
      %dma_wait3A_259 = tpu.memref_slice %arg8[%add3A_257, %dma_wait3A_258] : memref<40x128xi32, #tpu.memory_space<vmem>> -> memref<1x128xi32, #tpu.memory_space<vmem>>
      %dma_wait3A_260 = tpu.memref_squeeze %dma_wait3A_259 : memref<1x128xi32, #tpu.memory_space<vmem>> -> memref<128xi32, #tpu.memory_space<vmem>>
      %dma_wait3A_261 = arith.constant 0 : i32
      %dma_wait3A_262 = arith.constant 0 : i32
      %dma_wait3A_263 = tpu.memref_slice %arg7[%dma_wait3A_261, %dma_wait3A_262] : memref<10112x64xf32, #tpu.memory_space<vmem_shared>> -> memref<10112x64xf32, #tpu.memory_space<vmem_shared>>
      tpu.wait_indirect_dma semaphore(%arg14 : memref<!tpu.dma_semaphore, #tpu.memory_space<semaphore_mem>>) src(%dma_wait3A_263 : memref<10112x64xf32, #tpu.memory_space<vmem_shared>>) dst(%arg11 : memref<128x64xf32, #tpu.memory_space<vmem>>)
      %add3A_264 = arith.constant 1 : i32
      %add3A_265 = arith.addi %mul3A_232, %add3A_264 : i32
      %dma_start3A_266 = arith.constant 0 : i32
      %dma_start3A_267 = tpu.memref_slice %arg9[%add3A_265, %dma_start3A_266] : memref<40x128xi32, #tpu.memory_space<vmem>> -> memref<1x128xi32, #tpu.memory_space<vmem>>
      %dma_start3A_268 = tpu.memref_squeeze %dma_start3A_267 : memref<1x128xi32, #tpu.memory_space<vmem>> -> memref<128xi32, #tpu.memory_space<vmem>>
      %dma_start3A_269 = arith.constant 0 : i32
      %dma_start3A_270 = arith.constant 0 : i32
      %dma_start3A_271 = tpu.memref_slice %arg6[%dma_start3A_269, %dma_start3A_270] : memref<10112x64xf32, #tpu.memory_space<vmem_shared>> -> memref<10112x64xf32, #tpu.memory_space<vmem_shared>>
      tpu.enqueue_indirect_dma source(%arg11 : memref<128x64xf32, #tpu.memory_space<vmem>>) target(%dma_start3A_271 : memref<10112x64xf32, #tpu.memory_space<vmem_shared>>) offsets(%dma_start3A_268 : memref<128xi32, #tpu.memory_space<vmem>>) semaphore(%arg16 : memref<!tpu.dma_semaphore, #tpu.memory_space<semaphore_mem>>) {add = true}
      %add3A_272 = arith.constant 1 : i32
      %add3A_273 = arith.addi %mul3A_232, %add3A_272 : i32
      %eq3A_274 = arith.constant 0 : i32
      %eq3A_275 = arith.cmpi eq, %arg0, %eq3A_274 : i32
      %convert_element_type3A_276 = arith.extui %eq3A_275 : i1 to i32
      %cond3A_277 = arith.constant 0 : i32
      %cond3A_278 = arith.cmpi ne, %convert_element_type3A_276, %cond3A_277 : i32
      scf.if %cond3A_278 {
        %get3A = arith.index_cast %add3A_273 : i32 to index
        %get3A_319 = arith.constant 0 : index
        %get3A_320 = tpu.vector_load %arg9[%get3A, %get3A_319] {strides = array<i32>} : memref<40x128xi32, #tpu.memory_space<vmem>>, vector<16xi32>,
        tpu.vector_store_idx %arg17[%get3A_320], %broadcast_in_dim3A_61 {add = true} : memref<10112xf32, #tpu.memory_space<vmem>>[vector<16xi32>], vector<16xf32>,
        %get3A_321 = arith.index_cast %add3A_273 : i32 to index
        %get3A_322 = arith.constant 16 : index
        %get3A_323 = tpu.vector_load %arg9[%get3A_321, %get3A_322] {strides = array<i32>} : memref<40x128xi32, #tpu.memory_space<vmem>>, vector<16xi32>,
        tpu.vector_store_idx %arg17[%get3A_323], %broadcast_in_dim3A_61 {add = true} : memref<10112xf32, #tpu.memory_space<vmem>>[vector<16xi32>], vector<16xf32>,
        %get3A_324 = arith.index_cast %add3A_273 : i32 to index
        %get3A_325 = arith.constant 32 : index
        %get3A_326 = tpu.vector_load %arg9[%get3A_324, %get3A_325] {strides = array<i32>} : memref<40x128xi32, #tpu.memory_space<vmem>>, vector<16xi32>,
        tpu.vector_store_idx %arg17[%get3A_326], %broadcast_in_dim3A_61 {add = true} : memref<10112xf32, #tpu.memory_space<vmem>>[vector<16xi32>], vector<16xf32>,
        %get3A_327 = arith.index_cast %add3A_273 : i32 to index
        %get3A_328 = arith.constant 48 : index
        %get3A_329 = tpu.vector_load %arg9[%get3A_327, %get3A_328] {strides = array<i32>} : memref<40x128xi32, #tpu.memory_space<vmem>>, vector<16xi32>,
        tpu.vector_store_idx %arg17[%get3A_329], %broadcast_in_dim3A_61 {add = true} : memref<10112xf32, #tpu.memory_space<vmem>>[vector<16xi32>], vector<16xf32>,
        %get3A_330 = arith.index_cast %add3A_273 : i32 to index
        %get3A_331 = arith.constant 64 : index
        %get3A_332 = tpu.vector_load %arg9[%get3A_330, %get3A_331] {strides = array<i32>} : memref<40x128xi32, #tpu.memory_space<vmem>>, vector<16xi32>,
        tpu.vector_store_idx %arg17[%get3A_332], %broadcast_in_dim3A_61 {add = true} : memref<10112xf32, #tpu.memory_space<vmem>>[vector<16xi32>], vector<16xf32>,
        %get3A_333 = arith.index_cast %add3A_273 : i32 to index
        %get3A_334 = arith.constant 80 : index
        %get3A_335 = tpu.vector_load %arg9[%get3A_333, %get3A_334] {strides = array<i32>} : memref<40x128xi32, #tpu.memory_space<vmem>>, vector<16xi32>,
        tpu.vector_store_idx %arg17[%get3A_335], %broadcast_in_dim3A_61 {add = true} : memref<10112xf32, #tpu.memory_space<vmem>>[vector<16xi32>], vector<16xf32>,
        %get3A_336 = arith.index_cast %add3A_273 : i32 to index
        %get3A_337 = arith.constant 96 : index
        %get3A_338 = tpu.vector_load %arg9[%get3A_336, %get3A_337] {strides = array<i32>} : memref<40x128xi32, #tpu.memory_space<vmem>>, vector<16xi32>,
        tpu.vector_store_idx %arg17[%get3A_338], %broadcast_in_dim3A_61 {add = true} : memref<10112xf32, #tpu.memory_space<vmem>>[vector<16xi32>], vector<16xf32>,
        %get3A_339 = arith.index_cast %add3A_273 : i32 to index
        %get3A_340 = arith.constant 112 : index
        %get3A_341 = tpu.vector_load %arg9[%get3A_339, %get3A_340] {strides = array<i32>} : memref<40x128xi32, #tpu.memory_space<vmem>>, vector<16xi32>,
        tpu.vector_store_idx %arg17[%get3A_341], %broadcast_in_dim3A_61 {add = true} : memref<10112xf32, #tpu.memory_space<vmem>>[vector<16xi32>], vector<16xf32>,
      } else {
      }
      %add3A_279 = arith.constant 0 : i32
      %add3A_280 = arith.addi %mul3A_232, %add3A_279 : i32
      %dma_wait3A_281 = arith.constant 0 : i32
      %dma_wait3A_282 = tpu.memref_slice %arg9[%add3A_280, %dma_wait3A_281] : memref<40x128xi32, #tpu.memory_space<vmem>> -> memref<1x128xi32, #tpu.memory_space<vmem>>
      %dma_wait3A_283 = tpu.memref_squeeze %dma_wait3A_282 : memref<1x128xi32, #tpu.memory_space<vmem>> -> memref<128xi32, #tpu.memory_space<vmem>>
      %dma_wait3A_284 = arith.constant 0 : i32
      %dma_wait3A_285 = arith.constant 0 : i32
      %dma_wait3A_286 = tpu.memref_slice %arg6[%dma_wait3A_284, %dma_wait3A_285] : memref<10112x64xf32, #tpu.memory_space<vmem_shared>> -> memref<10112x64xf32, #tpu.memory_space<vmem_shared>>
      tpu.wait_indirect_dma semaphore(%arg15 : memref<!tpu.dma_semaphore, #tpu.memory_space<semaphore_mem>>) src(%arg10 : memref<128x64xf32, #tpu.memory_space<vmem>>) dst(%dma_wait3A_286 : memref<10112x64xf32, #tpu.memory_space<vmem_shared>>)
      %add3A_287 = arith.constant 0 : i32
      %add3A_288 = arith.addi %mul3A_232, %add3A_287 : i32
      %add3A_289 = arith.constant 2 : i32
      %add3A_290 = arith.addi %add3A_288, %add3A_289 : i32
      %rem3A = arith.constant 40 : i32
      %rem3A_291 = arith.remsi %add3A_290, %rem3A : i32
      %dma_start3A_292 = arith.constant 0 : i32
      %dma_start3A_293 = tpu.memref_slice %arg8[%rem3A_291, %dma_start3A_292] : memref<40x128xi32, #tpu.memory_space<vmem>> -> memref<1x128xi32, #tpu.memory_space<vmem>>
      %dma_start3A_294 = tpu.memref_squeeze %dma_start3A_293 : memref<1x128xi32, #tpu.memory_space<vmem>> -> memref<128xi32, #tpu.memory_space<vmem>>
      %dma_start3A_295 = arith.constant 0 : i32
      %dma_start3A_296 = arith.constant 0 : i32
      %dma_start3A_297 = tpu.memref_slice %arg7[%dma_start3A_295, %dma_start3A_296] : memref<10112x64xf32, #tpu.memory_space<vmem_shared>> -> memref<10112x64xf32, #tpu.memory_space<vmem_shared>>
      tpu.enqueue_indirect_dma source(%dma_start3A_297 : memref<10112x64xf32, #tpu.memory_space<vmem_shared>>) target(%arg10 : memref<128x64xf32, #tpu.memory_space<vmem>>) offsets(%dma_start3A_294 : memref<128xi32, #tpu.memory_space<vmem>>) semaphore(%arg13 : memref<!tpu.dma_semaphore, #tpu.memory_space<semaphore_mem>>)
      %add3A_298 = arith.constant 1 : i32
      %add3A_299 = arith.addi %mul3A_232, %add3A_298 : i32
      %dma_wait3A_300 = arith.constant 0 : i32
      %dma_wait3A_301 = tpu.memref_slice %arg9[%add3A_299, %dma_wait3A_300] : memref<40x128xi32, #tpu.memory_space<vmem>> -> memref<1x128xi32, #tpu.memory_space<vmem>>
      %dma_wait3A_302 = tpu.memref_squeeze %dma_wait3A_301 : memref<1x128xi32, #tpu.memory_space<vmem>> -> memref<128xi32, #tpu.memory_space<vmem>>
      %dma_wait3A_303 = arith.constant 0 : i32
      %dma_wait3A_304 = arith.constant 0 : i32
      %dma_wait3A_305 = tpu.memref_slice %arg6[%dma_wait3A_303, %dma_wait3A_304] : memref<10112x64xf32, #tpu.memory_space<vmem_shared>> -> memref<10112x64xf32, #tpu.memory_space<vmem_shared>>
      tpu.wait_indirect_dma semaphore(%arg16 : memref<!tpu.dma_semaphore, #tpu.memory_space<semaphore_mem>>) src(%arg11 : memref<128x64xf32, #tpu.memory_space<vmem>>) dst(%dma_wait3A_305 : memref<10112x64xf32, #tpu.memory_space<vmem_shared>>)
      %add3A_306 = arith.constant 1 : i32
      %add3A_307 = arith.addi %mul3A_232, %add3A_306 : i32
      %add3A_308 = arith.constant 2 : i32
      %add3A_309 = arith.addi %add3A_307, %add3A_308 : i32
      %rem3A_310 = arith.constant 40 : i32
      %rem3A_311 = arith.remsi %add3A_309, %rem3A_310 : i32
      %dma_start3A_312 = arith.constant 0 : i32
      %dma_start3A_313 = tpu.memref_slice %arg8[%rem3A_311, %dma_start3A_312] : memref<40x128xi32, #tpu.memory_space<vmem>> -> memref<1x128xi32, #tpu.memory_space<vmem>>
      %dma_start3A_314 = tpu.memref_squeeze %dma_start3A_313 : memref<1x128xi32, #tpu.memory_space<vmem>> -> memref<128xi32, #tpu.memory_space<vmem>>
      %dma_start3A_315 = arith.constant 0 : i32
      %dma_start3A_316 = arith.constant 0 : i32
      %dma_start3A_317 = tpu.memref_slice %arg7[%dma_start3A_315, %dma_start3A_316] : memref<10112x64xf32, #tpu.memory_space<vmem_shared>> -> memref<10112x64xf32, #tpu.memory_space<vmem_shared>>
      tpu.enqueue_indirect_dma source(%dma_start3A_317 : memref<10112x64xf32, #tpu.memory_space<vmem_shared>>) target(%arg11 : memref<128x64xf32, #tpu.memory_space<vmem>>) offsets(%dma_start3A_314 : memref<128xi32, #tpu.memory_space<vmem>>) semaphore(%arg14 : memref<!tpu.dma_semaphore, #tpu.memory_space<semaphore_mem>>)
      %scan3A_318 = arith.constant 0 : i32
      scf.yield %scan3A_318 : i32
    }
    %scan3A_126 = arith.constant 20 : i32
    %dma_wait3A_127 = arith.constant 0 : i32
    %dma_wait3A_128 = arith.constant 0 : i32
    %dma_wait3A_129 = tpu.memref_slice %arg8[%dma_wait3A_127, %dma_wait3A_128] : memref<40x128xi32, #tpu.memory_space<vmem>> -> memref<1x128xi32, #tpu.memory_space<vmem>>
    %dma_wait3A_130 = tpu.memref_squeeze %dma_wait3A_129 : memref<1x128xi32, #tpu.memory_space<vmem>> -> memref<128xi32, #tpu.memory_space<vmem>>
    %dma_wait3A_131 = arith.constant 0 : i32
    %dma_wait3A_132 = arith.constant 0 : i32
    %dma_wait3A_133 = tpu.memref_slice %arg7[%dma_wait3A_131, %dma_wait3A_132] : memref<10112x64xf32, #tpu.memory_space<vmem_shared>> -> memref<10112x64xf32, #tpu.memory_space<vmem_shared>>
    tpu.wait_indirect_dma semaphore(%arg13 : memref<!tpu.dma_semaphore, #tpu.memory_space<semaphore_mem>>) src(%dma_wait3A_133 : memref<10112x64xf32, #tpu.memory_space<vmem_shared>>) dst(%arg10 : memref<128x64xf32, #tpu.memory_space<vmem>>)
    %dma_wait3A_134 = arith.constant 1 : i32
    %dma_wait3A_135 = arith.constant 0 : i32
    %dma_wait3A_136 = tpu.memref_slice %arg8[%dma_wait3A_134, %dma_wait3A_135] : memref<40x128xi32, #tpu.memory_space<vmem>> -> memref<1x128xi32, #tpu.memory_space<vmem>>
    %dma_wait3A_137 = tpu.memref_squeeze %dma_wait3A_136 : memref<1x128xi32, #tpu.memory_space<vmem>> -> memref<128xi32, #tpu.memory_space<vmem>>
    %dma_wait3A_138 = arith.constant 0 : i32
    %dma_wait3A_139 = arith.constant 0 : i32
    %dma_wait3A_140 = tpu.memref_slice %arg7[%dma_wait3A_138, %dma_wait3A_139] : memref<10112x64xf32, #tpu.memory_space<vmem_shared>> -> memref<10112x64xf32, #tpu.memory_space<vmem_shared>>
    tpu.wait_indirect_dma semaphore(%arg14 : memref<!tpu.dma_semaphore, #tpu.memory_space<semaphore_mem>>) src(%dma_wait3A_140 : memref<10112x64xf32, #tpu.memory_space<vmem_shared>>) dst(%arg11 : memref<128x64xf32, #tpu.memory_space<vmem>>)
    %mul3A_141 = arith.constant 160 : i32
    %mul3A_142 = arith.muli %arg1, %mul3A_141 : i32
    %add3A_143 = arith.constant 80 : i32
    %add3A_144 = arith.addi %mul3A_142, %add3A_143 : i32
    %run_scoped3A_145 = arith.constant 0 : i32
    "tpu.region"() ({
      %run_scoped3A_229 = tpu.sem_alloc : memref<!tpu.dma_semaphore, #tpu.memory_space<semaphore_mem>>
      %dma_start3A_230 = arith.constant 0 : i32
      %dma_start3A_231 = tpu.memref_slice %arg3[%run_scoped3A_145, %add3A_144, %dma_start3A_230] : memref<2x2560x128xi32, #tpu.memory_space<hbm>> -> memref<1x40x128xi32, #tpu.memory_space<hbm>>
      %dma_start3A_232 = tpu.memref_squeeze %dma_start3A_231 : memref<1x40x128xi32, #tpu.memory_space<hbm>> -> memref<40x128xi32, #tpu.memory_space<hbm>>
      %dma_start3A_233 = arith.constant 0 : i32
      %dma_start3A_234 = tpu.memref_slice %arg3[%run_scoped3A_145, %add3A_144, %dma_start3A_233] : memref<2x2560x128xi32, #tpu.memory_space<hbm>> -> memref<1x40x128xi32, #tpu.memory_space<hbm>>
      %dma_start3A_235 = tpu.memref_squeeze %dma_start3A_234 : memref<1x40x128xi32, #tpu.memory_space<hbm>> -> memref<40x128xi32, #tpu.memory_space<hbm>>
      tpu.enqueue_dma source(%dma_start3A_235 : memref<40x128xi32, #tpu.memory_space<hbm>>) target(%arg8 : memref<40x128xi32, #tpu.memory_space<vmem>>) target_semaphore(%run_scoped3A_229 : memref<!tpu.dma_semaphore, #tpu.memory_space<semaphore_mem>>)
      %dma_wait3A_236 = arith.constant 0 : i32
      %dma_wait3A_237 = tpu.memref_slice %arg3[%run_scoped3A_145, %add3A_144, %dma_wait3A_236] : memref<2x2560x128xi32, #tpu.memory_space<hbm>> -> memref<1x40x128xi32, #tpu.memory_space<hbm>>
      %dma_wait3A_238 = tpu.memref_squeeze %dma_wait3A_237 : memref<1x40x128xi32, #tpu.memory_space<hbm>> -> memref<40x128xi32, #tpu.memory_space<hbm>>
      %dma_wait3A_239 = arith.constant 0 : i32
      %dma_wait3A_240 = tpu.memref_slice %arg3[%run_scoped3A_145, %add3A_144, %dma_wait3A_239] : memref<2x2560x128xi32, #tpu.memory_space<hbm>> -> memref<1x40x128xi32, #tpu.memory_space<hbm>>
      %dma_wait3A_241 = tpu.memref_squeeze %dma_wait3A_240 : memref<1x40x128xi32, #tpu.memory_space<hbm>> -> memref<40x128xi32, #tpu.memory_space<hbm>>
      tpu.wait_dma2 semaphore(%run_scoped3A_229 : memref<!tpu.dma_semaphore, #tpu.memory_space<semaphore_mem>>) src(%dma_wait3A_241 : memref<40x128xi32, #tpu.memory_space<hbm>>) dst(%arg8 : memref<40x128xi32, #tpu.memory_space<vmem>>)
      tpu.yield
    }) : () -> ()
    %run_scoped3A_146 = arith.constant 1 : i32
    "tpu.region"() ({
      %run_scoped3A_229 = tpu.sem_alloc : memref<!tpu.dma_semaphore, #tpu.memory_space<semaphore_mem>>
      %dma_start3A_230 = arith.constant 0 : i32
      %dma_start3A_231 = tpu.memref_slice %arg3[%run_scoped3A_146, %add3A_144, %dma_start3A_230] : memref<2x2560x128xi32, #tpu.memory_space<hbm>> -> memref<1x40x128xi32, #tpu.memory_space<hbm>>
      %dma_start3A_232 = tpu.memref_squeeze %dma_start3A_231 : memref<1x40x128xi32, #tpu.memory_space<hbm>> -> memref<40x128xi32, #tpu.memory_space<hbm>>
      %dma_start3A_233 = arith.constant 0 : i32
      %dma_start3A_234 = tpu.memref_slice %arg3[%run_scoped3A_146, %add3A_144, %dma_start3A_233] : memref<2x2560x128xi32, #tpu.memory_space<hbm>> -> memref<1x40x128xi32, #tpu.memory_space<hbm>>
      %dma_start3A_235 = tpu.memref_squeeze %dma_start3A_234 : memref<1x40x128xi32, #tpu.memory_space<hbm>> -> memref<40x128xi32, #tpu.memory_space<hbm>>
      tpu.enqueue_dma source(%dma_start3A_235 : memref<40x128xi32, #tpu.memory_space<hbm>>) target(%arg9 : memref<40x128xi32, #tpu.memory_space<vmem>>) target_semaphore(%run_scoped3A_229 : memref<!tpu.dma_semaphore, #tpu.memory_space<semaphore_mem>>)
      %dma_wait3A_236 = arith.constant 0 : i32
      %dma_wait3A_237 = tpu.memref_slice %arg3[%run_scoped3A_146, %add3A_144, %dma_wait3A_236] : memref<2x2560x128xi32, #tpu.memory_space<hbm>> -> memref<1x40x128xi32, #tpu.memory_space<hbm>>
      %dma_wait3A_238 = tpu.memref_squeeze %dma_wait3A_237 : memref<1x40x128xi32, #tpu.memory_space<hbm>> -> memref<40x128xi32, #tpu.memory_space<hbm>>
      %dma_wait3A_239 = arith.constant 0 : i32
      %dma_wait3A_240 = tpu.memref_slice %arg3[%run_scoped3A_146, %add3A_144, %dma_wait3A_239] : memref<2x2560x128xi32, #tpu.memory_space<hbm>> -> memref<1x40x128xi32, #tpu.memory_space<hbm>>
      %dma_wait3A_241 = tpu.memref_squeeze %dma_wait3A_240 : memref<1x40x128xi32, #tpu.memory_space<hbm>> -> memref<40x128xi32, #tpu.memory_space<hbm>>
      tpu.wait_dma2 semaphore(%run_scoped3A_229 : memref<!tpu.dma_semaphore, #tpu.memory_space<semaphore_mem>>) src(%dma_wait3A_241 : memref<40x128xi32, #tpu.memory_space<hbm>>) dst(%arg9 : memref<40x128xi32, #tpu.memory_space<vmem>>)
      tpu.yield
    }) : () -> ()
    %dma_start3A_147 = arith.constant 0 : i32
    %dma_start3A_148 = arith.constant 0 : i32
    %dma_start3A_149 = tpu.memref_slice %arg8[%dma_start3A_147, %dma_start3A_148] : memref<40x128xi32, #tpu.memory_space<vmem>> -> memref<1x128xi32, #tpu.memory_space<vmem>>
    %dma_start3A_150 = tpu.memref_squeeze %dma_start3A_149 : memref<1x128xi32, #tpu.memory_space<vmem>> -> memref<128xi32, #tpu.memory_space<vmem>>
    %dma_start3A_151 = arith.constant 0 : i32
    %dma_start3A_152 = arith.constant 0 : i32
    %dma_start3A_153 = tpu.memref_slice %arg7[%dma_start3A_151, %dma_start3A_152] : memref<10112x64xf32, #tpu.memory_space<vmem_shared>> -> memref<10112x64xf32, #tpu.memory_space<vmem_shared>>
    tpu.enqueue_indirect_dma source(%dma_start3A_153 : memref<10112x64xf32, #tpu.memory_space<vmem_shared>>) target(%arg10 : memref<128x64xf32, #tpu.memory_space<vmem>>) offsets(%dma_start3A_150 : memref<128xi32, #tpu.memory_space<vmem>>) semaphore(%arg13 : memref<!tpu.dma_semaphore, #tpu.memory_space<semaphore_mem>>)
    %dma_start3A_154 = arith.constant 1 : i32
    %dma_start3A_155 = arith.constant 0 : i32
    %dma_start3A_156 = tpu.memref_slice %arg8[%dma_start3A_154, %dma_start3A_155] : memref<40x128xi32, #tpu.memory_space<vmem>> -> memref<1x128xi32, #tpu.memory_space<vmem>>
    %dma_start3A_157 = tpu.memref_squeeze %dma_start3A_156 : memref<1x128xi32, #tpu.memory_space<vmem>> -> memref<128xi32, #tpu.memory_space<vmem>>
    %dma_start3A_158 = arith.constant 0 : i32
    %dma_start3A_159 = arith.constant 0 : i32
    %dma_start3A_160 = tpu.memref_slice %arg7[%dma_start3A_158, %dma_start3A_159] : memref<10112x64xf32, #tpu.memory_space<vmem_shared>> -> memref<10112x64xf32, #tpu.memory_space<vmem_shared>>
    tpu.enqueue_indirect_dma source(%dma_start3A_160 : memref<10112x64xf32, #tpu.memory_space<vmem_shared>>) target(%arg11 : memref<128x64xf32, #tpu.memory_space<vmem>>) offsets(%dma_start3A_157 : memref<128xi32, #tpu.memory_space<vmem>>) semaphore(%arg14 : memref<!tpu.dma_semaphore, #tpu.memory_space<semaphore_mem>>)
    %scan3A_161 = arith.constant 0 : i32
    %scan3A_162 = arith.constant 0 : i32
    %scan3A_163 = arith.constant 20 : i32
    %scan3A_164 = arith.addi %scan3A_162, %scan3A_163 : i32
    %scan3A_165 = arith.constant 1 : i32
    %scan3A_166 = scf.for %scan3A_229 = %scan3A_162 to %scan3A_164 step %scan3A_165 iter_args(%scan3A_230 = %scan3A_161) -> (i32)  : i32 {
      %mul3A_231 = arith.constant 2 : i32
      %mul3A_232 = arith.muli %mul3A_231, %scan3A_229 : i32
      %add3A_233 = arith.constant 0 : i32
      %add3A_234 = arith.addi %mul3A_232, %add3A_233 : i32
      %dma_wait3A_235 = arith.constant 0 : i32
      %dma_wait3A_236 = tpu.memref_slice %arg8[%add3A_234, %dma_wait3A_235] : memref<40x128xi32, #tpu.memory_space<vmem>> -> memref<1x128xi32, #tpu.memory_space<vmem>>
      %dma_wait3A_237 = tpu.memref_squeeze %dma_wait3A_236 : memref<1x128xi32, #tpu.memory_space<vmem>> -> memref<128xi32, #tpu.memory_space<vmem>>
      %dma_wait3A_238 = arith.constant 0 : i32
      %dma_wait3A_239 = arith.constant 0 : i32
      %dma_wait3A_240 = tpu.memref_slice %arg7[%dma_wait3A_238, %dma_wait3A_239] : memref<10112x64xf32, #tpu.memory_space<vmem_shared>> -> memref<10112x64xf32, #tpu.memory_space<vmem_shared>>
      tpu.wait_indirect_dma semaphore(%arg13 : memref<!tpu.dma_semaphore, #tpu.memory_space<semaphore_mem>>) src(%dma_wait3A_240 : memref<10112x64xf32, #tpu.memory_space<vmem_shared>>) dst(%arg10 : memref<128x64xf32, #tpu.memory_space<vmem>>)
      %add3A_241 = arith.constant 0 : i32
      %add3A_242 = arith.addi %mul3A_232, %add3A_241 : i32
      %dma_start3A_243 = arith.constant 0 : i32
      %dma_start3A_244 = tpu.memref_slice %arg9[%add3A_242, %dma_start3A_243] : memref<40x128xi32, #tpu.memory_space<vmem>> -> memref<1x128xi32, #tpu.memory_space<vmem>>
      %dma_start3A_245 = tpu.memref_squeeze %dma_start3A_244 : memref<1x128xi32, #tpu.memory_space<vmem>> -> memref<128xi32, #tpu.memory_space<vmem>>
      %dma_start3A_246 = arith.constant 0 : i32
      %dma_start3A_247 = arith.constant 0 : i32
      %dma_start3A_248 = tpu.memref_slice %arg6[%dma_start3A_246, %dma_start3A_247] : memref<10112x64xf32, #tpu.memory_space<vmem_shared>> -> memref<10112x64xf32, #tpu.memory_space<vmem_shared>>
      tpu.enqueue_indirect_dma source(%arg10 : memref<128x64xf32, #tpu.memory_space<vmem>>) target(%dma_start3A_248 : memref<10112x64xf32, #tpu.memory_space<vmem_shared>>) offsets(%dma_start3A_245 : memref<128xi32, #tpu.memory_space<vmem>>) semaphore(%arg15 : memref<!tpu.dma_semaphore, #tpu.memory_space<semaphore_mem>>) {add = true}
      %add3A_249 = arith.constant 0 : i32
      %add3A_250 = arith.addi %mul3A_232, %add3A_249 : i32
      %eq3A_251 = arith.constant 0 : i32
      %eq3A_252 = arith.cmpi eq, %arg0, %eq3A_251 : i32
      %convert_element_type3A_253 = arith.extui %eq3A_252 : i1 to i32
      %cond3A_254 = arith.constant 0 : i32
      %cond3A_255 = arith.cmpi ne, %convert_element_type3A_253, %cond3A_254 : i32
      scf.if %cond3A_255 {
        %get3A = arith.index_cast %add3A_250 : i32 to index
        %get3A_319 = arith.constant 0 : index
        %get3A_320 = tpu.vector_load %arg9[%get3A, %get3A_319] {strides = array<i32>} : memref<40x128xi32, #tpu.memory_space<vmem>>, vector<16xi32>,
        tpu.vector_store_idx %arg17[%get3A_320], %broadcast_in_dim3A_61 {add = true} : memref<10112xf32, #tpu.memory_space<vmem>>[vector<16xi32>], vector<16xf32>,
        %get3A_321 = arith.index_cast %add3A_250 : i32 to index
        %get3A_322 = arith.constant 16 : index
        %get3A_323 = tpu.vector_load %arg9[%get3A_321, %get3A_322] {strides = array<i32>} : memref<40x128xi32, #tpu.memory_space<vmem>>, vector<16xi32>,
        tpu.vector_store_idx %arg17[%get3A_323], %broadcast_in_dim3A_61 {add = true} : memref<10112xf32, #tpu.memory_space<vmem>>[vector<16xi32>], vector<16xf32>,
        %get3A_324 = arith.index_cast %add3A_250 : i32 to index
        %get3A_325 = arith.constant 32 : index
        %get3A_326 = tpu.vector_load %arg9[%get3A_324, %get3A_325] {strides = array<i32>} : memref<40x128xi32, #tpu.memory_space<vmem>>, vector<16xi32>,
        tpu.vector_store_idx %arg17[%get3A_326], %broadcast_in_dim3A_61 {add = true} : memref<10112xf32, #tpu.memory_space<vmem>>[vector<16xi32>], vector<16xf32>,
        %get3A_327 = arith.index_cast %add3A_250 : i32 to index
        %get3A_328 = arith.constant 48 : index
        %get3A_329 = tpu.vector_load %arg9[%get3A_327, %get3A_328] {strides = array<i32>} : memref<40x128xi32, #tpu.memory_space<vmem>>, vector<16xi32>,
        tpu.vector_store_idx %arg17[%get3A_329], %broadcast_in_dim3A_61 {add = true} : memref<10112xf32, #tpu.memory_space<vmem>>[vector<16xi32>], vector<16xf32>,
        %get3A_330 = arith.index_cast %add3A_250 : i32 to index
        %get3A_331 = arith.constant 64 : index
        %get3A_332 = tpu.vector_load %arg9[%get3A_330, %get3A_331] {strides = array<i32>} : memref<40x128xi32, #tpu.memory_space<vmem>>, vector<16xi32>,
        tpu.vector_store_idx %arg17[%get3A_332], %broadcast_in_dim3A_61 {add = true} : memref<10112xf32, #tpu.memory_space<vmem>>[vector<16xi32>], vector<16xf32>,
        %get3A_333 = arith.index_cast %add3A_250 : i32 to index
        %get3A_334 = arith.constant 80 : index
        %get3A_335 = tpu.vector_load %arg9[%get3A_333, %get3A_334] {strides = array<i32>} : memref<40x128xi32, #tpu.memory_space<vmem>>, vector<16xi32>,
        tpu.vector_store_idx %arg17[%get3A_335], %broadcast_in_dim3A_61 {add = true} : memref<10112xf32, #tpu.memory_space<vmem>>[vector<16xi32>], vector<16xf32>,
        %get3A_336 = arith.index_cast %add3A_250 : i32 to index
        %get3A_337 = arith.constant 96 : index
        %get3A_338 = tpu.vector_load %arg9[%get3A_336, %get3A_337] {strides = array<i32>} : memref<40x128xi32, #tpu.memory_space<vmem>>, vector<16xi32>,
        tpu.vector_store_idx %arg17[%get3A_338], %broadcast_in_dim3A_61 {add = true} : memref<10112xf32, #tpu.memory_space<vmem>>[vector<16xi32>], vector<16xf32>,
        %get3A_339 = arith.index_cast %add3A_250 : i32 to index
        %get3A_340 = arith.constant 112 : index
        %get3A_341 = tpu.vector_load %arg9[%get3A_339, %get3A_340] {strides = array<i32>} : memref<40x128xi32, #tpu.memory_space<vmem>>, vector<16xi32>,
        tpu.vector_store_idx %arg17[%get3A_341], %broadcast_in_dim3A_61 {add = true} : memref<10112xf32, #tpu.memory_space<vmem>>[vector<16xi32>], vector<16xf32>,
      } else {
      }
      %add3A_256 = arith.constant 1 : i32
      %add3A_257 = arith.addi %mul3A_232, %add3A_256 : i32
      %dma_wait3A_258 = arith.constant 0 : i32
      %dma_wait3A_259 = tpu.memref_slice %arg8[%add3A_257, %dma_wait3A_258] : memref<40x128xi32, #tpu.memory_space<vmem>> -> memref<1x128xi32, #tpu.memory_space<vmem>>
      %dma_wait3A_260 = tpu.memref_squeeze %dma_wait3A_259 : memref<1x128xi32, #tpu.memory_space<vmem>> -> memref<128xi32, #tpu.memory_space<vmem>>
      %dma_wait3A_261 = arith.constant 0 : i32
      %dma_wait3A_262 = arith.constant 0 : i32
      %dma_wait3A_263 = tpu.memref_slice %arg7[%dma_wait3A_261, %dma_wait3A_262] : memref<10112x64xf32, #tpu.memory_space<vmem_shared>> -> memref<10112x64xf32, #tpu.memory_space<vmem_shared>>
      tpu.wait_indirect_dma semaphore(%arg14 : memref<!tpu.dma_semaphore, #tpu.memory_space<semaphore_mem>>) src(%dma_wait3A_263 : memref<10112x64xf32, #tpu.memory_space<vmem_shared>>) dst(%arg11 : memref<128x64xf32, #tpu.memory_space<vmem>>)
      %add3A_264 = arith.constant 1 : i32
      %add3A_265 = arith.addi %mul3A_232, %add3A_264 : i32
      %dma_start3A_266 = arith.constant 0 : i32
      %dma_start3A_267 = tpu.memref_slice %arg9[%add3A_265, %dma_start3A_266] : memref<40x128xi32, #tpu.memory_space<vmem>> -> memref<1x128xi32, #tpu.memory_space<vmem>>
      %dma_start3A_268 = tpu.memref_squeeze %dma_start3A_267 : memref<1x128xi32, #tpu.memory_space<vmem>> -> memref<128xi32, #tpu.memory_space<vmem>>
      %dma_start3A_269 = arith.constant 0 : i32
      %dma_start3A_270 = arith.constant 0 : i32
      %dma_start3A_271 = tpu.memref_slice %arg6[%dma_start3A_269, %dma_start3A_270] : memref<10112x64xf32, #tpu.memory_space<vmem_shared>> -> memref<10112x64xf32, #tpu.memory_space<vmem_shared>>
      tpu.enqueue_indirect_dma source(%arg11 : memref<128x64xf32, #tpu.memory_space<vmem>>) target(%dma_start3A_271 : memref<10112x64xf32, #tpu.memory_space<vmem_shared>>) offsets(%dma_start3A_268 : memref<128xi32, #tpu.memory_space<vmem>>) semaphore(%arg16 : memref<!tpu.dma_semaphore, #tpu.memory_space<semaphore_mem>>) {add = true}
      %add3A_272 = arith.constant 1 : i32
      %add3A_273 = arith.addi %mul3A_232, %add3A_272 : i32
      %eq3A_274 = arith.constant 0 : i32
      %eq3A_275 = arith.cmpi eq, %arg0, %eq3A_274 : i32
      %convert_element_type3A_276 = arith.extui %eq3A_275 : i1 to i32
      %cond3A_277 = arith.constant 0 : i32
      %cond3A_278 = arith.cmpi ne, %convert_element_type3A_276, %cond3A_277 : i32
      scf.if %cond3A_278 {
        %get3A = arith.index_cast %add3A_273 : i32 to index
        %get3A_319 = arith.constant 0 : index
        %get3A_320 = tpu.vector_load %arg9[%get3A, %get3A_319] {strides = array<i32>} : memref<40x128xi32, #tpu.memory_space<vmem>>, vector<16xi32>,
        tpu.vector_store_idx %arg17[%get3A_320], %broadcast_in_dim3A_61 {add = true} : memref<10112xf32, #tpu.memory_space<vmem>>[vector<16xi32>], vector<16xf32>,
        %get3A_321 = arith.index_cast %add3A_273 : i32 to index
        %get3A_322 = arith.constant 16 : index
        %get3A_323 = tpu.vector_load %arg9[%get3A_321, %get3A_322] {strides = array<i32>} : memref<40x128xi32, #tpu.memory_space<vmem>>, vector<16xi32>,
        tpu.vector_store_idx %arg17[%get3A_323], %broadcast_in_dim3A_61 {add = true} : memref<10112xf32, #tpu.memory_space<vmem>>[vector<16xi32>], vector<16xf32>,
        %get3A_324 = arith.index_cast %add3A_273 : i32 to index
        %get3A_325 = arith.constant 32 : index
        %get3A_326 = tpu.vector_load %arg9[%get3A_324, %get3A_325] {strides = array<i32>} : memref<40x128xi32, #tpu.memory_space<vmem>>, vector<16xi32>,
        tpu.vector_store_idx %arg17[%get3A_326], %broadcast_in_dim3A_61 {add = true} : memref<10112xf32, #tpu.memory_space<vmem>>[vector<16xi32>], vector<16xf32>,
        %get3A_327 = arith.index_cast %add3A_273 : i32 to index
        %get3A_328 = arith.constant 48 : index
        %get3A_329 = tpu.vector_load %arg9[%get3A_327, %get3A_328] {strides = array<i32>} : memref<40x128xi32, #tpu.memory_space<vmem>>, vector<16xi32>,
        tpu.vector_store_idx %arg17[%get3A_329], %broadcast_in_dim3A_61 {add = true} : memref<10112xf32, #tpu.memory_space<vmem>>[vector<16xi32>], vector<16xf32>,
        %get3A_330 = arith.index_cast %add3A_273 : i32 to index
        %get3A_331 = arith.constant 64 : index
        %get3A_332 = tpu.vector_load %arg9[%get3A_330, %get3A_331] {strides = array<i32>} : memref<40x128xi32, #tpu.memory_space<vmem>>, vector<16xi32>,
        tpu.vector_store_idx %arg17[%get3A_332], %broadcast_in_dim3A_61 {add = true} : memref<10112xf32, #tpu.memory_space<vmem>>[vector<16xi32>], vector<16xf32>,
        %get3A_333 = arith.index_cast %add3A_273 : i32 to index
        %get3A_334 = arith.constant 80 : index
        %get3A_335 = tpu.vector_load %arg9[%get3A_333, %get3A_334] {strides = array<i32>} : memref<40x128xi32, #tpu.memory_space<vmem>>, vector<16xi32>,
        tpu.vector_store_idx %arg17[%get3A_335], %broadcast_in_dim3A_61 {add = true} : memref<10112xf32, #tpu.memory_space<vmem>>[vector<16xi32>], vector<16xf32>,
        %get3A_336 = arith.index_cast %add3A_273 : i32 to index
        %get3A_337 = arith.constant 96 : index
        %get3A_338 = tpu.vector_load %arg9[%get3A_336, %get3A_337] {strides = array<i32>} : memref<40x128xi32, #tpu.memory_space<vmem>>, vector<16xi32>,
        tpu.vector_store_idx %arg17[%get3A_338], %broadcast_in_dim3A_61 {add = true} : memref<10112xf32, #tpu.memory_space<vmem>>[vector<16xi32>], vector<16xf32>,
        %get3A_339 = arith.index_cast %add3A_273 : i32 to index
        %get3A_340 = arith.constant 112 : index
        %get3A_341 = tpu.vector_load %arg9[%get3A_339, %get3A_340] {strides = array<i32>} : memref<40x128xi32, #tpu.memory_space<vmem>>, vector<16xi32>,
        tpu.vector_store_idx %arg17[%get3A_341], %broadcast_in_dim3A_61 {add = true} : memref<10112xf32, #tpu.memory_space<vmem>>[vector<16xi32>], vector<16xf32>,
      } else {
      }
      %add3A_279 = arith.constant 0 : i32
      %add3A_280 = arith.addi %mul3A_232, %add3A_279 : i32
      %dma_wait3A_281 = arith.constant 0 : i32
      %dma_wait3A_282 = tpu.memref_slice %arg9[%add3A_280, %dma_wait3A_281] : memref<40x128xi32, #tpu.memory_space<vmem>> -> memref<1x128xi32, #tpu.memory_space<vmem>>
      %dma_wait3A_283 = tpu.memref_squeeze %dma_wait3A_282 : memref<1x128xi32, #tpu.memory_space<vmem>> -> memref<128xi32, #tpu.memory_space<vmem>>
      %dma_wait3A_284 = arith.constant 0 : i32
      %dma_wait3A_285 = arith.constant 0 : i32
      %dma_wait3A_286 = tpu.memref_slice %arg6[%dma_wait3A_284, %dma_wait3A_285] : memref<10112x64xf32, #tpu.memory_space<vmem_shared>> -> memref<10112x64xf32, #tpu.memory_space<vmem_shared>>
      tpu.wait_indirect_dma semaphore(%arg15 : memref<!tpu.dma_semaphore, #tpu.memory_space<semaphore_mem>>) src(%arg10 : memref<128x64xf32, #tpu.memory_space<vmem>>) dst(%dma_wait3A_286 : memref<10112x64xf32, #tpu.memory_space<vmem_shared>>)
      %add3A_287 = arith.constant 0 : i32
      %add3A_288 = arith.addi %mul3A_232, %add3A_287 : i32
      %add3A_289 = arith.constant 2 : i32
      %add3A_290 = arith.addi %add3A_288, %add3A_289 : i32
      %rem3A = arith.constant 40 : i32
      %rem3A_291 = arith.remsi %add3A_290, %rem3A : i32
      %dma_start3A_292 = arith.constant 0 : i32
      %dma_start3A_293 = tpu.memref_slice %arg8[%rem3A_291, %dma_start3A_292] : memref<40x128xi32, #tpu.memory_space<vmem>> -> memref<1x128xi32, #tpu.memory_space<vmem>>
      %dma_start3A_294 = tpu.memref_squeeze %dma_start3A_293 : memref<1x128xi32, #tpu.memory_space<vmem>> -> memref<128xi32, #tpu.memory_space<vmem>>
      %dma_start3A_295 = arith.constant 0 : i32
      %dma_start3A_296 = arith.constant 0 : i32
      %dma_start3A_297 = tpu.memref_slice %arg7[%dma_start3A_295, %dma_start3A_296] : memref<10112x64xf32, #tpu.memory_space<vmem_shared>> -> memref<10112x64xf32, #tpu.memory_space<vmem_shared>>
      tpu.enqueue_indirect_dma source(%dma_start3A_297 : memref<10112x64xf32, #tpu.memory_space<vmem_shared>>) target(%arg10 : memref<128x64xf32, #tpu.memory_space<vmem>>) offsets(%dma_start3A_294 : memref<128xi32, #tpu.memory_space<vmem>>) semaphore(%arg13 : memref<!tpu.dma_semaphore, #tpu.memory_space<semaphore_mem>>)
      %add3A_298 = arith.constant 1 : i32
      %add3A_299 = arith.addi %mul3A_232, %add3A_298 : i32
      %dma_wait3A_300 = arith.constant 0 : i32
      %dma_wait3A_301 = tpu.memref_slice %arg9[%add3A_299, %dma_wait3A_300] : memref<40x128xi32, #tpu.memory_space<vmem>> -> memref<1x128xi32, #tpu.memory_space<vmem>>
      %dma_wait3A_302 = tpu.memref_squeeze %dma_wait3A_301 : memref<1x128xi32, #tpu.memory_space<vmem>> -> memref<128xi32, #tpu.memory_space<vmem>>
      %dma_wait3A_303 = arith.constant 0 : i32
      %dma_wait3A_304 = arith.constant 0 : i32
      %dma_wait3A_305 = tpu.memref_slice %arg6[%dma_wait3A_303, %dma_wait3A_304] : memref<10112x64xf32, #tpu.memory_space<vmem_shared>> -> memref<10112x64xf32, #tpu.memory_space<vmem_shared>>
      tpu.wait_indirect_dma semaphore(%arg16 : memref<!tpu.dma_semaphore, #tpu.memory_space<semaphore_mem>>) src(%arg11 : memref<128x64xf32, #tpu.memory_space<vmem>>) dst(%dma_wait3A_305 : memref<10112x64xf32, #tpu.memory_space<vmem_shared>>)
      %add3A_306 = arith.constant 1 : i32
      %add3A_307 = arith.addi %mul3A_232, %add3A_306 : i32
      %add3A_308 = arith.constant 2 : i32
      %add3A_309 = arith.addi %add3A_307, %add3A_308 : i32
      %rem3A_310 = arith.constant 40 : i32
      %rem3A_311 = arith.remsi %add3A_309, %rem3A_310 : i32
      %dma_start3A_312 = arith.constant 0 : i32
      %dma_start3A_313 = tpu.memref_slice %arg8[%rem3A_311, %dma_start3A_312] : memref<40x128xi32, #tpu.memory_space<vmem>> -> memref<1x128xi32, #tpu.memory_space<vmem>>
      %dma_start3A_314 = tpu.memref_squeeze %dma_start3A_313 : memref<1x128xi32, #tpu.memory_space<vmem>> -> memref<128xi32, #tpu.memory_space<vmem>>
      %dma_start3A_315 = arith.constant 0 : i32
      %dma_start3A_316 = arith.constant 0 : i32
      %dma_start3A_317 = tpu.memref_slice %arg7[%dma_start3A_315, %dma_start3A_316] : memref<10112x64xf32, #tpu.memory_space<vmem_shared>> -> memref<10112x64xf32, #tpu.memory_space<vmem_shared>>
      tpu.enqueue_indirect_dma source(%dma_start3A_317 : memref<10112x64xf32, #tpu.memory_space<vmem_shared>>) target(%arg11 : memref<128x64xf32, #tpu.memory_space<vmem>>) offsets(%dma_start3A_314 : memref<128xi32, #tpu.memory_space<vmem>>) semaphore(%arg14 : memref<!tpu.dma_semaphore, #tpu.memory_space<semaphore_mem>>)
      %scan3A_318 = arith.constant 0 : i32
      scf.yield %scan3A_318 : i32
    }
    %scan3A_167 = arith.constant 20 : i32
    %dma_wait3A_168 = arith.constant 0 : i32
    %dma_wait3A_169 = arith.constant 0 : i32
    %dma_wait3A_170 = tpu.memref_slice %arg8[%dma_wait3A_168, %dma_wait3A_169] : memref<40x128xi32, #tpu.memory_space<vmem>> -> memref<1x128xi32, #tpu.memory_space<vmem>>
    %dma_wait3A_171 = tpu.memref_squeeze %dma_wait3A_170 : memref<1x128xi32, #tpu.memory_space<vmem>> -> memref<128xi32, #tpu.memory_space<vmem>>
    %dma_wait3A_172 = arith.constant 0 : i32
    %dma_wait3A_173 = arith.constant 0 : i32
    %dma_wait3A_174 = tpu.memref_slice %arg7[%dma_wait3A_172, %dma_wait3A_173] : memref<10112x64xf32, #tpu.memory_space<vmem_shared>> -> memref<10112x64xf32, #tpu.memory_space<vmem_shared>>
    tpu.wait_indirect_dma semaphore(%arg13 : memref<!tpu.dma_semaphore, #tpu.memory_space<semaphore_mem>>) src(%dma_wait3A_174 : memref<10112x64xf32, #tpu.memory_space<vmem_shared>>) dst(%arg10 : memref<128x64xf32, #tpu.memory_space<vmem>>)
    %dma_wait3A_175 = arith.constant 1 : i32
    %dma_wait3A_176 = arith.constant 0 : i32
    %dma_wait3A_177 = tpu.memref_slice %arg8[%dma_wait3A_175, %dma_wait3A_176] : memref<40x128xi32, #tpu.memory_space<vmem>> -> memref<1x128xi32, #tpu.memory_space<vmem>>
    %dma_wait3A_178 = tpu.memref_squeeze %dma_wait3A_177 : memref<1x128xi32, #tpu.memory_space<vmem>> -> memref<128xi32, #tpu.memory_space<vmem>>
    %dma_wait3A_179 = arith.constant 0 : i32
    %dma_wait3A_180 = arith.constant 0 : i32
    %dma_wait3A_181 = tpu.memref_slice %arg7[%dma_wait3A_179, %dma_wait3A_180] : memref<10112x64xf32, #tpu.memory_space<vmem_shared>> -> memref<10112x64xf32, #tpu.memory_space<vmem_shared>>
    tpu.wait_indirect_dma semaphore(%arg14 : memref<!tpu.dma_semaphore, #tpu.memory_space<semaphore_mem>>) src(%dma_wait3A_181 : memref<10112x64xf32, #tpu.memory_space<vmem_shared>>) dst(%arg11 : memref<128x64xf32, #tpu.memory_space<vmem>>)
    %mul3A_182 = arith.constant 160 : i32
    %mul3A_183 = arith.muli %arg1, %mul3A_182 : i32
    %add3A_184 = arith.constant 120 : i32
    %add3A_185 = arith.addi %mul3A_183, %add3A_184 : i32
    %run_scoped3A_186 = arith.constant 0 : i32
    "tpu.region"() ({
      %run_scoped3A_229 = tpu.sem_alloc : memref<!tpu.dma_semaphore, #tpu.memory_space<semaphore_mem>>
      %dma_start3A_230 = arith.constant 0 : i32
      %dma_start3A_231 = tpu.memref_slice %arg3[%run_scoped3A_186, %add3A_185, %dma_start3A_230] : memref<2x2560x128xi32, #tpu.memory_space<hbm>> -> memref<1x40x128xi32, #tpu.memory_space<hbm>>
      %dma_start3A_232 = tpu.memref_squeeze %dma_start3A_231 : memref<1x40x128xi32, #tpu.memory_space<hbm>> -> memref<40x128xi32, #tpu.memory_space<hbm>>
      %dma_start3A_233 = arith.constant 0 : i32
      %dma_start3A_234 = tpu.memref_slice %arg3[%run_scoped3A_186, %add3A_185, %dma_start3A_233] : memref<2x2560x128xi32, #tpu.memory_space<hbm>> -> memref<1x40x128xi32, #tpu.memory_space<hbm>>
      %dma_start3A_235 = tpu.memref_squeeze %dma_start3A_234 : memref<1x40x128xi32, #tpu.memory_space<hbm>> -> memref<40x128xi32, #tpu.memory_space<hbm>>
      tpu.enqueue_dma source(%dma_start3A_235 : memref<40x128xi32, #tpu.memory_space<hbm>>) target(%arg8 : memref<40x128xi32, #tpu.memory_space<vmem>>) target_semaphore(%run_scoped3A_229 : memref<!tpu.dma_semaphore, #tpu.memory_space<semaphore_mem>>)
      %dma_wait3A_236 = arith.constant 0 : i32
      %dma_wait3A_237 = tpu.memref_slice %arg3[%run_scoped3A_186, %add3A_185, %dma_wait3A_236] : memref<2x2560x128xi32, #tpu.memory_space<hbm>> -> memref<1x40x128xi32, #tpu.memory_space<hbm>>
      %dma_wait3A_238 = tpu.memref_squeeze %dma_wait3A_237 : memref<1x40x128xi32, #tpu.memory_space<hbm>> -> memref<40x128xi32, #tpu.memory_space<hbm>>
      %dma_wait3A_239 = arith.constant 0 : i32
      %dma_wait3A_240 = tpu.memref_slice %arg3[%run_scoped3A_186, %add3A_185, %dma_wait3A_239] : memref<2x2560x128xi32, #tpu.memory_space<hbm>> -> memref<1x40x128xi32, #tpu.memory_space<hbm>>
      %dma_wait3A_241 = tpu.memref_squeeze %dma_wait3A_240 : memref<1x40x128xi32, #tpu.memory_space<hbm>> -> memref<40x128xi32, #tpu.memory_space<hbm>>
      tpu.wait_dma2 semaphore(%run_scoped3A_229 : memref<!tpu.dma_semaphore, #tpu.memory_space<semaphore_mem>>) src(%dma_wait3A_241 : memref<40x128xi32, #tpu.memory_space<hbm>>) dst(%arg8 : memref<40x128xi32, #tpu.memory_space<vmem>>)
      tpu.yield
    }) : () -> ()
    %run_scoped3A_187 = arith.constant 1 : i32
    "tpu.region"() ({
      %run_scoped3A_229 = tpu.sem_alloc : memref<!tpu.dma_semaphore, #tpu.memory_space<semaphore_mem>>
      %dma_start3A_230 = arith.constant 0 : i32
      %dma_start3A_231 = tpu.memref_slice %arg3[%run_scoped3A_187, %add3A_185, %dma_start3A_230] : memref<2x2560x128xi32, #tpu.memory_space<hbm>> -> memref<1x40x128xi32, #tpu.memory_space<hbm>>
      %dma_start3A_232 = tpu.memref_squeeze %dma_start3A_231 : memref<1x40x128xi32, #tpu.memory_space<hbm>> -> memref<40x128xi32, #tpu.memory_space<hbm>>
      %dma_start3A_233 = arith.constant 0 : i32
      %dma_start3A_234 = tpu.memref_slice %arg3[%run_scoped3A_187, %add3A_185, %dma_start3A_233] : memref<2x2560x128xi32, #tpu.memory_space<hbm>> -> memref<1x40x128xi32, #tpu.memory_space<hbm>>
      %dma_start3A_235 = tpu.memref_squeeze %dma_start3A_234 : memref<1x40x128xi32, #tpu.memory_space<hbm>> -> memref<40x128xi32, #tpu.memory_space<hbm>>
      tpu.enqueue_dma source(%dma_start3A_235 : memref<40x128xi32, #tpu.memory_space<hbm>>) target(%arg9 : memref<40x128xi32, #tpu.memory_space<vmem>>) target_semaphore(%run_scoped3A_229 : memref<!tpu.dma_semaphore, #tpu.memory_space<semaphore_mem>>)
      %dma_wait3A_236 = arith.constant 0 : i32
      %dma_wait3A_237 = tpu.memref_slice %arg3[%run_scoped3A_187, %add3A_185, %dma_wait3A_236] : memref<2x2560x128xi32, #tpu.memory_space<hbm>> -> memref<1x40x128xi32, #tpu.memory_space<hbm>>
      %dma_wait3A_238 = tpu.memref_squeeze %dma_wait3A_237 : memref<1x40x128xi32, #tpu.memory_space<hbm>> -> memref<40x128xi32, #tpu.memory_space<hbm>>
      %dma_wait3A_239 = arith.constant 0 : i32
      %dma_wait3A_240 = tpu.memref_slice %arg3[%run_scoped3A_187, %add3A_185, %dma_wait3A_239] : memref<2x2560x128xi32, #tpu.memory_space<hbm>> -> memref<1x40x128xi32, #tpu.memory_space<hbm>>
      %dma_wait3A_241 = tpu.memref_squeeze %dma_wait3A_240 : memref<1x40x128xi32, #tpu.memory_space<hbm>> -> memref<40x128xi32, #tpu.memory_space<hbm>>
      tpu.wait_dma2 semaphore(%run_scoped3A_229 : memref<!tpu.dma_semaphore, #tpu.memory_space<semaphore_mem>>) src(%dma_wait3A_241 : memref<40x128xi32, #tpu.memory_space<hbm>>) dst(%arg9 : memref<40x128xi32, #tpu.memory_space<vmem>>)
      tpu.yield
    }) : () -> ()
    %dma_start3A_188 = arith.constant 0 : i32
    %dma_start3A_189 = arith.constant 0 : i32
    %dma_start3A_190 = tpu.memref_slice %arg8[%dma_start3A_188, %dma_start3A_189] : memref<40x128xi32, #tpu.memory_space<vmem>> -> memref<1x128xi32, #tpu.memory_space<vmem>>
    %dma_start3A_191 = tpu.memref_squeeze %dma_start3A_190 : memref<1x128xi32, #tpu.memory_space<vmem>> -> memref<128xi32, #tpu.memory_space<vmem>>
    %dma_start3A_192 = arith.constant 0 : i32
    %dma_start3A_193 = arith.constant 0 : i32
    %dma_start3A_194 = tpu.memref_slice %arg7[%dma_start3A_192, %dma_start3A_193] : memref<10112x64xf32, #tpu.memory_space<vmem_shared>> -> memref<10112x64xf32, #tpu.memory_space<vmem_shared>>
    tpu.enqueue_indirect_dma source(%dma_start3A_194 : memref<10112x64xf32, #tpu.memory_space<vmem_shared>>) target(%arg10 : memref<128x64xf32, #tpu.memory_space<vmem>>) offsets(%dma_start3A_191 : memref<128xi32, #tpu.memory_space<vmem>>) semaphore(%arg13 : memref<!tpu.dma_semaphore, #tpu.memory_space<semaphore_mem>>)
    %dma_start3A_195 = arith.constant 1 : i32
    %dma_start3A_196 = arith.constant 0 : i32
    %dma_start3A_197 = tpu.memref_slice %arg8[%dma_start3A_195, %dma_start3A_196] : memref<40x128xi32, #tpu.memory_space<vmem>> -> memref<1x128xi32, #tpu.memory_space<vmem>>
    %dma_start3A_198 = tpu.memref_squeeze %dma_start3A_197 : memref<1x128xi32, #tpu.memory_space<vmem>> -> memref<128xi32, #tpu.memory_space<vmem>>
    %dma_start3A_199 = arith.constant 0 : i32
    %dma_start3A_200 = arith.constant 0 : i32
    %dma_start3A_201 = tpu.memref_slice %arg7[%dma_start3A_199, %dma_start3A_200] : memref<10112x64xf32, #tpu.memory_space<vmem_shared>> -> memref<10112x64xf32, #tpu.memory_space<vmem_shared>>
    tpu.enqueue_indirect_dma source(%dma_start3A_201 : memref<10112x64xf32, #tpu.memory_space<vmem_shared>>) target(%arg11 : memref<128x64xf32, #tpu.memory_space<vmem>>) offsets(%dma_start3A_198 : memref<128xi32, #tpu.memory_space<vmem>>) semaphore(%arg14 : memref<!tpu.dma_semaphore, #tpu.memory_space<semaphore_mem>>)
    %scan3A_202 = arith.constant 0 : i32
    %scan3A_203 = arith.constant 0 : i32
    %scan3A_204 = arith.constant 20 : i32
    %scan3A_205 = arith.addi %scan3A_203, %scan3A_204 : i32
    %scan3A_206 = arith.constant 1 : i32
    %scan3A_207 = scf.for %scan3A_229 = %scan3A_203 to %scan3A_205 step %scan3A_206 iter_args(%scan3A_230 = %scan3A_202) -> (i32)  : i32 {
      %mul3A_231 = arith.constant 2 : i32
      %mul3A_232 = arith.muli %mul3A_231, %scan3A_229 : i32
      %add3A_233 = arith.constant 0 : i32
      %add3A_234 = arith.addi %mul3A_232, %add3A_233 : i32
      %dma_wait3A_235 = arith.constant 0 : i32
      %dma_wait3A_236 = tpu.memref_slice %arg8[%add3A_234, %dma_wait3A_235] : memref<40x128xi32, #tpu.memory_space<vmem>> -> memref<1x128xi32, #tpu.memory_space<vmem>>
      %dma_wait3A_237 = tpu.memref_squeeze %dma_wait3A_236 : memref<1x128xi32, #tpu.memory_space<vmem>> -> memref<128xi32, #tpu.memory_space<vmem>>
      %dma_wait3A_238 = arith.constant 0 : i32
      %dma_wait3A_239 = arith.constant 0 : i32
      %dma_wait3A_240 = tpu.memref_slice %arg7[%dma_wait3A_238, %dma_wait3A_239] : memref<10112x64xf32, #tpu.memory_space<vmem_shared>> -> memref<10112x64xf32, #tpu.memory_space<vmem_shared>>
      tpu.wait_indirect_dma semaphore(%arg13 : memref<!tpu.dma_semaphore, #tpu.memory_space<semaphore_mem>>) src(%dma_wait3A_240 : memref<10112x64xf32, #tpu.memory_space<vmem_shared>>) dst(%arg10 : memref<128x64xf32, #tpu.memory_space<vmem>>)
      %add3A_241 = arith.constant 0 : i32
      %add3A_242 = arith.addi %mul3A_232, %add3A_241 : i32
      %dma_start3A_243 = arith.constant 0 : i32
      %dma_start3A_244 = tpu.memref_slice %arg9[%add3A_242, %dma_start3A_243] : memref<40x128xi32, #tpu.memory_space<vmem>> -> memref<1x128xi32, #tpu.memory_space<vmem>>
      %dma_start3A_245 = tpu.memref_squeeze %dma_start3A_244 : memref<1x128xi32, #tpu.memory_space<vmem>> -> memref<128xi32, #tpu.memory_space<vmem>>
      %dma_start3A_246 = arith.constant 0 : i32
      %dma_start3A_247 = arith.constant 0 : i32
      %dma_start3A_248 = tpu.memref_slice %arg6[%dma_start3A_246, %dma_start3A_247] : memref<10112x64xf32, #tpu.memory_space<vmem_shared>> -> memref<10112x64xf32, #tpu.memory_space<vmem_shared>>
      tpu.enqueue_indirect_dma source(%arg10 : memref<128x64xf32, #tpu.memory_space<vmem>>) target(%dma_start3A_248 : memref<10112x64xf32, #tpu.memory_space<vmem_shared>>) offsets(%dma_start3A_245 : memref<128xi32, #tpu.memory_space<vmem>>) semaphore(%arg15 : memref<!tpu.dma_semaphore, #tpu.memory_space<semaphore_mem>>) {add = true}
      %add3A_249 = arith.constant 0 : i32
      %add3A_250 = arith.addi %mul3A_232, %add3A_249 : i32
      %eq3A_251 = arith.constant 0 : i32
      %eq3A_252 = arith.cmpi eq, %arg0, %eq3A_251 : i32
      %convert_element_type3A_253 = arith.extui %eq3A_252 : i1 to i32
      %cond3A_254 = arith.constant 0 : i32
      %cond3A_255 = arith.cmpi ne, %convert_element_type3A_253, %cond3A_254 : i32
      scf.if %cond3A_255 {
        %get3A = arith.index_cast %add3A_250 : i32 to index
        %get3A_319 = arith.constant 0 : index
        %get3A_320 = tpu.vector_load %arg9[%get3A, %get3A_319] {strides = array<i32>} : memref<40x128xi32, #tpu.memory_space<vmem>>, vector<16xi32>,
        tpu.vector_store_idx %arg17[%get3A_320], %broadcast_in_dim3A_61 {add = true} : memref<10112xf32, #tpu.memory_space<vmem>>[vector<16xi32>], vector<16xf32>,
        %get3A_321 = arith.index_cast %add3A_250 : i32 to index
        %get3A_322 = arith.constant 16 : index
        %get3A_323 = tpu.vector_load %arg9[%get3A_321, %get3A_322] {strides = array<i32>} : memref<40x128xi32, #tpu.memory_space<vmem>>, vector<16xi32>,
        tpu.vector_store_idx %arg17[%get3A_323], %broadcast_in_dim3A_61 {add = true} : memref<10112xf32, #tpu.memory_space<vmem>>[vector<16xi32>], vector<16xf32>,
        %get3A_324 = arith.index_cast %add3A_250 : i32 to index
        %get3A_325 = arith.constant 32 : index
        %get3A_326 = tpu.vector_load %arg9[%get3A_324, %get3A_325] {strides = array<i32>} : memref<40x128xi32, #tpu.memory_space<vmem>>, vector<16xi32>,
        tpu.vector_store_idx %arg17[%get3A_326], %broadcast_in_dim3A_61 {add = true} : memref<10112xf32, #tpu.memory_space<vmem>>[vector<16xi32>], vector<16xf32>,
        %get3A_327 = arith.index_cast %add3A_250 : i32 to index
        %get3A_328 = arith.constant 48 : index
        %get3A_329 = tpu.vector_load %arg9[%get3A_327, %get3A_328] {strides = array<i32>} : memref<40x128xi32, #tpu.memory_space<vmem>>, vector<16xi32>,
        tpu.vector_store_idx %arg17[%get3A_329], %broadcast_in_dim3A_61 {add = true} : memref<10112xf32, #tpu.memory_space<vmem>>[vector<16xi32>], vector<16xf32>,
        %get3A_330 = arith.index_cast %add3A_250 : i32 to index
        %get3A_331 = arith.constant 64 : index
        %get3A_332 = tpu.vector_load %arg9[%get3A_330, %get3A_331] {strides = array<i32>} : memref<40x128xi32, #tpu.memory_space<vmem>>, vector<16xi32>,
        tpu.vector_store_idx %arg17[%get3A_332], %broadcast_in_dim3A_61 {add = true} : memref<10112xf32, #tpu.memory_space<vmem>>[vector<16xi32>], vector<16xf32>,
        %get3A_333 = arith.index_cast %add3A_250 : i32 to index
        %get3A_334 = arith.constant 80 : index
        %get3A_335 = tpu.vector_load %arg9[%get3A_333, %get3A_334] {strides = array<i32>} : memref<40x128xi32, #tpu.memory_space<vmem>>, vector<16xi32>,
        tpu.vector_store_idx %arg17[%get3A_335], %broadcast_in_dim3A_61 {add = true} : memref<10112xf32, #tpu.memory_space<vmem>>[vector<16xi32>], vector<16xf32>,
        %get3A_336 = arith.index_cast %add3A_250 : i32 to index
        %get3A_337 = arith.constant 96 : index
        %get3A_338 = tpu.vector_load %arg9[%get3A_336, %get3A_337] {strides = array<i32>} : memref<40x128xi32, #tpu.memory_space<vmem>>, vector<16xi32>,
        tpu.vector_store_idx %arg17[%get3A_338], %broadcast_in_dim3A_61 {add = true} : memref<10112xf32, #tpu.memory_space<vmem>>[vector<16xi32>], vector<16xf32>,
        %get3A_339 = arith.index_cast %add3A_250 : i32 to index
        %get3A_340 = arith.constant 112 : index
        %get3A_341 = tpu.vector_load %arg9[%get3A_339, %get3A_340] {strides = array<i32>} : memref<40x128xi32, #tpu.memory_space<vmem>>, vector<16xi32>,
        tpu.vector_store_idx %arg17[%get3A_341], %broadcast_in_dim3A_61 {add = true} : memref<10112xf32, #tpu.memory_space<vmem>>[vector<16xi32>], vector<16xf32>,
      } else {
      }
      %add3A_256 = arith.constant 1 : i32
      %add3A_257 = arith.addi %mul3A_232, %add3A_256 : i32
      %dma_wait3A_258 = arith.constant 0 : i32
      %dma_wait3A_259 = tpu.memref_slice %arg8[%add3A_257, %dma_wait3A_258] : memref<40x128xi32, #tpu.memory_space<vmem>> -> memref<1x128xi32, #tpu.memory_space<vmem>>
      %dma_wait3A_260 = tpu.memref_squeeze %dma_wait3A_259 : memref<1x128xi32, #tpu.memory_space<vmem>> -> memref<128xi32, #tpu.memory_space<vmem>>
      %dma_wait3A_261 = arith.constant 0 : i32
      %dma_wait3A_262 = arith.constant 0 : i32
      %dma_wait3A_263 = tpu.memref_slice %arg7[%dma_wait3A_261, %dma_wait3A_262] : memref<10112x64xf32, #tpu.memory_space<vmem_shared>> -> memref<10112x64xf32, #tpu.memory_space<vmem_shared>>
      tpu.wait_indirect_dma semaphore(%arg14 : memref<!tpu.dma_semaphore, #tpu.memory_space<semaphore_mem>>) src(%dma_wait3A_263 : memref<10112x64xf32, #tpu.memory_space<vmem_shared>>) dst(%arg11 : memref<128x64xf32, #tpu.memory_space<vmem>>)
      %add3A_264 = arith.constant 1 : i32
      %add3A_265 = arith.addi %mul3A_232, %add3A_264 : i32
      %dma_start3A_266 = arith.constant 0 : i32
      %dma_start3A_267 = tpu.memref_slice %arg9[%add3A_265, %dma_start3A_266] : memref<40x128xi32, #tpu.memory_space<vmem>> -> memref<1x128xi32, #tpu.memory_space<vmem>>
      %dma_start3A_268 = tpu.memref_squeeze %dma_start3A_267 : memref<1x128xi32, #tpu.memory_space<vmem>> -> memref<128xi32, #tpu.memory_space<vmem>>
      %dma_start3A_269 = arith.constant 0 : i32
      %dma_start3A_270 = arith.constant 0 : i32
      %dma_start3A_271 = tpu.memref_slice %arg6[%dma_start3A_269, %dma_start3A_270] : memref<10112x64xf32, #tpu.memory_space<vmem_shared>> -> memref<10112x64xf32, #tpu.memory_space<vmem_shared>>
      tpu.enqueue_indirect_dma source(%arg11 : memref<128x64xf32, #tpu.memory_space<vmem>>) target(%dma_start3A_271 : memref<10112x64xf32, #tpu.memory_space<vmem_shared>>) offsets(%dma_start3A_268 : memref<128xi32, #tpu.memory_space<vmem>>) semaphore(%arg16 : memref<!tpu.dma_semaphore, #tpu.memory_space<semaphore_mem>>) {add = true}
      %add3A_272 = arith.constant 1 : i32
      %add3A_273 = arith.addi %mul3A_232, %add3A_272 : i32
      %eq3A_274 = arith.constant 0 : i32
      %eq3A_275 = arith.cmpi eq, %arg0, %eq3A_274 : i32
      %convert_element_type3A_276 = arith.extui %eq3A_275 : i1 to i32
      %cond3A_277 = arith.constant 0 : i32
      %cond3A_278 = arith.cmpi ne, %convert_element_type3A_276, %cond3A_277 : i32
      scf.if %cond3A_278 {
        %get3A = arith.index_cast %add3A_273 : i32 to index
        %get3A_319 = arith.constant 0 : index
        %get3A_320 = tpu.vector_load %arg9[%get3A, %get3A_319] {strides = array<i32>} : memref<40x128xi32, #tpu.memory_space<vmem>>, vector<16xi32>,
        tpu.vector_store_idx %arg17[%get3A_320], %broadcast_in_dim3A_61 {add = true} : memref<10112xf32, #tpu.memory_space<vmem>>[vector<16xi32>], vector<16xf32>,
        %get3A_321 = arith.index_cast %add3A_273 : i32 to index
        %get3A_322 = arith.constant 16 : index
        %get3A_323 = tpu.vector_load %arg9[%get3A_321, %get3A_322] {strides = array<i32>} : memref<40x128xi32, #tpu.memory_space<vmem>>, vector<16xi32>,
        tpu.vector_store_idx %arg17[%get3A_323], %broadcast_in_dim3A_61 {add = true} : memref<10112xf32, #tpu.memory_space<vmem>>[vector<16xi32>], vector<16xf32>,
        %get3A_324 = arith.index_cast %add3A_273 : i32 to index
        %get3A_325 = arith.constant 32 : index
        %get3A_326 = tpu.vector_load %arg9[%get3A_324, %get3A_325] {strides = array<i32>} : memref<40x128xi32, #tpu.memory_space<vmem>>, vector<16xi32>,
        tpu.vector_store_idx %arg17[%get3A_326], %broadcast_in_dim3A_61 {add = true} : memref<10112xf32, #tpu.memory_space<vmem>>[vector<16xi32>], vector<16xf32>,
        %get3A_327 = arith.index_cast %add3A_273 : i32 to index
        %get3A_328 = arith.constant 48 : index
        %get3A_329 = tpu.vector_load %arg9[%get3A_327, %get3A_328] {strides = array<i32>} : memref<40x128xi32, #tpu.memory_space<vmem>>, vector<16xi32>,
        tpu.vector_store_idx %arg17[%get3A_329], %broadcast_in_dim3A_61 {add = true} : memref<10112xf32, #tpu.memory_space<vmem>>[vector<16xi32>], vector<16xf32>,
        %get3A_330 = arith.index_cast %add3A_273 : i32 to index
        %get3A_331 = arith.constant 64 : index
        %get3A_332 = tpu.vector_load %arg9[%get3A_330, %get3A_331] {strides = array<i32>} : memref<40x128xi32, #tpu.memory_space<vmem>>, vector<16xi32>,
        tpu.vector_store_idx %arg17[%get3A_332], %broadcast_in_dim3A_61 {add = true} : memref<10112xf32, #tpu.memory_space<vmem>>[vector<16xi32>], vector<16xf32>,
        %get3A_333 = arith.index_cast %add3A_273 : i32 to index
        %get3A_334 = arith.constant 80 : index
        %get3A_335 = tpu.vector_load %arg9[%get3A_333, %get3A_334] {strides = array<i32>} : memref<40x128xi32, #tpu.memory_space<vmem>>, vector<16xi32>,
        tpu.vector_store_idx %arg17[%get3A_335], %broadcast_in_dim3A_61 {add = true} : memref<10112xf32, #tpu.memory_space<vmem>>[vector<16xi32>], vector<16xf32>,
        %get3A_336 = arith.index_cast %add3A_273 : i32 to index
        %get3A_337 = arith.constant 96 : index
        %get3A_338 = tpu.vector_load %arg9[%get3A_336, %get3A_337] {strides = array<i32>} : memref<40x128xi32, #tpu.memory_space<vmem>>, vector<16xi32>,
        tpu.vector_store_idx %arg17[%get3A_338], %broadcast_in_dim3A_61 {add = true} : memref<10112xf32, #tpu.memory_space<vmem>>[vector<16xi32>], vector<16xf32>,
        %get3A_339 = arith.index_cast %add3A_273 : i32 to index
        %get3A_340 = arith.constant 112 : index
        %get3A_341 = tpu.vector_load %arg9[%get3A_339, %get3A_340] {strides = array<i32>} : memref<40x128xi32, #tpu.memory_space<vmem>>, vector<16xi32>,
        tpu.vector_store_idx %arg17[%get3A_341], %broadcast_in_dim3A_61 {add = true} : memref<10112xf32, #tpu.memory_space<vmem>>[vector<16xi32>], vector<16xf32>,
      } else {
      }
      %add3A_279 = arith.constant 0 : i32
      %add3A_280 = arith.addi %mul3A_232, %add3A_279 : i32
      %dma_wait3A_281 = arith.constant 0 : i32
      %dma_wait3A_282 = tpu.memref_slice %arg9[%add3A_280, %dma_wait3A_281] : memref<40x128xi32, #tpu.memory_space<vmem>> -> memref<1x128xi32, #tpu.memory_space<vmem>>
      %dma_wait3A_283 = tpu.memref_squeeze %dma_wait3A_282 : memref<1x128xi32, #tpu.memory_space<vmem>> -> memref<128xi32, #tpu.memory_space<vmem>>
      %dma_wait3A_284 = arith.constant 0 : i32
      %dma_wait3A_285 = arith.constant 0 : i32
      %dma_wait3A_286 = tpu.memref_slice %arg6[%dma_wait3A_284, %dma_wait3A_285] : memref<10112x64xf32, #tpu.memory_space<vmem_shared>> -> memref<10112x64xf32, #tpu.memory_space<vmem_shared>>
      tpu.wait_indirect_dma semaphore(%arg15 : memref<!tpu.dma_semaphore, #tpu.memory_space<semaphore_mem>>) src(%arg10 : memref<128x64xf32, #tpu.memory_space<vmem>>) dst(%dma_wait3A_286 : memref<10112x64xf32, #tpu.memory_space<vmem_shared>>)
      %add3A_287 = arith.constant 0 : i32
      %add3A_288 = arith.addi %mul3A_232, %add3A_287 : i32
      %add3A_289 = arith.constant 2 : i32
      %add3A_290 = arith.addi %add3A_288, %add3A_289 : i32
      %rem3A = arith.constant 40 : i32
      %rem3A_291 = arith.remsi %add3A_290, %rem3A : i32
      %dma_start3A_292 = arith.constant 0 : i32
      %dma_start3A_293 = tpu.memref_slice %arg8[%rem3A_291, %dma_start3A_292] : memref<40x128xi32, #tpu.memory_space<vmem>> -> memref<1x128xi32, #tpu.memory_space<vmem>>
      %dma_start3A_294 = tpu.memref_squeeze %dma_start3A_293 : memref<1x128xi32, #tpu.memory_space<vmem>> -> memref<128xi32, #tpu.memory_space<vmem>>
      %dma_start3A_295 = arith.constant 0 : i32
      %dma_start3A_296 = arith.constant 0 : i32
      %dma_start3A_297 = tpu.memref_slice %arg7[%dma_start3A_295, %dma_start3A_296] : memref<10112x64xf32, #tpu.memory_space<vmem_shared>> -> memref<10112x64xf32, #tpu.memory_space<vmem_shared>>
      tpu.enqueue_indirect_dma source(%dma_start3A_297 : memref<10112x64xf32, #tpu.memory_space<vmem_shared>>) target(%arg10 : memref<128x64xf32, #tpu.memory_space<vmem>>) offsets(%dma_start3A_294 : memref<128xi32, #tpu.memory_space<vmem>>) semaphore(%arg13 : memref<!tpu.dma_semaphore, #tpu.memory_space<semaphore_mem>>)
      %add3A_298 = arith.constant 1 : i32
      %add3A_299 = arith.addi %mul3A_232, %add3A_298 : i32
      %dma_wait3A_300 = arith.constant 0 : i32
      %dma_wait3A_301 = tpu.memref_slice %arg9[%add3A_299, %dma_wait3A_300] : memref<40x128xi32, #tpu.memory_space<vmem>> -> memref<1x128xi32, #tpu.memory_space<vmem>>
      %dma_wait3A_302 = tpu.memref_squeeze %dma_wait3A_301 : memref<1x128xi32, #tpu.memory_space<vmem>> -> memref<128xi32, #tpu.memory_space<vmem>>
      %dma_wait3A_303 = arith.constant 0 : i32
      %dma_wait3A_304 = arith.constant 0 : i32
      %dma_wait3A_305 = tpu.memref_slice %arg6[%dma_wait3A_303, %dma_wait3A_304] : memref<10112x64xf32, #tpu.memory_space<vmem_shared>> -> memref<10112x64xf32, #tpu.memory_space<vmem_shared>>
      tpu.wait_indirect_dma semaphore(%arg16 : memref<!tpu.dma_semaphore, #tpu.memory_space<semaphore_mem>>) src(%arg11 : memref<128x64xf32, #tpu.memory_space<vmem>>) dst(%dma_wait3A_305 : memref<10112x64xf32, #tpu.memory_space<vmem_shared>>)
      %add3A_306 = arith.constant 1 : i32
      %add3A_307 = arith.addi %mul3A_232, %add3A_306 : i32
      %add3A_308 = arith.constant 2 : i32
      %add3A_309 = arith.addi %add3A_307, %add3A_308 : i32
      %rem3A_310 = arith.constant 40 : i32
      %rem3A_311 = arith.remsi %add3A_309, %rem3A_310 : i32
      %dma_start3A_312 = arith.constant 0 : i32
      %dma_start3A_313 = tpu.memref_slice %arg8[%rem3A_311, %dma_start3A_312] : memref<40x128xi32, #tpu.memory_space<vmem>> -> memref<1x128xi32, #tpu.memory_space<vmem>>
      %dma_start3A_314 = tpu.memref_squeeze %dma_start3A_313 : memref<1x128xi32, #tpu.memory_space<vmem>> -> memref<128xi32, #tpu.memory_space<vmem>>
      %dma_start3A_315 = arith.constant 0 : i32
      %dma_start3A_316 = arith.constant 0 : i32
      %dma_start3A_317 = tpu.memref_slice %arg7[%dma_start3A_315, %dma_start3A_316] : memref<10112x64xf32, #tpu.memory_space<vmem_shared>> -> memref<10112x64xf32, #tpu.memory_space<vmem_shared>>
      tpu.enqueue_indirect_dma source(%dma_start3A_317 : memref<10112x64xf32, #tpu.memory_space<vmem_shared>>) target(%arg11 : memref<128x64xf32, #tpu.memory_space<vmem>>) offsets(%dma_start3A_314 : memref<128xi32, #tpu.memory_space<vmem>>) semaphore(%arg14 : memref<!tpu.dma_semaphore, #tpu.memory_space<semaphore_mem>>)
      %scan3A_318 = arith.constant 0 : i32
      scf.yield %scan3A_318 : i32
    }
    %scan3A_208 = arith.constant 20 : i32
    %dma_wait3A_209 = arith.constant 0 : i32
    %dma_wait3A_210 = arith.constant 0 : i32
    %dma_wait3A_211 = tpu.memref_slice %arg8[%dma_wait3A_209, %dma_wait3A_210] : memref<40x128xi32, #tpu.memory_space<vmem>> -> memref<1x128xi32, #tpu.memory_space<vmem>>
    %dma_wait3A_212 = tpu.memref_squeeze %dma_wait3A_211 : memref<1x128xi32, #tpu.memory_space<vmem>> -> memref<128xi32, #tpu.memory_space<vmem>>
    %dma_wait3A_213 = arith.constant 0 : i32
    %dma_wait3A_214 = arith.constant 0 : i32
    %dma_wait3A_215 = tpu.memref_slice %arg7[%dma_wait3A_213, %dma_wait3A_214] : memref<10112x64xf32, #tpu.memory_space<vmem_shared>> -> memref<10112x64xf32, #tpu.memory_space<vmem_shared>>
    tpu.wait_indirect_dma semaphore(%arg13 : memref<!tpu.dma_semaphore, #tpu.memory_space<semaphore_mem>>) src(%dma_wait3A_215 : memref<10112x64xf32, #tpu.memory_space<vmem_shared>>) dst(%arg10 : memref<128x64xf32, #tpu.memory_space<vmem>>)
    %dma_wait3A_216 = arith.constant 1 : i32
    %dma_wait3A_217 = arith.constant 0 : i32
    %dma_wait3A_218 = tpu.memref_slice %arg8[%dma_wait3A_216, %dma_wait3A_217] : memref<40x128xi32, #tpu.memory_space<vmem>> -> memref<1x128xi32, #tpu.memory_space<vmem>>
    %dma_wait3A_219 = tpu.memref_squeeze %dma_wait3A_218 : memref<1x128xi32, #tpu.memory_space<vmem>> -> memref<128xi32, #tpu.memory_space<vmem>>
    %dma_wait3A_220 = arith.constant 0 : i32
    %dma_wait3A_221 = arith.constant 0 : i32
    %dma_wait3A_222 = tpu.memref_slice %arg7[%dma_wait3A_220, %dma_wait3A_221] : memref<10112x64xf32, #tpu.memory_space<vmem_shared>> -> memref<10112x64xf32, #tpu.memory_space<vmem_shared>>
    tpu.wait_indirect_dma semaphore(%arg14 : memref<!tpu.dma_semaphore, #tpu.memory_space<semaphore_mem>>) src(%dma_wait3A_222 : memref<10112x64xf32, #tpu.memory_space<vmem_shared>>) dst(%arg11 : memref<128x64xf32, #tpu.memory_space<vmem>>)
    %barrier3A_223 = arith.constant 0 : index
    tpu.barrier barrier_id(%barrier3A_223)
    "tpu.region"() ({
      %run_scoped3A_229 = tpu.sem_alloc : memref<!tpu.dma_semaphore, #tpu.memory_space<semaphore_mem>>
      %dma_start3A_230 = arith.constant 0 : i32
      %dma_start3A_231 = tpu.memref_slice %arg4[%arg0, %mul3A_0, %dma_start3A_230] : memref<2x10112x64xf32, #tpu.memory_space<hbm>> -> memref<1x632x64xf32, #tpu.memory_space<hbm>>
      %dma_start3A_232 = tpu.memref_squeeze %dma_start3A_231 : memref<1x632x64xf32, #tpu.memory_space<hbm>> -> memref<632x64xf32, #tpu.memory_space<hbm>>
      %dma_start3A_233 = arith.constant 0 : i32
      %dma_start3A_234 = tpu.memref_slice %arg6[%mul3A_0, %dma_start3A_233] : memref<10112x64xf32, #tpu.memory_space<vmem_shared>> -> memref<632x64xf32, #tpu.memory_space<vmem_shared>>
      tpu.enqueue_dma source(%dma_start3A_234 : memref<632x64xf32, #tpu.memory_space<vmem_shared>>) target(%dma_start3A_232 : memref<632x64xf32, #tpu.memory_space<hbm>>) target_semaphore(%run_scoped3A_229 : memref<!tpu.dma_semaphore, #tpu.memory_space<semaphore_mem>>)
      %dma_wait3A_235 = arith.constant 0 : i32
      %dma_wait3A_236 = tpu.memref_slice %arg4[%arg0, %mul3A_0, %dma_wait3A_235] : memref<2x10112x64xf32, #tpu.memory_space<hbm>> -> memref<1x632x64xf32, #tpu.memory_space<hbm>>
      %dma_wait3A_237 = tpu.memref_squeeze %dma_wait3A_236 : memref<1x632x64xf32, #tpu.memory_space<hbm>> -> memref<632x64xf32, #tpu.memory_space<hbm>>
      %dma_wait3A_238 = arith.constant 0 : i32
      %dma_wait3A_239 = tpu.memref_slice %arg6[%mul3A_0, %dma_wait3A_238] : memref<10112x64xf32, #tpu.memory_space<vmem_shared>> -> memref<632x64xf32, #tpu.memory_space<vmem_shared>>
      tpu.wait_dma2 semaphore(%run_scoped3A_229 : memref<!tpu.dma_semaphore, #tpu.memory_space<semaphore_mem>>) src(%dma_wait3A_239 : memref<632x64xf32, #tpu.memory_space<vmem_shared>>) dst(%dma_wait3A_237 : memref<632x64xf32, #tpu.memory_space<hbm>>)
      tpu.yield
    }) : () -> ()
    %eq3A_224 = arith.constant 0 : i32
    %eq3A_225 = arith.cmpi eq, %arg0, %eq3A_224 : i32
    %convert_element_type3A_226 = arith.extui %eq3A_225 : i1 to i32
    %cond3A_227 = arith.constant 0 : i32
    %cond3A_228 = arith.cmpi ne, %convert_element_type3A_226, %cond3A_227 : i32
    scf.if %cond3A_228 {
      "tpu.region"() ({
        %run_scoped3A_229 = tpu.sem_alloc : memref<!tpu.dma_semaphore, #tpu.memory_space<semaphore_mem>>
        %dma_start3A_230 = arith.constant 0 : i32
        %dma_start3A_231 = tpu.memref_slice %arg5[%arg1, %dma_start3A_230] : memref<16x10112xf32, #tpu.memory_space<hbm>> -> memref<1x10112xf32, #tpu.memory_space<hbm>>
        %dma_start3A_232 = tpu.memref_squeeze %dma_start3A_231 : memref<1x10112xf32, #tpu.memory_space<hbm>> -> memref<10112xf32, #tpu.memory_space<hbm>>
        %dma_start3A_233 = arith.constant 0 : i32
        %dma_start3A_234 = tpu.memref_slice %arg5[%arg1, %dma_start3A_233] : memref<16x10112xf32, #tpu.memory_space<hbm>> -> memref<1x10112xf32, #tpu.memory_space<hbm>>
        %dma_start3A_235 = tpu.memref_squeeze %dma_start3A_234 : memref<1x10112xf32, #tpu.memory_space<hbm>> -> memref<10112xf32, #tpu.memory_space<hbm>>
        tpu.enqueue_dma source(%arg17 : memref<10112xf32, #tpu.memory_space<vmem>>) target(%dma_start3A_235 : memref<10112xf32, #tpu.memory_space<hbm>>) target_semaphore(%run_scoped3A_229 : memref<!tpu.dma_semaphore, #tpu.memory_space<semaphore_mem>>)
        %dma_wait3A_236 = arith.constant 0 : i32
        %dma_wait3A_237 = tpu.memref_slice %arg5[%arg1, %dma_wait3A_236] : memref<16x10112xf32, #tpu.memory_space<hbm>> -> memref<1x10112xf32, #tpu.memory_space<hbm>>
        %dma_wait3A_238 = tpu.memref_squeeze %dma_wait3A_237 : memref<1x10112xf32, #tpu.memory_space<hbm>> -> memref<10112xf32, #tpu.memory_space<hbm>>
        %dma_wait3A_239 = arith.constant 0 : i32
        %dma_wait3A_240 = tpu.memref_slice %arg5[%arg1, %dma_wait3A_239] : memref<16x10112xf32, #tpu.memory_space<hbm>> -> memref<1x10112xf32, #tpu.memory_space<hbm>>
        %dma_wait3A_241 = tpu.memref_squeeze %dma_wait3A_240 : memref<1x10112xf32, #tpu.memory_space<hbm>> -> memref<10112xf32, #tpu.memory_space<hbm>>
        tpu.wait_dma2 semaphore(%run_scoped3A_229 : memref<!tpu.dma_semaphore, #tpu.memory_space<semaphore_mem>>) src(%arg17 : memref<10112xf32, #tpu.memory_space<vmem>>) dst(%dma_wait3A_241 : memref<10112xf32, #tpu.memory_space<hbm>>)
        tpu.yield
      }) : () -> ()
    } else {
    }
    return
  }
}

module attributes {stable_mosaic.version = 14 : i64} {
  func.func @_stage_a0_body(%arg0: i32, %arg1: memref<1000x128xf32, #tpu.memory_space<vmem>>, %arg2: memref<256x128xf32, #tpu.memory_space<vmem>>, %arg3: memref<1x256xf32, #tpu.memory_space<vmem>>, %arg4: memref<1000x256xf32, #tpu.memory_space<vmem>>) attributes {dimension_semantics = [#tpu.dimension_semantics<arbitrary>], iteration_bounds = array<i64: 10>, scalar_prefetch = 0 : i64, scratch_operands = 0 : i64, tpu.core_type = #tpu.core_type<tc>, window_params = [{transform_indices = @transform_0, window_bounds = array<i64: 1000, 128>}, {pipeline_mode = #tpu.pipeline_mode<synchronous>, transform_indices = @transform_1, window_bounds = array<i64: 256, 128>}, {pipeline_mode = #tpu.pipeline_mode<synchronous>, transform_indices = @transform_2, window_bounds = array<i64: 1, 256>}, {transform_indices = @transform_3, window_bounds = array<i64: 1000, 256>}]} {
    %get3A = arith.constant 0 : index
    %get3A_0 = arith.constant 0 : index
    %get3A_1 = vector.load %arg1[%get3A, %get3A_0] : memref<1000x128xf32, #tpu.memory_space<vmem>>, vector<1000x128xf32>
    %get3A_2 = arith.constant 0 : index
    %get3A_3 = arith.constant 0 : index
    %get3A_4 = vector.load %arg2[%get3A_2, %get3A_3] : memref<256x128xf32, #tpu.memory_space<vmem>>, vector<256x128xf32>
    %dot_general3A = arith.constant dense<0.000000e+00> : vector<1000x256xf32>
    %dot_general3A_5 = tpu.matmul %get3A_1, %get3A_4, %dot_general3A {dimension_numbers = #tpu.dot_dimension_numbers<[1], [1], [0], [0], [0, 0, 1, 0], [], []>, transpose_lhs_hint = false} : vector<1000x128xf32>, vector<256x128xf32>, vector<1000x256xf32> -> vector<1000x256xf32>
    %get3A_6 = arith.constant 0 : index
    %get3A_7 = arith.constant 0 : index
    %get3A_8 = vector.load %arg3[%get3A_6, %get3A_7] : memref<1x256xf32, #tpu.memory_space<vmem>>, vector<1x256xf32>
    %add3A = vector.broadcast %get3A_8 : vector<1x256xf32> to vector<1000x256xf32>
    %add3A_9 = arith.addf %dot_general3A_5, %add3A : vector<1000x256xf32>
    %swap3A = arith.constant 0 : index
    %swap3A_10 = arith.constant 0 : index
    %swap3A_11 = vector.load %arg4[%swap3A, %swap3A_10] : memref<1000x256xf32, #tpu.memory_space<vmem>>, vector<1000x256xf32>
    tpu.vector_store %arg4[%swap3A, %swap3A_10], %add3A_9 {strides = array<i32>} : memref<1000x256xf32, #tpu.memory_space<vmem>>, vector<1000x256xf32>,
    return
  }
  func.func @transform_0(%arg0: i32) -> (i32, i32) {
    %c0_i32 = arith.constant 0 : i32
    %c0_i32_0 = arith.constant 0 : i32
    return %arg0, %c0_i32 : i32, i32
  }
  func.func @transform_1(%arg0: i32) -> (i32, i32) {
    %c0_i32 = arith.constant 0 : i32
    %c0_i32_0 = arith.constant 0 : i32
    %c0_i32_1 = arith.constant 0 : i32
    return %c0_i32, %c0_i32_0 : i32, i32
  }
  func.func @transform_2(%arg0: i32) -> (i32, i32) {
    %c0_i32 = arith.constant 0 : i32
    %c0_i32_0 = arith.constant 0 : i32
    %c0_i32_1 = arith.constant 0 : i32
    return %c0_i32, %c0_i32_0 : i32, i32
  }
  func.func @transform_3(%arg0: i32) -> (i32, i32) {
    %c0_i32 = arith.constant 0 : i32
    %c0_i32_0 = arith.constant 0 : i32
    return %arg0, %c0_i32 : i32, i32
  }
}

module attributes {stable_mosaic.version = 14 : i64} {
  func.func @_stage_a_body(%arg0: i32, %arg1: memref<1000x256xf32, #tpu.memory_space<vmem>>, %arg2: memref<1x1000x64xf32, #tpu.memory_space<vmem>>, %arg3: memref<1x1000x64xf32, #tpu.memory_space<vmem>>, %arg4: memref<1000x16xf32, #tpu.memory_space<vmem>>, %arg5: memref<256x128xf32, #tpu.memory_space<vmem>>, %arg6: memref<128x256xf32, #tpu.memory_space<vmem>>, %arg7: memref<128x256xf32, #tpu.memory_space<vmem>>, %arg8: memref<1x128xf32, #tpu.memory_space<vmem>>, %arg9: memref<1000x128xf32, #tpu.memory_space<vmem>>, %arg10: memref<1000x128xf32, #tpu.memory_space<vmem>>) attributes {dimension_semantics = [#tpu.dimension_semantics<arbitrary>], iteration_bounds = array<i64: 10>, scalar_prefetch = 0 : i64, scratch_operands = 0 : i64, tpu.core_type = #tpu.core_type<tc>, window_params = [{transform_indices = @transform_0, window_bounds = array<i64: 1000, 256>}, {transform_indices = @transform_1, window_bounds = array<i64: 1, 1000, 64>}, {transform_indices = @transform_2, window_bounds = array<i64: 1, 1000, 64>}, {transform_indices = @transform_3, window_bounds = array<i64: 1000, 16>}, {pipeline_mode = #tpu.pipeline_mode<synchronous>, transform_indices = @transform_4, window_bounds = array<i64: 256, 128>}, {pipeline_mode = #tpu.pipeline_mode<synchronous>, transform_indices = @transform_5, window_bounds = array<i64: 128, 256>}, {pipeline_mode = #tpu.pipeline_mode<synchronous>, transform_indices = @transform_6, window_bounds = array<i64: 128, 256>}, {pipeline_mode = #tpu.pipeline_mode<synchronous>, transform_indices = @transform_7, window_bounds = array<i64: 1, 128>}, {transform_indices = @transform_8, window_bounds = array<i64: 1000, 128>}, {transform_indices = @transform_9, window_bounds = array<i64: 1000, 128>}]} {
    %get3A = arith.constant 0 : index
    %get3A_0 = arith.constant 0 : index
    %get3A_1 = vector.load %arg4[%get3A, %get3A_0] : memref<1000x16xf32, #tpu.memory_space<vmem>>, vector<1000x16xf32>
    %reduce_sum3A = arith.constant dense<0.000000e+00> : vector<1000xf32>
    %reduce_sum3A_2 = vector.multi_reduction <add>, %get3A_1, %reduce_sum3A [1] : vector<1000x16xf32> to vector<1000xf32>
    %max3A = arith.constant 1.000000e+00 : f32
    %max3A_3 = vector.broadcast %max3A : f32 to vector<1000xf32>
    %max3A_4 = arith.maximumf %reduce_sum3A_2, %max3A_3 : vector<1000xf32>
    %div3A = arith.constant 1.000000e+00 : f32
    %div3A_5 = vector.broadcast %div3A : f32 to vector<1000xf32>
    %div3A_6 = arith.divf %div3A_5, %max3A_4 : vector<1000xf32>
    %get3A_7 = arith.constant 0 : index
    %get3A_8 = arith.constant 0 : index
    %get3A_9 = arith.constant 0 : index
    %get3A_10 = vector.load %arg2[%get3A_7, %get3A_8, %get3A_9] : memref<1x1000x64xf32, #tpu.memory_space<vmem>>, vector<1x1000x64xf32>
    %get3A_11 = vector.shape_cast %get3A_10 : vector<1x1000x64xf32> to vector<1000x64xf32>
    %get3A_12 = arith.constant 0 : index
    %get3A_13 = arith.constant 0 : index
    %get3A_14 = arith.constant 0 : index
    %get3A_15 = vector.load %arg3[%get3A_12, %get3A_13, %get3A_14] : memref<1x1000x64xf32, #tpu.memory_space<vmem>>, vector<1x1000x64xf32>
    %get3A_16 = vector.shape_cast %get3A_15 : vector<1x1000x64xf32> to vector<1000x64xf32>
    %concatenate3A = tpu.concatenate %get3A_11, %get3A_16 in 1 : vector<1000x64xf32>, vector<1000x64xf32> -> vector<1000x128xf32>
    %broadcast_in_dim3A = vector.shape_cast %div3A_6 : vector<1000xf32> to vector<1000x1xf32>
    %mul3A = vector.broadcast %broadcast_in_dim3A : vector<1000x1xf32> to vector<1000x128xf32>
    %mul3A_17 = arith.mulf %concatenate3A, %mul3A : vector<1000x128xf32>
    %get3A_18 = arith.constant 0 : index
    %get3A_19 = arith.constant 0 : index
    %get3A_20 = vector.load %arg5[%get3A_18, %get3A_19] : memref<256x128xf32, #tpu.memory_space<vmem>>, vector<256x128xf32>
    %dot_general3A = arith.constant dense<0.000000e+00> : vector<1000x256xf32>
    %dot_general3A_21 = tpu.matmul %mul3A_17, %get3A_20, %dot_general3A {dimension_numbers = #tpu.dot_dimension_numbers<[1], [1], [0], [0], [0, 0, 1, 0], [], []>, transpose_lhs_hint = false} : vector<1000x128xf32>, vector<256x128xf32>, vector<1000x256xf32> -> vector<1000x256xf32>
    %get3A_22 = arith.constant 0 : index
    %get3A_23 = arith.constant 0 : index
    %get3A_24 = vector.load %arg1[%get3A_22, %get3A_23] : memref<1000x256xf32, #tpu.memory_space<vmem>>, vector<1000x256xf32>
    %add3A = arith.addf %dot_general3A_21, %get3A_24 : vector<1000x256xf32>
    %max3A_25 = arith.constant 0.000000e+00 : f32
    %max3A_26 = vector.broadcast %max3A_25 : f32 to vector<1000x256xf32>
    %max3A_27 = arith.maximumf %add3A, %max3A_26 : vector<1000x256xf32>
    %get3A_28 = arith.constant 0 : index
    %get3A_29 = arith.constant 0 : index
    %get3A_30 = vector.load %arg6[%get3A_28, %get3A_29] : memref<128x256xf32, #tpu.memory_space<vmem>>, vector<128x256xf32>
    %dot_general3A_31 = arith.constant dense<0.000000e+00> : vector<1000x128xf32>
    %dot_general3A_32 = tpu.matmul %max3A_27, %get3A_30, %dot_general3A_31 {dimension_numbers = #tpu.dot_dimension_numbers<[1], [1], [0], [0], [0, 0, 1, 0], [], []>, transpose_lhs_hint = false} : vector<1000x256xf32>, vector<128x256xf32>, vector<1000x128xf32> -> vector<1000x128xf32>
    %swap3A = arith.constant 0 : index
    %swap3A_33 = arith.constant 0 : index
    %swap3A_34 = vector.load %arg9[%swap3A, %swap3A_33] : memref<1000x128xf32, #tpu.memory_space<vmem>>, vector<1000x128xf32>
    tpu.vector_store %arg9[%swap3A, %swap3A_33], %dot_general3A_32 {strides = array<i32>} : memref<1000x128xf32, #tpu.memory_space<vmem>>, vector<1000x128xf32>,
    %get3A_35 = arith.constant 0 : index
    %get3A_36 = arith.constant 0 : index
    %get3A_37 = vector.load %arg7[%get3A_35, %get3A_36] : memref<128x256xf32, #tpu.memory_space<vmem>>, vector<128x256xf32>
    %dot_general3A_38 = arith.constant dense<0.000000e+00> : vector<1000x128xf32>
    %dot_general3A_39 = tpu.matmul %max3A_27, %get3A_37, %dot_general3A_38 {dimension_numbers = #tpu.dot_dimension_numbers<[1], [1], [0], [0], [0, 0, 1, 0], [], []>, transpose_lhs_hint = false} : vector<1000x256xf32>, vector<128x256xf32>, vector<1000x128xf32> -> vector<1000x128xf32>
    %get3A_40 = arith.constant 0 : index
    %get3A_41 = arith.constant 0 : index
    %get3A_42 = vector.load %arg8[%get3A_40, %get3A_41] : memref<1x128xf32, #tpu.memory_space<vmem>>, vector<1x128xf32>
    %add3A_43 = vector.broadcast %get3A_42 : vector<1x128xf32> to vector<1000x128xf32>
    %add3A_44 = arith.addf %dot_general3A_39, %add3A_43 : vector<1000x128xf32>
    %swap3A_45 = arith.constant 0 : index
    %swap3A_46 = arith.constant 0 : index
    %swap3A_47 = vector.load %arg10[%swap3A_45, %swap3A_46] : memref<1000x128xf32, #tpu.memory_space<vmem>>, vector<1000x128xf32>
    tpu.vector_store %arg10[%swap3A_45, %swap3A_46], %add3A_44 {strides = array<i32>} : memref<1000x128xf32, #tpu.memory_space<vmem>>, vector<1000x128xf32>,
    return
  }
  func.func @transform_0(%arg0: i32) -> (i32, i32) {
    %c0_i32 = arith.constant 0 : i32
    %c0_i32_0 = arith.constant 0 : i32
    return %arg0, %c0_i32 : i32, i32
  }
  func.func @transform_1(%arg0: i32) -> (i32, i32, i32) {
    %c0_i32 = arith.constant 0 : i32
    %c0_i32_0 = arith.constant 0 : i32
    %c0_i32_1 = arith.constant 0 : i32
    return %c0_i32, %arg0, %c0_i32_0 : i32, i32, i32
  }
  func.func @transform_2(%arg0: i32) -> (i32, i32, i32) {
    %c1_i32 = arith.constant 1 : i32
    %c0_i32 = arith.constant 0 : i32
    %c0_i32_0 = arith.constant 0 : i32
    return %c1_i32, %arg0, %c0_i32 : i32, i32, i32
  }
  func.func @transform_3(%arg0: i32) -> (i32, i32) {
    %c0_i32 = arith.constant 0 : i32
    %c0_i32_0 = arith.constant 0 : i32
    return %arg0, %c0_i32 : i32, i32
  }
  func.func @transform_4(%arg0: i32) -> (i32, i32) {
    %c0_i32 = arith.constant 0 : i32
    %c0_i32_0 = arith.constant 0 : i32
    %c0_i32_1 = arith.constant 0 : i32
    return %c0_i32, %c0_i32_0 : i32, i32
  }
  func.func @transform_5(%arg0: i32) -> (i32, i32) {
    %c0_i32 = arith.constant 0 : i32
    %c0_i32_0 = arith.constant 0 : i32
    %c0_i32_1 = arith.constant 0 : i32
    return %c0_i32, %c0_i32_0 : i32, i32
  }
  func.func @transform_6(%arg0: i32) -> (i32, i32) {
    %c0_i32 = arith.constant 0 : i32
    %c0_i32_0 = arith.constant 0 : i32
    %c0_i32_1 = arith.constant 0 : i32
    return %c0_i32, %c0_i32_0 : i32, i32
  }
  func.func @transform_7(%arg0: i32) -> (i32, i32) {
    %c0_i32 = arith.constant 0 : i32
    %c0_i32_0 = arith.constant 0 : i32
    %c0_i32_1 = arith.constant 0 : i32
    return %c0_i32, %c0_i32_0 : i32, i32
  }
  func.func @transform_8(%arg0: i32) -> (i32, i32) {
    %c0_i32 = arith.constant 0 : i32
    %c0_i32_0 = arith.constant 0 : i32
    return %arg0, %c0_i32 : i32, i32
  }
  func.func @transform_9(%arg0: i32) -> (i32, i32) {
    %c0_i32 = arith.constant 0 : i32
    %c0_i32_0 = arith.constant 0 : i32
    return %arg0, %c0_i32 : i32, i32
  }
}

module attributes {stable_mosaic.version = 14 : i64} {
  func.func @_stage_b_body(%arg0: i32, %arg1: memref<1x1000x64xf32, #tpu.memory_space<vmem>>, %arg2: memref<1x1000x64xf32, #tpu.memory_space<vmem>>, %arg3: memref<1000x16xf32, #tpu.memory_space<vmem>>, %arg4: memref<1000x128xf32, #tpu.memory_space<vmem>>, %arg5: memref<64x128xf32, #tpu.memory_space<vmem>>, %arg6: memref<1x64xf32, #tpu.memory_space<vmem>>, %arg7: memref<1000x64xf32, #tpu.memory_space<vmem>>, %arg8: memref<1000x128xf32, #tpu.memory_space<vmem>>) attributes {dimension_semantics = [#tpu.dimension_semantics<arbitrary>], iteration_bounds = array<i64: 10>, scalar_prefetch = 0 : i64, scratch_operands = 0 : i64, tpu.core_type = #tpu.core_type<tc>, window_params = [{transform_indices = @transform_0, window_bounds = array<i64: 1, 1000, 64>}, {transform_indices = @transform_1, window_bounds = array<i64: 1, 1000, 64>}, {transform_indices = @transform_2, window_bounds = array<i64: 1000, 16>}, {transform_indices = @transform_3, window_bounds = array<i64: 1000, 128>}, {pipeline_mode = #tpu.pipeline_mode<synchronous>, transform_indices = @transform_4, window_bounds = array<i64: 64, 128>}, {pipeline_mode = #tpu.pipeline_mode<synchronous>, transform_indices = @transform_5, window_bounds = array<i64: 1, 64>}, {transform_indices = @transform_6, window_bounds = array<i64: 1000, 64>}, {transform_indices = @transform_7, window_bounds = array<i64: 1000, 128>}]} {
    %get3A = arith.constant 0 : index
    %get3A_0 = arith.constant 0 : index
    %get3A_1 = vector.load %arg3[%get3A, %get3A_0] : memref<1000x16xf32, #tpu.memory_space<vmem>>, vector<1000x16xf32>
    %reduce_sum3A = arith.constant dense<0.000000e+00> : vector<1000xf32>
    %reduce_sum3A_2 = vector.multi_reduction <add>, %get3A_1, %reduce_sum3A [1] : vector<1000x16xf32> to vector<1000xf32>
    %max3A = arith.constant 1.000000e+00 : f32
    %max3A_3 = vector.broadcast %max3A : f32 to vector<1000xf32>
    %max3A_4 = arith.maximumf %reduce_sum3A_2, %max3A_3 : vector<1000xf32>
    %div3A = arith.constant 1.000000e+00 : f32
    %div3A_5 = vector.broadcast %div3A : f32 to vector<1000xf32>
    %div3A_6 = arith.divf %div3A_5, %max3A_4 : vector<1000xf32>
    %get3A_7 = arith.constant 0 : index
    %get3A_8 = arith.constant 0 : index
    %get3A_9 = arith.constant 0 : index
    %get3A_10 = vector.load %arg1[%get3A_7, %get3A_8, %get3A_9] : memref<1x1000x64xf32, #tpu.memory_space<vmem>>, vector<1x1000x64xf32>
    %get3A_11 = vector.shape_cast %get3A_10 : vector<1x1000x64xf32> to vector<1000x64xf32>
    %get3A_12 = arith.constant 0 : index
    %get3A_13 = arith.constant 0 : index
    %get3A_14 = arith.constant 0 : index
    %get3A_15 = vector.load %arg2[%get3A_12, %get3A_13, %get3A_14] : memref<1x1000x64xf32, #tpu.memory_space<vmem>>, vector<1x1000x64xf32>
    %get3A_16 = vector.shape_cast %get3A_15 : vector<1x1000x64xf32> to vector<1000x64xf32>
    %concatenate3A = tpu.concatenate %get3A_11, %get3A_16 in 1 : vector<1000x64xf32>, vector<1000x64xf32> -> vector<1000x128xf32>
    %broadcast_in_dim3A = vector.shape_cast %div3A_6 : vector<1000xf32> to vector<1000x1xf32>
    %mul3A = vector.broadcast %broadcast_in_dim3A : vector<1000x1xf32> to vector<1000x128xf32>
    %mul3A_17 = arith.mulf %concatenate3A, %mul3A : vector<1000x128xf32>
    %get3A_18 = arith.constant 0 : index
    %get3A_19 = arith.constant 0 : index
    %get3A_20 = vector.load %arg4[%get3A_18, %get3A_19] : memref<1000x128xf32, #tpu.memory_space<vmem>>, vector<1000x128xf32>
    %add3A = arith.addf %mul3A_17, %get3A_20 : vector<1000x128xf32>
    %get3A_21 = arith.constant 0 : index
    %get3A_22 = arith.constant 0 : index
    %get3A_23 = vector.load %arg5[%get3A_21, %get3A_22] : memref<64x128xf32, #tpu.memory_space<vmem>>, vector<64x128xf32>
    %dot_general3A = arith.constant dense<0.000000e+00> : vector<1000x64xf32>
    %dot_general3A_24 = tpu.matmul %add3A, %get3A_23, %dot_general3A {dimension_numbers = #tpu.dot_dimension_numbers<[1], [1], [0], [0], [0, 0, 1, 0], [], []>, transpose_lhs_hint = false} : vector<1000x128xf32>, vector<64x128xf32>, vector<1000x64xf32> -> vector<1000x64xf32>
    %get3A_25 = arith.constant 0 : index
    %get3A_26 = arith.constant 0 : index
    %get3A_27 = vector.load %arg6[%get3A_25, %get3A_26] : memref<1x64xf32, #tpu.memory_space<vmem>>, vector<1x64xf32>
    %add3A_28 = vector.broadcast %get3A_27 : vector<1x64xf32> to vector<1000x64xf32>
    %add3A_29 = arith.addf %dot_general3A_24, %add3A_28 : vector<1000x64xf32>
    %swap3A = arith.constant 0 : index
    %swap3A_30 = arith.constant 0 : index
    %swap3A_31 = vector.load %arg7[%swap3A, %swap3A_30] : memref<1000x64xf32, #tpu.memory_space<vmem>>, vector<1000x64xf32>
    tpu.vector_store %arg7[%swap3A, %swap3A_30], %add3A_29 {strides = array<i32>} : memref<1000x64xf32, #tpu.memory_space<vmem>>, vector<1000x64xf32>,
    %mul3A_32 = arith.mulf %add3A, %add3A : vector<1000x128xf32>
    %reduce_sum3A_33 = arith.constant dense<0.000000e+00> : vector<1000xf32>
    %reduce_sum3A_34 = vector.multi_reduction <add>, %mul3A_32, %reduce_sum3A_33 [1] : vector<1000x128xf32> to vector<1000xf32>
    %broadcast_in_dim3A_35 = vector.shape_cast %reduce_sum3A_34 : vector<1000xf32> to vector<1000x1xf32>
    %sqrt3A = math.sqrt %broadcast_in_dim3A_35 : vector<1000x1xf32>
    %max3A_36 = arith.constant 9.99999996E-13 : f32
    %max3A_37 = vector.broadcast %max3A_36 : f32 to vector<1000x1xf32>
    %max3A_38 = arith.maximumf %sqrt3A, %max3A_37 : vector<1000x1xf32>
    %div3A_39 = vector.broadcast %max3A_38 : vector<1000x1xf32> to vector<1000x128xf32>
    %div3A_40 = arith.divf %add3A, %div3A_39 : vector<1000x128xf32>
    %swap3A_41 = arith.constant 0 : index
    %swap3A_42 = arith.constant 0 : index
    %swap3A_43 = vector.load %arg8[%swap3A_41, %swap3A_42] : memref<1000x128xf32, #tpu.memory_space<vmem>>, vector<1000x128xf32>
    tpu.vector_store %arg8[%swap3A_41, %swap3A_42], %div3A_40 {strides = array<i32>} : memref<1000x128xf32, #tpu.memory_space<vmem>>, vector<1000x128xf32>,
    return
  }
  func.func @transform_0(%arg0: i32) -> (i32, i32, i32) {
    %c0_i32 = arith.constant 0 : i32
    %c0_i32_0 = arith.constant 0 : i32
    %c0_i32_1 = arith.constant 0 : i32
    return %c0_i32, %arg0, %c0_i32_0 : i32, i32, i32
  }
  func.func @transform_1(%arg0: i32) -> (i32, i32, i32) {
    %c1_i32 = arith.constant 1 : i32
    %c0_i32 = arith.constant 0 : i32
    %c0_i32_0 = arith.constant 0 : i32
    return %c1_i32, %arg0, %c0_i32 : i32, i32, i32
  }
  func.func @transform_2(%arg0: i32) -> (i32, i32) {
    %c0_i32 = arith.constant 0 : i32
    %c0_i32_0 = arith.constant 0 : i32
    return %arg0, %c0_i32 : i32, i32
  }
  func.func @transform_3(%arg0: i32) -> (i32, i32) {
    %c0_i32 = arith.constant 0 : i32
    %c0_i32_0 = arith.constant 0 : i32
    return %arg0, %c0_i32 : i32, i32
  }
  func.func @transform_4(%arg0: i32) -> (i32, i32) {
    %c0_i32 = arith.constant 0 : i32
    %c0_i32_0 = arith.constant 0 : i32
    %c0_i32_1 = arith.constant 0 : i32
    return %c0_i32, %c0_i32_0 : i32, i32
  }
  func.func @transform_5(%arg0: i32) -> (i32, i32) {
    %c0_i32 = arith.constant 0 : i32
    %c0_i32_0 = arith.constant 0 : i32
    %c0_i32_1 = arith.constant 0 : i32
    return %c0_i32, %c0_i32_0 : i32, i32
  }
  func.func @transform_6(%arg0: i32) -> (i32, i32) {
    %c0_i32 = arith.constant 0 : i32
    %c0_i32_0 = arith.constant 0 : i32
    return %arg0, %c0_i32 : i32, i32
  }
  func.func @transform_7(%arg0: i32) -> (i32, i32) {
    %c0_i32 = arith.constant 0 : i32
    %c0_i32_0 = arith.constant 0 : i32
    return %arg0, %c0_i32 : i32, i32
  }
}

</mosaic_0001>

<sc_bundles>
// kernel: kernel.10.cloned.1.call-start
scs
__scs_entry_jumppad:
0x0: {  	(pc) =	sbr.rel $0x88, $3  }
0x1: {  	(tag) =	ssettag $0x0;
	lr =	simm.s32 $0x1  }
0x2: {  	[smem:$0x3F97] =	sst lr;
	_ =	strace $0xD0000000  }
0x3: {  	_ = 	snop  }
0x4: {  	_ = 	snop  }
0x5: {  	_ = 	snop  }
0x6: {  	_ = 	snop  }
0x7: {  	_ = 	snop  }
__scs_overlays_trampoline_lowered:
0x8: {  	[smem:$0x3FA6] =	sst s0  }
0x9: {  	[smem:$0x3FA7] =	sst s1  }
0xa: {  	[smem:$0x3FA8] =	sst s2  }
0xb: {  	[smem:$0x3FA9] =	sst s3  }
0xc: {  	[smem:$0x3FAA] =	sst s4  }
0xd: {  	[smem:$0x3FAB] =	sst s5  }
0xe: {  	[smem:$0x3FAC] =	sst s6  }
0xf: {  	[smem:$0x3FAD] =	sst s7  }
0x10: {  	[smem:$0x3FAE] =	sst s8  }
0x11: {  	[smem:$0x3FAF] =	sst s9;
	s0 =	simm.s32 @!p0 $0x0  }
0x12: {  	s1 =	sld [smem:$0x3F95];
	s0 =	simm.s32 @p0 $0x1  }
0x13: {  	[smem:$0x3FB0] =	sst s0;
	s0 =	simm.s32 @!p1 $0x0  }
0x14: {  	s2 =	sld [smem:$0x3F94];
	s0 =	simm.s32 @p1 $0x1  }
0x15: {  	[smem:$0x3FB1] =	sst s0;
	s0 =	simm.s32 @!p2 $0x0  }
0x16: {  	s3 =	sld [smem:$0x3FDB];
	s0 =	simm.s32 @p2 $0x1  }
0x17: {  	s4 =	simm.s32 $0x1BF5;
	[smem:$0x3FB3] =	sst s0  }
0x18: {  	s0 =	sld [smem:$0x3F96];
	_ =	swait.ge [sflag:s4], $0x0  }
0x19: {  	s7 =	sld [smem:$0x3F97]  }
0x1a: {  	s8 =	sadd.s32 $0xFFFFE003, lr  }
0x1b: {  	s9 =	sadd.s32 $0xFFFFFEF7, lr;
	s5 =	simm.s32 $0xFFFFFFFF;
	p2 =	slt.u32 s8, $0xFFFFF086  }
0x1c: {  	p1 =	slt.u32 s9, $0xF7A;
	s5 =	simm.s32 @!p2 $0x0  }
0x1d: {  	s5 =	simm.s32 @p1 $0x1;
	p0 =	seq.s32 s7, s2  }
0x1e: {  	s7 =	smul.u32 @!p0 $0xF7A, s2;
	p2 =	seq.s32 @!p0 s5, $0x0  }
0x1f: {  	s9 =	smul.u32 $0xF7A, s1;
	s8 =	simm.s32 @!p0 $0x1BF5;
	p2 =	por !p2, p0  }
0x20: {  	[sflag:s8] =	ssyncset.s32 @!p0 $0xFFFFF086;
	s6 =	sadd.s32 @!p0 s3, s7;
	s7 =	simm.s32 @!p0 $0x108  }
0x21: {  	s3 =	sadd.s32 s3, s9;
	s6 =	sadd.s32 @!p0 $0x88, s6;
	s7 =	simm.s32 @p2 $0x1082  }
0x22: {  	[simem:s7], [sflag:s8] =	dma.local @!p0 [hbm:s6], $0xF7A  }
0x23: {  	s9 =	sor.u32 $0xD0000000, s2;
	s6 =	simm.s32 $0x108;
	_ =	swait.ge @!p0 [sflag:s8], $0x0  }
0x24: {  	s3 =	sadd.s32 $0x88, s3;
	s6 =	simm.s32 @!p1 $0x1082;
	[sflag:s4] =	ssyncset.s32 $0xFFFFF086  }
0x25: {  	[simem:s6], [sflag:s4] =	dma.local [hbm:s3], $0xF7A  }
0x26: {  	[smem:$0x3F97] =	sst s1;
	(tag) =	ssettag s2;
	_ =	strace s9  }
0x27: {  	s1 =	sld [smem:$0x3FA7]  }
0x28: {  	s2 =	sld [smem:$0x3FA8]  }
0x29: {  	s4 =	sld [smem:$0x3FAA]  }
0x2a: {  	p0 =	seq.s32 s5, $0x0;
	s5 =	sld [smem:$0x3FAB]  }
0x2b: {  	s6 =	sld [smem:$0x3FAC]  }
0x2c: {  	s7 =	sld [smem:$0x3FAD]  }
0x2d: {  	s3 =	simm.s32 $0x108;
	s8 =	sld [smem:$0x3FAE]  }
0x2e: {  	s3 =	simm.s32 @!p0 $0x1082;
	s9 =	sld [smem:$0x3FAF]  }
0x2f: {  	lr =	sadd.s32 s0, s3;
	s0 =	sld [smem:$0x3FA6]  }
0x30: {  	s3 =	sld [smem:$0x3FA9]  }
0x31: {  	[smem:$0x3FB2] =	sst s10  }
0x32: {  	s10 =	sld [smem:$0x3FB0];
	_ =	sdelay $0x3  }
0x33: {  	p0 =	seq.s32 s10, $0x1;
	s10 =	sld [smem:$0x3FB2];
	_ =	sdelay $0x3  }
0x34: {  	[smem:$0x3FB2] =	sst s10  }
0x35: {  	s10 =	sld [smem:$0x3FB1];
	_ =	sdelay $0x3  }
0x36: {  	p1 =	seq.s32 s10, $0x1;
	s10 =	sld [smem:$0x3FB2];
	_ =	sdelay $0x3  }
0x37: {  	[smem:$0x3FB2] =	sst s10  }
0x38: {  	s10 =	sld [smem:$0x3FB3]  }
0x39: {  	_ = 	snop;
	(pc) =	sbr.ind lr, $3  }
0x3a: {  	_ = 	snop  }
0x3b: {  	_ = 	snop  }
0x3c: {  	p2 =	seq.s32 s10, $0x1;
	s10 =	sld [smem:$0x3FB2]  }
0x3d: {  	_ =	shalt  }
0x3e: {  	_ =	shalt  }
0x3f: {  	_ =	shalt  }
0x40: {  	_ =	shalt  }
0x41: {  	_ =	shalt  }
0x42: {  	_ =	shalt  }
0x43: {  	_ =	shalt  }
0x44: {  	_ =	shalt  }
0x45: {  	_ =	shalt  }
0x46: {  	_ =	shalt  }
0x47: {  	_ =	shalt  }
0x48: {  	_ =	shalt  }
0x49: {  	_ =	shalt  }
0x4a: {  	_ =	shalt  }
0x4b: {  	_ =	shalt  }
0x4c: {  	_ =	shalt  }
0x4d: {  	_ =	shalt  }
0x4e: {  	_ =	shalt  }
0x4f: {  	_ =	shalt  }
0x50: {  	_ =	shalt  }
0x51: {  	_ =	shalt  }
0x52: {  	_ =	shalt  }
0x53: {  	_ =	shalt  }
0x54: {  	_ =	shalt  }
0x55: {  	_ =	shalt  }
0x56: {  	_ =	shalt  }
0x57: {  	_ =	shalt  }
0x58: {  	_ =	shalt  }
0x59: {  	_ =	shalt  }
0x5a: {  	_ =	shalt  }
0x5b: {  	_ =	shalt  }
0x5c: {  	_ =	shalt  }
0x5d: {  	_ =	shalt  }
0x5e: {  	_ =	shalt  }
0x5f: {  	_ =	shalt  }
0x60: {  	_ =	shalt  }
0x61: {  	_ =	shalt  }
0x62: {  	_ =	shalt  }
0x63: {  	_ =	shalt  }
0x64: {  	_ =	shalt  }
0x65: {  	_ =	shalt  }
0x66: {  	_ =	shalt  }
0x67: {  	_ =	shalt  }
0x68: {  	_ =	shalt  }
0x69: {  	_ =	shalt  }
0x6a: {  	_ =	shalt  }
0x6b: {  	_ =	shalt  }
0x6c: {  	_ =	shalt  }
0x6d: {  	_ =	shalt  }
0x6e: {  	_ =	shalt  }
0x6f: {  	_ =	shalt  }
0x70: {  	_ =	shalt  }
0x71: {  	_ =	shalt  }
0x72: {  	_ =	shalt  }
0x73: {  	_ =	shalt  }
0x74: {  	_ =	shalt  }
0x75: {  	_ =	shalt  }
0x76: {  	_ =	shalt  }
0x77: {  	_ =	shalt  }
0x78: {  	_ =	shalt  }
0x79: {  	_ =	shalt  }
0x7a: {  	_ =	shalt  }
0x7b: {  	_ =	shalt  }
0x7c: {  	_ =	shalt  }
0x7d: {  	_ =	shalt  }
0x7e: {  	_ =	shalt  }
0x7f: {  	_ =	shalt  }
0x80: {  	_ =	shalt  }
0x81: {  	_ =	shalt  }
0x82: {  	_ =	shalt  }
0x83: {  	_ =	shalt  }
0x84: {  	_ =	shalt  }
0x85: {  	_ =	shalt  }
0x86: {  	_ =	shalt  }
0x87: {  	_ =	shalt  }
.Lfunc_end0:
.L_simem_size_0:
called_computation.1_lowered:
.L_overlay_start_0:
0x88: {  	s2 =	sld [smem:$0x3FD9]  }
0x89: {  	s3 =	sld [smem:$0x3FFE];
	_ =	sdelay $0x1  }
0x8a: {  	s1 =	srdreg.scid  }
0x8b: {  	s0 =	sand.u32 $0x1, s1  }
0x8c: {  	s14 =	sshll.u32 s0, $0xA;
	s2 =	sadd.s32 s3, s2  }
0x8d: {  	s2 =	sadd.s32 s2, s14  }
0x8e: {  	[smem:$0x3FBE] =	sst s2  }
0x8f: {  	_ = 	snop  }
0x90: {  	s2 =	sld [smem:$0x3FD0];
	_ =	sdelay $0x2  }
0x91: {  	s15 =	simm.s32 $0xA;
	s4 =	simm.s32 $0x10  }
0x92: {  	[smem:s4], [sflag:s15] =	dma.local [hbm:s2], $0x1  }
0x93: {  	_ =	swait.eq [sflag:s15], $0x1  }
0x94: {  	[sflag:s15] =	ssyncset.done $0x0  }
0x95: {  	[sflag:s15] =	ssyncadd.s32 $0xFFFFFFFF  }
0x96: {  	s16 =	sld [smem:$0x11];
	(tm) =	ssettm $0x1  }
0x97: {  	s17 =	sld [smem:$0x3FFB];
	_ =	sdelay $0x3  }
0x98: {  	_ =	strace s17  }
0x99: {  	s3 =	sld [smem:$0x3FFC];
	_ =	sdelay $0x3  }
0x9a: {  	_ =	strace s3  }
0x9b: {  	s3 =	sld [smem:$0x3FFD];
	_ =	sdelay $0x3  }
0x9c: {  	_ =	strace s3  }
0x9d: {  	_ =	strace $0x8FFFFFFF  }
0x9e: {  	s18 =	sld [smem:$0x3FDB];
	_ =	sdelay $0x1  }
0x9f: {  	s19 =	simm.s32 $_scs_section_size  }
0xa0: {  	s5 =	simm.s32 $_size__tile_overlayer_lowered;
	s6 =	simm.s32 $_tile_overlayer_lowered  }
0xa1: {  	s22 =	simm.s32 $0x1BFF;
	s21 =	sshll.u32 s6, $0x1;
	s3 =	sadd.s32 s19, s18  }
0xa2: {  	s7 =	simm.s32 $0x0;
	s20 =	sshll.u32 s5, $0x1;
	s5 =	sadd.s32 s21, s3  }
0xa3: {  	[timem:s7], [sflag:s22] =	dma.local [hbm:s5], s20  }
0xa4: {  	_ =	swait.ge [sflag:s22], s20  }
0xa5: {  	s4 =	ssub.s32 $0x0, s20;
	[sflag:s22] =	ssyncset.done $0x0  }
0xa6: {  	[sflag:s22] =	ssyncadd.s32 s4;
	_ =	sdelay $0x1  }
0xa7: {  	s23 =	simm.s32 $0x1B8B  }
0xa8: {  	_ =	swait.ge [sflag:s23], $0x1  }
0xa9: {  	[sflag:s23] =	ssyncset.done $0x0  }
0xaa: {  	s25 =	simm.s32 $0x1B8E;
	s24 =	sld [smem:$0x3FFE];
	[sflag:s23] =	ssyncadd.s32 $0xFFFFFFFF  }
0xab: {  	s26 =	simm.s32 $execute0_lowered;
	[smem:$0x3FD2] =	sst s25  }
0xac: {  	s5 =	sshll.u32 s26, $0x1;
	_ =	strace $0x80000049;
	[dreg:$0x1] =	wrdreg $0xFFFFFFFF  }
0xad: {  	s28 =	simm.s32 $_size_execute0_lowered;
	s3 =	sadd.s32 s3, s5;
	[dreg:$0x0] =	wrdreg $0x0  }
0xae: {  	s5 =	sshll.u32 s28, $0x1;
	[dreg:$0x2] =	wrdreg s3  }
0xaf: {  	[dreg:$0x3] =	wrdreg s5  }
0xb0: {  	[dreg:$0x4] =	wrdreg $0xC0  }
0xb1: {  	_ =	task [dreg:s7], $0x5FFFF  }
0xb2: {  	[dreg:$0x1] =	wrdreg $0xFFFFFFFF  }
0xb3: {  	[dreg:$0x0] =	wrdreg $0x60  }
0xb4: {  	[dreg:$0x2] =	wrdreg s16  }
0xb5: {  	[dreg:$0x3] =	wrdreg s24  }
0xb6: {  	[dreg:$0x4] =	wrdreg $0x9E000  }
0xb7: {  	[dreg:$0x5] =	wrdreg $0x0  }
0xb8: {  	[dreg:$0x6] =	wrdreg $0x9  }
0xb9: {  	_ =	task.clear_ibuf [dreg:s7], $0x7FFFF;
	_ =	strace $0x90000049  }
0xba: {  	s29 =	simm.s32 $0x9;
	_ =	strace $0x8000004B  }
0xbb: {  	_ =	swait.ge [sflag:s29], $0x1  }
0xbc: {  	[sflag:s29] =	ssyncadd.s32 $0xFFFFFFFF  }
0xbd: {  	_ =	strace $0x9000004B  }
0xbe: {  	_ =	sfence  }
0xbf: {  	s30 =	sld [smem:$0x0];
	_ =	sdelay $0x2  }
0xc0: {  	s31 =	sshll.u32 s1, $0xD;
	s1 =	sshrl.u32 s1, $0x2  }
0xc1: {  	s3 =	sand.u32 $0x4000, s31;
	s1 =	sadd.s32 s1, s30  }
0xc2: {  	s0 =	sor.u32 s3, s0;
	s1 =	sshll.u32 s1, $0x11  }
0xc3: {  	s0 =	sor.u32 s1, s0  }
0xc4: {  	s0 =	sadd.s32 $0x8F2B, s0  }
0xc5: {  	[sflag:s0] =	ssyncadd.remote.s32 $0x1  }
0xc6: {  	_ =	sfence.sel $0xFFFF  }
0xc7: {  	[dreg:$0x0] =	wrdreg $0xFFFFFFFF;
	(pc) =	sbr.abs _section_cstart, $3  }
0xc8: {  	[dreg:$0x1] =	wrdreg $0xFFFFFFFF  }
0xc9: {  	_ =	task.clear_ibuf [dreg:s7], $0x2FFFF;
	_ =	strace $0x9FFFFFFF  }
0xca: {  	(tm) =	ssettm $0x7FFFFFFF  }
0xcb: {  	_ =	shalt  }
tec
execute0_lowered:
.L_overlay_start_1:
0x0: {  	(tag) =	ssettag $0x1  }
0x1: {  	s0 =	rddreg [dreg:$0x0]  }
0x2: {  	s2 =	rddreg [dreg:$0x1]  }
0x3: {  	s1 =	rddreg [dreg:$0x2];
	s14 =	stileid.u32  }
0x4: {  	s5 =	srdreg.scid;
	s4 =	smul.u32 $0x5000, s14  }
0x5: {  	s3 =	rddreg [dreg:$0x3];
	s8 =	simm.s32 $0x0;
	s12 =	smul.u32 $0x27800, s14  }
0x6: {  	s5 =	sand.u32 $0x1, s5;
	s6 =	smul.u32 $0x9E00, s14;
	[smem:$0x7FF] =	sst s8  }
0x7: {  	s9 =	smul.u32 $0x13C00, s14;
	p0 =	seq.s32 s14, $0xF;
	s28 =	sshrl.u32 s12, $0x2  }
0x8: {  	s14 =	simm.s32 $0x13C00;
	s7 =	smul.u32 $0x9E000, s5;
	s29 =	sadd.s32 s28, s3  }
0x9: {  	_ =	strace $0x8000004A;
	s11 =	sshll.u32 s5, $0x6;
	s30 =	sadd.s32 $0x800, s29  }
0xa: {  	s24 =	sadd.s32 s6, s7;
	s31 =	sadd.s32 $0x1000, s29;
	[dreg:$0x7] =	wrdreg s30  }
0xb: {  	s7 =	sadd.s32 s6, s3;
	s6 =	sadd.s32 $0x2800, s29;
	[dreg:$0x8] =	wrdreg s31  }
0xc: {  	s26 =	sor.u32 s11, s9;
	s9 =	sadd.s32 $0x3000, s29;
	[dreg:$0xb] =	wrdreg s6  }
0xd: {  	s25 =	ssub.s32 $0x2, s5;
	s12 =	sadd.s32 $0x3800, s29;
	[dreg:$0xc] =	wrdreg s9  }
0xe: {  	s5 =	sshll.u32 s5, $0x3;
	s15 =	sadd.s32 $0x4000, s29;
	[dreg:$0xd] =	wrdreg s12  }
0xf: {  	s4 =	sshrl.u32 s4, $0x3;
	s16 =	sadd.s32 $0x4800, s29;
	[dreg:$0xe] =	wrdreg s15  }
0x10: {  	s10 =	sshrl.u32 s25, $0x1;
	s17 =	sadd.s32 $0x5000, s29;
	[dreg:$0xf] =	wrdreg s16  }
0x11: {  	s8 =	sadd.s32 s4, s2;
	s18 =	sadd.s32 $0x5800, s29;
	[dreg:$0x10] =	wrdreg s17  }
0x12: {  	s10 =	ssub.s32 s25, s10;
	s19 =	sadd.s32 $0x6000, s29;
	[dreg:$0x11] =	wrdreg s18  }
0x13: {  	s11 =	sadd.s32 s28, s1;
	s20 =	sadd.s32 $0x6800, s29;
	[dreg:$0x12] =	wrdreg s19  }
0x14: {  	s4 =	sshrl.u32 s24, $0x3;
	s21 =	sadd.s32 $0x7000, s29;
	[dreg:$0x13] =	wrdreg s20  }
0x15: {  	s22 =	sadd.s32 $0x7800, s29;
	s23 =	sadd.s32 $0x8000, s29;
	[dreg:$0x14] =	wrdreg s21  }
0x16: {  	s24 =	sadd.s32 $0x8800, s29;
	s25 =	sadd.s32 $0x9000, s29;
	[dreg:$0x15] =	wrdreg s22  }
0x17: {  	s28 =	sadd.s32 $0xCE00, s8;
	s11 =	sshrl.u32 @!p0 s11, $0x3;
	[dreg:$0x16] =	wrdreg s23  }
0x18: {  	s13 =	sadd.s32 s4, s2;
	s2 =	sshrl.u32 s26, $0x3;
	[dreg:$0x17] =	wrdreg s24  }
0x19: {  	s4 =	sadd.s32 $0x1800, s29;
	[dreg:$0x18] =	wrdreg s25;
	s26 =	sadd.s32 $0x2E00, s8  }
0x1a: {  	[dreg:$0x1b] =	wrdreg s28;
	s30 =	sadd.s32 $0xD080, s8;
	s31 =	sadd.s32 $0x3300, s8  }
0x1b: {  	s6 =	sadd.s32 $0xD580, s8;
	s9 =	smax.u32 s10, $0x1;
	s12 =	simm.s32 $0x1A400  }
0x1c: {  	s15 =	simm.s32 $0x15000;
	s16 =	simm.s32 $0x80;
	s17 =	simm.s32 $0x16400  }
0x1d: {  	s18 =	simm.s32 $0x18400;
	s19 =	simm.s32 $0x1;
	[dreg:$0x9] =	wrdreg s4  }
0x1e: {  	s20 =	simm.s32 $0x2;
	s21 =	simm.s32 $0x3;
	[dreg:$0x1a] =	wrdreg s26  }
0x1f: {  	s22 =	simm.s32 $0x4;
	s23 =	simm.s32 $0x16300;
	[dreg:$0x1d] =	wrdreg s30  }
0x20: {  	s24 =	simm.s32 $0x16380;
	s2 =	sadd.s32 s0, s2;
	[dreg:$0x1e] =	wrdreg s31  }
0x21: {  	s0 =	sadd.s32 s5, s0;
	s5 =	sadd.s32 $0x2000, s29;
	[dreg:$0x5] =	wrdreg s2  }
0x22: {  	s25 =	simm.s32 $0x0;
	s0 =	sadd.s32 $0x25080, s0;
	[dreg:$0xa] =	wrdreg s5  }
0x23: {  	s4 =	sadd.s32 $0xD300, s8;
	s5 =	sadd.s32 $0x3580, s8;
	[dreg:$0x6] =	wrdreg s0  }
0x24: {  	s0 =	sadd.s32 $0x9800, s29;
	s29 =	sadd.s32 $0x3080, s8;
	s8 =	sadd.s32 $0x16E00, s13  }
0x25: {  	s13 =	simm.s32 $0x5;
	[dreg:$0x19] =	wrdreg s0;
	s0 =	sadd.s32 $0x94200, s1  }
0x26: {  	v0 =	vimm.f32 $0.0e+00;
	[dreg:$0x1c] =	wrdreg s29;
	s10 =	sshrl.u32 @p0 s0, $0x3;
	s0 =	simm.s32 $0x13C80  }
.LBB2_1:
0x27: {  	s26 =	simm.s32 @p0 $0x1;
	s28 =	simm.s32 @p0 $0x8  }
0x28: {  	s29 =	simm.s32 @p0 $0x10;
	s30 =	simm.s32 @p0 $0x1FC5;
	s2 =	rddreg [dreg:$0x6]  }
0x29: {  	[spmem:s10@s28], [sflag:s30] =	dma.strided @p0 [hbm:s2@s29], $0x1040, s26, $0x8   }
0x2a: {  	s31 =	stileid.u32;
	s26 =	simm.s32 @p0 $0x5  }
0x2b: {  	s28 =	sshll.u32 @!p0 s31, $0x6;
	s29 =	simm.s32 @!p0 $0x8;
	_ =	swait.ge @p0 [sflag:s26], $0x1040  }
0x2c: {  	s30 =	simm.s32 @!p0 $0x10;
	[sflag:s26] =	ssyncset.done @p0 $0x0;
	s31 =	rddreg [dreg:$0x5]  }
0x2d: {  	[sflag:s26] =	ssyncadd.s32 @p0 $0xFFFFEFC0;
	s26 =	sor.u32 @!p0 $0x1C05, s28;
	s28 =	simm.s32 @!p0 $0x1  }
0x2e: {  	[spmem:s11@s29], [sflag:s26] =	dma.strided @!p0 [hbm:s31@s30], $0x13C0, s28, $0x8   }
0x2f: {  	s26 =	simm.s32 @!p0 $0x5  }
0x30: {  	s29 =	simm.s32 $0x0;
	_ =	swait.ge @!p0 [sflag:s26], $0x13C0  }
0x31: {  	s28 =	sand.u32 $0x1F00, s29;
	[sflag:s26] =	ssyncset.done @!p0 $0x0  }
0x32: {  	s29 =	sand.u32 $0x30, s29;
	s28 =	sshrl.u32 s28, $0x2;
	[sflag:s26] =	ssyncadd.s32 @!p0 $0xFFFFEC40  }
0x33: {  	s26 =	simm.s32 $0x40;
	s29 =	sor.u32 s29, s28;
	s28 =	simm.s32 $0x0  }
.LBB2_2:
0x34: {  	p1 =	sne.s32 s26, $0x1FC0  }
0x35: {  	[tilespmem:s29+$0x1A400] =	vst v0;
	s28 =	sadd.s32 $0x10, s28;
	s29 =	smov.u32 s26;
	s26 =	sadd.s32 $0x40, s26  }
.Ltmp0:
0x36: {  	(pc) =	sbr.rel @p1 .LBB2_2-.Ltmp0, $4  }
0x37: {  	_ = 	snop  }
0x38: {  	s29 =	sand.u32 $0x1F00, s29  }
0x39: {  	s30 =	sand.u32 $0x30, s28;
	s29 =	sshrl.u32 s29, $0x2  }
0x3a: {  	s29 =	sor.u32 s30, s29  }
0x3b: {  	[tilespmem:s29+$0x1A400] =	vst v0  }
0x3c: {  	[spmem:s7] =	stream.linear.scatter [tilespmem:s12], [sflag:$0x5], $0x800, $0x38;
	[tilespmem:$0x1AC00] =	vst v63  }
0x3d: {  	_ =	swait.ge [sflag:s13], $0x800  }
0x3e: {  	[sflag:s13] =	ssyncset.done $0x0  }
0x3f: {  	s2 =	rddreg [dreg:$0x7];
	[sflag:s13] =	ssyncadd.s32 $0xFFFFF800  }
0x40: {  	[spmem:s2] =	stream.linear.scatter [tilespmem:s12], [sflag:$0x5], $0x800, $0x38;
	[tilespmem:$0x1AC00] =	vst v63  }
0x41: {  	_ =	swait.ge [sflag:s13], $0x800  }
0x42: {  	[sflag:s13] =	ssyncset.done $0x0  }
0x43: {  	s26 =	rddreg [dreg:$0x8];
	[sflag:s13] =	ssyncadd.s32 $0xFFFFF800  }
0x44: {  	[spmem:s26] =	stream.linear.scatter [tilespmem:s12], [sflag:$0x5], $0x800, $0x38;
	[tilespmem:$0x1AC00] =	vst v63  }
0x45: {  	_ =	swait.ge [sflag:s13], $0x800  }
0x46: {  	[sflag:s13] =	ssyncset.done $0x0  }
0x47: {  	s29 =	rddreg [dreg:$0x9];
	[sflag:s13] =	ssyncadd.s32 $0xFFFFF800  }
0x48: {  	[spmem:s29] =	stream.linear.scatter [tilespmem:s12], [sflag:$0x5], $0x800, $0x38;
	[tilespmem:$0x1AC00] =	vst v63  }
0x49: {  	_ =	swait.ge [sflag:s13], $0x800  }
0x4a: {  	[sflag:s13] =	ssyncset.done $0x0  }
0x4b: {  	s30 =	rddreg [dreg:$0xa];
	[sflag:s13] =	ssyncadd.s32 $0xFFFFF800  }
0x4c: {  	[spmem:s30] =	stream.linear.scatter [tilespmem:s12], [sflag:$0x5], $0x800, $0x38;
	[tilespmem:$0x1AC00] =	vst v63  }
0x4d: {  	_ =	swait.ge [sflag:s13], $0x800  }
0x4e: {  	[sflag:s13] =	ssyncset.done $0x0  }
0x4f: {  	s31 =	rddreg [dreg:$0xb];
	[sflag:s13] =	ssyncadd.s32 $0xFFFFF800  }
0x50: {  	[spmem:s31] =	stream.linear.scatter [tilespmem:s12], [sflag:$0x5], $0x800, $0x38;
	[tilespmem:$0x1AC00] =	vst v63  }
0x51: {  	_ =	swait.ge [sflag:s13], $0x800  }
0x52: {  	[sflag:s13] =	ssyncset.done $0x0  }
0x53: {  	s26 =	rddreg [dreg:$0xc];
	[sflag:s13] =	ssyncadd.s32 $0xFFFFF800  }
0x54: {  	[spmem:s26] =	stream.linear.scatter [tilespmem:s12], [sflag:$0x5], $0x800, $0x38;
	[tilespmem:$0x1AC00] =	vst v63  }
0x55: {  	_ =	swait.ge [sflag:s13], $0x800  }
0x56: {  	[sflag:s13] =	ssyncset.done $0x0  }
0x57: {  	s29 =	rddreg [dreg:$0xd];
	[sflag:s13] =	ssyncadd.s32 $0xFFFFF800  }
0x58: {  	[spmem:s29] =	stream.linear.scatter [tilespmem:s12], [sflag:$0x5], $0x800, $0x38;
	[tilespmem:$0x1AC00] =	vst v63  }
0x59: {  	_ =	swait.ge [sflag:s13], $0x800  }
0x5a: {  	[sflag:s13] =	ssyncset.done $0x0  }
0x5b: {  	s30 =	rddreg [dreg:$0xe];
	[sflag:s13] =	ssyncadd.s32 $0xFFFFF800  }
0x5c: {  	[spmem:s30] =	stream.linear.scatter [tilespmem:s12], [sflag:$0x5], $0x800, $0x38;
	[tilespmem:$0x1AC00] =	vst v63  }
0x5d: {  	_ =	swait.ge [sflag:s13], $0x800  }
0x5e: {  	[sflag:s13] =	ssyncset.done $0x0  }
0x5f: {  	s31 =	rddreg [dreg:$0xf];
	[sflag:s13] =	ssyncadd.s32 $0xFFFFF800  }
0x60: {  	[spmem:s31] =	stream.linear.scatter [tilespmem:s12], [sflag:$0x5], $0x800, $0x38;
	[tilespmem:$0x1AC00] =	vst v63  }
0x61: {  	_ =	swait.ge [sflag:s13], $0x800  }
0x62: {  	[sflag:s13] =	ssyncset.done $0x0  }
0x63: {  	s26 =	rddreg [dreg:$0x10];
	[sflag:s13] =	ssyncadd.s32 $0xFFFFF800  }
0x64: {  	[spmem:s26] =	stream.linear.scatter [tilespmem:s12], [sflag:$0x5], $0x800, $0x38;
	[tilespmem:$0x1AC00] =	vst v63  }
0x65: {  	_ =	swait.ge [sflag:s13], $0x800  }
0x66: {  	[sflag:s13] =	ssyncset.done $0x0  }
0x67: {  	s29 =	rddreg [dreg:$0x11];
	[sflag:s13] =	ssyncadd.s32 $0xFFFFF800  }
0x68: {  	[spmem:s29] =	stream.linear.scatter [tilespmem:s12], [sflag:$0x5], $0x800, $0x38;
	[tilespmem:$0x1AC00] =	vst v63  }
0x69: {  	_ =	swait.ge [sflag:s13], $0x800  }
0x6a: {  	[sflag:s13] =	ssyncset.done $0x0  }
0x6b: {  	s30 =	rddreg [dreg:$0x12];
	[sflag:s13] =	ssyncadd.s32 $0xFFFFF800  }
0x6c: {  	[spmem:s30] =	stream.linear.scatter [tilespmem:s12], [sflag:$0x5], $0x800, $0x38;
	[tilespmem:$0x1AC00] =	vst v63  }
0x6d: {  	_ =	swait.ge [sflag:s13], $0x800  }
0x6e: {  	[sflag:s13] =	ssyncset.done $0x0  }
0x6f: {  	s31 =	rddreg [dreg:$0x13];
	[sflag:s13] =	ssyncadd.s32 $0xFFFFF800  }
0x70: {  	[spmem:s31] =	stream.linear.scatter [tilespmem:s12], [sflag:$0x5], $0x800, $0x38;
	[tilespmem:$0x1AC00] =	vst v63  }
0x71: {  	_ =	swait.ge [sflag:s13], $0x800  }
0x72: {  	[sflag:s13] =	ssyncset.done $0x0  }
0x73: {  	s26 =	rddreg [dreg:$0x14];
	[sflag:s13] =	ssyncadd.s32 $0xFFFFF800  }
0x74: {  	[spmem:s26] =	stream.linear.scatter [tilespmem:s12], [sflag:$0x5], $0x800, $0x38;
	[tilespmem:$0x1AC00] =	vst v63  }
0x75: {  	_ =	swait.ge [sflag:s13], $0x800  }
0x76: {  	[sflag:s13] =	ssyncset.done $0x0  }
0x77: {  	s29 =	rddreg [dreg:$0x15];
	[sflag:s13] =	ssyncadd.s32 $0xFFFFF800  }
0x78: {  	[spmem:s29] =	stream.linear.scatter [tilespmem:s12], [sflag:$0x5], $0x800, $0x38;
	[tilespmem:$0x1AC00] =	vst v63  }
0x79: {  	_ =	swait.ge [sflag:s13], $0x800  }
0x7a: {  	[sflag:s13] =	ssyncset.done $0x0  }
0x7b: {  	s30 =	rddreg [dreg:$0x16];
	[sflag:s13] =	ssyncadd.s32 $0xFFFFF800  }
0x7c: {  	[spmem:s30] =	stream.linear.scatter [tilespmem:s12], [sflag:$0x5], $0x800, $0x38;
	[tilespmem:$0x1AC00] =	vst v63  }
0x7d: {  	_ =	swait.ge [sflag:s13], $0x800  }
0x7e: {  	[sflag:s13] =	ssyncset.done $0x0  }
0x7f: {  	s31 =	rddreg [dreg:$0x17];
	[sflag:s13] =	ssyncadd.s32 $0xFFFFF800  }
0x80: {  	[spmem:s31] =	stream.linear.scatter [tilespmem:s12], [sflag:$0x5], $0x800, $0x38;
	[tilespmem:$0x1AC00] =	vst v63  }
0x81: {  	_ =	swait.ge [sflag:s13], $0x800  }
0x82: {  	[sflag:s13] =	ssyncset.done $0x0  }
0x83: {  	s26 =	rddreg [dreg:$0x18];
	[sflag:s13] =	ssyncadd.s32 $0xFFFFF800  }
0x84: {  	[spmem:s26] =	stream.linear.scatter [tilespmem:s12], [sflag:$0x5], $0x800, $0x38;
	[tilespmem:$0x1AC00] =	vst v63  }
0x85: {  	_ =	swait.ge [sflag:s13], $0x800  }
0x86: {  	[sflag:s13] =	ssyncset.done $0x0  }
0x87: {  	s29 =	rddreg [dreg:$0x19];
	[sflag:s13] =	ssyncadd.s32 $0xFFFFF800  }
0x88: {  	[spmem:s29] =	stream.linear.scatter [tilespmem:s12], [sflag:$0x5], $0x600, $0x38;
	[tilespmem:$0x1AC00] =	vst v63  }
0x89: {  	_ =	swait.ge [sflag:s13], $0x600  }
0x8a: {  	[sflag:s13] =	ssyncset.done $0x0  }
0x8b: {  	[sflag:s13] =	ssyncadd.s32 $0xFFFFFA00  }
0x8c: {  	[bflag:$0x0] =	sbarrier.arrive $0xFFFF  }
0x8d: {  	s26 =	simm.s32 $0x0;
	s30 =	rddreg [dreg:$0x1a]  }
0x8e: {  	[tilespmem:s14], [sflag:$0x5] =	stream.linear.gather [hbm4b:s30+s26], $0x1400, $0x38;
	[tilespmem:$0x1AC00] =	vst v63  }
0x8f: {  	_ =	swait.ge [sflag:s13], $0x1400  }
0x90: {  	[sflag:s13] =	ssyncset.done $0x0  }
0x91: {  	s31 =	rddreg [dreg:$0x1b];
	[sflag:s13] =	ssyncadd.s32 $0xFFFFEC00  }
0x92: {  	[tilespmem:s15], [sflag:$0x5] =	stream.linear.gather [hbm4b:s31+s26], $0x1400, $0x38;
	[tilespmem:$0x1AC00] =	vst v63  }
0x93: {  	_ =	swait.ge [sflag:s13], $0x1400  }
0x94: {  	[sflag:s13] =	ssyncset.done $0x0  }
0x95: {  	[sflag:s13] =	ssyncadd.s32 $0xFFFFEC00  }
0x96: {  	[tilespmem:s17], [sflag:$0x1] =	stream.indirect.gather [spmem:s1], $0x40, s14, s16, $0xb8;
	[tilespmem:$0x1AC00] =	vst v63  }
0x97: {  	_ = 	snop  }
0x98: {  	[tilespmem:s18], [sflag:$0x2] =	stream.indirect.gather [spmem:s1], $0x40, s0, s16, $0xb8;
	[tilespmem:$0x1AC00] =	vst v63  }
0x99: {  	_ =	swait.ge [sflag:s19], $0x2000  }
0x9a: {  	[sflag:s19] =	ssyncset.done $0x0  }
0x9b: {  	s29 =	simm.s32 $0x15000;
	[sflag:s19] =	ssyncadd.s32 $0xFFFFE000  }
0x9c: {  	[spmem:s3] =	stream.indirect.scatter.add.f32 [tilespmem:s17], [sflag:$0x3], $0x40, s29, s16, $0xb8;
	[tilespmem:$0x1AC00] =	vst v63  }
0x9d: {  	_ =	swait.ge [sflag:s20], $0x2000  }
0x9e: {  	[sflag:s20] =	ssyncset.done $0x0  }
0x9f: {  	s30 =	simm.s32 $0x15080;
	[sflag:s20] =	ssyncadd.s32 $0xFFFFE000  }
0xa0: {  	[spmem:s3] =	stream.indirect.scatter.add.f32 [tilespmem:s18], [sflag:$0x4], $0x40, s30, s16, $0xb8;
	[tilespmem:$0x1AC00] =	vst v63  }
0xa1: {  	_ =	swait.ge [sflag:s21], $0x2000  }
0xa2: {  	[sflag:s21] =	ssyncset.done $0x0  }
0xa3: {  	s31 =	simm.s32 $0x13D00;
	[sflag:s21] =	ssyncadd.s32 $0xFFFFE000  }
0xa4: {  	[tilespmem:s17], [sflag:$0x1] =	stream.indirect.gather [spmem:s1], $0x40, s31, s16, $0xb8;
	[tilespmem:$0x1AC00] =	vst v63  }
0xa5: {  	_ =	swait.ge [sflag:s22], $0x2000  }
0xa6: {  	[sflag:s22] =	ssyncset.done $0x0  }
0xa7: {  	s28 =	simm.s32 $0x13D80;
	s26 =	simm.s32 $0x400;
	[sflag:s22] =	ssyncadd.s32 $0xFFFFE000  }
.LBB2_4:
0xa8: {  	[tilespmem:s18], [sflag:$0x2] =	stream.indirect.gather [spmem:s1], $0x40, s28, s16, $0xb8;
	[tilespmem:$0x1AC00] =	vst v63  }
0xa9: {  	s28 =	smov.u32 s26  }
0xaa: {  	p1 =	sne.s32 s26, $0x4800;
	s26 =	sadd.s32 $0x400, s26;
	_ =	swait.ge [sflag:s19], $0x2000  }
0xab: {  	s28 =	sshra.s32 s28, $0x2;
	[sflag:s19] =	ssyncset.done $0x0  }
0xac: {  	s29 =	sadd.s32 $0x15000, s28;
	[sflag:s19] =	ssyncadd.s32 $0xFFFFE000  }
0xad: {  	[spmem:s3] =	stream.indirect.scatter.add.f32 [tilespmem:s17], [sflag:$0x3], $0x40, s29, s16, $0xb8;
	[tilespmem:$0x1AC00] =	vst v63  }
0xae: {  	_ =	swait.ge [sflag:s20], $0x2000  }
0xaf: {  	[sflag:s20] =	ssyncset.done $0x0  }
0xb0: {  	s29 =	sadd.s32 $0x15080, s28;
	[sflag:s20] =	ssyncadd.s32 $0xFFFFE000  }
0xb1: {  	[spmem:s3] =	stream.indirect.scatter.add.f32 [tilespmem:s18], [sflag:$0x4], $0x40, s29, s16, $0xb8;
	[tilespmem:$0x1AC00] =	vst v63  }
0xb2: {  	_ =	swait.ge [sflag:s21], $0x2000  }
0xb3: {  	[sflag:s21] =	ssyncset.done $0x0  }
.Ltmp1:
0xb4: {  	s29 =	sadd.s32 $0x13D00, s28;
	[sflag:s21] =	ssyncadd.s32 $0xFFFFE000;
	(pc) =	sbr.rel @p1 .LBB2_4-.Ltmp1, $4  }
0xb5: {  	[tilespmem:s17], [sflag:$0x1] =	stream.indirect.gather [spmem:s1], $0x40, s29, s16, $0xb8;
	[tilespmem:$0x1AC00] =	vst v63  }
0xb6: {  	_ =	swait.ge [sflag:s22], $0x2000  }
0xb7: {  	[sflag:s22] =	ssyncset.done $0x0  }
0xb8: {  	s28 =	sadd.s32 $0x13D80, s28;
	[sflag:s22] =	ssyncadd.s32 $0xFFFFE000  }
0xb9: {  	[tilespmem:s18], [sflag:$0x2] =	stream.indirect.gather [spmem:s1], $0x40, s28, s16, $0xb8;
	[tilespmem:$0x1AC00] =	vst v63  }
0xba: {  	_ =	swait.ge [sflag:s19], $0x2000  }
0xbb: {  	[sflag:s19] =	ssyncset.done $0x0  }
0xbc: {  	[sflag:s19] =	ssyncadd.s32 $0xFFFFE000  }
0xbd: {  	[spmem:s3] =	stream.indirect.scatter.add.f32 [tilespmem:s17], [sflag:$0x3], $0x40, s23, s16, $0xb8;
	[tilespmem:$0x1AC00] =	vst v63  }
0xbe: {  	_ =	swait.ge [sflag:s20], $0x2000  }
0xbf: {  	[sflag:s20] =	ssyncset.done $0x0  }
0xc0: {  	[sflag:s20] =	ssyncadd.s32 $0xFFFFE000  }
0xc1: {  	[spmem:s3] =	stream.indirect.scatter.add.f32 [tilespmem:s18], [sflag:$0x4], $0x40, s24, s16, $0xb8;
	[tilespmem:$0x1AC00] =	vst v63  }
0xc2: {  	_ =	swait.ge [sflag:s21], $0x2000  }
0xc3: {  	[sflag:s21] =	ssyncset.done $0x0  }
0xc4: {  	[sflag:s21] =	ssyncadd.s32 $0xFFFFE000  }
0xc5: {  	[tilespmem:s17], [sflag:$0x1] =	stream.indirect.gather [spmem:s1], $0x40, s14, s16, $0xb8;
	[tilespmem:$0x1AC00] =	vst v63  }
0xc6: {  	_ =	swait.ge [sflag:s22], $0x2000  }
0xc7: {  	[sflag:s22] =	ssyncset.done $0x0  }
0xc8: {  	[sflag:s22] =	ssyncadd.s32 $0xFFFFE000  }
0xc9: {  	[tilespmem:s18], [sflag:$0x2] =	stream.indirect.gather [spmem:s1], $0x40, s0, s16, $0xb8;
	[tilespmem:$0x1AC00] =	vst v63  }
0xca: {  	_ =	swait.ge [sflag:s19], $0x2000  }
0xcb: {  	[sflag:s19] =	ssyncset.done $0x0  }
0xcc: {  	[sflag:s19] =	ssyncadd.s32 $0xFFFFE000  }
0xcd: {  	_ =	swait.ge [sflag:s20], $0x2000  }
0xce: {  	[sflag:s20] =	ssyncset.done $0x0  }
0xcf: {  	s26 =	simm.s32 $0x0;
	s2 =	rddreg [dreg:$0x1c];
	[sflag:s20] =	ssyncadd.s32 $0xFFFFE000  }
0xd0: {  	[tilespmem:s14], [sflag:$0x5] =	stream.linear.gather [hbm4b:s2+s26], $0x1400, $0x38;
	[tilespmem:$0x1AC00] =	vst v63  }
0xd1: {  	_ =	swait.ge [sflag:s13], $0x1400  }
0xd2: {  	[sflag:s13] =	ssyncset.done $0x0  }
0xd3: {  	s31 =	rddreg [dreg:$0x1d];
	[sflag:s13] =	ssyncadd.s32 $0xFFFFEC00  }
0xd4: {  	[tilespmem:s15], [sflag:$0x5] =	stream.linear.gather [hbm4b:s31+s26], $0x1400, $0x38;
	[tilespmem:$0x1AC00] =	vst v63  }
0xd5: {  	_ =	swait.ge [sflag:s13], $0x1400  }
0xd6: {  	[sflag:s13] =	ssyncset.done $0x0  }
0xd7: {  	[sflag:s13] =	ssyncadd.s32 $0xFFFFEC00  }
0xd8: {  	[tilespmem:s17], [sflag:$0x1] =	stream.indirect.gather [spmem:s1], $0x40, s14, s16, $0xb8;
	[tilespmem:$0x1AC00] =	vst v63  }
0xd9: {  	_ = 	snop  }
0xda: {  	[tilespmem:s18], [sflag:$0x2] =	stream.indirect.gather [spmem:s1], $0x40, s0, s16, $0xb8;
	[tilespmem:$0x1AC00] =	vst v63  }
0xdb: {  	_ =	swait.ge [sflag:s19], $0x2000  }
0xdc: {  	[sflag:s19] =	ssyncset.done $0x0  }
0xdd: {  	s29 =	simm.s32 $0x15000;
	[sflag:s19] =	ssyncadd.s32 $0xFFFFE000  }
0xde: {  	[spmem:s3] =	stream.indirect.scatter.add.f32 [tilespmem:s17], [sflag:$0x3], $0x40, s29, s16, $0xb8;
	[tilespmem:$0x1AC00] =	vst v63  }
0xdf: {  	_ =	swait.ge [sflag:s20], $0x2000  }
0xe0: {  	[sflag:s20] =	ssyncset.done $0x0  }
0xe1: {  	s30 =	simm.s32 $0x15080;
	[sflag:s20] =	ssyncadd.s32 $0xFFFFE000  }
0xe2: {  	[spmem:s3] =	stream.indirect.scatter.add.f32 [tilespmem:s18], [sflag:$0x4], $0x40, s30, s16, $0xb8;
	[tilespmem:$0x1AC00] =	vst v63  }
0xe3: {  	_ =	swait.ge [sflag:s21], $0x2000  }
0xe4: {  	[sflag:s21] =	ssyncset.done $0x0  }
0xe5: {  	s31 =	simm.s32 $0x13D00;
	[sflag:s21] =	ssyncadd.s32 $0xFFFFE000  }
0xe6: {  	[tilespmem:s17], [sflag:$0x1] =	stream.indirect.gather [spmem:s1], $0x40, s31, s16, $0xb8;
	[tilespmem:$0x1AC00] =	vst v63  }
0xe7: {  	_ =	swait.ge [sflag:s22], $0x2000  }
0xe8: {  	[sflag:s22] =	ssyncset.done $0x0  }
0xe9: {  	s28 =	simm.s32 $0x13D80;
	s26 =	simm.s32 $0x400;
	[sflag:s22] =	ssyncadd.s32 $0xFFFFE000  }
.LBB2_6:
0xea: {  	[tilespmem:s18], [sflag:$0x2] =	stream.indirect.gather [spmem:s1], $0x40, s28, s16, $0xb8;
	[tilespmem:$0x1AC00] =	vst v63  }
0xeb: {  	s28 =	smov.u32 s26  }
0xec: {  	p1 =	sne.s32 s26, $0x4800;
	s26 =	sadd.s32 $0x400, s26;
	_ =	swait.ge [sflag:s19], $0x2000  }
0xed: {  	s28 =	sshra.s32 s28, $0x2;
	[sflag:s19] =	ssyncset.done $0x0  }
0xee: {  	s29 =	sadd.s32 $0x15000, s28;
	[sflag:s19] =	ssyncadd.s32 $0xFFFFE000  }
0xef: {  	[spmem:s3] =	stream.indirect.scatter.add.f32 [tilespmem:s17], [sflag:$0x3], $0x40, s29, s16, $0xb8;
	[tilespmem:$0x1AC00] =	vst v63  }
0xf0: {  	_ =	swait.ge [sflag:s20], $0x2000  }
0xf1: {  	[sflag:s20] =	ssyncset.done $0x0  }
0xf2: {  	s29 =	sadd.s32 $0x15080, s28;
	[sflag:s20] =	ssyncadd.s32 $0xFFFFE000  }
0xf3: {  	[spmem:s3] =	stream.indirect.scatter.add.f32 [tilespmem:s18], [sflag:$0x4], $0x40, s29, s16, $0xb8;
	[tilespmem:$0x1AC00] =	vst v63  }
0xf4: {  	_ =	swait.ge [sflag:s21], $0x2000  }
0xf5: {  	[sflag:s21] =	ssyncset.done $0x0  }
.Ltmp2:
0xf6: {  	s29 =	sadd.s32 $0x13D00, s28;
	[sflag:s21] =	ssyncadd.s32 $0xFFFFE000;
	(pc) =	sbr.rel @p1 .LBB2_6-.Ltmp2, $4  }
0xf7: {  	[tilespmem:s17], [sflag:$0x1] =	stream.indirect.gather [spmem:s1], $0x40, s29, s16, $0xb8;
	[tilespmem:$0x1AC00] =	vst v63  }
0xf8: {  	_ =	swait.ge [sflag:s22], $0x2000  }
0xf9: {  	[sflag:s22] =	ssyncset.done $0x0  }
0xfa: {  	s28 =	sadd.s32 $0x13D80, s28;
	[sflag:s22] =	ssyncadd.s32 $0xFFFFE000  }
0xfb: {  	[tilespmem:s18], [sflag:$0x2] =	stream.indirect.gather [spmem:s1], $0x40, s28, s16, $0xb8;
	[tilespmem:$0x1AC00] =	vst v63  }
0xfc: {  	_ =	swait.ge [sflag:s19], $0x2000  }
0xfd: {  	[sflag:s19] =	ssyncset.done $0x0  }
0xfe: {  	[sflag:s19] =	ssyncadd.s32 $0xFFFFE000  }
0xff: {  	[spmem:s3] =	stream.indirect.scatter.add.f32 [tilespmem:s17], [sflag:$0x3], $0x40, s23, s16, $0xb8;
	[tilespmem:$0x1AC00] =	vst v63  }
0x100: {  	_ =	swait.ge [sflag:s20], $0x2000  }
0x101: {  	[sflag:s20] =	ssyncset.done $0x0  }
0x102: {  	[sflag:s20] =	ssyncadd.s32 $0xFFFFE000  }
0x103: {  	[spmem:s3] =	stream.indirect.scatter.add.f32 [tilespmem:s18], [sflag:$0x4], $0x40, s24, s16, $0xb8;
	[tilespmem:$0x1AC00] =	vst v63  }
0x104: {  	_ =	swait.ge [sflag:s21], $0x2000  }
0x105: {  	[sflag:s21] =	ssyncset.done $0x0  }
0x106: {  	[sflag:s21] =	ssyncadd.s32 $0xFFFFE000  }
0x107: {  	[tilespmem:s17], [sflag:$0x1] =	stream.indirect.gather [spmem:s1], $0x40, s14, s16, $0xb8;
	[tilespmem:$0x1AC00] =	vst v63  }
0x108: {  	_ =	swait.ge [sflag:s22], $0x2000  }
0x109: {  	[sflag:s22] =	ssyncset.done $0x0  }
0x10a: {  	[sflag:s22] =	ssyncadd.s32 $0xFFFFE000  }
0x10b: {  	[tilespmem:s18], [sflag:$0x2] =	stream.indirect.gather [spmem:s1], $0x40, s0, s16, $0xb8;
	[tilespmem:$0x1AC00] =	vst v63  }
0x10c: {  	_ =	swait.ge [sflag:s19], $0x2000  }
0x10d: {  	[sflag:s19] =	ssyncset.done $0x0  }
0x10e: {  	[sflag:s19] =	ssyncadd.s32 $0xFFFFE000  }
0x10f: {  	_ =	swait.ge [sflag:s20], $0x2000  }
0x110: {  	[sflag:s20] =	ssyncset.done $0x0  }
0x111: {  	s26 =	simm.s32 $0x0;
	s2 =	rddreg [dreg:$0x1e];
	[sflag:s20] =	ssyncadd.s32 $0xFFFFE000  }
0x112: {  	[tilespmem:s14], [sflag:$0x5] =	stream.linear.gather [hbm4b:s2+s26], $0x1400, $0x38;
	[tilespmem:$0x1AC00] =	vst v63  }
0x113: {  	_ =	swait.ge [sflag:s13], $0x1400  }
0x114: {  	[sflag:s13] =	ssyncset.done $0x0  }
0x115: {  	[sflag:s13] =	ssyncadd.s32 $0xFFFFEC00  }
0x116: {  	[tilespmem:s15], [sflag:$0x5] =	stream.linear.gather [hbm4b:s4+s26], $0x1400, $0x38;
	[tilespmem:$0x1AC00] =	vst v63  }
0x117: {  	_ =	swait.ge [sflag:s13], $0x1400  }
0x118: {  	[sflag:s13] =	ssyncset.done $0x0  }
0x119: {  	[sflag:s13] =	ssyncadd.s32 $0xFFFFEC00  }
0x11a: {  	[tilespmem:s17], [sflag:$0x1] =	stream.indirect.gather [spmem:s1], $0x40, s14, s16, $0xb8;
	[tilespmem:$0x1AC00] =	vst v63  }
0x11b: {  	_ = 	snop  }
0x11c: {  	[tilespmem:s18], [sflag:$0x2] =	stream.indirect.gather [spmem:s1], $0x40, s0, s16, $0xb8;
	[tilespmem:$0x1AC00] =	vst v63  }
0x11d: {  	_ =	swait.ge [sflag:s19], $0x2000  }
0x11e: {  	[sflag:s19] =	ssyncset.done $0x0  }
0x11f: {  	s29 =	simm.s32 $0x15000;
	[sflag:s19] =	ssyncadd.s32 $0xFFFFE000  }
0x120: {  	[spmem:s3] =	stream.indirect.scatter.add.f32 [tilespmem:s17], [sflag:$0x3], $0x40, s29, s16, $0xb8;
	[tilespmem:$0x1AC00] =	vst v63  }
0x121: {  	_ =	swait.ge [sflag:s20], $0x2000  }
0x122: {  	[sflag:s20] =	ssyncset.done $0x0  }
0x123: {  	s30 =	simm.s32 $0x15080;
	[sflag:s20] =	ssyncadd.s32 $0xFFFFE000  }
0x124: {  	[spmem:s3] =	stream.indirect.scatter.add.f32 [tilespmem:s18], [sflag:$0x4], $0x40, s30, s16, $0xb8;
	[tilespmem:$0x1AC00] =	vst v63  }
0x125: {  	_ =	swait.ge [sflag:s21], $0x2000  }
0x126: {  	[sflag:s21] =	ssyncset.done $0x0  }
0x127: {  	s31 =	simm.s32 $0x13D00;
	[sflag:s21] =	ssyncadd.s32 $0xFFFFE000  }
0x128: {  	[tilespmem:s17], [sflag:$0x1] =	stream.indirect.gather [spmem:s1], $0x40, s31, s16, $0xb8;
	[tilespmem:$0x1AC00] =	vst v63  }
0x129: {  	_ =	swait.ge [sflag:s22], $0x2000  }
0x12a: {  	[sflag:s22] =	ssyncset.done $0x0  }
0x12b: {  	s28 =	simm.s32 $0x13D80;
	s26 =	simm.s32 $0x400;
	[sflag:s22] =	ssyncadd.s32 $0xFFFFE000  }
.LBB2_8:
0x12c: {  	[tilespmem:s18], [sflag:$0x2] =	stream.indirect.gather [spmem:s1], $0x40, s28, s16, $0xb8;
	[tilespmem:$0x1AC00] =	vst v63  }
0x12d: {  	s28 =	smov.u32 s26  }
0x12e: {  	p1 =	sne.s32 s26, $0x4800;
	s26 =	sadd.s32 $0x400, s26;
	_ =	swait.ge [sflag:s19], $0x2000  }
0x12f: {  	s28 =	sshra.s32 s28, $0x2;
	[sflag:s19] =	ssyncset.done $0x0  }
0x130: {  	s29 =	sadd.s32 $0x15000, s28;
	[sflag:s19] =	ssyncadd.s32 $0xFFFFE000  }
0x131: {  	[spmem:s3] =	stream.indirect.scatter.add.f32 [tilespmem:s17], [sflag:$0x3], $0x40, s29, s16, $0xb8;
	[tilespmem:$0x1AC00] =	vst v63  }
0x132: {  	_ =	swait.ge [sflag:s20], $0x2000  }
0x133: {  	[sflag:s20] =	ssyncset.done $0x0  }
0x134: {  	s29 =	sadd.s32 $0x15080, s28;
	[sflag:s20] =	ssyncadd.s32 $0xFFFFE000  }
0x135: {  	[spmem:s3] =	stream.indirect.scatter.add.f32 [tilespmem:s18], [sflag:$0x4], $0x40, s29, s16, $0xb8;
	[tilespmem:$0x1AC00] =	vst v63  }
0x136: {  	_ =	swait.ge [sflag:s21], $0x2000  }
0x137: {  	[sflag:s21] =	ssyncset.done $0x0  }
.Ltmp3:
0x138: {  	s29 =	sadd.s32 $0x13D00, s28;
	[sflag:s21] =	ssyncadd.s32 $0xFFFFE000;
	(pc) =	sbr.rel @p1 .LBB2_8-.Ltmp3, $4  }
0x139: {  	[tilespmem:s17], [sflag:$0x1] =	stream.indirect.gather [spmem:s1], $0x40, s29, s16, $0xb8;
	[tilespmem:$0x1AC00] =	vst v63  }
0x13a: {  	_ =	swait.ge [sflag:s22], $0x2000  }
0x13b: {  	[sflag:s22] =	ssyncset.done $0x0  }
0x13c: {  	s28 =	sadd.s32 $0x13D80, s28;
	[sflag:s22] =	ssyncadd.s32 $0xFFFFE000  }
0x13d: {  	[tilespmem:s18], [sflag:$0x2] =	stream.indirect.gather [spmem:s1], $0x40, s28, s16, $0xb8;
	[tilespmem:$0x1AC00] =	vst v63  }
0x13e: {  	_ =	swait.ge [sflag:s19], $0x2000  }
0x13f: {  	[sflag:s19] =	ssyncset.done $0x0  }
0x140: {  	[sflag:s19] =	ssyncadd.s32 $0xFFFFE000  }
0x141: {  	[spmem:s3] =	stream.indirect.scatter.add.f32 [tilespmem:s17], [sflag:$0x3], $0x40, s23, s16, $0xb8;
	[tilespmem:$0x1AC00] =	vst v63  }
0x142: {  	_ =	swait.ge [sflag:s20], $0x2000  }
0x143: {  	[sflag:s20] =	ssyncset.done $0x0  }
0x144: {  	[sflag:s20] =	ssyncadd.s32 $0xFFFFE000  }
0x145: {  	[spmem:s3] =	stream.indirect.scatter.add.f32 [tilespmem:s18], [sflag:$0x4], $0x40, s24, s16, $0xb8;
	[tilespmem:$0x1AC00] =	vst v63  }
0x146: {  	_ =	swait.ge [sflag:s21], $0x2000  }
0x147: {  	[sflag:s21] =	ssyncset.done $0x0  }
0x148: {  	[sflag:s21] =	ssyncadd.s32 $0xFFFFE000  }
0x149: {  	[tilespmem:s17], [sflag:$0x1] =	stream.indirect.gather [spmem:s1], $0x40, s14, s16, $0xb8;
	[tilespmem:$0x1AC00] =	vst v63  }
0x14a: {  	_ =	swait.ge [sflag:s22], $0x2000  }
0x14b: {  	[sflag:s22] =	ssyncset.done $0x0  }
0x14c: {  	[sflag:s22] =	ssyncadd.s32 $0xFFFFE000  }
0x14d: {  	[tilespmem:s18], [sflag:$0x2] =	stream.indirect.gather [spmem:s1], $0x40, s0, s16, $0xb8;
	[tilespmem:$0x1AC00] =	vst v63  }
0x14e: {  	_ =	swait.ge [sflag:s19], $0x2000  }
0x14f: {  	[sflag:s19] =	ssyncset.done $0x0  }
0x150: {  	[sflag:s19] =	ssyncadd.s32 $0xFFFFE000  }
0x151: {  	_ =	swait.ge [sflag:s20], $0x2000  }
0x152: {  	[sflag:s20] =	ssyncset.done $0x0  }
0x153: {  	s26 =	simm.s32 $0x0;
	[sflag:s20] =	ssyncadd.s32 $0xFFFFE000  }
0x154: {  	[tilespmem:s14], [sflag:$0x5] =	stream.linear.gather [hbm4b:s5+s26], $0x1400, $0x38;
	[tilespmem:$0x1AC00] =	vst v63  }
0x155: {  	_ =	swait.ge [sflag:s13], $0x1400  }
0x156: {  	[sflag:s13] =	ssyncset.done $0x0  }
0x157: {  	[sflag:s13] =	ssyncadd.s32 $0xFFFFEC00  }
0x158: {  	[tilespmem:s15], [sflag:$0x5] =	stream.linear.gather [hbm4b:s6+s26], $0x1400, $0x38;
	[tilespmem:$0x1AC00] =	vst v63  }
0x159: {  	_ =	swait.ge [sflag:s13], $0x1400  }
0x15a: {  	[sflag:s13] =	ssyncset.done $0x0  }
0x15b: {  	[sflag:s13] =	ssyncadd.s32 $0xFFFFEC00  }
0x15c: {  	[tilespmem:s17], [sflag:$0x1] =	stream.indirect.gather [spmem:s1], $0x40, s14, s16, $0xb8;
	[tilespmem:$0x1AC00] =	vst v63  }
0x15d: {  	_ = 	snop  }
0x15e: {  	[tilespmem:s18], [sflag:$0x2] =	stream.indirect.gather [spmem:s1], $0x40, s0, s16, $0xb8;
	[tilespmem:$0x1AC00] =	vst v63  }
0x15f: {  	_ =	swait.ge [sflag:s19], $0x2000  }
0x160: {  	[sflag:s19] =	ssyncset.done $0x0  }
0x161: {  	s29 =	simm.s32 $0x15000;
	[sflag:s19] =	ssyncadd.s32 $0xFFFFE000  }
0x162: {  	[spmem:s3] =	stream.indirect.scatter.add.f32 [tilespmem:s17], [sflag:$0x3], $0x40, s29, s16, $0xb8;
	[tilespmem:$0x1AC00] =	vst v63  }
0x163: {  	_ =	swait.ge [sflag:s20], $0x2000  }
0x164: {  	[sflag:s20] =	ssyncset.done $0x0  }
0x165: {  	s30 =	simm.s32 $0x15080;
	[sflag:s20] =	ssyncadd.s32 $0xFFFFE000  }
0x166: {  	[spmem:s3] =	stream.indirect.scatter.add.f32 [tilespmem:s18], [sflag:$0x4], $0x40, s30, s16, $0xb8;
	[tilespmem:$0x1AC00] =	vst v63  }
0x167: {  	_ =	swait.ge [sflag:s21], $0x2000  }
0x168: {  	[sflag:s21] =	ssyncset.done $0x0  }
0x169: {  	s31 =	simm.s32 $0x13D00;
	[sflag:s21] =	ssyncadd.s32 $0xFFFFE000  }
0x16a: {  	[tilespmem:s17], [sflag:$0x1] =	stream.indirect.gather [spmem:s1], $0x40, s31, s16, $0xb8;
	[tilespmem:$0x1AC00] =	vst v63  }
0x16b: {  	_ =	swait.ge [sflag:s22], $0x2000  }
0x16c: {  	[sflag:s22] =	ssyncset.done $0x0  }
0x16d: {  	s28 =	simm.s32 $0x13D80;
	s26 =	simm.s32 $0x400;
	[sflag:s22] =	ssyncadd.s32 $0xFFFFE000  }
.LBB2_10:
0x16e: {  	[tilespmem:s18], [sflag:$0x2] =	stream.indirect.gather [spmem:s1], $0x40, s28, s16, $0xb8;
	[tilespmem:$0x1AC00] =	vst v63  }
0x16f: {  	s28 =	smov.u32 s26  }
0x170: {  	p1 =	sne.s32 s26, $0x4800;
	s26 =	sadd.s32 $0x400, s26;
	_ =	swait.ge [sflag:s19], $0x2000  }
0x171: {  	s28 =	sshra.s32 s28, $0x2;
	[sflag:s19] =	ssyncset.done $0x0  }
0x172: {  	s29 =	sadd.s32 $0x15000, s28;
	[sflag:s19] =	ssyncadd.s32 $0xFFFFE000  }
0x173: {  	[spmem:s3] =	stream.indirect.scatter.add.f32 [tilespmem:s17], [sflag:$0x3], $0x40, s29, s16, $0xb8;
	[tilespmem:$0x1AC00] =	vst v63  }
0x174: {  	_ =	swait.ge [sflag:s20], $0x2000  }
0x175: {  	[sflag:s20] =	ssyncset.done $0x0  }
0x176: {  	s29 =	sadd.s32 $0x15080, s28;
	[sflag:s20] =	ssyncadd.s32 $0xFFFFE000  }
0x177: {  	[spmem:s3] =	stream.indirect.scatter.add.f32 [tilespmem:s18], [sflag:$0x4], $0x40, s29, s16, $0xb8;
	[tilespmem:$0x1AC00] =	vst v63  }
0x178: {  	_ =	swait.ge [sflag:s21], $0x2000  }
0x179: {  	[sflag:s21] =	ssyncset.done $0x0  }
.Ltmp4:
0x17a: {  	s29 =	sadd.s32 $0x13D00, s28;
	[sflag:s21] =	ssyncadd.s32 $0xFFFFE000;
	(pc) =	sbr.rel @p1 .LBB2_10-.Ltmp4, $4  }
0x17b: {  	[tilespmem:s17], [sflag:$0x1] =	stream.indirect.gather [spmem:s1], $0x40, s29, s16, $0xb8;
	[tilespmem:$0x1AC00] =	vst v63  }
0x17c: {  	_ =	swait.ge [sflag:s22], $0x2000  }
0x17d: {  	[sflag:s22] =	ssyncset.done $0x0  }
0x17e: {  	s28 =	sadd.s32 $0x13D80, s28;
	[sflag:s22] =	ssyncadd.s32 $0xFFFFE000  }
0x17f: {  	[tilespmem:s18], [sflag:$0x2] =	stream.indirect.gather [spmem:s1], $0x40, s28, s16, $0xb8;
	[tilespmem:$0x1AC00] =	vst v63  }
0x180: {  	_ =	swait.ge [sflag:s19], $0x2000  }
0x181: {  	[sflag:s19] =	ssyncset.done $0x0  }
0x182: {  	[sflag:s19] =	ssyncadd.s32 $0xFFFFE000  }
0x183: {  	[spmem:s3] =	stream.indirect.scatter.add.f32 [tilespmem:s17], [sflag:$0x3], $0x40, s23, s16, $0xb8;
	[tilespmem:$0x1AC00] =	vst v63  }
0x184: {  	_ =	swait.ge [sflag:s20], $0x2000  }
0x185: {  	[sflag:s20] =	ssyncset.done $0x0  }
0x186: {  	[sflag:s20] =	ssyncadd.s32 $0xFFFFE000  }
0x187: {  	[spmem:s3] =	stream.indirect.scatter.add.f32 [tilespmem:s18], [sflag:$0x4], $0x40, s24, s16, $0xb8;
	[tilespmem:$0x1AC00] =	vst v63  }
0x188: {  	_ =	swait.ge [sflag:s21], $0x2000  }
0x189: {  	[sflag:s21] =	ssyncset.done $0x0  }
0x18a: {  	[sflag:s21] =	ssyncadd.s32 $0xFFFFE000  }
0x18b: {  	[tilespmem:s17], [sflag:$0x1] =	stream.indirect.gather [spmem:s1], $0x40, s14, s16, $0xb8;
	[tilespmem:$0x1AC00] =	vst v63  }
0x18c: {  	_ =	swait.ge [sflag:s22], $0x2000  }
0x18d: {  	[sflag:s22] =	ssyncset.done $0x0  }
0x18e: {  	[sflag:s22] =	ssyncadd.s32 $0xFFFFE000  }
0x18f: {  	[tilespmem:s18], [sflag:$0x2] =	stream.indirect.gather [spmem:s1], $0x40, s0, s16, $0xb8;
	[tilespmem:$0x1AC00] =	vst v63  }
0x190: {  	_ =	swait.ge [sflag:s19], $0x2000  }
0x191: {  	[sflag:s19] =	ssyncset.done $0x0  }
0x192: {  	[sflag:s19] =	ssyncadd.s32 $0xFFFFE000  }
0x193: {  	s29 =	stileid.u32;
	_ =	swait.ge [sflag:s20], $0x2000  }
0x194: {  	s31 =	sshrl.u32 s7, $0x3;
	s25 =	sadd.s32 $0x1, s25;
	[sflag:s20] =	ssyncset.done $0x0  }
0x195: {  	s26 =	sshll.u32 s29, $0x6;
	p1 =	sne.s32 s25, s9;
	[sflag:s20] =	ssyncadd.s32 $0xFFFFE000  }
.Ltmp5:
0x196: {  	s26 =	sor.u32 $0x1C05, s26;
	[bflag:$0x0] =	sbarrier.arrive $0xFFFF;
	(pc) =	sbr.rel @p1 .LBB2_1-.Ltmp5, $4  }
0x197: {  	[hbm:s8], [sflag:s26] =	dma.local [spmem:s31], $0x13C0  }
0x198: {  	_ =	swait.ge [sflag:s13], $0x13C0  }
0x199: {  	[sflag:s13] =	ssyncset.done $0x0  }
0x19a: {  	[sflag:s13] =	ssyncadd.s32 $0xFFFFEC40  }
0x19b: {  	_ =	sfence.sel $0x180000  }
0x19c: {  	[bflag:$0x0] =	sbarrier.arrive $0xFFFF  }
0x19d: {  	_ =	strace $0x9000004A  }
0x19e: {  	[bflag:$0x2] =	sbarrier.arrive $0xFFFF  }
0x19f: {  	p0 =	sne.s32 s29, $0x0;
	s0 =	rddreg [dreg:$0x4]  }
0x1a0: {  	s0 =	sadd.s32 @!p0 $0x100000, s0  }
0x1a1: {  	[sflag:s0] =	ssyncadd.tile.s32 @!p0 $0x1;
	_ =	shalt  }
.Lfunc_end2:
_tile_overlayer_lowered:
.L_overlay_start_2:
0x1a2: {  	(tag) =	ssettag $0x2  }
0x1a3: {  	s0 =	rddreg [dreg:$0x0];
	s2 =	stileid.u32  }
0x1a4: {  	s1 =	rddreg [dreg:$0x1];
	p0 =	sne.s32 s2, $0x0  }
0x1a5: {  	s3 =	rddreg [dreg:$0x2];
	[bflag:$0x3] =	sbarrier.arrive $0xFFFF;
	s2 =	simm.s32 @!p0 $0x1C05  }
0x1a6: {  	[timem:s3], [sflag:s2] =	dma.local @!p0 [hbm:s0], s1  }
0x1a7: {  	s0 =	simm.s32 @!p0 $0x5  }
0x1a8: {  	_ =	swait.ge @!p0 [sflag:s0], s1  }
0x1a9: {  	s1 =	ssub.s32 @!p0 $0x0, s1;
	[sflag:s0] =	ssyncset.done @!p0 $0x0  }
0x1aa: {  	[sflag:s0] =	ssyncadd.s32 @!p0 s1  }
0x1ab: {  	[bflag:$0x3] =	sbarrier.arrive $0xFFFF  }
0x1ac: {  	_ =	shalt  }

// kernel: kernel.7.cloned.1.call-start
scs
__scs_entry_jumppad:
0x0: {  	(pc) =	sbr.rel $0x88, $3  }
0x1: {  	(tag) =	ssettag $0x0;
	lr =	simm.s32 $0x1  }
0x2: {  	[smem:$0x3F97] =	sst lr;
	_ =	strace $0xD0000000  }
0x3: {  	_ = 	snop  }
0x4: {  	_ = 	snop  }
0x5: {  	_ = 	snop  }
0x6: {  	_ = 	snop  }
0x7: {  	_ = 	snop  }
__scs_overlays_trampoline_lowered:
0x8: {  	[smem:$0x3FA6] =	sst s0  }
0x9: {  	[smem:$0x3FA7] =	sst s1  }
0xa: {  	[smem:$0x3FA8] =	sst s2  }
0xb: {  	[smem:$0x3FA9] =	sst s3  }
0xc: {  	[smem:$0x3FAA] =	sst s4  }
0xd: {  	[smem:$0x3FAB] =	sst s5  }
0xe: {  	[smem:$0x3FAC] =	sst s6  }
0xf: {  	[smem:$0x3FAD] =	sst s7  }
0x10: {  	[smem:$0x3FAE] =	sst s8  }
0x11: {  	[smem:$0x3FAF] =	sst s9;
	s0 =	simm.s32 @!p0 $0x0  }
0x12: {  	s1 =	sld [smem:$0x3F95];
	s0 =	simm.s32 @p0 $0x1  }
0x13: {  	[smem:$0x3FB0] =	sst s0;
	s0 =	simm.s32 @!p1 $0x0  }
0x14: {  	s2 =	sld [smem:$0x3F94];
	s0 =	simm.s32 @p1 $0x1  }
0x15: {  	[smem:$0x3FB1] =	sst s0;
	s0 =	simm.s32 @!p2 $0x0  }
0x16: {  	s3 =	sld [smem:$0x3FDB];
	s0 =	simm.s32 @p2 $0x1  }
0x17: {  	s4 =	simm.s32 $0x1BF5;
	[smem:$0x3FB3] =	sst s0  }
0x18: {  	s0 =	sld [smem:$0x3F96];
	_ =	swait.ge [sflag:s4], $0x0  }
0x19: {  	s7 =	sld [smem:$0x3F97]  }
0x1a: {  	s8 =	sadd.s32 $0xFFFFE003, lr  }
0x1b: {  	s9 =	sadd.s32 $0xFFFFFEF7, lr;
	s5 =	simm.s32 $0xFFFFFFFF;
	p2 =	slt.u32 s8, $0xFFFFF086  }
0x1c: {  	p1 =	slt.u32 s9, $0xF7A;
	s5 =	simm.s32 @!p2 $0x0  }
0x1d: {  	s5 =	simm.s32 @p1 $0x1;
	p0 =	seq.s32 s7, s2  }
0x1e: {  	s7 =	smul.u32 @!p0 $0xF7A, s2;
	p2 =	seq.s32 @!p0 s5, $0x0  }
0x1f: {  	s9 =	smul.u32 $0xF7A, s1;
	s8 =	simm.s32 @!p0 $0x1BF5;
	p2 =	por !p2, p0  }
0x20: {  	[sflag:s8] =	ssyncset.s32 @!p0 $0xFFFFF086;
	s6 =	sadd.s32 @!p0 s3, s7;
	s7 =	simm.s32 @!p0 $0x108  }
0x21: {  	s3 =	sadd.s32 s3, s9;
	s6 =	sadd.s32 @!p0 $0x88, s6;
	s7 =	simm.s32 @p2 $0x1082  }
0x22: {  	[simem:s7], [sflag:s8] =	dma.local @!p0 [hbm:s6], $0xF7A  }
0x23: {  	s9 =	sor.u32 $0xD0000000, s2;
	s6 =	simm.s32 $0x108;
	_ =	swait.ge @!p0 [sflag:s8], $0x0  }
0x24: {  	s3 =	sadd.s32 $0x88, s3;
	s6 =	simm.s32 @!p1 $0x1082;
	[sflag:s4] =	ssyncset.s32 $0xFFFFF086  }
0x25: {  	[simem:s6], [sflag:s4] =	dma.local [hbm:s3], $0xF7A  }
0x26: {  	[smem:$0x3F97] =	sst s1;
	(tag) =	ssettag s2;
	_ =	strace s9  }
0x27: {  	s1 =	sld [smem:$0x3FA7]  }
0x28: {  	s2 =	sld [smem:$0x3FA8]  }
0x29: {  	s4 =	sld [smem:$0x3FAA]  }
0x2a: {  	p0 =	seq.s32 s5, $0x0;
	s5 =	sld [smem:$0x3FAB]  }
0x2b: {  	s6 =	sld [smem:$0x3FAC]  }
0x2c: {  	s7 =	sld [smem:$0x3FAD]  }
0x2d: {  	s3 =	simm.s32 $0x108;
	s8 =	sld [smem:$0x3FAE]  }
0x2e: {  	s3 =	simm.s32 @!p0 $0x1082;
	s9 =	sld [smem:$0x3FAF]  }
0x2f: {  	lr =	sadd.s32 s0, s3;
	s0 =	sld [smem:$0x3FA6]  }
0x30: {  	s3 =	sld [smem:$0x3FA9]  }
0x31: {  	[smem:$0x3FB2] =	sst s10  }
0x32: {  	s10 =	sld [smem:$0x3FB0];
	_ =	sdelay $0x3  }
0x33: {  	p0 =	seq.s32 s10, $0x1;
	s10 =	sld [smem:$0x3FB2];
	_ =	sdelay $0x3  }
0x34: {  	[smem:$0x3FB2] =	sst s10  }
0x35: {  	s10 =	sld [smem:$0x3FB1];
	_ =	sdelay $0x3  }
0x36: {  	p1 =	seq.s32 s10, $0x1;
	s10 =	sld [smem:$0x3FB2];
	_ =	sdelay $0x3  }
0x37: {  	[smem:$0x3FB2] =	sst s10  }
0x38: {  	s10 =	sld [smem:$0x3FB3]  }
0x39: {  	_ = 	snop;
	(pc) =	sbr.ind lr, $3  }
0x3a: {  	_ = 	snop  }
0x3b: {  	_ = 	snop  }
0x3c: {  	p2 =	seq.s32 s10, $0x1;
	s10 =	sld [smem:$0x3FB2]  }
0x3d: {  	_ =	shalt  }
0x3e: {  	_ =	shalt  }
0x3f: {  	_ =	shalt  }
0x40: {  	_ =	shalt  }
0x41: {  	_ =	shalt  }
0x42: {  	_ =	shalt  }
0x43: {  	_ =	shalt  }
0x44: {  	_ =	shalt  }
0x45: {  	_ =	shalt  }
0x46: {  	_ =	shalt  }
0x47: {  	_ =	shalt  }
0x48: {  	_ =	shalt  }
0x49: {  	_ =	shalt  }
0x4a: {  	_ =	shalt  }
0x4b: {  	_ =	shalt  }
0x4c: {  	_ =	shalt  }
0x4d: {  	_ =	shalt  }
0x4e: {  	_ =	shalt  }
0x4f: {  	_ =	shalt  }
0x50: {  	_ =	shalt  }
0x51: {  	_ =	shalt  }
0x52: {  	_ =	shalt  }
0x53: {  	_ =	shalt  }
0x54: {  	_ =	shalt  }
0x55: {  	_ =	shalt  }
0x56: {  	_ =	shalt  }
0x57: {  	_ =	shalt  }
0x58: {  	_ =	shalt  }
0x59: {  	_ =	shalt  }
0x5a: {  	_ =	shalt  }
0x5b: {  	_ =	shalt  }
0x5c: {  	_ =	shalt  }
0x5d: {  	_ =	shalt  }
0x5e: {  	_ =	shalt  }
0x5f: {  	_ =	shalt  }
0x60: {  	_ =	shalt  }
0x61: {  	_ =	shalt  }
0x62: {  	_ =	shalt  }
0x63: {  	_ =	shalt  }
0x64: {  	_ =	shalt  }
0x65: {  	_ =	shalt  }
0x66: {  	_ =	shalt  }
0x67: {  	_ =	shalt  }
0x68: {  	_ =	shalt  }
0x69: {  	_ =	shalt  }
0x6a: {  	_ =	shalt  }
0x6b: {  	_ =	shalt  }
0x6c: {  	_ =	shalt  }
0x6d: {  	_ =	shalt  }
0x6e: {  	_ =	shalt  }
0x6f: {  	_ =	shalt  }
0x70: {  	_ =	shalt  }
0x71: {  	_ =	shalt  }
0x72: {  	_ =	shalt  }
0x73: {  	_ =	shalt  }
0x74: {  	_ =	shalt  }
0x75: {  	_ =	shalt  }
0x76: {  	_ =	shalt  }
0x77: {  	_ =	shalt  }
0x78: {  	_ =	shalt  }
0x79: {  	_ =	shalt  }
0x7a: {  	_ =	shalt  }
0x7b: {  	_ =	shalt  }
0x7c: {  	_ =	shalt  }
0x7d: {  	_ =	shalt  }
0x7e: {  	_ =	shalt  }
0x7f: {  	_ =	shalt  }
0x80: {  	_ =	shalt  }
0x81: {  	_ =	shalt  }
0x82: {  	_ =	shalt  }
0x83: {  	_ =	shalt  }
0x84: {  	_ =	shalt  }
0x85: {  	_ =	shalt  }
0x86: {  	_ =	shalt  }
0x87: {  	_ =	shalt  }
.Lfunc_end0:
.L_simem_size_0:
called_computation_lowered:
.L_overlay_start_0:
0x88: {  	s2 =	sld [smem:$0x3FD9]  }
0x89: {  	s3 =	sld [smem:$0x3FFE];
	_ =	sdelay $0x1  }
0x8a: {  	s1 =	srdreg.scid  }
0x8b: {  	s0 =	sand.u32 $0x1, s1  }
0x8c: {  	s14 =	sshll.u32 s0, $0xA;
	s2 =	sadd.s32 s3, s2  }
0x8d: {  	s2 =	sadd.s32 s2, s14  }
0x8e: {  	[smem:$0x3FBE] =	sst s2  }
0x8f: {  	_ = 	snop  }
0x90: {  	s2 =	sld [smem:$0x3FD0];
	_ =	sdelay $0x2  }
0x91: {  	s4 =	simm.s32 $0xA;
	s5 =	simm.s32 $0x10;
	s15 =	sld [smem:$0x3FC9]  }
0x92: {  	[smem:s5], [sflag:s4] =	dma.local [hbm:s2], $0x1  }
0x93: {  	_ =	swait.eq [sflag:s4], $0x1  }
0x94: {  	[sflag:s4] =	ssyncset.done $0x0  }
0x95: {  	[sflag:s4] =	ssyncadd.s32 $0xFFFFFFFF  }
0x96: {  	s16 =	sld [smem:$0x10];
	(tm) =	ssettm $0x1  }
0x97: {  	s17 =	sld [smem:$0x3FFB];
	_ =	sdelay $0x3  }
0x98: {  	_ =	strace s17  }
0x99: {  	s4 =	sld [smem:$0x3FFC];
	_ =	sdelay $0x3  }
0x9a: {  	_ =	strace s4  }
0x9b: {  	s4 =	sld [smem:$0x3FFD];
	_ =	sdelay $0x3  }
0x9c: {  	_ =	strace s4  }
0x9d: {  	_ =	strace $0x8FFFFFFF  }
0x9e: {  	s18 =	sld [smem:$0x3FDB];
	_ =	sdelay $0x1  }
0x9f: {  	s19 =	simm.s32 $_scs_section_size  }
0xa0: {  	s6 =	simm.s32 $_size__tile_overlayer_lowered;
	s7 =	simm.s32 $_tile_overlayer_lowered  }
0xa1: {  	s22 =	simm.s32 $0x1BFF;
	s21 =	sshll.u32 s7, $0x1;
	s4 =	sadd.s32 s19, s18  }
0xa2: {  	s8 =	simm.s32 $0x0;
	s20 =	sshll.u32 s6, $0x1;
	s6 =	sadd.s32 s21, s4  }
0xa3: {  	[timem:s8], [sflag:s22] =	dma.local [hbm:s6], s20  }
0xa4: {  	_ =	swait.ge [sflag:s22], s20  }
0xa5: {  	s5 =	ssub.s32 $0x0, s20;
	[sflag:s22] =	ssyncset.done $0x0  }
0xa6: {  	[sflag:s22] =	ssyncadd.s32 s5;
	_ =	sdelay $0x1  }
0xa7: {  	s23 =	simm.s32 $0x1B8B  }
0xa8: {  	_ =	swait.ge [sflag:s23], $0x1  }
0xa9: {  	[sflag:s23] =	ssyncset.done $0x0  }
0xaa: {  	s25 =	simm.s32 $0x1B8E;
	s24 =	sld [smem:$0x3FFE];
	[sflag:s23] =	ssyncadd.s32 $0xFFFFFFFF  }
0xab: {  	s26 =	simm.s32 $execute0_lowered;
	[smem:$0x3FD2] =	sst s25  }
0xac: {  	s6 =	sshll.u32 s26, $0x1;
	_ =	strace $0x80000046;
	[dreg:$0x1] =	wrdreg $0xFFFFFFFF  }
0xad: {  	s28 =	simm.s32 $_size_execute0_lowered;
	s4 =	sadd.s32 s4, s6;
	[dreg:$0x0] =	wrdreg $0x0  }
0xae: {  	s6 =	sshll.u32 s28, $0x1;
	[dreg:$0x2] =	wrdreg s4  }
0xaf: {  	[dreg:$0x3] =	wrdreg s6  }
0xb0: {  	[dreg:$0x4] =	wrdreg $0xC0  }
0xb1: {  	_ =	task [dreg:s8], $0x5FFFF  }
0xb2: {  	[dreg:$0x1] =	wrdreg $0xFFFFFFFF  }
0xb3: {  	[dreg:$0x0] =	wrdreg $0x60  }
0xb4: {  	[dreg:$0x2] =	wrdreg s15  }
0xb5: {  	[dreg:$0x3] =	wrdreg s24  }
0xb6: {  	[dreg:$0x4] =	wrdreg s16  }
0xb7: {  	[dreg:$0x5] =	wrdreg $0x9E000  }
0xb8: {  	[dreg:$0x6] =	wrdreg $0x0  }
0xb9: {  	[dreg:$0x7] =	wrdreg $0x9  }
0xba: {  	_ =	task.clear_ibuf [dreg:s8], $0x8FFFF;
	_ =	strace $0x90000046  }
0xbb: {  	s29 =	simm.s32 $0x9;
	_ =	strace $0x80000048  }
0xbc: {  	_ =	swait.ge [sflag:s29], $0x1  }
0xbd: {  	[sflag:s29] =	ssyncadd.s32 $0xFFFFFFFF  }
0xbe: {  	_ =	strace $0x90000048  }
0xbf: {  	_ =	sfence  }
0xc0: {  	s30 =	sld [smem:$0x0];
	_ =	sdelay $0x2  }
0xc1: {  	s31 =	sshll.u32 s1, $0xD;
	s1 =	sshrl.u32 s1, $0x2  }
0xc2: {  	s3 =	sand.u32 $0x4000, s31;
	s1 =	sadd.s32 s1, s30  }
0xc3: {  	s0 =	sor.u32 s3, s0;
	s1 =	sshll.u32 s1, $0x11  }
0xc4: {  	s0 =	sor.u32 s1, s0  }
0xc5: {  	s0 =	sadd.s32 $0x8F2B, s0  }
0xc6: {  	[sflag:s0] =	ssyncadd.remote.s32 $0x1  }
0xc7: {  	_ =	sfence.sel $0xFFFF  }
0xc8: {  	[dreg:$0x0] =	wrdreg $0xFFFFFFFF;
	(pc) =	sbr.abs _section_cstart, $3  }
0xc9: {  	[dreg:$0x1] =	wrdreg $0xFFFFFFFF  }
0xca: {  	_ =	task.clear_ibuf [dreg:s8], $0x2FFFF;
	_ =	strace $0x9FFFFFFF  }
0xcb: {  	(tm) =	ssettm $0x7FFFFFFF  }
tec
execute0_lowered:
.L_overlay_start_1:
0x0: {  	(tag) =	ssettag $0x1  }
0x1: {  	s2 =	rddreg [dreg:$0x0]  }
0x2: {  	s4 =	rddreg [dreg:$0x1];
	s0 =	stileid.u32  }
0x3: {  	s5 =	rddreg [dreg:$0x2];
	s6 =	smul.u32 $0x5000, s0  }
0x4: {  	s7 =	srdreg.scid;
	s19 =	smul.u32 $0x9E00, s0  }
0x5: {  	s1 =	rddreg [dreg:$0x3];
	s8 =	sand.u32 $0x1, s7;
	s11 =	smul.u32 $0x13C00, s0  }
0x6: {  	s3 =	rddreg [dreg:$0x4];
	s10 =	simm.s32 $0x0;
	s9 =	smul.u32 $0x9E000, s8  }
0x7: {  	[smem:$0x7FF] =	sst s10;
	s14 =	smul.u32 $0x27800, s0  }
0x8: {  	s13 =	sshll.u32 s8, $0x6;
	s6 =	sshrl.u32 s6, $0x3;
	s20 =	sadd.s32 s19, s9  }
0x9: {  	s22 =	sor.u32 s13, s11;
	s10 =	sadd.s32 s6, s4;
	s6 =	sshrl.u32 s20, $0x3  }
0xa: {  	s24 =	sshll.u32 s8, $0x3;
	s15 =	sadd.s32 s6, s4;
	s4 =	sshrl.u32 s22, $0x3  }
0xb: {  	s31 =	smul.u32 $0x4F0, s0;
	s4 =	sadd.s32 s2, s4;
	s2 =	sadd.s32 s24, s2  }
0xc: {  	_ =	strace $0x80000047;
	[dreg:$0x6] =	wrdreg s4;
	s2 =	sadd.s32 $0x25080, s2  }
0xd: {  	s23 =	sshrl.u32 s14, $0x2;
	s4 =	sadd.s32 s5, s31;
	[dreg:$0x7] =	wrdreg s2  }
0xe: {  	s31 =	sadd.s32 $0xD300, s10;
	s2 =	sadd.s32 s23, s3;
	[dreg:$0x12] =	wrdreg s4  }
0xf: {  	[smem:$0x7FD] =	sst s31;
	s25 =	sadd.s32 $0x800, s2  }
0x10: {  	s26 =	sadd.s32 $0x1000, s2;
	[dreg:$0x8] =	wrdreg s25  }
0x11: {  	s28 =	sadd.s32 $0x1800, s2;
	[dreg:$0x9] =	wrdreg s26  }
0x12: {  	s29 =	sadd.s32 $0x2000, s2;
	[dreg:$0xa] =	wrdreg s28  }
0x13: {  	s30 =	sadd.s32 $0x2800, s2;
	[dreg:$0xb] =	wrdreg s29  }
0x14: {  	s6 =	sadd.s32 $0x3000, s2;
	[dreg:$0xc] =	wrdreg s30  }
0x15: {  	s9 =	sadd.s32 $0x3800, s2;
	[dreg:$0xd] =	wrdreg s6  }
0x16: {  	s11 =	sadd.s32 $0x4000, s2;
	[dreg:$0xe] =	wrdreg s9  }
0x17: {  	s14 =	sadd.s32 $0x4800, s2;
	[dreg:$0xf] =	wrdreg s11  }
0x18: {  	s16 =	sadd.s32 $0x5000, s2;
	[dreg:$0x10] =	wrdreg s14  }
0x19: {  	s17 =	sadd.s32 $0x5800, s2;
	[dreg:$0x11] =	wrdreg s16  }
0x1a: {  	s21 =	ssub.s32 $0x2, s8;
	s18 =	sadd.s32 $0x6000, s2;
	[dreg:$0x13] =	wrdreg s17  }
0x1b: {  	s7 =	sadd.s32 s19, s3;
	s19 =	sadd.s32 $0x6800, s2;
	[dreg:$0x14] =	wrdreg s18  }
0x1c: {  	s12 =	sshrl.u32 s21, $0x1;
	s20 =	sadd.s32 $0x7000, s2;
	[dreg:$0x15] =	wrdreg s19  }
0x1d: {  	s12 =	ssub.s32 s21, s12;
	s21 =	sadd.s32 $0x7800, s2;
	[dreg:$0x16] =	wrdreg s20  }
0x1e: {  	s22 =	sadd.s32 $0x8000, s2;
	[dreg:$0x17] =	wrdreg s21  }
0x1f: {  	s13 =	sadd.s32 s23, s1;
	s23 =	sadd.s32 $0x8800, s2;
	[dreg:$0x18] =	wrdreg s22  }
0x20: {  	p2 =	seq.s32 s0, $0xF;
	s24 =	sadd.s32 $0x9000, s2;
	[dreg:$0x19] =	wrdreg s23  }
0x21: {  	p0 =	sne.s32 s8, $0x0;
	s2 =	sadd.s32 $0x9800, s2;
	[dreg:$0x1a] =	wrdreg s24  }
0x22: {  	p1 =	seq.s32 s8, $0x0;
	s8 =	sadd.s32 $0xD580, s10;
	[dreg:$0x1b] =	wrdreg s2  }
0x23: {  	s25 =	sadd.s32 $0x2E00, s10;
	s26 =	sadd.s32 $0xCE00, s10;
	s28 =	sadd.s32 $0x3080, s10  }
0x24: {  	s29 =	sadd.s32 $0xD080, s10;
	s30 =	sadd.s32 $0x3300, s10;
	s6 =	sadd.s32 $0x3580, s10  }
0x25: {  	s11 =	sadd.s32 $0x94200, s1;
	s9 =	sadd.s32 $0x16E00, s15;
	s10 =	smax.u32 s12, $0x1  }
0x26: {  	s12 =	sshrl.u32 @!p2 s13, $0x3;
	s13 =	simm.s32 $0x1A400;
	s14 =	simm.s32 $0x5  }
0x27: {  	s15 =	simm.s32 $0x13C00;
	s16 =	simm.s32 $0x15000;
	[dreg:$0x1c] =	wrdreg s25  }
0x28: {  	s17 =	simm.s32 $0x80;
	s18 =	simm.s32 $0x16400;
	[dreg:$0x1d] =	wrdreg s26  }
0x29: {  	s19 =	simm.s32 $0x13C80;
	s20 =	simm.s32 $0x18400;
	[dreg:$0x1e] =	wrdreg s28  }
0x2a: {  	s21 =	simm.s32 $0x1;
	s22 =	simm.s32 $0x3;
	[dreg:$0x1f] =	wrdreg s29  }
0x2b: {  	s23 =	simm.s32 $0x4;
	s24 =	simm.s32 $0x16300;
	[smem:$0x7FC] =	sst s30  }
0x2c: {  	v0 =	vimm.f32 $0.0e+00;
	s11 =	sshrl.u32 @p2 s11, $0x3;
	s25 =	simm.s32 $0x2;
	s26 =	simm.s32 $0x0  }
.LBB2_1:
0x2d: {  	s28 =	simm.s32 @p2 $0x1;
	s29 =	simm.s32 @p2 $0x8  }
0x2e: {  	s30 =	simm.s32 @p2 $0x10;
	s31 =	simm.s32 @p2 $0x1FC5;
	s2 =	rddreg [dreg:$0x7]  }
0x2f: {  	[spmem:s11@s29], [sflag:s31] =	dma.strided @p2 [hbm:s2@s30], $0x1040, s28, $0x8   }
0x30: {  	s28 =	simm.s32 @p2 $0x5  }
0x31: {  	s29 =	sshll.u32 @!p2 s0, $0x6;
	s30 =	simm.s32 @!p2 $0x8;
	_ =	swait.ge @p2 [sflag:s28], $0x1040  }
0x32: {  	s31 =	simm.s32 @!p2 $0x10;
	[sflag:s28] =	ssyncset.done @p2 $0x0;
	s2 =	rddreg [dreg:$0x6]  }
0x33: {  	[sflag:s28] =	ssyncadd.s32 @p2 $0xFFFFEFC0;
	s28 =	sor.u32 @!p2 $0x1C05, s29;
	s29 =	simm.s32 @!p2 $0x1  }
0x34: {  	[spmem:s12@s30], [sflag:s28] =	dma.strided @!p2 [hbm:s2@s31], $0x13C0, s29, $0x8   }
0x35: {  	s28 =	simm.s32 @!p2 $0x5  }
0x36: {  	s31 =	simm.s32 $0x0;
	_ =	swait.ge @!p2 [sflag:s28], $0x13C0  }
0x37: {  	s29 =	sand.u32 $0x1F00, s31;
	[sflag:s28] =	ssyncset.done @!p2 $0x0  }
0x38: {  	s30 =	sand.u32 $0x30, s31;
	s29 =	sshrl.u32 s29, $0x2;
	[sflag:s28] =	ssyncadd.s32 @!p2 $0xFFFFEC40  }
0x39: {  	s28 =	simm.s32 $0x40;
	s30 =	sor.u32 s30, s29;
	s29 =	simm.s32 $0x0  }
.LBB2_2:
0x3a: {  	p3 =	sne.s32 s28, $0x1FC0  }
0x3b: {  	[tilespmem:s30+$0x1A400] =	vst v0;
	s29 =	sadd.s32 $0x10, s29;
	s30 =	smov.u32 s28;
	s28 =	sadd.s32 $0x40, s28  }
.Ltmp0:
0x3c: {  	(pc) =	sbr.rel @p3 .LBB2_2-.Ltmp0, $4  }
0x3d: {  	_ = 	snop  }
0x3e: {  	s30 =	sand.u32 $0x1F00, s30  }
0x3f: {  	s31 =	sand.u32 $0x30, s29;
	s30 =	sshrl.u32 s30, $0x2  }
0x40: {  	s30 =	sor.u32 s31, s30  }
.Ltmp1:
0x41: {  	(pc) =	sbr.rel @p0 .LBB2_7-.Ltmp1, $2  }
0x42: {  	_ =	sdelay $0x2  }
0x43: {  	[tilespmem:s30+$0x1A400] =	vst v0;
	s28 =	simm.s32 $0x0  }
0x44: {  	s29 =	simm.s32 $0x40;
	s30 =	simm.s32 $0x0  }
.LBB2_5:
0x45: {  	p3 =	sne.s32 s29, $0x9DC0;
	[tilespmem:s30+$0x1AC00] =	vst v0;
	s30 =	smov.u32 s29;
	s29 =	sadd.s32 $0x40, s29  }
.Ltmp2:
0x46: {  	(pc) =	sbr.rel @p3 .LBB2_5-.Ltmp2, $2  }
0x47: {  	_ =	sdelay $0x2  }
0x48: {  	s30 =	sshra.s32 s30, $0x2  }
0x49: {  	[tilespmem:s30+$0x1AC00] =	vst v0  }
.LBB2_7:
0x4a: {  	[spmem:s7] =	stream.linear.scatter [tilespmem:s13], [sflag:$0x5], $0x800, $0x38;
	[tilespmem:$0x1D380] =	vst v63  }
0x4b: {  	_ =	swait.ge [sflag:s14], $0x800  }
0x4c: {  	[sflag:s14] =	ssyncset.done $0x0  }
0x4d: {  	s2 =	rddreg [dreg:$0x8];
	[sflag:s14] =	ssyncadd.s32 $0xFFFFF800  }
0x4e: {  	[spmem:s2] =	stream.linear.scatter [tilespmem:s13], [sflag:$0x5], $0x800, $0x38;
	[tilespmem:$0x1D380] =	vst v63  }
0x4f: {  	_ =	swait.ge [sflag:s14], $0x800  }
0x50: {  	[sflag:s14] =	ssyncset.done $0x0  }
0x51: {  	s4 =	rddreg [dreg:$0x9];
	[sflag:s14] =	ssyncadd.s32 $0xFFFFF800  }
0x52: {  	[spmem:s4] =	stream.linear.scatter [tilespmem:s13], [sflag:$0x5], $0x800, $0x38;
	[tilespmem:$0x1D380] =	vst v63  }
0x53: {  	_ =	swait.ge [sflag:s14], $0x800  }
0x54: {  	[sflag:s14] =	ssyncset.done $0x0  }
0x55: {  	s5 =	rddreg [dreg:$0xa];
	[sflag:s14] =	ssyncadd.s32 $0xFFFFF800  }
0x56: {  	[spmem:s5] =	stream.linear.scatter [tilespmem:s13], [sflag:$0x5], $0x800, $0x38;
	[tilespmem:$0x1D380] =	vst v63  }
0x57: {  	_ =	swait.ge [sflag:s14], $0x800  }
0x58: {  	[sflag:s14] =	ssyncset.done $0x0  }
0x59: {  	s29 =	rddreg [dreg:$0xb];
	[sflag:s14] =	ssyncadd.s32 $0xFFFFF800  }
0x5a: {  	[spmem:s29] =	stream.linear.scatter [tilespmem:s13], [sflag:$0x5], $0x800, $0x38;
	[tilespmem:$0x1D380] =	vst v63  }
0x5b: {  	_ =	swait.ge [sflag:s14], $0x800  }
0x5c: {  	[sflag:s14] =	ssyncset.done $0x0  }
0x5d: {  	s30 =	rddreg [dreg:$0xc];
	[sflag:s14] =	ssyncadd.s32 $0xFFFFF800  }
0x5e: {  	[spmem:s30] =	stream.linear.scatter [tilespmem:s13], [sflag:$0x5], $0x800, $0x38;
	[tilespmem:$0x1D380] =	vst v63  }
0x5f: {  	_ =	swait.ge [sflag:s14], $0x800  }
0x60: {  	[sflag:s14] =	ssyncset.done $0x0  }
0x61: {  	s31 =	rddreg [dreg:$0xd];
	[sflag:s14] =	ssyncadd.s32 $0xFFFFF800  }
0x62: {  	[spmem:s31] =	stream.linear.scatter [tilespmem:s13], [sflag:$0x5], $0x800, $0x38;
	[tilespmem:$0x1D380] =	vst v63  }
0x63: {  	_ =	swait.ge [sflag:s14], $0x800  }
0x64: {  	[sflag:s14] =	ssyncset.done $0x0  }
0x65: {  	s4 =	rddreg [dreg:$0xe];
	[sflag:s14] =	ssyncadd.s32 $0xFFFFF800  }
0x66: {  	[spmem:s4] =	stream.linear.scatter [tilespmem:s13], [sflag:$0x5], $0x800, $0x38;
	[tilespmem:$0x1D380] =	vst v63  }
0x67: {  	_ =	swait.ge [sflag:s14], $0x800  }
0x68: {  	[sflag:s14] =	ssyncset.done $0x0  }
0x69: {  	s5 =	rddreg [dreg:$0xf];
	[sflag:s14] =	ssyncadd.s32 $0xFFFFF800  }
0x6a: {  	[spmem:s5] =	stream.linear.scatter [tilespmem:s13], [sflag:$0x5], $0x800, $0x38;
	[tilespmem:$0x1D380] =	vst v63  }
0x6b: {  	_ =	swait.ge [sflag:s14], $0x800  }
0x6c: {  	[sflag:s14] =	ssyncset.done $0x0  }
0x6d: {  	s29 =	rddreg [dreg:$0x10];
	[sflag:s14] =	ssyncadd.s32 $0xFFFFF800  }
0x6e: {  	[spmem:s29] =	stream.linear.scatter [tilespmem:s13], [sflag:$0x5], $0x800, $0x38;
	[tilespmem:$0x1D380] =	vst v63  }
0x6f: {  	_ =	swait.ge [sflag:s14], $0x800  }
0x70: {  	[sflag:s14] =	ssyncset.done $0x0  }
0x71: {  	s30 =	rddreg [dreg:$0x11];
	[sflag:s14] =	ssyncadd.s32 $0xFFFFF800  }
0x72: {  	[spmem:s30] =	stream.linear.scatter [tilespmem:s13], [sflag:$0x5], $0x800, $0x38;
	[tilespmem:$0x1D380] =	vst v63  }
0x73: {  	_ =	swait.ge [sflag:s14], $0x800  }
0x74: {  	[sflag:s14] =	ssyncset.done $0x0  }
0x75: {  	s31 =	rddreg [dreg:$0x13];
	[sflag:s14] =	ssyncadd.s32 $0xFFFFF800  }
0x76: {  	[spmem:s31] =	stream.linear.scatter [tilespmem:s13], [sflag:$0x5], $0x800, $0x38;
	[tilespmem:$0x1D380] =	vst v63  }
0x77: {  	_ =	swait.ge [sflag:s14], $0x800  }
0x78: {  	[sflag:s14] =	ssyncset.done $0x0  }
0x79: {  	s4 =	rddreg [dreg:$0x14];
	[sflag:s14] =	ssyncadd.s32 $0xFFFFF800  }
0x7a: {  	[spmem:s4] =	stream.linear.scatter [tilespmem:s13], [sflag:$0x5], $0x800, $0x38;
	[tilespmem:$0x1D380] =	vst v63  }
0x7b: {  	_ =	swait.ge [sflag:s14], $0x800  }
0x7c: {  	[sflag:s14] =	ssyncset.done $0x0  }
0x7d: {  	s5 =	rddreg [dreg:$0x15];
	[sflag:s14] =	ssyncadd.s32 $0xFFFFF800  }
0x7e: {  	[spmem:s5] =	stream.linear.scatter [tilespmem:s13], [sflag:$0x5], $0x800, $0x38;
	[tilespmem:$0x1D380] =	vst v63  }
0x7f: {  	_ =	swait.ge [sflag:s14], $0x800  }
0x80: {  	[sflag:s14] =	ssyncset.done $0x0  }
0x81: {  	s29 =	rddreg [dreg:$0x16];
	[sflag:s14] =	ssyncadd.s32 $0xFFFFF800  }
0x82: {  	[spmem:s29] =	stream.linear.scatter [tilespmem:s13], [sflag:$0x5], $0x800, $0x38;
	[tilespmem:$0x1D380] =	vst v63  }
0x83: {  	_ =	swait.ge [sflag:s14], $0x800  }
0x84: {  	[sflag:s14] =	ssyncset.done $0x0  }
0x85: {  	s30 =	rddreg [dreg:$0x17];
	[sflag:s14] =	ssyncadd.s32 $0xFFFFF800  }
0x86: {  	[spmem:s30] =	stream.linear.scatter [tilespmem:s13], [sflag:$0x5], $0x800, $0x38;
	[tilespmem:$0x1D380] =	vst v63  }
0x87: {  	_ =	swait.ge [sflag:s14], $0x800  }
0x88: {  	[sflag:s14] =	ssyncset.done $0x0  }
0x89: {  	s31 =	rddreg [dreg:$0x18];
	[sflag:s14] =	ssyncadd.s32 $0xFFFFF800  }
0x8a: {  	[spmem:s31] =	stream.linear.scatter [tilespmem:s13], [sflag:$0x5], $0x800, $0x38;
	[tilespmem:$0x1D380] =	vst v63  }
0x8b: {  	_ =	swait.ge [sflag:s14], $0x800  }
0x8c: {  	[sflag:s14] =	ssyncset.done $0x0  }
0x8d: {  	s4 =	rddreg [dreg:$0x19];
	[sflag:s14] =	ssyncadd.s32 $0xFFFFF800  }
0x8e: {  	[spmem:s4] =	stream.linear.scatter [tilespmem:s13], [sflag:$0x5], $0x800, $0x38;
	[tilespmem:$0x1D380] =	vst v63  }
0x8f: {  	_ =	swait.ge [sflag:s14], $0x800  }
0x90: {  	[sflag:s14] =	ssyncset.done $0x0  }
0x91: {  	s5 =	rddreg [dreg:$0x1a];
	[sflag:s14] =	ssyncadd.s32 $0xFFFFF800  }
0x92: {  	[spmem:s5] =	stream.linear.scatter [tilespmem:s13], [sflag:$0x5], $0x800, $0x38;
	[tilespmem:$0x1D380] =	vst v63  }
0x93: {  	_ =	swait.ge [sflag:s14], $0x800  }
0x94: {  	[sflag:s14] =	ssyncset.done $0x0  }
0x95: {  	s29 =	rddreg [dreg:$0x1b];
	[sflag:s14] =	ssyncadd.s32 $0xFFFFF800  }
0x96: {  	[spmem:s29] =	stream.linear.scatter [tilespmem:s13], [sflag:$0x5], $0x600, $0x38;
	[tilespmem:$0x1D380] =	vst v63  }
0x97: {  	_ =	swait.ge [sflag:s14], $0x600  }
0x98: {  	[sflag:s14] =	ssyncset.done $0x0  }
0x99: {  	[sflag:s14] =	ssyncadd.s32 $0xFFFFFA00  }
0x9a: {  	[bflag:$0x0] =	sbarrier.arrive $0xFFFF  }
0x9b: {  	s30 =	rddreg [dreg:$0x1c]  }
0x9c: {  	[tilespmem:s15], [sflag:$0x5] =	stream.linear.gather [hbm4b:s30+s28], $0x1400, $0x38;
	[tilespmem:$0x1D380] =	vst v63  }
0x9d: {  	_ =	swait.ge [sflag:s14], $0x1400  }
0x9e: {  	[sflag:s14] =	ssyncset.done $0x0  }
0x9f: {  	s31 =	rddreg [dreg:$0x1d];
	[sflag:s14] =	ssyncadd.s32 $0xFFFFEC00  }
0xa0: {  	[tilespmem:s16], [sflag:$0x5] =	stream.linear.gather [hbm4b:s31+s28], $0x1400, $0x38;
	[tilespmem:$0x1D380] =	vst v63  }
0xa1: {  	_ =	swait.ge [sflag:s14], $0x1400  }
0xa2: {  	[sflag:s14] =	ssyncset.done $0x0  }
0xa3: {  	[sflag:s14] =	ssyncadd.s32 $0xFFFFEC00  }
0xa4: {  	[tilespmem:s18], [sflag:$0x1] =	stream.indirect.gather [spmem:s1], $0x40, s15, s17, $0xb8;
	[tilespmem:$0x1D380] =	vst v63  }
0xa5: {  	_ = 	snop  }
0xa6: {  	[tilespmem:s20], [sflag:$0x2] =	stream.indirect.gather [spmem:s1], $0x40, s19, s17, $0xb8;
	[tilespmem:$0x1D380] =	vst v63  }
.LBB2_8:
0xa7: {  	_ =	swait.ge [sflag:s21], $0x2000  }
0xa8: {  	s29 =	sshra.s32 s28, $0x2;
	[sflag:s21] =	ssyncset.done $0x0  }
0xa9: {  	s30 =	sadd.s32 $0x15000, s29;
	[sflag:s21] =	ssyncadd.s32 $0xFFFFE000  }
0xaa: {  	[spmem:s3] =	stream.indirect.scatter.add.f32 [tilespmem:s18], [sflag:$0x3], $0x40, s30, s17, $0xb8;
	[tilespmem:$0x1D380] =	vst v63  }
0xab: {  	s30 =	simm.s32 @p0 $0x2  }
0xac: {  	_ =	swait.ge @p0 [sflag:s30], $0x2000  }
0xad: {  	[sflag:s30] =	ssyncset.done @p0 $0x0  }
0xae: {  	[sflag:s30] =	ssyncadd.s32 @p0 $0xFFFFE000;
	s30 =	sshra.s32 @p0 s28, $0x2  }
0xaf: {  	s31 =	simm.s32 @p0 $0x80;
	s2 =	simm.s32 @p0 $0x18400;
	s30 =	sadd.s32 @p0 $0x15080, s30  }
0xb0: {  	[spmem:s3] =	stream.indirect.scatter.add.f32 @p0 [tilespmem:s2], [sflag:$0x4], $0x40, s30, s31, $0xb8;
	[tilespmem:$0x1D380] =	vst v63  }
0xb1: {  	s2 =	sshra.s32 @!p0 s28, $0x2  }
0xb2: {  	v1 =	vld @!p0 [tilespmem:s2+$0x15000];
	_ =	sdelay $0x6  }
0xb3: {  	v2 =	vimm.f32 @!p0 $1.000000000e+00;
	s30 =	simm.s32 @!p0 $0x1AC00  }
0xb4: {  	[tilespmem:v1+s30+$0x0] =	vst.idx.add.f32.msk @!p0 $0xffff, v2  }
0xb5: {  	v1 =	vld @!p0 [tilespmem:s2+$0x15010];
	_ =	sdelay $0x7  }
0xb6: {  	[tilespmem:v1+s30+$0x0] =	vst.idx.add.f32.msk @!p0 $0xffff, v2  }
0xb7: {  	v1 =	vld @!p0 [tilespmem:s2+$0x15020];
	_ =	sdelay $0x7  }
0xb8: {  	[tilespmem:v1+s30+$0x0] =	vst.idx.add.f32.msk @!p0 $0xffff, v2  }
0xb9: {  	v1 =	vld @!p0 [tilespmem:s2+$0x15030];
	_ =	sdelay $0x7  }
0xba: {  	[tilespmem:v1+s30+$0x0] =	vst.idx.add.f32.msk @!p0 $0xffff, v2  }
0xbb: {  	v1 =	vld @!p0 [tilespmem:s2+$0x15040];
	_ =	sdelay $0x7  }
0xbc: {  	[tilespmem:v1+s30+$0x0] =	vst.idx.add.f32.msk @!p0 $0xffff, v2  }
0xbd: {  	v1 =	vld @!p0 [tilespmem:s2+$0x15050];
	_ =	sdelay $0x7  }
0xbe: {  	[tilespmem:v1+s30+$0x0] =	vst.idx.add.f32.msk @!p0 $0xffff, v2  }
0xbf: {  	v1 =	vld @!p0 [tilespmem:s2+$0x15060];
	_ =	sdelay $0x7  }
0xc0: {  	[tilespmem:v1+s30+$0x0] =	vst.idx.add.f32.msk @!p0 $0xffff, v2  }
0xc1: {  	v1 =	vld @!p0 [tilespmem:s2+$0x15070];
	_ =	sdelay $0x7  }
0xc2: {  	s31 =	simm.s32 @!p0 $0x2;
	[tilespmem:v1+s30+$0x0] =	vst.idx.add.f32.msk @!p0 $0xffff, v2  }
0xc3: {  	_ =	swait.ge @!p0 [sflag:s31], $0x2000  }
0xc4: {  	s4 =	simm.s32 @!p0 $0x80;
	[sflag:s31] =	ssyncset.done @!p0 $0x0  }
0xc5: {  	s5 =	simm.s32 @!p0 $0x18400;
	[sflag:s31] =	ssyncadd.s32 @!p0 $0xFFFFE000;
	s31 =	sadd.s32 @!p0 $0x15080, s2  }
0xc6: {  	[spmem:s3] =	stream.indirect.scatter.add.f32 @!p0 [tilespmem:s5], [sflag:$0x4], $0x40, s31, s4, $0xb8;
	[tilespmem:$0x1D380] =	vst v63  }
0xc7: {  	v1 =	vld @!p0 [tilespmem:s2+$0x15080];
	_ =	sdelay $0x7  }
0xc8: {  	[tilespmem:v1+s30+$0x0] =	vst.idx.add.f32.msk @!p0 $0xffff, v2  }
0xc9: {  	v1 =	vld @!p0 [tilespmem:s2+$0x15090];
	_ =	sdelay $0x7  }
0xca: {  	[tilespmem:v1+s30+$0x0] =	vst.idx.add.f32.msk @!p0 $0xffff, v2  }
0xcb: {  	v1 =	vld @!p0 [tilespmem:s2+$0x150A0];
	_ =	sdelay $0x7  }
0xcc: {  	[tilespmem:v1+s30+$0x0] =	vst.idx.add.f32.msk @!p0 $0xffff, v2  }
0xcd: {  	v1 =	vld @!p0 [tilespmem:s2+$0x150B0];
	_ =	sdelay $0x7  }
0xce: {  	[tilespmem:v1+s30+$0x0] =	vst.idx.add.f32.msk @!p0 $0xffff, v2  }
0xcf: {  	v1 =	vld @!p0 [tilespmem:s2+$0x150C0];
	_ =	sdelay $0x7  }
0xd0: {  	[tilespmem:v1+s30+$0x0] =	vst.idx.add.f32.msk @!p0 $0xffff, v2  }
0xd1: {  	v1 =	vld @!p0 [tilespmem:s2+$0x150D0];
	_ =	sdelay $0x7  }
0xd2: {  	[tilespmem:v1+s30+$0x0] =	vst.idx.add.f32.msk @!p0 $0xffff, v2  }
0xd3: {  	v1 =	vld @!p0 [tilespmem:s2+$0x150E0];
	_ =	sdelay $0x7  }
0xd4: {  	[tilespmem:v1+s30+$0x0] =	vst.idx.add.f32.msk @!p0 $0xffff, v2  }
0xd5: {  	v1 =	vld @!p0 [tilespmem:s2+$0x150F0];
	_ =	sdelay $0x7  }
0xd6: {  	[tilespmem:v1+s30+$0x0] =	vst.idx.add.f32.msk @!p0 $0xffff, v2  }
0xd7: {  	_ =	swait.ge [sflag:s22], $0x2000  }
0xd8: {  	s28 =	sadd.s32 $0x400, s28;
	[sflag:s22] =	ssyncset.done $0x0  }
0xd9: {  	p3 =	sne.s32 s28, $0x4C00;
	s30 =	sadd.s32 $0x13D00, s29;
	[sflag:s22] =	ssyncadd.s32 $0xFFFFE000  }
0xda: {  	[tilespmem:s18], [sflag:$0x1] =	stream.indirect.gather [spmem:s1], $0x40, s30, s17, $0xb8;
	[tilespmem:$0x1D380] =	vst v63  }
.Ltmp3:
0xdb: {  	_ = 	snop;
	(pc) =	sbr.rel @p3 .LBB2_8-.Ltmp3, $4  }
0xdc: {  	_ =	swait.ge [sflag:s23], $0x2000  }
0xdd: {  	[sflag:s23] =	ssyncset.done $0x0  }
0xde: {  	s31 =	sadd.s32 $0x13D80, s29;
	[sflag:s23] =	ssyncadd.s32 $0xFFFFE000  }
0xdf: {  	[tilespmem:s20], [sflag:$0x2] =	stream.indirect.gather [spmem:s1], $0x40, s31, s17, $0xb8;
	[tilespmem:$0x1D380] =	vst v63  }
0xe0: {  	_ =	swait.ge [sflag:s21], $0x2000  }
0xe1: {  	[sflag:s21] =	ssyncset.done $0x0  }
0xe2: {  	[sflag:s21] =	ssyncadd.s32 $0xFFFFE000  }
0xe3: {  	[spmem:s3] =	stream.indirect.scatter.add.f32 [tilespmem:s18], [sflag:$0x3], $0x40, s24, s17, $0xb8;
	[tilespmem:$0x1D380] =	vst v63  }
0xe4: {  	v1 =	vld @p1 [tilespmem:$0x16300];
	_ =	sdelay $0x6  }
0xe5: {  	v2 =	vimm.f32 @p1 $1.000000000e+00;
	s2 =	simm.s32 @p1 $0x1AC00  }
0xe6: {  	[tilespmem:v1+s2+$0x0] =	vst.idx.add.f32.msk @p1 $0xffff, v2  }
0xe7: {  	v1 =	vld @p1 [tilespmem:$0x16310];
	_ =	sdelay $0x7  }
0xe8: {  	[tilespmem:v1+s2+$0x0] =	vst.idx.add.f32.msk @p1 $0xffff, v2  }
0xe9: {  	v1 =	vld @p1 [tilespmem:$0x16320];
	_ =	sdelay $0x7  }
0xea: {  	[tilespmem:v1+s2+$0x0] =	vst.idx.add.f32.msk @p1 $0xffff, v2  }
0xeb: {  	v1 =	vld @p1 [tilespmem:$0x16330];
	_ =	sdelay $0x7  }
0xec: {  	[tilespmem:v1+s2+$0x0] =	vst.idx.add.f32.msk @p1 $0xffff, v2  }
0xed: {  	v1 =	vld @p1 [tilespmem:$0x16340];
	_ =	sdelay $0x7  }
0xee: {  	[tilespmem:v1+s2+$0x0] =	vst.idx.add.f32.msk @p1 $0xffff, v2  }
0xef: {  	v1 =	vld @p1 [tilespmem:$0x16350];
	_ =	sdelay $0x7  }
0xf0: {  	[tilespmem:v1+s2+$0x0] =	vst.idx.add.f32.msk @p1 $0xffff, v2  }
0xf1: {  	v1 =	vld @p1 [tilespmem:$0x16360];
	_ =	sdelay $0x7  }
0xf2: {  	[tilespmem:v1+s2+$0x0] =	vst.idx.add.f32.msk @p1 $0xffff, v2  }
0xf3: {  	v1 =	vld @p1 [tilespmem:$0x16370];
	_ =	sdelay $0x7  }
0xf4: {  	s4 =	simm.s32 @p1 $0x2;
	[tilespmem:v1+s2+$0x0] =	vst.idx.add.f32.msk @p1 $0xffff, v2  }
0xf5: {  	_ =	swait.ge @p1 [sflag:s4], $0x2000  }
0xf6: {  	s5 =	simm.s32 @p1 $0x16380;
	[sflag:s4] =	ssyncset.done @p1 $0x0  }
0xf7: {  	s28 =	simm.s32 @p1 $0x18400;
	[sflag:s4] =	ssyncadd.s32 @p1 $0xFFFFE000;
	s4 =	simm.s32 @p1 $0x80  }
0xf8: {  	[spmem:s3] =	stream.indirect.scatter.add.f32 @p1 [tilespmem:s28], [sflag:$0x4], $0x40, s5, s4, $0xb8;
	[tilespmem:$0x1D380] =	vst v63  }
0xf9: {  	v1 =	vld @p1 [tilespmem:$0x16380];
	_ =	sdelay $0x7  }
0xfa: {  	[tilespmem:v1+s2+$0x0] =	vst.idx.add.f32.msk @p1 $0xffff, v2  }
0xfb: {  	v1 =	vld @p1 [tilespmem:$0x16390];
	_ =	sdelay $0x7  }
0xfc: {  	[tilespmem:v1+s2+$0x0] =	vst.idx.add.f32.msk @p1 $0xffff, v2  }
0xfd: {  	v1 =	vld @p1 [tilespmem:$0x163A0];
	_ =	sdelay $0x7  }
0xfe: {  	[tilespmem:v1+s2+$0x0] =	vst.idx.add.f32.msk @p1 $0xffff, v2  }
0xff: {  	v1 =	vld @p1 [tilespmem:$0x163B0];
	_ =	sdelay $0x7  }
0x100: {  	[tilespmem:v1+s2+$0x0] =	vst.idx.add.f32.msk @p1 $0xffff, v2  }
0x101: {  	v1 =	vld @p1 [tilespmem:$0x163C0];
	_ =	sdelay $0x7  }
0x102: {  	[tilespmem:v1+s2+$0x0] =	vst.idx.add.f32.msk @p1 $0xffff, v2  }
0x103: {  	v1 =	vld @p1 [tilespmem:$0x163D0];
	_ =	sdelay $0x7  }
0x104: {  	[tilespmem:v1+s2+$0x0] =	vst.idx.add.f32.msk @p1 $0xffff, v2  }
0x105: {  	v1 =	vld @p1 [tilespmem:$0x163E0];
	_ =	sdelay $0x7  }
0x106: {  	[tilespmem:v1+s2+$0x0] =	vst.idx.add.f32.msk @p1 $0xffff, v2  }
0x107: {  	v1 =	vld @p1 [tilespmem:$0x163F0];
	_ =	sdelay $0x7  }
0x108: {  	[tilespmem:v1+s2+$0x0] =	vst.idx.add.f32.msk @p1 $0xffff, v2;
	s2 =	simm.s32 @!p1 $0x2  }
0x109: {  	_ =	swait.ge @!p1 [sflag:s2], $0x2000  }
0x10a: {  	s4 =	simm.s32 @!p1 $0x16380;
	[sflag:s2] =	ssyncset.done @!p1 $0x0  }
0x10b: {  	s5 =	simm.s32 @!p1 $0x18400;
	[sflag:s2] =	ssyncadd.s32 @!p1 $0xFFFFE000;
	s2 =	simm.s32 @!p1 $0x80  }
0x10c: {  	[spmem:s3] =	stream.indirect.scatter.add.f32 @!p1 [tilespmem:s5], [sflag:$0x4], $0x40, s4, s2, $0xb8;
	[tilespmem:$0x1D380] =	vst v63  }
0x10d: {  	_ =	swait.ge [sflag:s22], $0x2000  }
0x10e: {  	[sflag:s22] =	ssyncset.done $0x0  }
0x10f: {  	[sflag:s22] =	ssyncadd.s32 $0xFFFFE000  }
0x110: {  	[tilespmem:s18], [sflag:$0x1] =	stream.indirect.gather [spmem:s1], $0x40, s15, s17, $0xb8;
	[tilespmem:$0x1D380] =	vst v63  }
0x111: {  	_ =	swait.ge [sflag:s23], $0x2000  }
0x112: {  	[sflag:s23] =	ssyncset.done $0x0  }
0x113: {  	[sflag:s23] =	ssyncadd.s32 $0xFFFFE000  }
0x114: {  	[tilespmem:s20], [sflag:$0x2] =	stream.indirect.gather [spmem:s1], $0x40, s19, s17, $0xb8;
	[tilespmem:$0x1D380] =	vst v63  }
0x115: {  	_ =	swait.ge [sflag:s21], $0x2000  }
0x116: {  	[sflag:s21] =	ssyncset.done $0x0  }
0x117: {  	[sflag:s21] =	ssyncadd.s32 $0xFFFFE000  }
0x118: {  	_ =	swait.ge [sflag:s25], $0x2000  }
0x119: {  	[sflag:s25] =	ssyncset.done $0x0  }
0x11a: {  	s28 =	simm.s32 $0x0;
	s30 =	rddreg [dreg:$0x1e];
	[sflag:s25] =	ssyncadd.s32 $0xFFFFE000  }
0x11b: {  	[tilespmem:s15], [sflag:$0x5] =	stream.linear.gather [hbm4b:s30+s28], $0x1400, $0x38;
	[tilespmem:$0x1D380] =	vst v63  }
0x11c: {  	_ =	swait.ge [sflag:s14], $0x1400  }
0x11d: {  	[sflag:s14] =	ssyncset.done $0x0  }
0x11e: {  	s31 =	rddreg [dreg:$0x1f];
	[sflag:s14] =	ssyncadd.s32 $0xFFFFEC00  }
0x11f: {  	[tilespmem:s16], [sflag:$0x5] =	stream.linear.gather [hbm4b:s31+s28], $0x1400, $0x38;
	[tilespmem:$0x1D380] =	vst v63  }
0x120: {  	_ =	swait.ge [sflag:s14], $0x1400  }
0x121: {  	[sflag:s14] =	ssyncset.done $0x0  }
0x122: {  	[sflag:s14] =	ssyncadd.s32 $0xFFFFEC00  }
0x123: {  	[tilespmem:s18], [sflag:$0x1] =	stream.indirect.gather [spmem:s1], $0x40, s15, s17, $0xb8;
	[tilespmem:$0x1D380] =	vst v63  }
0x124: {  	_ = 	snop  }
0x125: {  	[tilespmem:s20], [sflag:$0x2] =	stream.indirect.gather [spmem:s1], $0x40, s19, s17, $0xb8;
	[tilespmem:$0x1D380] =	vst v63  }
.LBB2_10:
0x126: {  	_ =	swait.ge [sflag:s21], $0x2000  }
0x127: {  	s29 =	sshra.s32 s28, $0x2;
	[sflag:s21] =	ssyncset.done $0x0  }
0x128: {  	s2 =	sadd.s32 $0x15000, s29;
	[sflag:s21] =	ssyncadd.s32 $0xFFFFE000  }
0x129: {  	[spmem:s3] =	stream.indirect.scatter.add.f32 [tilespmem:s18], [sflag:$0x3], $0x40, s2, s17, $0xb8;
	[tilespmem:$0x1D380] =	vst v63  }
0x12a: {  	s2 =	simm.s32 @p0 $0x2  }
0x12b: {  	_ =	swait.ge @p0 [sflag:s2], $0x2000  }
0x12c: {  	[sflag:s2] =	ssyncset.done @p0 $0x0  }
0x12d: {  	[sflag:s2] =	ssyncadd.s32 @p0 $0xFFFFE000;
	s2 =	sshra.s32 @p0 s28, $0x2  }
0x12e: {  	s4 =	simm.s32 @p0 $0x80;
	s5 =	simm.s32 @p0 $0x18400;
	s2 =	sadd.s32 @p0 $0x15080, s2  }
0x12f: {  	[spmem:s3] =	stream.indirect.scatter.add.f32 @p0 [tilespmem:s5], [sflag:$0x4], $0x40, s2, s4, $0xb8;
	[tilespmem:$0x1D380] =	vst v63  }
0x130: {  	s2 =	sshra.s32 @!p0 s28, $0x2  }
0x131: {  	v1 =	vld @!p0 [tilespmem:s2+$0x15000];
	_ =	sdelay $0x6  }
0x132: {  	v2 =	vimm.f32 @!p0 $1.000000000e+00;
	s4 =	simm.s32 @!p0 $0x1AC00  }
0x133: {  	[tilespmem:v1+s4+$0x0] =	vst.idx.add.f32.msk @!p0 $0xffff, v2  }
0x134: {  	v1 =	vld @!p0 [tilespmem:s2+$0x15010];
	_ =	sdelay $0x7  }
0x135: {  	[tilespmem:v1+s4+$0x0] =	vst.idx.add.f32.msk @!p0 $0xffff, v2  }
0x136: {  	v1 =	vld @!p0 [tilespmem:s2+$0x15020];
	_ =	sdelay $0x7  }
0x137: {  	[tilespmem:v1+s4+$0x0] =	vst.idx.add.f32.msk @!p0 $0xffff, v2  }
0x138: {  	v1 =	vld @!p0 [tilespmem:s2+$0x15030];
	_ =	sdelay $0x7  }
0x139: {  	[tilespmem:v1+s4+$0x0] =	vst.idx.add.f32.msk @!p0 $0xffff, v2  }
0x13a: {  	v1 =	vld @!p0 [tilespmem:s2+$0x15040];
	_ =	sdelay $0x7  }
0x13b: {  	[tilespmem:v1+s4+$0x0] =	vst.idx.add.f32.msk @!p0 $0xffff, v2  }
0x13c: {  	v1 =	vld @!p0 [tilespmem:s2+$0x15050];
	_ =	sdelay $0x7  }
0x13d: {  	[tilespmem:v1+s4+$0x0] =	vst.idx.add.f32.msk @!p0 $0xffff, v2  }
0x13e: {  	v1 =	vld @!p0 [tilespmem:s2+$0x15060];
	_ =	sdelay $0x7  }
0x13f: {  	[tilespmem:v1+s4+$0x0] =	vst.idx.add.f32.msk @!p0 $0xffff, v2  }
0x140: {  	v1 =	vld @!p0 [tilespmem:s2+$0x15070];
	_ =	sdelay $0x7  }
0x141: {  	s5 =	simm.s32 @!p0 $0x2;
	[tilespmem:v1+s4+$0x0] =	vst.idx.add.f32.msk @!p0 $0xffff, v2  }
0x142: {  	_ =	swait.ge @!p0 [sflag:s5], $0x2000  }
0x143: {  	s30 =	simm.s32 @!p0 $0x80;
	[sflag:s5] =	ssyncset.done @!p0 $0x0  }
0x144: {  	s31 =	simm.s32 @!p0 $0x18400;
	[sflag:s5] =	ssyncadd.s32 @!p0 $0xFFFFE000;
	s5 =	sadd.s32 @!p0 $0x15080, s2  }
0x145: {  	[spmem:s3] =	stream.indirect.scatter.add.f32 @!p0 [tilespmem:s31], [sflag:$0x4], $0x40, s5, s30, $0xb8;
	[tilespmem:$0x1D380] =	vst v63  }
0x146: {  	v1 =	vld @!p0 [tilespmem:s2+$0x15080];
	_ =	sdelay $0x7  }
0x147: {  	[tilespmem:v1+s4+$0x0] =	vst.idx.add.f32.msk @!p0 $0xffff, v2  }
0x148: {  	v1 =	vld @!p0 [tilespmem:s2+$0x15090];
	_ =	sdelay $0x7  }
0x149: {  	[tilespmem:v1+s4+$0x0] =	vst.idx.add.f32.msk @!p0 $0xffff, v2  }
0x14a: {  	v1 =	vld @!p0 [tilespmem:s2+$0x150A0];
	_ =	sdelay $0x7  }
0x14b: {  	[tilespmem:v1+s4+$0x0] =	vst.idx.add.f32.msk @!p0 $0xffff, v2  }
0x14c: {  	v1 =	vld @!p0 [tilespmem:s2+$0x150B0];
	_ =	sdelay $0x7  }
0x14d: {  	[tilespmem:v1+s4+$0x0] =	vst.idx.add.f32.msk @!p0 $0xffff, v2  }
0x14e: {  	v1 =	vld @!p0 [tilespmem:s2+$0x150C0];
	_ =	sdelay $0x7  }
0x14f: {  	[tilespmem:v1+s4+$0x0] =	vst.idx.add.f32.msk @!p0 $0xffff, v2  }
0x150: {  	v1 =	vld @!p0 [tilespmem:s2+$0x150D0];
	_ =	sdelay $0x7  }
0x151: {  	[tilespmem:v1+s4+$0x0] =	vst.idx.add.f32.msk @!p0 $0xffff, v2  }
0x152: {  	v1 =	vld @!p0 [tilespmem:s2+$0x150E0];
	_ =	sdelay $0x7  }
0x153: {  	[tilespmem:v1+s4+$0x0] =	vst.idx.add.f32.msk @!p0 $0xffff, v2  }
0x154: {  	v1 =	vld @!p0 [tilespmem:s2+$0x150F0];
	_ =	sdelay $0x7  }
0x155: {  	[tilespmem:v1+s4+$0x0] =	vst.idx.add.f32.msk @!p0 $0xffff, v2  }
0x156: {  	_ =	swait.ge [sflag:s22], $0x2000  }
0x157: {  	s28 =	sadd.s32 $0x400, s28;
	[sflag:s22] =	ssyncset.done $0x0  }
0x158: {  	p3 =	sne.s32 s28, $0x4C00;
	s30 =	sadd.s32 $0x13D00, s29;
	[sflag:s22] =	ssyncadd.s32 $0xFFFFE000  }
0x159: {  	[tilespmem:s18], [sflag:$0x1] =	stream.indirect.gather [spmem:s1], $0x40, s30, s17, $0xb8;
	[tilespmem:$0x1D380] =	vst v63  }
.Ltmp4:
0x15a: {  	_ = 	snop;
	(pc) =	sbr.rel @p3 .LBB2_10-.Ltmp4, $4  }
0x15b: {  	_ =	swait.ge [sflag:s23], $0x2000  }
0x15c: {  	[sflag:s23] =	ssyncset.done $0x0  }
0x15d: {  	s31 =	sadd.s32 $0x13D80, s29;
	[sflag:s23] =	ssyncadd.s32 $0xFFFFE000  }
0x15e: {  	[tilespmem:s20], [sflag:$0x2] =	stream.indirect.gather [spmem:s1], $0x40, s31, s17, $0xb8;
	[tilespmem:$0x1D380] =	vst v63  }
0x15f: {  	_ =	swait.ge [sflag:s21], $0x2000  }
0x160: {  	[sflag:s21] =	ssyncset.done $0x0  }
0x161: {  	[sflag:s21] =	ssyncadd.s32 $0xFFFFE000  }
0x162: {  	[spmem:s3] =	stream.indirect.scatter.add.f32 [tilespmem:s18], [sflag:$0x3], $0x40, s24, s17, $0xb8;
	[tilespmem:$0x1D380] =	vst v63  }
0x163: {  	v1 =	vld @p1 [tilespmem:$0x16300];
	_ =	sdelay $0x6  }
0x164: {  	v2 =	vimm.f32 @p1 $1.000000000e+00;
	s2 =	simm.s32 @p1 $0x1AC00  }
0x165: {  	[tilespmem:v1+s2+$0x0] =	vst.idx.add.f32.msk @p1 $0xffff, v2  }
0x166: {  	v1 =	vld @p1 [tilespmem:$0x16310];
	_ =	sdelay $0x7  }
0x167: {  	[tilespmem:v1+s2+$0x0] =	vst.idx.add.f32.msk @p1 $0xffff, v2  }
0x168: {  	v1 =	vld @p1 [tilespmem:$0x16320];
	_ =	sdelay $0x7  }
0x169: {  	[tilespmem:v1+s2+$0x0] =	vst.idx.add.f32.msk @p1 $0xffff, v2  }
0x16a: {  	v1 =	vld @p1 [tilespmem:$0x16330];
	_ =	sdelay $0x7  }
0x16b: {  	[tilespmem:v1+s2+$0x0] =	vst.idx.add.f32.msk @p1 $0xffff, v2  }
0x16c: {  	v1 =	vld @p1 [tilespmem:$0x16340];
	_ =	sdelay $0x7  }
0x16d: {  	[tilespmem:v1+s2+$0x0] =	vst.idx.add.f32.msk @p1 $0xffff, v2  }
0x16e: {  	v1 =	vld @p1 [tilespmem:$0x16350];
	_ =	sdelay $0x7  }
0x16f: {  	[tilespmem:v1+s2+$0x0] =	vst.idx.add.f32.msk @p1 $0xffff, v2  }
0x170: {  	v1 =	vld @p1 [tilespmem:$0x16360];
	_ =	sdelay $0x7  }
0x171: {  	[tilespmem:v1+s2+$0x0] =	vst.idx.add.f32.msk @p1 $0xffff, v2  }
0x172: {  	v1 =	vld @p1 [tilespmem:$0x16370];
	_ =	sdelay $0x7  }
0x173: {  	s4 =	simm.s32 @p1 $0x2;
	[tilespmem:v1+s2+$0x0] =	vst.idx.add.f32.msk @p1 $0xffff, v2  }
0x174: {  	_ =	swait.ge @p1 [sflag:s4], $0x2000  }
0x175: {  	s5 =	simm.s32 @p1 $0x16380;
	[sflag:s4] =	ssyncset.done @p1 $0x0  }
0x176: {  	s28 =	simm.s32 @p1 $0x18400;
	[sflag:s4] =	ssyncadd.s32 @p1 $0xFFFFE000;
	s4 =	simm.s32 @p1 $0x80  }
0x177: {  	[spmem:s3] =	stream.indirect.scatter.add.f32 @p1 [tilespmem:s28], [sflag:$0x4], $0x40, s5, s4, $0xb8;
	[tilespmem:$0x1D380] =	vst v63  }
0x178: {  	v1 =	vld @p1 [tilespmem:$0x16380];
	_ =	sdelay $0x7  }
0x179: {  	[tilespmem:v1+s2+$0x0] =	vst.idx.add.f32.msk @p1 $0xffff, v2  }
0x17a: {  	v1 =	vld @p1 [tilespmem:$0x16390];
	_ =	sdelay $0x7  }
0x17b: {  	[tilespmem:v1+s2+$0x0] =	vst.idx.add.f32.msk @p1 $0xffff, v2  }
0x17c: {  	v1 =	vld @p1 [tilespmem:$0x163A0];
	_ =	sdelay $0x7  }
0x17d: {  	[tilespmem:v1+s2+$0x0] =	vst.idx.add.f32.msk @p1 $0xffff, v2  }
0x17e: {  	v1 =	vld @p1 [tilespmem:$0x163B0];
	_ =	sdelay $0x7  }
0x17f: {  	[tilespmem:v1+s2+$0x0] =	vst.idx.add.f32.msk @p1 $0xffff, v2  }
0x180: {  	v1 =	vld @p1 [tilespmem:$0x163C0];
	_ =	sdelay $0x7  }
0x181: {  	[tilespmem:v1+s2+$0x0] =	vst.idx.add.f32.msk @p1 $0xffff, v2  }
0x182: {  	v1 =	vld @p1 [tilespmem:$0x163D0];
	_ =	sdelay $0x7  }
0x183: {  	[tilespmem:v1+s2+$0x0] =	vst.idx.add.f32.msk @p1 $0xffff, v2  }
0x184: {  	v1 =	vld @p1 [tilespmem:$0x163E0];
	_ =	sdelay $0x7  }
0x185: {  	[tilespmem:v1+s2+$0x0] =	vst.idx.add.f32.msk @p1 $0xffff, v2  }
0x186: {  	v1 =	vld @p1 [tilespmem:$0x163F0];
	_ =	sdelay $0x7  }
0x187: {  	[tilespmem:v1+s2+$0x0] =	vst.idx.add.f32.msk @p1 $0xffff, v2;
	s2 =	simm.s32 @!p1 $0x2  }
0x188: {  	_ =	swait.ge @!p1 [sflag:s2], $0x2000  }
0x189: {  	s4 =	simm.s32 @!p1 $0x16380;
	[sflag:s2] =	ssyncset.done @!p1 $0x0  }
0x18a: {  	s5 =	simm.s32 @!p1 $0x18400;
	[sflag:s2] =	ssyncadd.s32 @!p1 $0xFFFFE000;
	s2 =	simm.s32 @!p1 $0x80  }
0x18b: {  	[spmem:s3] =	stream.indirect.scatter.add.f32 @!p1 [tilespmem:s5], [sflag:$0x4], $0x40, s4, s2, $0xb8;
	[tilespmem:$0x1D380] =	vst v63  }
0x18c: {  	_ =	swait.ge [sflag:s22], $0x2000  }
0x18d: {  	[sflag:s22] =	ssyncset.done $0x0  }
0x18e: {  	[sflag:s22] =	ssyncadd.s32 $0xFFFFE000  }
0x18f: {  	[tilespmem:s18], [sflag:$0x1] =	stream.indirect.gather [spmem:s1], $0x40, s15, s17, $0xb8;
	[tilespmem:$0x1D380] =	vst v63  }
0x190: {  	_ =	swait.ge [sflag:s23], $0x2000  }
0x191: {  	[sflag:s23] =	ssyncset.done $0x0  }
0x192: {  	[sflag:s23] =	ssyncadd.s32 $0xFFFFE000  }
0x193: {  	[tilespmem:s20], [sflag:$0x2] =	stream.indirect.gather [spmem:s1], $0x40, s19, s17, $0xb8;
	[tilespmem:$0x1D380] =	vst v63  }
0x194: {  	_ =	swait.ge [sflag:s21], $0x2000  }
0x195: {  	[sflag:s21] =	ssyncset.done $0x0  }
0x196: {  	[sflag:s21] =	ssyncadd.s32 $0xFFFFE000  }
0x197: {  	_ =	swait.ge [sflag:s25], $0x2000  }
0x198: {  	s30 =	sld [smem:$0x7FC]  }
0x199: {  	[sflag:s25] =	ssyncset.done $0x0  }
0x19a: {  	s28 =	simm.s32 $0x0;
	[sflag:s25] =	ssyncadd.s32 $0xFFFFE000  }
0x19b: {  	[tilespmem:s15], [sflag:$0x5] =	stream.linear.gather [hbm4b:s30+s28], $0x1400, $0x38;
	[tilespmem:$0x1D380] =	vst v63  }
0x19c: {  	_ =	swait.ge [sflag:s14], $0x1400  }
0x19d: {  	s31 =	sld [smem:$0x7FD]  }
0x19e: {  	[sflag:s14] =	ssyncset.done $0x0  }
0x19f: {  	[sflag:s14] =	ssyncadd.s32 $0xFFFFEC00  }
0x1a0: {  	[tilespmem:s16], [sflag:$0x5] =	stream.linear.gather [hbm4b:s31+s28], $0x1400, $0x38;
	[tilespmem:$0x1D380] =	vst v63  }
0x1a1: {  	_ =	swait.ge [sflag:s14], $0x1400  }
0x1a2: {  	[sflag:s14] =	ssyncset.done $0x0  }
0x1a3: {  	[sflag:s14] =	ssyncadd.s32 $0xFFFFEC00  }
0x1a4: {  	[tilespmem:s18], [sflag:$0x1] =	stream.indirect.gather [spmem:s1], $0x40, s15, s17, $0xb8;
	[tilespmem:$0x1D380] =	vst v63  }
0x1a5: {  	_ = 	snop  }
0x1a6: {  	[tilespmem:s20], [sflag:$0x2] =	stream.indirect.gather [spmem:s1], $0x40, s19, s17, $0xb8;
	[tilespmem:$0x1D380] =	vst v63  }
.LBB2_12:
0x1a7: {  	_ =	swait.ge [sflag:s21], $0x2000  }
0x1a8: {  	s29 =	sshra.s32 s28, $0x2;
	[sflag:s21] =	ssyncset.done $0x0  }
0x1a9: {  	s2 =	sadd.s32 $0x15000, s29;
	[sflag:s21] =	ssyncadd.s32 $0xFFFFE000  }
0x1aa: {  	[spmem:s3] =	stream.indirect.scatter.add.f32 [tilespmem:s18], [sflag:$0x3], $0x40, s2, s17, $0xb8;
	[tilespmem:$0x1D380] =	vst v63  }
0x1ab: {  	s2 =	simm.s32 @p0 $0x2  }
0x1ac: {  	_ =	swait.ge @p0 [sflag:s2], $0x2000  }
0x1ad: {  	[sflag:s2] =	ssyncset.done @p0 $0x0  }
0x1ae: {  	[sflag:s2] =	ssyncadd.s32 @p0 $0xFFFFE000;
	s2 =	sshra.s32 @p0 s28, $0x2  }
0x1af: {  	s4 =	simm.s32 @p0 $0x80;
	s5 =	simm.s32 @p0 $0x18400;
	s2 =	sadd.s32 @p0 $0x15080, s2  }
0x1b0: {  	[spmem:s3] =	stream.indirect.scatter.add.f32 @p0 [tilespmem:s5], [sflag:$0x4], $0x40, s2, s4, $0xb8;
	[tilespmem:$0x1D380] =	vst v63  }
0x1b1: {  	s2 =	sshra.s32 @!p0 s28, $0x2  }
0x1b2: {  	v1 =	vld @!p0 [tilespmem:s2+$0x15000];
	_ =	sdelay $0x6  }
0x1b3: {  	v2 =	vimm.f32 @!p0 $1.000000000e+00;
	s4 =	simm.s32 @!p0 $0x1AC00  }
0x1b4: {  	[tilespmem:v1+s4+$0x0] =	vst.idx.add.f32.msk @!p0 $0xffff, v2  }
0x1b5: {  	v1 =	vld @!p0 [tilespmem:s2+$0x15010];
	_ =	sdelay $0x7  }
0x1b6: {  	[tilespmem:v1+s4+$0x0] =	vst.idx.add.f32.msk @!p0 $0xffff, v2  }
0x1b7: {  	v1 =	vld @!p0 [tilespmem:s2+$0x15020];
	_ =	sdelay $0x7  }
0x1b8: {  	[tilespmem:v1+s4+$0x0] =	vst.idx.add.f32.msk @!p0 $0xffff, v2  }
0x1b9: {  	v1 =	vld @!p0 [tilespmem:s2+$0x15030];
	_ =	sdelay $0x7  }
0x1ba: {  	[tilespmem:v1+s4+$0x0] =	vst.idx.add.f32.msk @!p0 $0xffff, v2  }
0x1bb: {  	v1 =	vld @!p0 [tilespmem:s2+$0x15040];
	_ =	sdelay $0x7  }
0x1bc: {  	[tilespmem:v1+s4+$0x0] =	vst.idx.add.f32.msk @!p0 $0xffff, v2  }
0x1bd: {  	v1 =	vld @!p0 [tilespmem:s2+$0x15050];
	_ =	sdelay $0x7  }
0x1be: {  	[tilespmem:v1+s4+$0x0] =	vst.idx.add.f32.msk @!p0 $0xffff, v2  }
0x1bf: {  	v1 =	vld @!p0 [tilespmem:s2+$0x15060];
	_ =	sdelay $0x7  }
0x1c0: {  	[tilespmem:v1+s4+$0x0] =	vst.idx.add.f32.msk @!p0 $0xffff, v2  }
0x1c1: {  	v1 =	vld @!p0 [tilespmem:s2+$0x15070];
	_ =	sdelay $0x7  }
0x1c2: {  	s5 =	simm.s32 @!p0 $0x2;
	[tilespmem:v1+s4+$0x0] =	vst.idx.add.f32.msk @!p0 $0xffff, v2  }
0x1c3: {  	_ =	swait.ge @!p0 [sflag:s5], $0x2000  }
0x1c4: {  	s30 =	simm.s32 @!p0 $0x80;
	[sflag:s5] =	ssyncset.done @!p0 $0x0  }
0x1c5: {  	s31 =	simm.s32 @!p0 $0x18400;
	[sflag:s5] =	ssyncadd.s32 @!p0 $0xFFFFE000;
	s5 =	sadd.s32 @!p0 $0x15080, s2  }
0x1c6: {  	[spmem:s3] =	stream.indirect.scatter.add.f32 @!p0 [tilespmem:s31], [sflag:$0x4], $0x40, s5, s30, $0xb8;
	[tilespmem:$0x1D380] =	vst v63  }
0x1c7: {  	v1 =	vld @!p0 [tilespmem:s2+$0x15080];
	_ =	sdelay $0x7  }
0x1c8: {  	[tilespmem:v1+s4+$0x0] =	vst.idx.add.f32.msk @!p0 $0xffff, v2  }
0x1c9: {  	v1 =	vld @!p0 [tilespmem:s2+$0x15090];
	_ =	sdelay $0x7  }
0x1ca: {  	[tilespmem:v1+s4+$0x0] =	vst.idx.add.f32.msk @!p0 $0xffff, v2  }
0x1cb: {  	v1 =	vld @!p0 [tilespmem:s2+$0x150A0];
	_ =	sdelay $0x7  }
0x1cc: {  	[tilespmem:v1+s4+$0x0] =	vst.idx.add.f32.msk @!p0 $0xffff, v2  }
0x1cd: {  	v1 =	vld @!p0 [tilespmem:s2+$0x150B0];
	_ =	sdelay $0x7  }
0x1ce: {  	[tilespmem:v1+s4+$0x0] =	vst.idx.add.f32.msk @!p0 $0xffff, v2  }
0x1cf: {  	v1 =	vld @!p0 [tilespmem:s2+$0x150C0];
	_ =	sdelay $0x7  }
0x1d0: {  	[tilespmem:v1+s4+$0x0] =	vst.idx.add.f32.msk @!p0 $0xffff, v2  }
0x1d1: {  	v1 =	vld @!p0 [tilespmem:s2+$0x150D0];
	_ =	sdelay $0x7  }
0x1d2: {  	[tilespmem:v1+s4+$0x0] =	vst.idx.add.f32.msk @!p0 $0xffff, v2  }
0x1d3: {  	v1 =	vld @!p0 [tilespmem:s2+$0x150E0];
	_ =	sdelay $0x7  }
0x1d4: {  	[tilespmem:v1+s4+$0x0] =	vst.idx.add.f32.msk @!p0 $0xffff, v2  }
0x1d5: {  	v1 =	vld @!p0 [tilespmem:s2+$0x150F0];
	_ =	sdelay $0x7  }
0x1d6: {  	[tilespmem:v1+s4+$0x0] =	vst.idx.add.f32.msk @!p0 $0xffff, v2  }
0x1d7: {  	_ =	swait.ge [sflag:s22], $0x2000  }
0x1d8: {  	s28 =	sadd.s32 $0x400, s28;
	[sflag:s22] =	ssyncset.done $0x0  }
0x1d9: {  	p3 =	sne.s32 s28, $0x4C00;
	s30 =	sadd.s32 $0x13D00, s29;
	[sflag:s22] =	ssyncadd.s32 $0xFFFFE000  }
0x1da: {  	[tilespmem:s18], [sflag:$0x1] =	stream.indirect.gather [spmem:s1], $0x40, s30, s17, $0xb8;
	[tilespmem:$0x1D380] =	vst v63  }
.Ltmp5:
0x1db: {  	_ = 	snop;
	(pc) =	sbr.rel @p3 .LBB2_12-.Ltmp5, $4  }
0x1dc: {  	_ =	swait.ge [sflag:s23], $0x2000  }
0x1dd: {  	[sflag:s23] =	ssyncset.done $0x0  }
0x1de: {  	s31 =	sadd.s32 $0x13D80, s29;
	[sflag:s23] =	ssyncadd.s32 $0xFFFFE000  }
0x1df: {  	[tilespmem:s20], [sflag:$0x2] =	stream.indirect.gather [spmem:s1], $0x40, s31, s17, $0xb8;
	[tilespmem:$0x1D380] =	vst v63  }
0x1e0: {  	_ =	swait.ge [sflag:s21], $0x2000  }
0x1e1: {  	[sflag:s21] =	ssyncset.done $0x0  }
0x1e2: {  	[sflag:s21] =	ssyncadd.s32 $0xFFFFE000  }
0x1e3: {  	[spmem:s3] =	stream.indirect.scatter.add.f32 [tilespmem:s18], [sflag:$0x3], $0x40, s24, s17, $0xb8;
	[tilespmem:$0x1D380] =	vst v63  }
0x1e4: {  	v1 =	vld @p1 [tilespmem:$0x16300];
	_ =	sdelay $0x6  }
0x1e5: {  	v2 =	vimm.f32 @p1 $1.000000000e+00;
	s2 =	simm.s32 @p1 $0x1AC00  }
0x1e6: {  	[tilespmem:v1+s2+$0x0] =	vst.idx.add.f32.msk @p1 $0xffff, v2  }
0x1e7: {  	v1 =	vld @p1 [tilespmem:$0x16310];
	_ =	sdelay $0x7  }
0x1e8: {  	[tilespmem:v1+s2+$0x0] =	vst.idx.add.f32.msk @p1 $0xffff, v2  }
0x1e9: {  	v1 =	vld @p1 [tilespmem:$0x16320];
	_ =	sdelay $0x7  }
0x1ea: {  	[tilespmem:v1+s2+$0x0] =	vst.idx.add.f32.msk @p1 $0xffff, v2  }
0x1eb: {  	v1 =	vld @p1 [tilespmem:$0x16330];
	_ =	sdelay $0x7  }
0x1ec: {  	[tilespmem:v1+s2+$0x0] =	vst.idx.add.f32.msk @p1 $0xffff, v2  }
0x1ed: {  	v1 =	vld @p1 [tilespmem:$0x16340];
	_ =	sdelay $0x7  }
0x1ee: {  	[tilespmem:v1+s2+$0x0] =	vst.idx.add.f32.msk @p1 $0xffff, v2  }
0x1ef: {  	v1 =	vld @p1 [tilespmem:$0x16350];
	_ =	sdelay $0x7  }
0x1f0: {  	[tilespmem:v1+s2+$0x0] =	vst.idx.add.f32.msk @p1 $0xffff, v2  }
0x1f1: {  	v1 =	vld @p1 [tilespmem:$0x16360];
	_ =	sdelay $0x7  }
0x1f2: {  	[tilespmem:v1+s2+$0x0] =	vst.idx.add.f32.msk @p1 $0xffff, v2  }
0x1f3: {  	v1 =	vld @p1 [tilespmem:$0x16370];
	_ =	sdelay $0x7  }
0x1f4: {  	s4 =	simm.s32 @p1 $0x2;
	[tilespmem:v1+s2+$0x0] =	vst.idx.add.f32.msk @p1 $0xffff, v2  }
0x1f5: {  	_ =	swait.ge @p1 [sflag:s4], $0x2000  }
0x1f6: {  	s5 =	simm.s32 @p1 $0x16380;
	[sflag:s4] =	ssyncset.done @p1 $0x0  }
0x1f7: {  	s28 =	simm.s32 @p1 $0x18400;
	[sflag:s4] =	ssyncadd.s32 @p1 $0xFFFFE000;
	s4 =	simm.s32 @p1 $0x80  }
0x1f8: {  	[spmem:s3] =	stream.indirect.scatter.add.f32 @p1 [tilespmem:s28], [sflag:$0x4], $0x40, s5, s4, $0xb8;
	[tilespmem:$0x1D380] =	vst v63  }
0x1f9: {  	v1 =	vld @p1 [tilespmem:$0x16380];
	_ =	sdelay $0x7  }
0x1fa: {  	[tilespmem:v1+s2+$0x0] =	vst.idx.add.f32.msk @p1 $0xffff, v2  }
0x1fb: {  	v1 =	vld @p1 [tilespmem:$0x16390];
	_ =	sdelay $0x7  }
0x1fc: {  	[tilespmem:v1+s2+$0x0] =	vst.idx.add.f32.msk @p1 $0xffff, v2  }
0x1fd: {  	v1 =	vld @p1 [tilespmem:$0x163A0];
	_ =	sdelay $0x7  }
0x1fe: {  	[tilespmem:v1+s2+$0x0] =	vst.idx.add.f32.msk @p1 $0xffff, v2  }
0x1ff: {  	v1 =	vld @p1 [tilespmem:$0x163B0];
	_ =	sdelay $0x7  }
0x200: {  	[tilespmem:v1+s2+$0x0] =	vst.idx.add.f32.msk @p1 $0xffff, v2  }
0x201: {  	v1 =	vld @p1 [tilespmem:$0x163C0];
	_ =	sdelay $0x7  }
0x202: {  	[tilespmem:v1+s2+$0x0] =	vst.idx.add.f32.msk @p1 $0xffff, v2  }
0x203: {  	v1 =	vld @p1 [tilespmem:$0x163D0];
	_ =	sdelay $0x7  }
0x204: {  	[tilespmem:v1+s2+$0x0] =	vst.idx.add.f32.msk @p1 $0xffff, v2  }
0x205: {  	v1 =	vld @p1 [tilespmem:$0x163E0];
	_ =	sdelay $0x7  }
0x206: {  	[tilespmem:v1+s2+$0x0] =	vst.idx.add.f32.msk @p1 $0xffff, v2  }
0x207: {  	v1 =	vld @p1 [tilespmem:$0x163F0];
	_ =	sdelay $0x7  }
0x208: {  	[tilespmem:v1+s2+$0x0] =	vst.idx.add.f32.msk @p1 $0xffff, v2;
	s2 =	simm.s32 @!p1 $0x2  }
0x209: {  	_ =	swait.ge @!p1 [sflag:s2], $0x2000  }
0x20a: {  	s4 =	simm.s32 @!p1 $0x16380;
	[sflag:s2] =	ssyncset.done @!p1 $0x0  }
0x20b: {  	s5 =	simm.s32 @!p1 $0x18400;
	[sflag:s2] =	ssyncadd.s32 @!p1 $0xFFFFE000;
	s2 =	simm.s32 @!p1 $0x80  }
0x20c: {  	[spmem:s3] =	stream.indirect.scatter.add.f32 @!p1 [tilespmem:s5], [sflag:$0x4], $0x40, s4, s2, $0xb8;
	[tilespmem:$0x1D380] =	vst v63  }
0x20d: {  	_ =	swait.ge [sflag:s22], $0x2000  }
0x20e: {  	[sflag:s22] =	ssyncset.done $0x0  }
0x20f: {  	[sflag:s22] =	ssyncadd.s32 $0xFFFFE000  }
0x210: {  	[tilespmem:s18], [sflag:$0x1] =	stream.indirect.gather [spmem:s1], $0x40, s15, s17, $0xb8;
	[tilespmem:$0x1D380] =	vst v63  }
0x211: {  	_ =	swait.ge [sflag:s23], $0x2000  }
0x212: {  	[sflag:s23] =	ssyncset.done $0x0  }
0x213: {  	[sflag:s23] =	ssyncadd.s32 $0xFFFFE000  }
0x214: {  	[tilespmem:s20], [sflag:$0x2] =	stream.indirect.gather [spmem:s1], $0x40, s19, s17, $0xb8;
	[tilespmem:$0x1D380] =	vst v63  }
0x215: {  	_ =	swait.ge [sflag:s21], $0x2000  }
0x216: {  	[sflag:s21] =	ssyncset.done $0x0  }
0x217: {  	[sflag:s21] =	ssyncadd.s32 $0xFFFFE000  }
0x218: {  	_ =	swait.ge [sflag:s25], $0x2000  }
0x219: {  	[sflag:s25] =	ssyncset.done $0x0  }
0x21a: {  	s29 =	simm.s32 $0x0;
	[sflag:s25] =	ssyncadd.s32 $0xFFFFE000  }
0x21b: {  	[tilespmem:s15], [sflag:$0x5] =	stream.linear.gather [hbm4b:s6+s29], $0x1400, $0x38;
	[tilespmem:$0x1D380] =	vst v63  }
0x21c: {  	_ =	swait.ge [sflag:s14], $0x1400  }
0x21d: {  	[sflag:s14] =	ssyncset.done $0x0  }
0x21e: {  	[sflag:s14] =	ssyncadd.s32 $0xFFFFEC00  }
0x21f: {  	[tilespmem:s16], [sflag:$0x5] =	stream.linear.gather [hbm4b:s8+s29], $0x1400, $0x38;
	[tilespmem:$0x1D380] =	vst v63  }
0x220: {  	_ =	swait.ge [sflag:s14], $0x1400  }
0x221: {  	[sflag:s14] =	ssyncset.done $0x0  }
0x222: {  	[sflag:s14] =	ssyncadd.s32 $0xFFFFEC00  }
0x223: {  	[tilespmem:s18], [sflag:$0x1] =	stream.indirect.gather [spmem:s1], $0x40, s15, s17, $0xb8;
	[tilespmem:$0x1D380] =	vst v63  }
0x224: {  	_ = 	snop  }
0x225: {  	[tilespmem:s20], [sflag:$0x2] =	stream.indirect.gather [spmem:s1], $0x40, s19, s17, $0xb8;
	[tilespmem:$0x1D380] =	vst v63  }
.LBB2_14:
0x226: {  	_ =	swait.ge [sflag:s21], $0x2000  }
0x227: {  	s30 =	sshra.s32 s29, $0x2;
	[sflag:s21] =	ssyncset.done $0x0  }
0x228: {  	s2 =	sadd.s32 $0x15000, s30;
	[sflag:s21] =	ssyncadd.s32 $0xFFFFE000  }
0x229: {  	[spmem:s3] =	stream.indirect.scatter.add.f32 [tilespmem:s18], [sflag:$0x3], $0x40, s2, s17, $0xb8;
	[tilespmem:$0x1D380] =	vst v63  }
0x22a: {  	s2 =	simm.s32 @p0 $0x2  }
0x22b: {  	_ =	swait.ge @p0 [sflag:s2], $0x2000  }
0x22c: {  	[sflag:s2] =	ssyncset.done @p0 $0x0  }
0x22d: {  	[sflag:s2] =	ssyncadd.s32 @p0 $0xFFFFE000;
	s2 =	sshra.s32 @p0 s29, $0x2  }
0x22e: {  	s4 =	simm.s32 @p0 $0x80;
	s5 =	simm.s32 @p0 $0x18400;
	s2 =	sadd.s32 @p0 $0x15080, s2  }
0x22f: {  	[spmem:s3] =	stream.indirect.scatter.add.f32 @p0 [tilespmem:s5], [sflag:$0x4], $0x40, s2, s4, $0xb8;
	[tilespmem:$0x1D380] =	vst v63  }
0x230: {  	s2 =	sshra.s32 @!p0 s29, $0x2  }
0x231: {  	v1 =	vld @!p0 [tilespmem:s2+$0x15000];
	_ =	sdelay $0x6  }
0x232: {  	v2 =	vimm.f32 @!p0 $1.000000000e+00;
	s28 =	simm.s32 @!p0 $0x1AC00  }
0x233: {  	[tilespmem:v1+s28+$0x0] =	vst.idx.add.f32.msk @!p0 $0xffff, v2  }
0x234: {  	v1 =	vld @!p0 [tilespmem:s2+$0x15010];
	_ =	sdelay $0x7  }
0x235: {  	[tilespmem:v1+s28+$0x0] =	vst.idx.add.f32.msk @!p0 $0xffff, v2  }
0x236: {  	v1 =	vld @!p0 [tilespmem:s2+$0x15020];
	_ =	sdelay $0x7  }
0x237: {  	[tilespmem:v1+s28+$0x0] =	vst.idx.add.f32.msk @!p0 $0xffff, v2  }
0x238: {  	v1 =	vld @!p0 [tilespmem:s2+$0x15030];
	_ =	sdelay $0x7  }
0x239: {  	[tilespmem:v1+s28+$0x0] =	vst.idx.add.f32.msk @!p0 $0xffff, v2  }
0x23a: {  	v1 =	vld @!p0 [tilespmem:s2+$0x15040];
	_ =	sdelay $0x7  }
0x23b: {  	[tilespmem:v1+s28+$0x0] =	vst.idx.add.f32.msk @!p0 $0xffff, v2  }
0x23c: {  	v1 =	vld @!p0 [tilespmem:s2+$0x15050];
	_ =	sdelay $0x7  }
0x23d: {  	[tilespmem:v1+s28+$0x0] =	vst.idx.add.f32.msk @!p0 $0xffff, v2  }
0x23e: {  	v1 =	vld @!p0 [tilespmem:s2+$0x15060];
	_ =	sdelay $0x7  }
0x23f: {  	[tilespmem:v1+s28+$0x0] =	vst.idx.add.f32.msk @!p0 $0xffff, v2  }
0x240: {  	v1 =	vld @!p0 [tilespmem:s2+$0x15070];
	_ =	sdelay $0x7  }
0x241: {  	s4 =	simm.s32 @!p0 $0x2;
	[tilespmem:v1+s28+$0x0] =	vst.idx.add.f32.msk @!p0 $0xffff, v2  }
0x242: {  	_ =	swait.ge @!p0 [sflag:s4], $0x2000  }
0x243: {  	s31 =	simm.s32 @!p0 $0x18400;
	[sflag:s4] =	ssyncset.done @!p0 $0x0  }
0x244: {  	s5 =	simm.s32 @!p0 $0x80;
	[sflag:s4] =	ssyncadd.s32 @!p0 $0xFFFFE000;
	s4 =	sadd.s32 @!p0 $0x15080, s2  }
0x245: {  	[spmem:s3] =	stream.indirect.scatter.add.f32 @!p0 [tilespmem:s31], [sflag:$0x4], $0x40, s4, s5, $0xb8;
	[tilespmem:$0x1D380] =	vst v63  }
0x246: {  	v1 =	vld @!p0 [tilespmem:s2+$0x15080];
	_ =	sdelay $0x7  }
0x247: {  	[tilespmem:v1+s28+$0x0] =	vst.idx.add.f32.msk @!p0 $0xffff, v2  }
0x248: {  	v1 =	vld @!p0 [tilespmem:s2+$0x15090];
	_ =	sdelay $0x7  }
0x249: {  	[tilespmem:v1+s28+$0x0] =	vst.idx.add.f32.msk @!p0 $0xffff, v2  }
0x24a: {  	v1 =	vld @!p0 [tilespmem:s2+$0x150A0];
	_ =	sdelay $0x7  }
0x24b: {  	[tilespmem:v1+s28+$0x0] =	vst.idx.add.f32.msk @!p0 $0xffff, v2  }
0x24c: {  	v1 =	vld @!p0 [tilespmem:s2+$0x150B0];
	_ =	sdelay $0x7  }
0x24d: {  	[tilespmem:v1+s28+$0x0] =	vst.idx.add.f32.msk @!p0 $0xffff, v2  }
0x24e: {  	v1 =	vld @!p0 [tilespmem:s2+$0x150C0];
	_ =	sdelay $0x7  }
0x24f: {  	[tilespmem:v1+s28+$0x0] =	vst.idx.add.f32.msk @!p0 $0xffff, v2  }
0x250: {  	v1 =	vld @!p0 [tilespmem:s2+$0x150D0];
	_ =	sdelay $0x7  }
0x251: {  	[tilespmem:v1+s28+$0x0] =	vst.idx.add.f32.msk @!p0 $0xffff, v2  }
0x252: {  	v1 =	vld @!p0 [tilespmem:s2+$0x150E0];
	_ =	sdelay $0x7  }
0x253: {  	[tilespmem:v1+s28+$0x0] =	vst.idx.add.f32.msk @!p0 $0xffff, v2  }
0x254: {  	v1 =	vld @!p0 [tilespmem:s2+$0x150F0];
	_ =	sdelay $0x7  }
0x255: {  	[tilespmem:v1+s28+$0x0] =	vst.idx.add.f32.msk @!p0 $0xffff, v2  }
0x256: {  	_ =	swait.ge [sflag:s22], $0x2000  }
0x257: {  	s29 =	sadd.s32 $0x400, s29;
	[sflag:s22] =	ssyncset.done $0x0  }
0x258: {  	p3 =	sne.s32 s29, $0x4C00;
	s5 =	sadd.s32 $0x13D00, s30;
	[sflag:s22] =	ssyncadd.s32 $0xFFFFE000  }
0x259: {  	[tilespmem:s18], [sflag:$0x1] =	stream.indirect.gather [spmem:s1], $0x40, s5, s17, $0xb8;
	[tilespmem:$0x1D380] =	vst v63  }
.Ltmp6:
0x25a: {  	_ = 	snop;
	(pc) =	sbr.rel @p3 .LBB2_14-.Ltmp6, $4  }
0x25b: {  	_ =	swait.ge [sflag:s23], $0x2000  }
0x25c: {  	[sflag:s23] =	ssyncset.done $0x0  }
0x25d: {  	s31 =	sadd.s32 $0x13D80, s30;
	[sflag:s23] =	ssyncadd.s32 $0xFFFFE000  }
0x25e: {  	[tilespmem:s20], [sflag:$0x2] =	stream.indirect.gather [spmem:s1], $0x40, s31, s17, $0xb8;
	[tilespmem:$0x1D380] =	vst v63  }
0x25f: {  	_ =	swait.ge [sflag:s21], $0x2000  }
0x260: {  	[sflag:s21] =	ssyncset.done $0x0  }
0x261: {  	[sflag:s21] =	ssyncadd.s32 $0xFFFFE000  }
0x262: {  	[spmem:s3] =	stream.indirect.scatter.add.f32 [tilespmem:s18], [sflag:$0x3], $0x40, s24, s17, $0xb8;
	[tilespmem:$0x1D380] =	vst v63  }
0x263: {  	v1 =	vld @p1 [tilespmem:$0x16300];
	_ =	sdelay $0x6  }
0x264: {  	v2 =	vimm.f32 @p1 $1.000000000e+00;
	s2 =	simm.s32 @p1 $0x1AC00  }
0x265: {  	[tilespmem:v1+s2+$0x0] =	vst.idx.add.f32.msk @p1 $0xffff, v2  }
0x266: {  	v1 =	vld @p1 [tilespmem:$0x16310];
	_ =	sdelay $0x7  }
0x267: {  	[tilespmem:v1+s2+$0x0] =	vst.idx.add.f32.msk @p1 $0xffff, v2  }
0x268: {  	v1 =	vld @p1 [tilespmem:$0x16320];
	_ =	sdelay $0x7  }
0x269: {  	[tilespmem:v1+s2+$0x0] =	vst.idx.add.f32.msk @p1 $0xffff, v2  }
0x26a: {  	v1 =	vld @p1 [tilespmem:$0x16330];
	_ =	sdelay $0x7  }
0x26b: {  	[tilespmem:v1+s2+$0x0] =	vst.idx.add.f32.msk @p1 $0xffff, v2  }
0x26c: {  	v1 =	vld @p1 [tilespmem:$0x16340];
	_ =	sdelay $0x7  }
0x26d: {  	[tilespmem:v1+s2+$0x0] =	vst.idx.add.f32.msk @p1 $0xffff, v2  }
0x26e: {  	v1 =	vld @p1 [tilespmem:$0x16350];
	_ =	sdelay $0x7  }
0x26f: {  	[tilespmem:v1+s2+$0x0] =	vst.idx.add.f32.msk @p1 $0xffff, v2  }
0x270: {  	v1 =	vld @p1 [tilespmem:$0x16360];
	_ =	sdelay $0x7  }
0x271: {  	[tilespmem:v1+s2+$0x0] =	vst.idx.add.f32.msk @p1 $0xffff, v2  }
0x272: {  	v1 =	vld @p1 [tilespmem:$0x16370];
	_ =	sdelay $0x7  }
0x273: {  	s4 =	simm.s32 @p1 $0x2;
	[tilespmem:v1+s2+$0x0] =	vst.idx.add.f32.msk @p1 $0xffff, v2  }
0x274: {  	_ =	swait.ge @p1 [sflag:s4], $0x2000  }
0x275: {  	s5 =	simm.s32 @p1 $0x16380;
	[sflag:s4] =	ssyncset.done @p1 $0x0  }
0x276: {  	s29 =	simm.s32 @p1 $0x18400;
	[sflag:s4] =	ssyncadd.s32 @p1 $0xFFFFE000;
	s4 =	simm.s32 @p1 $0x80  }
0x277: {  	[spmem:s3] =	stream.indirect.scatter.add.f32 @p1 [tilespmem:s29], [sflag:$0x4], $0x40, s5, s4, $0xb8;
	[tilespmem:$0x1D380] =	vst v63  }
0x278: {  	v1 =	vld @p1 [tilespmem:$0x16380];
	_ =	sdelay $0x7  }
0x279: {  	[tilespmem:v1+s2+$0x0] =	vst.idx.add.f32.msk @p1 $0xffff, v2  }
0x27a: {  	v1 =	vld @p1 [tilespmem:$0x16390];
	_ =	sdelay $0x7  }
0x27b: {  	[tilespmem:v1+s2+$0x0] =	vst.idx.add.f32.msk @p1 $0xffff, v2  }
0x27c: {  	v1 =	vld @p1 [tilespmem:$0x163A0];
	_ =	sdelay $0x7  }
0x27d: {  	[tilespmem:v1+s2+$0x0] =	vst.idx.add.f32.msk @p1 $0xffff, v2  }
0x27e: {  	v1 =	vld @p1 [tilespmem:$0x163B0];
	_ =	sdelay $0x7  }
0x27f: {  	[tilespmem:v1+s2+$0x0] =	vst.idx.add.f32.msk @p1 $0xffff, v2  }
0x280: {  	v1 =	vld @p1 [tilespmem:$0x163C0];
	_ =	sdelay $0x7  }
0x281: {  	[tilespmem:v1+s2+$0x0] =	vst.idx.add.f32.msk @p1 $0xffff, v2  }
0x282: {  	v1 =	vld @p1 [tilespmem:$0x163D0];
	_ =	sdelay $0x7  }
0x283: {  	[tilespmem:v1+s2+$0x0] =	vst.idx.add.f32.msk @p1 $0xffff, v2  }
0x284: {  	v1 =	vld @p1 [tilespmem:$0x163E0];
	_ =	sdelay $0x7  }
0x285: {  	[tilespmem:v1+s2+$0x0] =	vst.idx.add.f32.msk @p1 $0xffff, v2  }
0x286: {  	v1 =	vld @p1 [tilespmem:$0x163F0];
	_ =	sdelay $0x7  }
0x287: {  	[tilespmem:v1+s2+$0x0] =	vst.idx.add.f32.msk @p1 $0xffff, v2;
	s2 =	simm.s32 @!p1 $0x2  }
0x288: {  	_ =	swait.ge @!p1 [sflag:s2], $0x2000  }
0x289: {  	s4 =	simm.s32 @!p1 $0x16380;
	[sflag:s2] =	ssyncset.done @!p1 $0x0  }
0x28a: {  	s5 =	simm.s32 @!p1 $0x18400;
	[sflag:s2] =	ssyncadd.s32 @!p1 $0xFFFFE000;
	s2 =	simm.s32 @!p1 $0x80  }
0x28b: {  	[spmem:s3] =	stream.indirect.scatter.add.f32 @!p1 [tilespmem:s5], [sflag:$0x4], $0x40, s4, s2, $0xb8;
	[tilespmem:$0x1D380] =	vst v63  }
0x28c: {  	_ =	swait.ge [sflag:s22], $0x2000  }
0x28d: {  	[sflag:s22] =	ssyncset.done $0x0  }
0x28e: {  	[sflag:s22] =	ssyncadd.s32 $0xFFFFE000  }
0x28f: {  	[tilespmem:s18], [sflag:$0x1] =	stream.indirect.gather [spmem:s1], $0x40, s15, s17, $0xb8;
	[tilespmem:$0x1D380] =	vst v63  }
0x290: {  	_ =	swait.ge [sflag:s23], $0x2000  }
0x291: {  	[sflag:s23] =	ssyncset.done $0x0  }
0x292: {  	[sflag:s23] =	ssyncadd.s32 $0xFFFFE000  }
0x293: {  	[tilespmem:s20], [sflag:$0x2] =	stream.indirect.gather [spmem:s1], $0x40, s19, s17, $0xb8;
	[tilespmem:$0x1D380] =	vst v63  }
0x294: {  	_ =	swait.ge [sflag:s21], $0x2000  }
0x295: {  	[sflag:s21] =	ssyncset.done $0x0  }
0x296: {  	[sflag:s21] =	ssyncadd.s32 $0xFFFFE000  }
0x297: {  	_ =	swait.ge [sflag:s25], $0x2000  }
0x298: {  	[sflag:s25] =	ssyncset.done $0x0  }
0x299: {  	s30 =	sshll.u32 s0, $0x6;
	[sflag:s25] =	ssyncadd.s32 $0xFFFFE000  }
0x29a: {  	s31 =	sshrl.u32 s7, $0x3;
	s2 =	sor.u32 $0x1C05, s30;
	[bflag:$0x0] =	sbarrier.arrive $0xFFFF  }
0x29b: {  	[hbm:s9], [sflag:s2] =	dma.local [spmem:s31], $0x13C0  }
0x29c: {  	s26 =	sadd.s32 $0x1, s26;
	_ =	swait.ge [sflag:s14], $0x13C0  }
0x29d: {  	p3 =	sne.s32 s26, s10;
	[sflag:s14] =	ssyncset.done $0x0  }
0x29e: {  	s2 =	simm.s32 @!p0 $0x0;
	s4 =	rddreg [dreg:$0x12];
	[sflag:s14] =	ssyncadd.s32 $0xFFFFEC40  }
0x29f: {  	[hbm4b:s4+s2] =	stream.linear.scatter @!p0 [tilespmem:s28], [sflag:$0x5], $0x2780, $0x38;
	[tilespmem:$0x1D380] =	vst v63  }
.Ltmp7:
0x2a0: {  	_ = 	snop;
	(pc) =	sbr.rel @p3 .LBB2_1-.Ltmp7, $4  }
0x2a1: {  	s2 =	simm.s32 @!p0 $0x5  }
0x2a2: {  	_ =	swait.ge @!p0 [sflag:s2], $0x2780  }
0x2a3: {  	[sflag:s2] =	ssyncset.done @!p0 $0x0  }
0x2a4: {  	[sflag:s2] =	ssyncadd.s32 @!p0 $0xFFFFD880  }
0x2a5: {  	_ =	sfence.sel $0x180000  }
0x2a6: {  	[bflag:$0x0] =	sbarrier.arrive $0xFFFF  }
0x2a7: {  	_ =	strace $0x90000047  }
0x2a8: {  	[bflag:$0x2] =	sbarrier.arrive $0xFFFF  }
0x2a9: {  	p0 =	sne.s32 s0, $0x0;
	s0 =	rddreg [dreg:$0x5]  }
0x2aa: {  	s0 =	sadd.s32 @!p0 $0x100000, s0  }
0x2ab: {  	[sflag:s0] =	ssyncadd.tile.s32 @!p0 $0x1;
	_ =	shalt  }
.Lfunc_end2:
_tile_overlayer_lowered:
.L_overlay_start_2:
0x2ac: {  	(tag) =	ssettag $0x2  }
0x2ad: {  	s0 =	rddreg [dreg:$0x0];
	s2 =	stileid.u32  }
0x2ae: {  	s1 =	rddreg [dreg:$0x1];
	p0 =	sne.s32 s2, $0x0  }
0x2af: {  	s3 =	rddreg [dreg:$0x2];
	[bflag:$0x3] =	sbarrier.arrive $0xFFFF;
	s2 =	simm.s32 @!p0 $0x1C05  }
0x2b0: {  	[timem:s3], [sflag:s2] =	dma.local @!p0 [hbm:s0], s1  }
0x2b1: {  	s0 =	simm.s32 @!p0 $0x5  }
0x2b2: {  	_ =	swait.ge @!p0 [sflag:s0], s1  }
0x2b3: {  	s1 =	ssub.s32 @!p0 $0x0, s1;
	[sflag:s0] =	ssyncset.done @!p0 $0x0  }
0x2b4: {  	[sflag:s0] =	ssyncadd.s32 @!p0 s1  }
0x2b5: {  	[bflag:$0x3] =	sbarrier.arrive $0xFFFF  }
0x2b6: {  	_ =	shalt  }

</sc_bundles>
